<compile_context>
chip_gen: v7x
topology: tpu7x:2x2x1
jax: 0.10.2.dev20260603
libtpu: 0.0.44.dev20260713+nightly
codegen_flags: <defaults>
</compile_context>

<pallas_src>
import functools

import jax
import jax.numpy as jnp
from jax import lax
from jax.experimental import pallas as pl
from jax.experimental.pallas import tpu as pltpu
from jax.experimental.pallas import tpu_sc as plsc

NC = 2
NS = 16
B = 128

N_PAD = 10240
ROWS_PER_TILE = N_PAD // NS

def _sc_mesh():
    return plsc.VectorSubcoreMesh(core_axis_name="c", subcore_axis_name="s",
                                  num_cores=NC, num_subcores=NS)


def _deg_body(dst4, ones_h, z_h, degp, idx_v, ones_v, deg_sh):
    c = lax.axis_index("c")
    s = lax.axis_index("s")
    nb = dst4.shape[2]
    pltpu.sync_copy(z_h, deg_sh.at[pl.ds(s * ROWS_PER_TILE, ROWS_PER_TILE)])
    pltpu.sync_copy(ones_h, ones_v)
    pltpu.sync_copy(dst4.at[c, s], idx_v)
    plsc.subcore_barrier()

    def body(b, carry):
        pltpu.sync_copy(ones_v, deg_sh.at[idx_v.at[b]], add=True)
        return carry

    lax.fori_loop(0, nb, body, 0)
    plsc.subcore_barrier()
    sl = pl.ds(s * ROWS_PER_TILE, ROWS_PER_TILE)
    pltpu.sync_copy(deg_sh.at[sl], degp.at[c, sl])


def _degree_kernel(dst4):
    nb = dst4.shape[2]
    k = pl.kernel(
        _deg_body,
        out_type=jax.ShapeDtypeStruct((NC, N_PAD, B), jnp.float32),
        mesh=_sc_mesh(),
        scratch_types=[
            pltpu.VMEM((nb, B), jnp.int32),
            pltpu.VMEM((B, B), jnp.float32),
            pltpu.VMEM_SHARED((N_PAD, B), jnp.float32),
        ],
    )
    ones_h = jnp.ones((B, B), jnp.float32)
    z_h = jnp.zeros((ROWS_PER_TILE, B), jnp.float32)
    return k(dst4, ones_h, z_h)


G = 16


def _scatter_loop(ytab, src3, dst3, s, s_sh, src_v, dst_v,
                  gbuf_a, gbuf_b, sem_a, sem_b):
    nb = src3.shape[1]

    def group(g, carry):
        pltpu.sync_copy(src3.at[s, pl.ds(g * G, G)], src_v)
        pltpu.sync_copy(dst3.at[s, pl.ds(g * G, G)], dst_v)
        pltpu.async_copy(ytab.at[src_v.at[0]], gbuf_a, sem_a)

        def body(t, carry2):
            b0 = 2 * t
            pltpu.async_copy(ytab.at[src_v.at[b0 + 1]], gbuf_b, sem_b)
            pltpu.make_async_copy(ytab.at[src_v.at[b0]], gbuf_a, sem_a).wait()
            pltpu.sync_copy(gbuf_a, s_sh.at[dst_v.at[b0]], add=True)

            @pl.when(b0 + 2 < G)
            def _():
                pltpu.async_copy(ytab.at[src_v.at[b0 + 2]], gbuf_a, sem_a)

            pltpu.make_async_copy(ytab.at[src_v.at[b0 + 1]], gbuf_b, sem_b).wait()
            pltpu.sync_copy(gbuf_b, s_sh.at[dst_v.at[b0 + 1]], add=True)
            return carry2

        lax.fori_loop(0, G // 2, body, 0)
        return carry

    lax.fori_loop(0, nb // G, group, 0)


def _make_agg_body(n_chunks):
    nc2 = n_chunks // 2

    def body(*refs):
        ytabs = refs[:n_chunks]
        src3, dst3, z_h, s_out = refs[n_chunks:n_chunks + 4]
        src_v, dst_v, gbuf_a, gbuf_b, s_sh, sem_a, sem_b = refs[n_chunks + 4:]
        c = lax.axis_index("c")
        s = lax.axis_index("s")
        sl = pl.ds(s * ROWS_PER_TILE, ROWS_PER_TILE)
        for k in range(nc2):
            pltpu.sync_copy(z_h, s_sh.at[sl])
            plsc.subcore_barrier()

            @pl.when(c == 0)
            def _():
                _scatter_loop(ytabs[k], src3, dst3, s, s_sh, src_v, dst_v,
                              gbuf_a, gbuf_b, sem_a, sem_b)

            @pl.when(c == 1)
            def _():
                _scatter_loop(ytabs[nc2 + k], src3, dst3, s, s_sh, src_v,
                              dst_v, gbuf_a, gbuf_b, sem_a, sem_b)

            plsc.subcore_barrier()

            @pl.when(c == 0)
            def _():
                pltpu.sync_copy(s_sh.at[sl], s_out.at[k, sl])

            @pl.when(c == 1)
            def _():
                pltpu.sync_copy(s_sh.at[sl], s_out.at[nc2 + k, sl])

            if k + 1 < nc2:
                plsc.subcore_barrier()

    return body


def _aggregate(ychunks, src3, dst3):
    n_chunks = len(ychunks)
    nb = src3.shape[1]
    k = pl.kernel(
        _make_agg_body(n_chunks),
        out_type=jax.ShapeDtypeStruct((n_chunks, N_PAD, B), jnp.float32),
        mesh=_sc_mesh(),
        scratch_types=[
            pltpu.VMEM((G, B), jnp.int32),
            pltpu.VMEM((G, B), jnp.int32),
            pltpu.VMEM((B, B), jnp.float32),
            pltpu.VMEM((B, B), jnp.float32),
            pltpu.VMEM_SHARED((N_PAD, B), jnp.float32),
            pltpu.SemaphoreType.DMA,
            pltpu.SemaphoreType.DMA,
        ],
    )
    z_h = jnp.zeros((ROWS_PER_TILE, B), jnp.float32)
    return k(*ychunks, src3, dst3, z_h)


def _dinv_block(degp_ref):
    deg = degp_ref[0, :, 0:1] + degp_ref[1, :, 0:1] + 1.0
    return lax.rsqrt(deg)


def _mm1_body(x_ref, w_ref, degp_ref, y_ref):
    acc = jnp.dot(x_ref[...], w_ref[...], preferred_element_type=jnp.float32)
    y_ref[0] = acc * _dinv_block(degp_ref)


def _layer1_matmul(xp, w1, degp, n_chunks):
    grid = (N_PAD // 256, n_chunks)
    return pl.pallas_call(
        _mm1_body,
        grid=grid,
        in_specs=[
            pl.BlockSpec((256, xp.shape[1]), lambda i, j: (i, 0)),
            pl.BlockSpec((xp.shape[1], B), lambda i, j: (0, j)),
            pl.BlockSpec((NC, 256, B), lambda i, j: (0, i, 0)),
        ],
        out_specs=pl.BlockSpec((1, 256, B), lambda i, j: (j, i, 0)),
        out_shape=jax.ShapeDtypeStruct((n_chunks, N_PAD, B), jnp.float32),
    )(xp, w1, degp)


def _mid_body(s1_ref, y1_ref, degp_ref, b1_ref, w2_ref, h_ref, y2_ref):
    dinv = _dinv_block(degp_ref)
    acc = jnp.zeros((256, B), jnp.float32)
    for cch in range(s1_ref.shape[0]):
        hc = jax.nn.relu(dinv * (s1_ref[cch] + y1_ref[cch])
                         + b1_ref[0, cch * B:(cch + 1) * B])
        h_ref[:, cch * B:(cch + 1) * B] = hc
        acc = acc + jnp.dot(hc, w2_ref[cch],
                            preferred_element_type=jnp.float32)
    y2_ref[0] = acc * dinv


def _layer_mid(s1, y1c, degp, b1, w2r, n_out_chunks):
    n_chunks = s1.shape[0]
    hid = n_chunks * B
    grid = (N_PAD // 256, n_out_chunks)
    return pl.pallas_call(
        _mid_body,
        grid=grid,
        in_specs=[
            pl.BlockSpec((n_chunks, 256, B), lambda i, j: (0, i, 0)),
            pl.BlockSpec((n_chunks, 256, B), lambda i, j: (0, i, 0)),
            pl.BlockSpec((NC, 256, B), lambda i, j: (0, i, 0)),
            pl.BlockSpec((1, hid), lambda i, j: (0, 0)),
            pl.BlockSpec((n_chunks, B, B), lambda i, j: (0, 0, j)),
        ],
        out_specs=[
            pl.BlockSpec((256, hid), lambda i, j: (i, 0)),
            pl.BlockSpec((1, 256, B), lambda i, j: (j, i, 0)),
        ],
        out_shape=[
            jax.ShapeDtypeStruct((N_PAD, hid), jnp.float32),
            jax.ShapeDtypeStruct((n_out_chunks, N_PAD, B), jnp.float32),
        ],
    )(s1, y1c, degp, b1, w2r)


def _final_body(s2_ref, y2_ref, degp_ref, b2_ref, out_ref):
    dinv = _dinv_block(degp_ref)
    for cch in range(s2_ref.shape[0]):
        out_ref[:, cch * B:(cch + 1) * B] = (
            dinv * (s2_ref[cch] + y2_ref[cch])
            + b2_ref[0, cch * B:(cch + 1) * B])


def _layer_final(s2, y2c, degp, b2):
    n_chunks = s2.shape[0]
    odim = n_chunks * B
    return pl.pallas_call(
        _final_body,
        grid=(N_PAD // 256,),
        in_specs=[
            pl.BlockSpec((n_chunks, 256, B), lambda i: (0, i, 0)),
            pl.BlockSpec((n_chunks, 256, B), lambda i: (0, i, 0)),
            pl.BlockSpec((NC, 256, B), lambda i: (0, i, 0)),
            pl.BlockSpec((1, odim), lambda i: (0, 0)),
        ],
        out_specs=pl.BlockSpec((256, odim), lambda i: (i, 0)),
        out_shape=jax.ShapeDtypeStruct((N_PAD, odim), jnp.float32),
    )(s2, y2c, degp, b2)


def kernel(x, edge_index, W1, b1, W2, b2):
    n, in_dim = x.shape
    hid = W1.shape[1]
    odim = W2.shape[1]
    e = edge_index.shape[1]

    epb_tile = -(-e // (NS * B))
    if epb_tile % 2:
        epb_tile += 1
    e_pad = NS * epb_tile * B
    pad = jnp.full((e_pad - e,), n, jnp.int32)
    src = jnp.concatenate([edge_index[0].astype(jnp.int32), pad])
    dst = jnp.concatenate([edge_index[1].astype(jnp.int32), pad])
    src3 = src.reshape(NS, epb_tile, B)
    dst3 = dst.reshape(NS, epb_tile, B)
    dst4 = dst.reshape(NC, NS, epb_tile // 2, B)

    xp = jnp.zeros((N_PAD, in_dim), x.dtype).at[:n].set(x)
    b1r = b1.reshape(1, hid)
    b2r = b2.reshape(1, odim)
    w2r = W2.reshape(-1, B, odim)

    degp = _degree_kernel(dst4)
    n_chunks1 = hid // B
    y1c = _layer1_matmul(xp, W1, degp, n_chunks1)
    s1 = _aggregate([y1c[i] for i in range(n_chunks1)], src3, dst3)
    n_chunks2 = odim // B
    h_pad, y2c = _layer_mid(s1, y1c, degp, b1r, w2r, n_chunks2)
    s2 = _aggregate([y2c[i] for i in range(n_chunks2)], src3, dst3)
    out_pad = _layer_final(s2, y2c, degp, b2r)

    return (out_pad[:n], h_pad[:n])

# --- scband reference (transcript-rebuilt; emitter-appended) ---
"""Pipeline reference for scband-gcnencoder-19859928777440 (READ-ONLY COPY).

The authoritative reference and input builder live on the scoring server;
editing this copy changes nothing except your own understanding.
"""

import jax, jax.numpy as jnp
import numpy as np

N = 10000
E = 160000
IN_DIM = 256
HID_DIM = 512
OUT_DIM = 256


def gcn_conv(x, edge_index, W, b):
    # PyG-style GCNConv: linear transform, add self-loops, symmetric norm, aggregate
    n = x.shape[0]
    xw = x @ W
    src = edge_index[0]
    dst = edge_index[1]
    loop = jnp.arange(n, dtype=src.dtype)
    src = jnp.concatenate([src, loop])
    dst = jnp.concatenate([dst, loop])
    deg = jnp.zeros((n,), xw.dtype).at[dst].add(1.0)
    dinv = jnp.where(deg > 0, deg ** -0.5, 0.0)
    norm = dinv[src] * dinv[dst]
    msgs = jnp.take(xw, src, axis=0) * norm[:, None]
    out = jnp.zeros((n, xw.shape[1]), xw.dtype).at[dst].add(msgs)
    return out + b


def setup_inputs(seed: int = 0) -> dict:
    key = jax.random.key(seed)
    k1, k2, k3, k4, k5, k6 = jax.random.split(key, 6)
    x = jax.random.normal(k1, (N, IN_DIM), dtype=jnp.float32)
    edge_index = jax.random.randint(k2, (2, E), 0, N, dtype=jnp.int32)
    W1 = jax.random.normal(k3, (IN_DIM, HID_DIM), dtype=jnp.float32) * (1.0 / np.sqrt(IN_DIM))
    b1 = jnp.zeros((HID_DIM,), dtype=jnp.float32)
    W2 = jax.random.normal(k4, (HID_DIM, OUT_DIM), dtype=jnp.float32) * (1.0 / np.sqrt(HID_DIM))
    b2 = jnp.zeros((OUT_DIM,), dtype=jnp.float32)
    return {"x": x, "edge_index": edge_index, "W1": W1, "b1": b1, "W2": W2, "b2": b2}


def reference(x, edge_index, W1, b1, W2, b2):
    # GCNEncoder.forward (eval mode: dropout is identity)
    h = jax.nn.relu(gcn_conv(x, edge_index, W1, b1))
    out = gcn_conv(h, edge_index, W2, b2)
    return (out, h)

if __name__ == "__main__":
    import jax
    _d = setup_inputs()
    print(jax.jit(kernel)(*tuple(_d.values())))

</pallas_src>

<mosaic_0001>
#map = affine_map<(d0, d1) -> (0, 0, 0, 0)>
#map1 = affine_map<(d0, d1) -> (0, 0)>
#map2 = affine_map<(d0, d1) -> (0, 0, 0)>
module attributes {stable_mosaic.version = 14 : i64} {
  func.func @_deg_body(%arg0: i32, %arg1: i32, %arg2: memref<2x16x40x128xi32, #tpu.memory_space<hbm>>, %arg3: memref<128x128xf32, #tpu.memory_space<hbm>>, %arg4: memref<640x128xf32, #tpu.memory_space<hbm>>, %arg5: memref<2x10240x128xf32, #tpu.memory_space<hbm>>, %arg6: memref<40x128xi32, #tpu.memory_space<vmem>>, %arg7: memref<128x128xf32, #tpu.memory_space<vmem>>, %arg8: memref<10240x128xf32, #tpu.memory_space<vmem_shared>>) attributes {dimension_semantics = [#tpu.dimension_semantics<core_parallel>, #tpu.dimension_semantics<subcore_parallel>], iteration_bounds = array<i64: 2, 16>, scalar_prefetch = 0 : i64, scratch_operands = 3 : i64, tpu.core_type = #tpu.core_type<sc_vector_subcore>, window_params = [{transform_indices = #map}, {transform_indices = #map1}, {transform_indices = #map1}, {transform_indices = #map2}]} {
    %mul3A = arith.constant 640 : i32
    %mul3A_0 = arith.muli %arg1, %mul3A : i32
    "tpu.region"() ({
      %run_scoped3A = tpu.sem_alloc : memref<!tpu.dma_semaphore, #tpu.memory_space<semaphore_mem>>
      %dma_start3A = arith.constant 0 : i32
      %dma_start3A_9 = tpu.memref_slice %arg8[%mul3A_0, %dma_start3A] : memref<10240x128xf32, #tpu.memory_space<vmem_shared>> -> memref<640x128xf32, #tpu.memory_space<vmem_shared>>
      tpu.enqueue_dma source(%arg4 : memref<640x128xf32, #tpu.memory_space<hbm>>) target(%dma_start3A_9 : memref<640x128xf32, #tpu.memory_space<vmem_shared>>) target_semaphore(%run_scoped3A : memref<!tpu.dma_semaphore, #tpu.memory_space<semaphore_mem>>)
      %dma_wait3A = arith.constant 0 : i32
      %dma_wait3A_10 = tpu.memref_slice %arg8[%mul3A_0, %dma_wait3A] : memref<10240x128xf32, #tpu.memory_space<vmem_shared>> -> memref<640x128xf32, #tpu.memory_space<vmem_shared>>
      tpu.wait_dma2 semaphore(%run_scoped3A : memref<!tpu.dma_semaphore, #tpu.memory_space<semaphore_mem>>) src(%arg4 : memref<640x128xf32, #tpu.memory_space<hbm>>) dst(%dma_wait3A_10 : memref<640x128xf32, #tpu.memory_space<vmem_shared>>)
      tpu.yield
    }) : () -> ()
    "tpu.region"() ({
      %run_scoped3A = tpu.sem_alloc : memref<!tpu.dma_semaphore, #tpu.memory_space<semaphore_mem>>
      tpu.enqueue_dma source(%arg3 : memref<128x128xf32, #tpu.memory_space<hbm>>) target(%arg7 : memref<128x128xf32, #tpu.memory_space<vmem>>) target_semaphore(%run_scoped3A : memref<!tpu.dma_semaphore, #tpu.memory_space<semaphore_mem>>)
      tpu.wait_dma2 semaphore(%run_scoped3A : memref<!tpu.dma_semaphore, #tpu.memory_space<semaphore_mem>>) src(%arg3 : memref<128x128xf32, #tpu.memory_space<hbm>>) dst(%arg7 : memref<128x128xf32, #tpu.memory_space<vmem>>)
      tpu.yield
    }) : () -> ()
    "tpu.region"() ({
      %run_scoped3A = tpu.sem_alloc : memref<!tpu.dma_semaphore, #tpu.memory_space<semaphore_mem>>
      %dma_start3A = arith.constant 0 : i32
      %dma_start3A_9 = arith.constant 0 : i32
      %dma_start3A_10 = tpu.memref_slice %arg2[%arg0, %arg1, %dma_start3A, %dma_start3A_9] : memref<2x16x40x128xi32, #tpu.memory_space<hbm>> -> memref<1x1x40x128xi32, #tpu.memory_space<hbm>>
      %dma_start3A_11 = tpu.memref_squeeze %dma_start3A_10 : memref<1x1x40x128xi32, #tpu.memory_space<hbm>> -> memref<40x128xi32, #tpu.memory_space<hbm>>
      %dma_start3A_12 = arith.constant 0 : i32
      %dma_start3A_13 = arith.constant 0 : i32
      %dma_start3A_14 = tpu.memref_slice %arg2[%arg0, %arg1, %dma_start3A_12, %dma_start3A_13] : memref<2x16x40x128xi32, #tpu.memory_space<hbm>> -> memref<1x1x40x128xi32, #tpu.memory_space<hbm>>
      %dma_start3A_15 = tpu.memref_squeeze %dma_start3A_14 : memref<1x1x40x128xi32, #tpu.memory_space<hbm>> -> memref<40x128xi32, #tpu.memory_space<hbm>>
      tpu.enqueue_dma source(%dma_start3A_15 : memref<40x128xi32, #tpu.memory_space<hbm>>) target(%arg6 : memref<40x128xi32, #tpu.memory_space<vmem>>) target_semaphore(%run_scoped3A : memref<!tpu.dma_semaphore, #tpu.memory_space<semaphore_mem>>)
      %dma_wait3A = arith.constant 0 : i32
      %dma_wait3A_16 = arith.constant 0 : i32
      %dma_wait3A_17 = tpu.memref_slice %arg2[%arg0, %arg1, %dma_wait3A, %dma_wait3A_16] : memref<2x16x40x128xi32, #tpu.memory_space<hbm>> -> memref<1x1x40x128xi32, #tpu.memory_space<hbm>>
      %dma_wait3A_18 = tpu.memref_squeeze %dma_wait3A_17 : memref<1x1x40x128xi32, #tpu.memory_space<hbm>> -> memref<40x128xi32, #tpu.memory_space<hbm>>
      %dma_wait3A_19 = arith.constant 0 : i32
      %dma_wait3A_20 = arith.constant 0 : i32
      %dma_wait3A_21 = tpu.memref_slice %arg2[%arg0, %arg1, %dma_wait3A_19, %dma_wait3A_20] : memref<2x16x40x128xi32, #tpu.memory_space<hbm>> -> memref<1x1x40x128xi32, #tpu.memory_space<hbm>>
      %dma_wait3A_22 = tpu.memref_squeeze %dma_wait3A_21 : memref<1x1x40x128xi32, #tpu.memory_space<hbm>> -> memref<40x128xi32, #tpu.memory_space<hbm>>
      tpu.wait_dma2 semaphore(%run_scoped3A : memref<!tpu.dma_semaphore, #tpu.memory_space<semaphore_mem>>) src(%dma_wait3A_22 : memref<40x128xi32, #tpu.memory_space<hbm>>) dst(%arg6 : memref<40x128xi32, #tpu.memory_space<vmem>>)
      tpu.yield
    }) : () -> ()
    %barrier3A = arith.constant 0 : index
    tpu.barrier barrier_id(%barrier3A)
    %scan3A = arith.constant 0 : i32
    %scan3A_1 = arith.constant 0 : i32
    %scan3A_2 = arith.constant 40 : i32
    %scan3A_3 = arith.addi %scan3A_1, %scan3A_2 : i32
    %scan3A_4 = arith.constant 1 : i32
    scf.for %scan3A_9 = %scan3A_1 to %scan3A_3 step %scan3A_4  : i32 {
      "tpu.region"() ({
        %run_scoped3A = tpu.sem_alloc : memref<!tpu.dma_semaphore, #tpu.memory_space<semaphore_mem>>
        %dma_start3A = arith.constant 0 : i32
        %dma_start3A_10 = tpu.memref_slice %arg6[%scan3A_9, %dma_start3A] : memref<40x128xi32, #tpu.memory_space<vmem>> -> memref<1x128xi32, #tpu.memory_space<vmem>>
        %dma_start3A_11 = tpu.memref_squeeze %dma_start3A_10 : memref<1x128xi32, #tpu.memory_space<vmem>> -> memref<128xi32, #tpu.memory_space<vmem>>
        %dma_start3A_12 = arith.constant 0 : i32
        %dma_start3A_13 = arith.constant 0 : i32
        %dma_start3A_14 = tpu.memref_slice %arg8[%dma_start3A_12, %dma_start3A_13] : memref<10240x128xf32, #tpu.memory_space<vmem_shared>> -> memref<10240x128xf32, #tpu.memory_space<vmem_shared>>
        tpu.enqueue_indirect_dma source(%arg7 : memref<128x128xf32, #tpu.memory_space<vmem>>) target(%dma_start3A_14 : memref<10240x128xf32, #tpu.memory_space<vmem_shared>>) offsets(%dma_start3A_11 : memref<128xi32, #tpu.memory_space<vmem>>) semaphore(%run_scoped3A : memref<!tpu.dma_semaphore, #tpu.memory_space<semaphore_mem>>) {add = true}
        %dma_wait3A = arith.constant 0 : i32
        %dma_wait3A_15 = tpu.memref_slice %arg6[%scan3A_9, %dma_wait3A] : memref<40x128xi32, #tpu.memory_space<vmem>> -> memref<1x128xi32, #tpu.memory_space<vmem>>
        %dma_wait3A_16 = tpu.memref_squeeze %dma_wait3A_15 : memref<1x128xi32, #tpu.memory_space<vmem>> -> memref<128xi32, #tpu.memory_space<vmem>>
        %dma_wait3A_17 = arith.constant 0 : i32
        %dma_wait3A_18 = arith.constant 0 : i32
        %dma_wait3A_19 = tpu.memref_slice %arg8[%dma_wait3A_17, %dma_wait3A_18] : memref<10240x128xf32, #tpu.memory_space<vmem_shared>> -> memref<10240x128xf32, #tpu.memory_space<vmem_shared>>
        tpu.wait_indirect_dma semaphore(%run_scoped3A : memref<!tpu.dma_semaphore, #tpu.memory_space<semaphore_mem>>) src(%arg7 : memref<128x128xf32, #tpu.memory_space<vmem>>) dst(%dma_wait3A_19 : memref<10240x128xf32, #tpu.memory_space<vmem_shared>>)
        tpu.yield
      }) : () -> ()
    }
    %scan3A_5 = arith.constant 40 : i32
    %barrier3A_6 = arith.constant 0 : index
    tpu.barrier barrier_id(%barrier3A_6)
    %mul3A_7 = arith.constant 640 : i32
    %mul3A_8 = arith.muli %arg1, %mul3A_7 : i32
    "tpu.region"() ({
      %run_scoped3A = tpu.sem_alloc : memref<!tpu.dma_semaphore, #tpu.memory_space<semaphore_mem>>
      %dma_start3A = arith.constant 0 : i32
      %dma_start3A_9 = tpu.memref_slice %arg5[%arg0, %mul3A_8, %dma_start3A] : memref<2x10240x128xf32, #tpu.memory_space<hbm>> -> memref<1x640x128xf32, #tpu.memory_space<hbm>>
      %dma_start3A_10 = tpu.memref_squeeze %dma_start3A_9 : memref<1x640x128xf32, #tpu.memory_space<hbm>> -> memref<640x128xf32, #tpu.memory_space<hbm>>
      %dma_start3A_11 = arith.constant 0 : i32
      %dma_start3A_12 = tpu.memref_slice %arg8[%mul3A_8, %dma_start3A_11] : memref<10240x128xf32, #tpu.memory_space<vmem_shared>> -> memref<640x128xf32, #tpu.memory_space<vmem_shared>>
      tpu.enqueue_dma source(%dma_start3A_12 : memref<640x128xf32, #tpu.memory_space<vmem_shared>>) target(%dma_start3A_10 : memref<640x128xf32, #tpu.memory_space<hbm>>) target_semaphore(%run_scoped3A : memref<!tpu.dma_semaphore, #tpu.memory_space<semaphore_mem>>)
      %dma_wait3A = arith.constant 0 : i32
      %dma_wait3A_13 = tpu.memref_slice %arg5[%arg0, %mul3A_8, %dma_wait3A] : memref<2x10240x128xf32, #tpu.memory_space<hbm>> -> memref<1x640x128xf32, #tpu.memory_space<hbm>>
      %dma_wait3A_14 = tpu.memref_squeeze %dma_wait3A_13 : memref<1x640x128xf32, #tpu.memory_space<hbm>> -> memref<640x128xf32, #tpu.memory_space<hbm>>
      %dma_wait3A_15 = arith.constant 0 : i32
      %dma_wait3A_16 = tpu.memref_slice %arg8[%mul3A_8, %dma_wait3A_15] : memref<10240x128xf32, #tpu.memory_space<vmem_shared>> -> memref<640x128xf32, #tpu.memory_space<vmem_shared>>
      tpu.wait_dma2 semaphore(%run_scoped3A : memref<!tpu.dma_semaphore, #tpu.memory_space<semaphore_mem>>) src(%dma_wait3A_16 : memref<640x128xf32, #tpu.memory_space<vmem_shared>>) dst(%dma_wait3A_14 : memref<640x128xf32, #tpu.memory_space<hbm>>)
      tpu.yield
    }) : () -> ()
    return
  }
}

#map = affine_map<(d0, d1) -> (0, 0)>
#map1 = affine_map<(d0, d1) -> (0, 0, 0)>
module attributes {stable_mosaic.version = 14 : i64} {
  func.func @body(%arg0: i32, %arg1: i32, %arg2: memref<10240x128xf32, #tpu.memory_space<hbm>>, %arg3: memref<10240x128xf32, #tpu.memory_space<hbm>>, %arg4: memref<16x80x128xi32, #tpu.memory_space<hbm>>, %arg5: memref<16x80x128xi32, #tpu.memory_space<hbm>>, %arg6: memref<640x128xf32, #tpu.memory_space<hbm>>, %arg7: memref<2x10240x128xf32, #tpu.memory_space<hbm>>, %arg8: memref<16x128xi32, #tpu.memory_space<vmem>>, %arg9: memref<16x128xi32, #tpu.memory_space<vmem>>, %arg10: memref<128x128xf32, #tpu.memory_space<vmem>>, %arg11: memref<128x128xf32, #tpu.memory_space<vmem>>, %arg12: memref<10240x128xf32, #tpu.memory_space<vmem_shared>>, %arg13: memref<!tpu.dma_semaphore, #tpu.memory_space<semaphore_mem>>, %arg14: memref<!tpu.dma_semaphore, #tpu.memory_space<semaphore_mem>>) attributes {dimension_semantics = [#tpu.dimension_semantics<core_parallel>, #tpu.dimension_semantics<subcore_parallel>], iteration_bounds = array<i64: 2, 16>, scalar_prefetch = 0 : i64, scratch_operands = 7 : i64, tpu.core_type = #tpu.core_type<sc_vector_subcore>, window_params = [{transform_indices = #map}, {transform_indices = #map}, {transform_indices = #map1}, {transform_indices = #map1}, {transform_indices = #map}, {transform_indices = #map1}]} {
    %mul3A = arith.constant 640 : i32
    %mul3A_0 = arith.muli %arg1, %mul3A : i32
    "tpu.region"() ({
      %run_scoped3A = tpu.sem_alloc : memref<!tpu.dma_semaphore, #tpu.memory_space<semaphore_mem>>
      %dma_start3A = arith.constant 0 : i32
      %dma_start3A_19 = tpu.memref_slice %arg12[%mul3A_0, %dma_start3A] : memref<10240x128xf32, #tpu.memory_space<vmem_shared>> -> memref<640x128xf32, #tpu.memory_space<vmem_shared>>
      tpu.enqueue_dma source(%arg6 : memref<640x128xf32, #tpu.memory_space<hbm>>) target(%dma_start3A_19 : memref<640x128xf32, #tpu.memory_space<vmem_shared>>) target_semaphore(%run_scoped3A : memref<!tpu.dma_semaphore, #tpu.memory_space<semaphore_mem>>)
      %dma_wait3A = arith.constant 0 : i32
      %dma_wait3A_20 = tpu.memref_slice %arg12[%mul3A_0, %dma_wait3A] : memref<10240x128xf32, #tpu.memory_space<vmem_shared>> -> memref<640x128xf32, #tpu.memory_space<vmem_shared>>
      tpu.wait_dma2 semaphore(%run_scoped3A : memref<!tpu.dma_semaphore, #tpu.memory_space<semaphore_mem>>) src(%arg6 : memref<640x128xf32, #tpu.memory_space<hbm>>) dst(%dma_wait3A_20 : memref<640x128xf32, #tpu.memory_space<vmem_shared>>)
      tpu.yield
    }) : () -> ()
    %barrier3A = arith.constant 0 : index
    tpu.barrier barrier_id(%barrier3A)
    %eq3A = arith.constant 0 : i32
    %eq3A_1 = arith.cmpi eq, %arg0, %eq3A : i32
    %convert_element_type3A = arith.extui %eq3A_1 : i1 to i32
    %cond3A = arith.constant 0 : i32
    %cond3A_2 = arith.cmpi ne, %convert_element_type3A, %cond3A : i32
    scf.if %cond3A_2 {
      %scan3A = arith.constant 0 : i32
      %scan3A_19 = arith.constant 0 : i32
      %scan3A_20 = arith.constant 5 : i32
      %scan3A_21 = arith.addi %scan3A_19, %scan3A_20 : i32
      %scan3A_22 = arith.constant 1 : i32
      scf.for %scan3A_24 = %scan3A_19 to %scan3A_21 step %scan3A_22  : i32 {
        %mul3A_25 = arith.constant 16 : i32
        %mul3A_26 = arith.muli %scan3A_24, %mul3A_25 : i32
        "tpu.region"() ({
          %run_scoped3A = tpu.sem_alloc : memref<!tpu.dma_semaphore, #tpu.memory_space<semaphore_mem>>
          %dma_start3A_41 = arith.constant 0 : i32
          %dma_start3A_42 = tpu.memref_slice %arg4[%arg1, %mul3A_26, %dma_start3A_41] : memref<16x80x128xi32, #tpu.memory_space<hbm>> -> memref<1x16x128xi32, #tpu.memory_space<hbm>>
          %dma_start3A_43 = tpu.memref_squeeze %dma_start3A_42 : memref<1x16x128xi32, #tpu.memory_space<hbm>> -> memref<16x128xi32, #tpu.memory_space<hbm>>
          %dma_start3A_44 = arith.constant 0 : i32
          %dma_start3A_45 = tpu.memref_slice %arg4[%arg1, %mul3A_26, %dma_start3A_44] : memref<16x80x128xi32, #tpu.memory_space<hbm>> -> memref<1x16x128xi32, #tpu.memory_space<hbm>>
          %dma_start3A_46 = tpu.memref_squeeze %dma_start3A_45 : memref<1x16x128xi32, #tpu.memory_space<hbm>> -> memref<16x128xi32, #tpu.memory_space<hbm>>
          tpu.enqueue_dma source(%dma_start3A_46 : memref<16x128xi32, #tpu.memory_space<hbm>>) target(%arg8 : memref<16x128xi32, #tpu.memory_space<vmem>>) target_semaphore(%run_scoped3A : memref<!tpu.dma_semaphore, #tpu.memory_space<semaphore_mem>>)
          %dma_wait3A = arith.constant 0 : i32
          %dma_wait3A_47 = tpu.memref_slice %arg4[%arg1, %mul3A_26, %dma_wait3A] : memref<16x80x128xi32, #tpu.memory_space<hbm>> -> memref<1x16x128xi32, #tpu.memory_space<hbm>>
          %dma_wait3A_48 = tpu.memref_squeeze %dma_wait3A_47 : memref<1x16x128xi32, #tpu.memory_space<hbm>> -> memref<16x128xi32, #tpu.memory_space<hbm>>
          %dma_wait3A_49 = arith.constant 0 : i32
          %dma_wait3A_50 = tpu.memref_slice %arg4[%arg1, %mul3A_26, %dma_wait3A_49] : memref<16x80x128xi32, #tpu.memory_space<hbm>> -> memref<1x16x128xi32, #tpu.memory_space<hbm>>
          %dma_wait3A_51 = tpu.memref_squeeze %dma_wait3A_50 : memref<1x16x128xi32, #tpu.memory_space<hbm>> -> memref<16x128xi32, #tpu.memory_space<hbm>>
          tpu.wait_dma2 semaphore(%run_scoped3A : memref<!tpu.dma_semaphore, #tpu.memory_space<semaphore_mem>>) src(%dma_wait3A_51 : memref<16x128xi32, #tpu.memory_space<hbm>>) dst(%arg8 : memref<16x128xi32, #tpu.memory_space<vmem>>)
          tpu.yield
        }) : () -> ()
        %mul3A_27 = arith.constant 16 : i32
        %mul3A_28 = arith.muli %scan3A_24, %mul3A_27 : i32
        "tpu.region"() ({
          %run_scoped3A = tpu.sem_alloc : memref<!tpu.dma_semaphore, #tpu.memory_space<semaphore_mem>>
          %dma_start3A_41 = arith.constant 0 : i32
          %dma_start3A_42 = tpu.memref_slice %arg5[%arg1, %mul3A_28, %dma_start3A_41] : memref<16x80x128xi32, #tpu.memory_space<hbm>> -> memref<1x16x128xi32, #tpu.memory_space<hbm>>
          %dma_start3A_43 = tpu.memref_squeeze %dma_start3A_42 : memref<1x16x128xi32, #tpu.memory_space<hbm>> -> memref<16x128xi32, #tpu.memory_space<hbm>>
          %dma_start3A_44 = arith.constant 0 : i32
          %dma_start3A_45 = tpu.memref_slice %arg5[%arg1, %mul3A_28, %dma_start3A_44] : memref<16x80x128xi32, #tpu.memory_space<hbm>> -> memref<1x16x128xi32, #tpu.memory_space<hbm>>
          %dma_start3A_46 = tpu.memref_squeeze %dma_start3A_45 : memref<1x16x128xi32, #tpu.memory_space<hbm>> -> memref<16x128xi32, #tpu.memory_space<hbm>>
          tpu.enqueue_dma source(%dma_start3A_46 : memref<16x128xi32, #tpu.memory_space<hbm>>) target(%arg9 : memref<16x128xi32, #tpu.memory_space<vmem>>) target_semaphore(%run_scoped3A : memref<!tpu.dma_semaphore, #tpu.memory_space<semaphore_mem>>)
          %dma_wait3A = arith.constant 0 : i32
          %dma_wait3A_47 = tpu.memref_slice %arg5[%arg1, %mul3A_28, %dma_wait3A] : memref<16x80x128xi32, #tpu.memory_space<hbm>> -> memref<1x16x128xi32, #tpu.memory_space<hbm>>
          %dma_wait3A_48 = tpu.memref_squeeze %dma_wait3A_47 : memref<1x16x128xi32, #tpu.memory_space<hbm>> -> memref<16x128xi32, #tpu.memory_space<hbm>>
          %dma_wait3A_49 = arith.constant 0 : i32
          %dma_wait3A_50 = tpu.memref_slice %arg5[%arg1, %mul3A_28, %dma_wait3A_49] : memref<16x80x128xi32, #tpu.memory_space<hbm>> -> memref<1x16x128xi32, #tpu.memory_space<hbm>>
          %dma_wait3A_51 = tpu.memref_squeeze %dma_wait3A_50 : memref<1x16x128xi32, #tpu.memory_space<hbm>> -> memref<16x128xi32, #tpu.memory_space<hbm>>
          tpu.wait_dma2 semaphore(%run_scoped3A : memref<!tpu.dma_semaphore, #tpu.memory_space<semaphore_mem>>) src(%dma_wait3A_51 : memref<16x128xi32, #tpu.memory_space<hbm>>) dst(%arg9 : memref<16x128xi32, #tpu.memory_space<vmem>>)
          tpu.yield
        }) : () -> ()
        %dma_start3A = arith.constant 0 : i32
        %dma_start3A_29 = arith.constant 0 : i32
        %dma_start3A_30 = tpu.memref_slice %arg8[%dma_start3A, %dma_start3A_29] : memref<16x128xi32, #tpu.memory_space<vmem>> -> memref<1x128xi32, #tpu.memory_space<vmem>>
        %dma_start3A_31 = tpu.memref_squeeze %dma_start3A_30 : memref<1x128xi32, #tpu.memory_space<vmem>> -> memref<128xi32, #tpu.memory_space<vmem>>
        %dma_start3A_32 = arith.constant 0 : i32
        %dma_start3A_33 = arith.constant 0 : i32
        %dma_start3A_34 = tpu.memref_slice %arg2[%dma_start3A_32, %dma_start3A_33] : memref<10240x128xf32, #tpu.memory_space<hbm>> -> memref<10240x128xf32, #tpu.memory_space<hbm>>
        tpu.enqueue_indirect_dma source(%dma_start3A_34 : memref<10240x128xf32, #tpu.memory_space<hbm>>) target(%arg10 : memref<128x128xf32, #tpu.memory_space<vmem>>) offsets(%dma_start3A_31 : memref<128xi32, #tpu.memory_space<vmem>>) semaphore(%arg13 : memref<!tpu.dma_semaphore, #tpu.memory_space<semaphore_mem>>)
        %scan3A_35 = arith.constant 0 : i32
        %scan3A_36 = arith.constant 0 : i32
        %scan3A_37 = arith.constant 8 : i32
        %scan3A_38 = arith.addi %scan3A_36, %scan3A_37 : i32
        %scan3A_39 = arith.constant 1 : i32
        scf.for %scan3A_41 = %scan3A_36 to %scan3A_38 step %scan3A_39  : i32 {
          %mul3A_42 = arith.constant 2 : i32
          %mul3A_43 = arith.muli %mul3A_42, %scan3A_41 : i32
          %add3A = arith.constant 1 : i32
          %add3A_44 = arith.addi %mul3A_43, %add3A : i32
          %dma_start3A_45 = arith.constant 0 : i32
          %dma_start3A_46 = tpu.memref_slice %arg8[%add3A_44, %dma_start3A_45] : memref<16x128xi32, #tpu.memory_space<vmem>> -> memref<1x128xi32, #tpu.memory_space<vmem>>
          %dma_start3A_47 = tpu.memref_squeeze %dma_start3A_46 : memref<1x128xi32, #tpu.memory_space<vmem>> -> memref<128xi32, #tpu.memory_space<vmem>>
          %dma_start3A_48 = arith.constant 0 : i32
          %dma_start3A_49 = arith.constant 0 : i32
          %dma_start3A_50 = tpu.memref_slice %arg2[%dma_start3A_48, %dma_start3A_49] : memref<10240x128xf32, #tpu.memory_space<hbm>> -> memref<10240x128xf32, #tpu.memory_space<hbm>>
          tpu.enqueue_indirect_dma source(%dma_start3A_50 : memref<10240x128xf32, #tpu.memory_space<hbm>>) target(%arg11 : memref<128x128xf32, #tpu.memory_space<vmem>>) offsets(%dma_start3A_47 : memref<128xi32, #tpu.memory_space<vmem>>) semaphore(%arg14 : memref<!tpu.dma_semaphore, #tpu.memory_space<semaphore_mem>>)
          %dma_wait3A = arith.constant 0 : i32
          %dma_wait3A_51 = tpu.memref_slice %arg8[%mul3A_43, %dma_wait3A] : memref<16x128xi32, #tpu.memory_space<vmem>> -> memref<1x128xi32, #tpu.memory_space<vmem>>
          %dma_wait3A_52 = tpu.memref_squeeze %dma_wait3A_51 : memref<1x128xi32, #tpu.memory_space<vmem>> -> memref<128xi32, #tpu.memory_space<vmem>>
          %dma_wait3A_53 = arith.constant 0 : i32
          %dma_wait3A_54 = arith.constant 0 : i32
          %dma_wait3A_55 = tpu.memref_slice %arg2[%dma_wait3A_53, %dma_wait3A_54] : memref<10240x128xf32, #tpu.memory_space<hbm>> -> memref<10240x128xf32, #tpu.memory_space<hbm>>
          tpu.wait_indirect_dma semaphore(%arg13 : memref<!tpu.dma_semaphore, #tpu.memory_space<semaphore_mem>>) src(%dma_wait3A_55 : memref<10240x128xf32, #tpu.memory_space<hbm>>) dst(%arg10 : memref<128x128xf32, #tpu.memory_space<vmem>>)
          "tpu.region"() ({
            %run_scoped3A = tpu.sem_alloc : memref<!tpu.dma_semaphore, #tpu.memory_space<semaphore_mem>>
            %dma_start3A_72 = arith.constant 0 : i32
            %dma_start3A_73 = tpu.memref_slice %arg9[%mul3A_43, %dma_start3A_72] : memref<16x128xi32, #tpu.memory_space<vmem>> -> memref<1x128xi32, #tpu.memory_space<vmem>>
            %dma_start3A_74 = tpu.memref_squeeze %dma_start3A_73 : memref<1x128xi32, #tpu.memory_space<vmem>> -> memref<128xi32, #tpu.memory_space<vmem>>
            %dma_start3A_75 = arith.constant 0 : i32
            %dma_start3A_76 = arith.constant 0 : i32
            %dma_start3A_77 = tpu.memref_slice %arg12[%dma_start3A_75, %dma_start3A_76] : memref<10240x128xf32, #tpu.memory_space<vmem_shared>> -> memref<10240x128xf32, #tpu.memory_space<vmem_shared>>
            tpu.enqueue_indirect_dma source(%arg10 : memref<128x128xf32, #tpu.memory_space<vmem>>) target(%dma_start3A_77 : memref<10240x128xf32, #tpu.memory_space<vmem_shared>>) offsets(%dma_start3A_74 : memref<128xi32, #tpu.memory_space<vmem>>) semaphore(%run_scoped3A : memref<!tpu.dma_semaphore, #tpu.memory_space<semaphore_mem>>) {add = true}
            %dma_wait3A_78 = arith.constant 0 : i32
            %dma_wait3A_79 = tpu.memref_slice %arg9[%mul3A_43, %dma_wait3A_78] : memref<16x128xi32, #tpu.memory_space<vmem>> -> memref<1x128xi32, #tpu.memory_space<vmem>>
            %dma_wait3A_80 = tpu.memref_squeeze %dma_wait3A_79 : memref<1x128xi32, #tpu.memory_space<vmem>> -> memref<128xi32, #tpu.memory_space<vmem>>
            %dma_wait3A_81 = arith.constant 0 : i32
            %dma_wait3A_82 = arith.constant 0 : i32
            %dma_wait3A_83 = tpu.memref_slice %arg12[%dma_wait3A_81, %dma_wait3A_82] : memref<10240x128xf32, #tpu.memory_space<vmem_shared>> -> memref<10240x128xf32, #tpu.memory_space<vmem_shared>>
            tpu.wait_indirect_dma semaphore(%run_scoped3A : memref<!tpu.dma_semaphore, #tpu.memory_space<semaphore_mem>>) src(%arg10 : memref<128x128xf32, #tpu.memory_space<vmem>>) dst(%dma_wait3A_83 : memref<10240x128xf32, #tpu.memory_space<vmem_shared>>)
            tpu.yield
          }) : () -> ()
          %add3A_56 = arith.constant 2 : i32
          %add3A_57 = arith.addi %mul3A_43, %add3A_56 : i32
          %lt3A = arith.constant 16 : i32
          %lt3A_58 = arith.cmpi slt, %add3A_57, %lt3A : i32
          %convert_element_type3A_59 = arith.extui %lt3A_58 : i1 to i32
          %cond3A_60 = arith.constant 0 : i32
          %cond3A_61 = arith.cmpi ne, %convert_element_type3A_59, %cond3A_60 : i32
          scf.if %cond3A_61 {
            %add3A_72 = arith.constant 2 : i32
            %add3A_73 = arith.addi %mul3A_43, %add3A_72 : i32
            %dma_start3A_74 = arith.constant 0 : i32
            %dma_start3A_75 = tpu.memref_slice %arg8[%add3A_73, %dma_start3A_74] : memref<16x128xi32, #tpu.memory_space<vmem>> -> memref<1x128xi32, #tpu.memory_space<vmem>>
            %dma_start3A_76 = tpu.memref_squeeze %dma_start3A_75 : memref<1x128xi32, #tpu.memory_space<vmem>> -> memref<128xi32, #tpu.memory_space<vmem>>
            %dma_start3A_77 = arith.constant 0 : i32
            %dma_start3A_78 = arith.constant 0 : i32
            %dma_start3A_79 = tpu.memref_slice %arg2[%dma_start3A_77, %dma_start3A_78] : memref<10240x128xf32, #tpu.memory_space<hbm>> -> memref<10240x128xf32, #tpu.memory_space<hbm>>
            tpu.enqueue_indirect_dma source(%dma_start3A_79 : memref<10240x128xf32, #tpu.memory_space<hbm>>) target(%arg10 : memref<128x128xf32, #tpu.memory_space<vmem>>) offsets(%dma_start3A_76 : memref<128xi32, #tpu.memory_space<vmem>>) semaphore(%arg13 : memref<!tpu.dma_semaphore, #tpu.memory_space<semaphore_mem>>)
          } else {
          }
          %add3A_62 = arith.constant 1 : i32
          %add3A_63 = arith.addi %mul3A_43, %add3A_62 : i32
          %dma_wait3A_64 = arith.constant 0 : i32
          %dma_wait3A_65 = tpu.memref_slice %arg8[%add3A_63, %dma_wait3A_64] : memref<16x128xi32, #tpu.memory_space<vmem>> -> memref<1x128xi32, #tpu.memory_space<vmem>>
          %dma_wait3A_66 = tpu.memref_squeeze %dma_wait3A_65 : memref<1x128xi32, #tpu.memory_space<vmem>> -> memref<128xi32, #tpu.memory_space<vmem>>
          %dma_wait3A_67 = arith.constant 0 : i32
          %dma_wait3A_68 = arith.constant 0 : i32
          %dma_wait3A_69 = tpu.memref_slice %arg2[%dma_wait3A_67, %dma_wait3A_68] : memref<10240x128xf32, #tpu.memory_space<hbm>> -> memref<10240x128xf32, #tpu.memory_space<hbm>>
          tpu.wait_indirect_dma semaphore(%arg14 : memref<!tpu.dma_semaphore, #tpu.memory_space<semaphore_mem>>) src(%dma_wait3A_69 : memref<10240x128xf32, #tpu.memory_space<hbm>>) dst(%arg11 : memref<128x128xf32, #tpu.memory_space<vmem>>)
          %add3A_70 = arith.constant 1 : i32
          %add3A_71 = arith.addi %mul3A_43, %add3A_70 : i32
          "tpu.region"() ({
            %run_scoped3A = tpu.sem_alloc : memref<!tpu.dma_semaphore, #tpu.memory_space<semaphore_mem>>
            %dma_start3A_72 = arith.constant 0 : i32
            %dma_start3A_73 = tpu.memref_slice %arg9[%add3A_71, %dma_start3A_72] : memref<16x128xi32, #tpu.memory_space<vmem>> -> memref<1x128xi32, #tpu.memory_space<vmem>>
            %dma_start3A_74 = tpu.memref_squeeze %dma_start3A_73 : memref<1x128xi32, #tpu.memory_space<vmem>> -> memref<128xi32, #tpu.memory_space<vmem>>
            %dma_start3A_75 = arith.constant 0 : i32
            %dma_start3A_76 = arith.constant 0 : i32
            %dma_start3A_77 = tpu.memref_slice %arg12[%dma_start3A_75, %dma_start3A_76] : memref<10240x128xf32, #tpu.memory_space<vmem_shared>> -> memref<10240x128xf32, #tpu.memory_space<vmem_shared>>
            tpu.enqueue_indirect_dma source(%arg11 : memref<128x128xf32, #tpu.memory_space<vmem>>) target(%dma_start3A_77 : memref<10240x128xf32, #tpu.memory_space<vmem_shared>>) offsets(%dma_start3A_74 : memref<128xi32, #tpu.memory_space<vmem>>) semaphore(%run_scoped3A : memref<!tpu.dma_semaphore, #tpu.memory_space<semaphore_mem>>) {add = true}
            %dma_wait3A_78 = arith.constant 0 : i32
            %dma_wait3A_79 = tpu.memref_slice %arg9[%add3A_71, %dma_wait3A_78] : memref<16x128xi32, #tpu.memory_space<vmem>> -> memref<1x128xi32, #tpu.memory_space<vmem>>
            %dma_wait3A_80 = tpu.memref_squeeze %dma_wait3A_79 : memref<1x128xi32, #tpu.memory_space<vmem>> -> memref<128xi32, #tpu.memory_space<vmem>>
            %dma_wait3A_81 = arith.constant 0 : i32
            %dma_wait3A_82 = arith.constant 0 : i32
            %dma_wait3A_83 = tpu.memref_slice %arg12[%dma_wait3A_81, %dma_wait3A_82] : memref<10240x128xf32, #tpu.memory_space<vmem_shared>> -> memref<10240x128xf32, #tpu.memory_space<vmem_shared>>
            tpu.wait_indirect_dma semaphore(%run_scoped3A : memref<!tpu.dma_semaphore, #tpu.memory_space<semaphore_mem>>) src(%arg11 : memref<128x128xf32, #tpu.memory_space<vmem>>) dst(%dma_wait3A_83 : memref<10240x128xf32, #tpu.memory_space<vmem_shared>>)
            tpu.yield
          }) : () -> ()
        }
        %scan3A_40 = arith.constant 8 : i32
      }
      %scan3A_23 = arith.constant 5 : i32
    } else {
    }
    %eq3A_3 = arith.constant 1 : i32
    %eq3A_4 = arith.cmpi eq, %arg0, %eq3A_3 : i32
    %convert_element_type3A_5 = arith.extui %eq3A_4 : i1 to i32
    %cond3A_6 = arith.constant 0 : i32
    %cond3A_7 = arith.cmpi ne, %convert_element_type3A_5, %cond3A_6 : i32
    scf.if %cond3A_7 {
      %scan3A = arith.constant 0 : i32
      %scan3A_19 = arith.constant 0 : i32
      %scan3A_20 = arith.constant 5 : i32
      %scan3A_21 = arith.addi %scan3A_19, %scan3A_20 : i32
      %scan3A_22 = arith.constant 1 : i32
      scf.for %scan3A_24 = %scan3A_19 to %scan3A_21 step %scan3A_22  : i32 {
        %mul3A_25 = arith.constant 16 : i32
        %mul3A_26 = arith.muli %scan3A_24, %mul3A_25 : i32
        "tpu.region"() ({
          %run_scoped3A = tpu.sem_alloc : memref<!tpu.dma_semaphore, #tpu.memory_space<semaphore_mem>>
          %dma_start3A_41 = arith.constant 0 : i32
          %dma_start3A_42 = tpu.memref_slice %arg4[%arg1, %mul3A_26, %dma_start3A_41] : memref<16x80x128xi32, #tpu.memory_space<hbm>> -> memref<1x16x128xi32, #tpu.memory_space<hbm>>
          %dma_start3A_43 = tpu.memref_squeeze %dma_start3A_42 : memref<1x16x128xi32, #tpu.memory_space<hbm>> -> memref<16x128xi32, #tpu.memory_space<hbm>>
          %dma_start3A_44 = arith.constant 0 : i32
          %dma_start3A_45 = tpu.memref_slice %arg4[%arg1, %mul3A_26, %dma_start3A_44] : memref<16x80x128xi32, #tpu.memory_space<hbm>> -> memref<1x16x128xi32, #tpu.memory_space<hbm>>
          %dma_start3A_46 = tpu.memref_squeeze %dma_start3A_45 : memref<1x16x128xi32, #tpu.memory_space<hbm>> -> memref<16x128xi32, #tpu.memory_space<hbm>>
          tpu.enqueue_dma source(%dma_start3A_46 : memref<16x128xi32, #tpu.memory_space<hbm>>) target(%arg8 : memref<16x128xi32, #tpu.memory_space<vmem>>) target_semaphore(%run_scoped3A : memref<!tpu.dma_semaphore, #tpu.memory_space<semaphore_mem>>)
          %dma_wait3A = arith.constant 0 : i32
          %dma_wait3A_47 = tpu.memref_slice %arg4[%arg1, %mul3A_26, %dma_wait3A] : memref<16x80x128xi32, #tpu.memory_space<hbm>> -> memref<1x16x128xi32, #tpu.memory_space<hbm>>
          %dma_wait3A_48 = tpu.memref_squeeze %dma_wait3A_47 : memref<1x16x128xi32, #tpu.memory_space<hbm>> -> memref<16x128xi32, #tpu.memory_space<hbm>>
          %dma_wait3A_49 = arith.constant 0 : i32
          %dma_wait3A_50 = tpu.memref_slice %arg4[%arg1, %mul3A_26, %dma_wait3A_49] : memref<16x80x128xi32, #tpu.memory_space<hbm>> -> memref<1x16x128xi32, #tpu.memory_space<hbm>>
          %dma_wait3A_51 = tpu.memref_squeeze %dma_wait3A_50 : memref<1x16x128xi32, #tpu.memory_space<hbm>> -> memref<16x128xi32, #tpu.memory_space<hbm>>
          tpu.wait_dma2 semaphore(%run_scoped3A : memref<!tpu.dma_semaphore, #tpu.memory_space<semaphore_mem>>) src(%dma_wait3A_51 : memref<16x128xi32, #tpu.memory_space<hbm>>) dst(%arg8 : memref<16x128xi32, #tpu.memory_space<vmem>>)
          tpu.yield
        }) : () -> ()
        %mul3A_27 = arith.constant 16 : i32
        %mul3A_28 = arith.muli %scan3A_24, %mul3A_27 : i32
        "tpu.region"() ({
          %run_scoped3A = tpu.sem_alloc : memref<!tpu.dma_semaphore, #tpu.memory_space<semaphore_mem>>
          %dma_start3A_41 = arith.constant 0 : i32
          %dma_start3A_42 = tpu.memref_slice %arg5[%arg1, %mul3A_28, %dma_start3A_41] : memref<16x80x128xi32, #tpu.memory_space<hbm>> -> memref<1x16x128xi32, #tpu.memory_space<hbm>>
          %dma_start3A_43 = tpu.memref_squeeze %dma_start3A_42 : memref<1x16x128xi32, #tpu.memory_space<hbm>> -> memref<16x128xi32, #tpu.memory_space<hbm>>
          %dma_start3A_44 = arith.constant 0 : i32
          %dma_start3A_45 = tpu.memref_slice %arg5[%arg1, %mul3A_28, %dma_start3A_44] : memref<16x80x128xi32, #tpu.memory_space<hbm>> -> memref<1x16x128xi32, #tpu.memory_space<hbm>>
          %dma_start3A_46 = tpu.memref_squeeze %dma_start3A_45 : memref<1x16x128xi32, #tpu.memory_space<hbm>> -> memref<16x128xi32, #tpu.memory_space<hbm>>
          tpu.enqueue_dma source(%dma_start3A_46 : memref<16x128xi32, #tpu.memory_space<hbm>>) target(%arg9 : memref<16x128xi32, #tpu.memory_space<vmem>>) target_semaphore(%run_scoped3A : memref<!tpu.dma_semaphore, #tpu.memory_space<semaphore_mem>>)
          %dma_wait3A = arith.constant 0 : i32
          %dma_wait3A_47 = tpu.memref_slice %arg5[%arg1, %mul3A_28, %dma_wait3A] : memref<16x80x128xi32, #tpu.memory_space<hbm>> -> memref<1x16x128xi32, #tpu.memory_space<hbm>>
          %dma_wait3A_48 = tpu.memref_squeeze %dma_wait3A_47 : memref<1x16x128xi32, #tpu.memory_space<hbm>> -> memref<16x128xi32, #tpu.memory_space<hbm>>
          %dma_wait3A_49 = arith.constant 0 : i32
          %dma_wait3A_50 = tpu.memref_slice %arg5[%arg1, %mul3A_28, %dma_wait3A_49] : memref<16x80x128xi32, #tpu.memory_space<hbm>> -> memref<1x16x128xi32, #tpu.memory_space<hbm>>
          %dma_wait3A_51 = tpu.memref_squeeze %dma_wait3A_50 : memref<1x16x128xi32, #tpu.memory_space<hbm>> -> memref<16x128xi32, #tpu.memory_space<hbm>>
          tpu.wait_dma2 semaphore(%run_scoped3A : memref<!tpu.dma_semaphore, #tpu.memory_space<semaphore_mem>>) src(%dma_wait3A_51 : memref<16x128xi32, #tpu.memory_space<hbm>>) dst(%arg9 : memref<16x128xi32, #tpu.memory_space<vmem>>)
          tpu.yield
        }) : () -> ()
        %dma_start3A = arith.constant 0 : i32
        %dma_start3A_29 = arith.constant 0 : i32
        %dma_start3A_30 = tpu.memref_slice %arg8[%dma_start3A, %dma_start3A_29] : memref<16x128xi32, #tpu.memory_space<vmem>> -> memref<1x128xi32, #tpu.memory_space<vmem>>
        %dma_start3A_31 = tpu.memref_squeeze %dma_start3A_30 : memref<1x128xi32, #tpu.memory_space<vmem>> -> memref<128xi32, #tpu.memory_space<vmem>>
        %dma_start3A_32 = arith.constant 0 : i32
        %dma_start3A_33 = arith.constant 0 : i32
        %dma_start3A_34 = tpu.memref_slice %arg3[%dma_start3A_32, %dma_start3A_33] : memref<10240x128xf32, #tpu.memory_space<hbm>> -> memref<10240x128xf32, #tpu.memory_space<hbm>>
        tpu.enqueue_indirect_dma source(%dma_start3A_34 : memref<10240x128xf32, #tpu.memory_space<hbm>>) target(%arg10 : memref<128x128xf32, #tpu.memory_space<vmem>>) offsets(%dma_start3A_31 : memref<128xi32, #tpu.memory_space<vmem>>) semaphore(%arg13 : memref<!tpu.dma_semaphore, #tpu.memory_space<semaphore_mem>>)
        %scan3A_35 = arith.constant 0 : i32
        %scan3A_36 = arith.constant 0 : i32
        %scan3A_37 = arith.constant 8 : i32
        %scan3A_38 = arith.addi %scan3A_36, %scan3A_37 : i32
        %scan3A_39 = arith.constant 1 : i32
        scf.for %scan3A_41 = %scan3A_36 to %scan3A_38 step %scan3A_39  : i32 {
          %mul3A_42 = arith.constant 2 : i32
          %mul3A_43 = arith.muli %mul3A_42, %scan3A_41 : i32
          %add3A = arith.constant 1 : i32
          %add3A_44 = arith.addi %mul3A_43, %add3A : i32
          %dma_start3A_45 = arith.constant 0 : i32
          %dma_start3A_46 = tpu.memref_slice %arg8[%add3A_44, %dma_start3A_45] : memref<16x128xi32, #tpu.memory_space<vmem>> -> memref<1x128xi32, #tpu.memory_space<vmem>>
          %dma_start3A_47 = tpu.memref_squeeze %dma_start3A_46 : memref<1x128xi32, #tpu.memory_space<vmem>> -> memref<128xi32, #tpu.memory_space<vmem>>
          %dma_start3A_48 = arith.constant 0 : i32
          %dma_start3A_49 = arith.constant 0 : i32
          %dma_start3A_50 = tpu.memref_slice %arg3[%dma_start3A_48, %dma_start3A_49] : memref<10240x128xf32, #tpu.memory_space<hbm>> -> memref<10240x128xf32, #tpu.memory_space<hbm>>
          tpu.enqueue_indirect_dma source(%dma_start3A_50 : memref<10240x128xf32, #tpu.memory_space<hbm>>) target(%arg11 : memref<128x128xf32, #tpu.memory_space<vmem>>) offsets(%dma_start3A_47 : memref<128xi32, #tpu.memory_space<vmem>>) semaphore(%arg14 : memref<!tpu.dma_semaphore, #tpu.memory_space<semaphore_mem>>)
          %dma_wait3A = arith.constant 0 : i32
          %dma_wait3A_51 = tpu.memref_slice %arg8[%mul3A_43, %dma_wait3A] : memref<16x128xi32, #tpu.memory_space<vmem>> -> memref<1x128xi32, #tpu.memory_space<vmem>>
          %dma_wait3A_52 = tpu.memref_squeeze %dma_wait3A_51 : memref<1x128xi32, #tpu.memory_space<vmem>> -> memref<128xi32, #tpu.memory_space<vmem>>
          %dma_wait3A_53 = arith.constant 0 : i32
          %dma_wait3A_54 = arith.constant 0 : i32
          %dma_wait3A_55 = tpu.memref_slice %arg3[%dma_wait3A_53, %dma_wait3A_54] : memref<10240x128xf32, #tpu.memory_space<hbm>> -> memref<10240x128xf32, #tpu.memory_space<hbm>>
          tpu.wait_indirect_dma semaphore(%arg13 : memref<!tpu.dma_semaphore, #tpu.memory_space<semaphore_mem>>) src(%dma_wait3A_55 : memref<10240x128xf32, #tpu.memory_space<hbm>>) dst(%arg10 : memref<128x128xf32, #tpu.memory_space<vmem>>)
          "tpu.region"() ({
            %run_scoped3A = tpu.sem_alloc : memref<!tpu.dma_semaphore, #tpu.memory_space<semaphore_mem>>
            %dma_start3A_72 = arith.constant 0 : i32
            %dma_start3A_73 = tpu.memref_slice %arg9[%mul3A_43, %dma_start3A_72] : memref<16x128xi32, #tpu.memory_space<vmem>> -> memref<1x128xi32, #tpu.memory_space<vmem>>
            %dma_start3A_74 = tpu.memref_squeeze %dma_start3A_73 : memref<1x128xi32, #tpu.memory_space<vmem>> -> memref<128xi32, #tpu.memory_space<vmem>>
            %dma_start3A_75 = arith.constant 0 : i32
            %dma_start3A_76 = arith.constant 0 : i32
            %dma_start3A_77 = tpu.memref_slice %arg12[%dma_start3A_75, %dma_start3A_76] : memref<10240x128xf32, #tpu.memory_space<vmem_shared>> -> memref<10240x128xf32, #tpu.memory_space<vmem_shared>>
            tpu.enqueue_indirect_dma source(%arg10 : memref<128x128xf32, #tpu.memory_space<vmem>>) target(%dma_start3A_77 : memref<10240x128xf32, #tpu.memory_space<vmem_shared>>) offsets(%dma_start3A_74 : memref<128xi32, #tpu.memory_space<vmem>>) semaphore(%run_scoped3A : memref<!tpu.dma_semaphore, #tpu.memory_space<semaphore_mem>>) {add = true}
            %dma_wait3A_78 = arith.constant 0 : i32
            %dma_wait3A_79 = tpu.memref_slice %arg9[%mul3A_43, %dma_wait3A_78] : memref<16x128xi32, #tpu.memory_space<vmem>> -> memref<1x128xi32, #tpu.memory_space<vmem>>
            %dma_wait3A_80 = tpu.memref_squeeze %dma_wait3A_79 : memref<1x128xi32, #tpu.memory_space<vmem>> -> memref<128xi32, #tpu.memory_space<vmem>>
            %dma_wait3A_81 = arith.constant 0 : i32
            %dma_wait3A_82 = arith.constant 0 : i32
            %dma_wait3A_83 = tpu.memref_slice %arg12[%dma_wait3A_81, %dma_wait3A_82] : memref<10240x128xf32, #tpu.memory_space<vmem_shared>> -> memref<10240x128xf32, #tpu.memory_space<vmem_shared>>
            tpu.wait_indirect_dma semaphore(%run_scoped3A : memref<!tpu.dma_semaphore, #tpu.memory_space<semaphore_mem>>) src(%arg10 : memref<128x128xf32, #tpu.memory_space<vmem>>) dst(%dma_wait3A_83 : memref<10240x128xf32, #tpu.memory_space<vmem_shared>>)
            tpu.yield
          }) : () -> ()
          %add3A_56 = arith.constant 2 : i32
          %add3A_57 = arith.addi %mul3A_43, %add3A_56 : i32
          %lt3A = arith.constant 16 : i32
          %lt3A_58 = arith.cmpi slt, %add3A_57, %lt3A : i32
          %convert_element_type3A_59 = arith.extui %lt3A_58 : i1 to i32
          %cond3A_60 = arith.constant 0 : i32
          %cond3A_61 = arith.cmpi ne, %convert_element_type3A_59, %cond3A_60 : i32
          scf.if %cond3A_61 {
            %add3A_72 = arith.constant 2 : i32
            %add3A_73 = arith.addi %mul3A_43, %add3A_72 : i32
            %dma_start3A_74 = arith.constant 0 : i32
            %dma_start3A_75 = tpu.memref_slice %arg8[%add3A_73, %dma_start3A_74] : memref<16x128xi32, #tpu.memory_space<vmem>> -> memref<1x128xi32, #tpu.memory_space<vmem>>
            %dma_start3A_76 = tpu.memref_squeeze %dma_start3A_75 : memref<1x128xi32, #tpu.memory_space<vmem>> -> memref<128xi32, #tpu.memory_space<vmem>>
            %dma_start3A_77 = arith.constant 0 : i32
            %dma_start3A_78 = arith.constant 0 : i32
            %dma_start3A_79 = tpu.memref_slice %arg3[%dma_start3A_77, %dma_start3A_78] : memref<10240x128xf32, #tpu.memory_space<hbm>> -> memref<10240x128xf32, #tpu.memory_space<hbm>>
            tpu.enqueue_indirect_dma source(%dma_start3A_79 : memref<10240x128xf32, #tpu.memory_space<hbm>>) target(%arg10 : memref<128x128xf32, #tpu.memory_space<vmem>>) offsets(%dma_start3A_76 : memref<128xi32, #tpu.memory_space<vmem>>) semaphore(%arg13 : memref<!tpu.dma_semaphore, #tpu.memory_space<semaphore_mem>>)
          } else {
          }
          %add3A_62 = arith.constant 1 : i32
          %add3A_63 = arith.addi %mul3A_43, %add3A_62 : i32
          %dma_wait3A_64 = arith.constant 0 : i32
          %dma_wait3A_65 = tpu.memref_slice %arg8[%add3A_63, %dma_wait3A_64] : memref<16x128xi32, #tpu.memory_space<vmem>> -> memref<1x128xi32, #tpu.memory_space<vmem>>
          %dma_wait3A_66 = tpu.memref_squeeze %dma_wait3A_65 : memref<1x128xi32, #tpu.memory_space<vmem>> -> memref<128xi32, #tpu.memory_space<vmem>>
          %dma_wait3A_67 = arith.constant 0 : i32
          %dma_wait3A_68 = arith.constant 0 : i32
          %dma_wait3A_69 = tpu.memref_slice %arg3[%dma_wait3A_67, %dma_wait3A_68] : memref<10240x128xf32, #tpu.memory_space<hbm>> -> memref<10240x128xf32, #tpu.memory_space<hbm>>
          tpu.wait_indirect_dma semaphore(%arg14 : memref<!tpu.dma_semaphore, #tpu.memory_space<semaphore_mem>>) src(%dma_wait3A_69 : memref<10240x128xf32, #tpu.memory_space<hbm>>) dst(%arg11 : memref<128x128xf32, #tpu.memory_space<vmem>>)
          %add3A_70 = arith.constant 1 : i32
          %add3A_71 = arith.addi %mul3A_43, %add3A_70 : i32
          "tpu.region"() ({
            %run_scoped3A = tpu.sem_alloc : memref<!tpu.dma_semaphore, #tpu.memory_space<semaphore_mem>>
            %dma_start3A_72 = arith.constant 0 : i32
            %dma_start3A_73 = tpu.memref_slice %arg9[%add3A_71, %dma_start3A_72] : memref<16x128xi32, #tpu.memory_space<vmem>> -> memref<1x128xi32, #tpu.memory_space<vmem>>
            %dma_start3A_74 = tpu.memref_squeeze %dma_start3A_73 : memref<1x128xi32, #tpu.memory_space<vmem>> -> memref<128xi32, #tpu.memory_space<vmem>>
            %dma_start3A_75 = arith.constant 0 : i32
            %dma_start3A_76 = arith.constant 0 : i32
            %dma_start3A_77 = tpu.memref_slice %arg12[%dma_start3A_75, %dma_start3A_76] : memref<10240x128xf32, #tpu.memory_space<vmem_shared>> -> memref<10240x128xf32, #tpu.memory_space<vmem_shared>>
            tpu.enqueue_indirect_dma source(%arg11 : memref<128x128xf32, #tpu.memory_space<vmem>>) target(%dma_start3A_77 : memref<10240x128xf32, #tpu.memory_space<vmem_shared>>) offsets(%dma_start3A_74 : memref<128xi32, #tpu.memory_space<vmem>>) semaphore(%run_scoped3A : memref<!tpu.dma_semaphore, #tpu.memory_space<semaphore_mem>>) {add = true}
            %dma_wait3A_78 = arith.constant 0 : i32
            %dma_wait3A_79 = tpu.memref_slice %arg9[%add3A_71, %dma_wait3A_78] : memref<16x128xi32, #tpu.memory_space<vmem>> -> memref<1x128xi32, #tpu.memory_space<vmem>>
            %dma_wait3A_80 = tpu.memref_squeeze %dma_wait3A_79 : memref<1x128xi32, #tpu.memory_space<vmem>> -> memref<128xi32, #tpu.memory_space<vmem>>
            %dma_wait3A_81 = arith.constant 0 : i32
            %dma_wait3A_82 = arith.constant 0 : i32
            %dma_wait3A_83 = tpu.memref_slice %arg12[%dma_wait3A_81, %dma_wait3A_82] : memref<10240x128xf32, #tpu.memory_space<vmem_shared>> -> memref<10240x128xf32, #tpu.memory_space<vmem_shared>>
            tpu.wait_indirect_dma semaphore(%run_scoped3A : memref<!tpu.dma_semaphore, #tpu.memory_space<semaphore_mem>>) src(%arg11 : memref<128x128xf32, #tpu.memory_space<vmem>>) dst(%dma_wait3A_83 : memref<10240x128xf32, #tpu.memory_space<vmem_shared>>)
            tpu.yield
          }) : () -> ()
        }
        %scan3A_40 = arith.constant 8 : i32
      }
      %scan3A_23 = arith.constant 5 : i32
    } else {
    }
    %barrier3A_8 = arith.constant 0 : index
    tpu.barrier barrier_id(%barrier3A_8)
    %eq3A_9 = arith.constant 0 : i32
    %eq3A_10 = arith.cmpi eq, %arg0, %eq3A_9 : i32
    %convert_element_type3A_11 = arith.extui %eq3A_10 : i1 to i32
    %cond3A_12 = arith.constant 0 : i32
    %cond3A_13 = arith.cmpi ne, %convert_element_type3A_11, %cond3A_12 : i32
    scf.if %cond3A_13 {
      %run_scoped3A = arith.constant 0 : i32
      "tpu.region"() ({
        %run_scoped3A_19 = tpu.sem_alloc : memref<!tpu.dma_semaphore, #tpu.memory_space<semaphore_mem>>
        %dma_start3A = arith.constant 0 : i32
        %dma_start3A_20 = tpu.memref_slice %arg7[%run_scoped3A, %mul3A_0, %dma_start3A] : memref<2x10240x128xf32, #tpu.memory_space<hbm>> -> memref<1x640x128xf32, #tpu.memory_space<hbm>>
        %dma_start3A_21 = tpu.memref_squeeze %dma_start3A_20 : memref<1x640x128xf32, #tpu.memory_space<hbm>> -> memref<640x128xf32, #tpu.memory_space<hbm>>
        %dma_start3A_22 = arith.constant 0 : i32
        %dma_start3A_23 = tpu.memref_slice %arg12[%mul3A_0, %dma_start3A_22] : memref<10240x128xf32, #tpu.memory_space<vmem_shared>> -> memref<640x128xf32, #tpu.memory_space<vmem_shared>>
        tpu.enqueue_dma source(%dma_start3A_23 : memref<640x128xf32, #tpu.memory_space<vmem_shared>>) target(%dma_start3A_21 : memref<640x128xf32, #tpu.memory_space<hbm>>) target_semaphore(%run_scoped3A_19 : memref<!tpu.dma_semaphore, #tpu.memory_space<semaphore_mem>>)
        %dma_wait3A = arith.constant 0 : i32
        %dma_wait3A_24 = tpu.memref_slice %arg7[%run_scoped3A, %mul3A_0, %dma_wait3A] : memref<2x10240x128xf32, #tpu.memory_space<hbm>> -> memref<1x640x128xf32, #tpu.memory_space<hbm>>
        %dma_wait3A_25 = tpu.memref_squeeze %dma_wait3A_24 : memref<1x640x128xf32, #tpu.memory_space<hbm>> -> memref<640x128xf32, #tpu.memory_space<hbm>>
        %dma_wait3A_26 = arith.constant 0 : i32
        %dma_wait3A_27 = tpu.memref_slice %arg12[%mul3A_0, %dma_wait3A_26] : memref<10240x128xf32, #tpu.memory_space<vmem_shared>> -> memref<640x128xf32, #tpu.memory_space<vmem_shared>>
        tpu.wait_dma2 semaphore(%run_scoped3A_19 : memref<!tpu.dma_semaphore, #tpu.memory_space<semaphore_mem>>) src(%dma_wait3A_27 : memref<640x128xf32, #tpu.memory_space<vmem_shared>>) dst(%dma_wait3A_25 : memref<640x128xf32, #tpu.memory_space<hbm>>)
        tpu.yield
      }) : () -> ()
    } else {
    }
    %eq3A_14 = arith.constant 1 : i32
    %eq3A_15 = arith.cmpi eq, %arg0, %eq3A_14 : i32
    %convert_element_type3A_16 = arith.extui %eq3A_15 : i1 to i32
    %cond3A_17 = arith.constant 0 : i32
    %cond3A_18 = arith.cmpi ne, %convert_element_type3A_16, %cond3A_17 : i32
    scf.if %cond3A_18 {
      %run_scoped3A = arith.constant 1 : i32
      "tpu.region"() ({
        %run_scoped3A_19 = tpu.sem_alloc : memref<!tpu.dma_semaphore, #tpu.memory_space<semaphore_mem>>
        %dma_start3A = arith.constant 0 : i32
        %dma_start3A_20 = tpu.memref_slice %arg7[%run_scoped3A, %mul3A_0, %dma_start3A] : memref<2x10240x128xf32, #tpu.memory_space<hbm>> -> memref<1x640x128xf32, #tpu.memory_space<hbm>>
        %dma_start3A_21 = tpu.memref_squeeze %dma_start3A_20 : memref<1x640x128xf32, #tpu.memory_space<hbm>> -> memref<640x128xf32, #tpu.memory_space<hbm>>
        %dma_start3A_22 = arith.constant 0 : i32
        %dma_start3A_23 = tpu.memref_slice %arg12[%mul3A_0, %dma_start3A_22] : memref<10240x128xf32, #tpu.memory_space<vmem_shared>> -> memref<640x128xf32, #tpu.memory_space<vmem_shared>>
        tpu.enqueue_dma source(%dma_start3A_23 : memref<640x128xf32, #tpu.memory_space<vmem_shared>>) target(%dma_start3A_21 : memref<640x128xf32, #tpu.memory_space<hbm>>) target_semaphore(%run_scoped3A_19 : memref<!tpu.dma_semaphore, #tpu.memory_space<semaphore_mem>>)
        %dma_wait3A = arith.constant 0 : i32
        %dma_wait3A_24 = tpu.memref_slice %arg7[%run_scoped3A, %mul3A_0, %dma_wait3A] : memref<2x10240x128xf32, #tpu.memory_space<hbm>> -> memref<1x640x128xf32, #tpu.memory_space<hbm>>
        %dma_wait3A_25 = tpu.memref_squeeze %dma_wait3A_24 : memref<1x640x128xf32, #tpu.memory_space<hbm>> -> memref<640x128xf32, #tpu.memory_space<hbm>>
        %dma_wait3A_26 = arith.constant 0 : i32
        %dma_wait3A_27 = tpu.memref_slice %arg12[%mul3A_0, %dma_wait3A_26] : memref<10240x128xf32, #tpu.memory_space<vmem_shared>> -> memref<640x128xf32, #tpu.memory_space<vmem_shared>>
        tpu.wait_dma2 semaphore(%run_scoped3A_19 : memref<!tpu.dma_semaphore, #tpu.memory_space<semaphore_mem>>) src(%dma_wait3A_27 : memref<640x128xf32, #tpu.memory_space<vmem_shared>>) dst(%dma_wait3A_25 : memref<640x128xf32, #tpu.memory_space<hbm>>)
        tpu.yield
      }) : () -> ()
    } else {
    }
    return
  }
}

#map = affine_map<(d0, d1) -> (0, 0)>
#map1 = affine_map<(d0, d1) -> (0, 0, 0)>
module attributes {stable_mosaic.version = 14 : i64} {
  func.func @body(%arg0: i32, %arg1: i32, %arg2: memref<10240x128xf32, #tpu.memory_space<hbm>>, %arg3: memref<10240x128xf32, #tpu.memory_space<hbm>>, %arg4: memref<10240x128xf32, #tpu.memory_space<hbm>>, %arg5: memref<10240x128xf32, #tpu.memory_space<hbm>>, %arg6: memref<16x80x128xi32, #tpu.memory_space<hbm>>, %arg7: memref<16x80x128xi32, #tpu.memory_space<hbm>>, %arg8: memref<640x128xf32, #tpu.memory_space<hbm>>, %arg9: memref<4x10240x128xf32, #tpu.memory_space<hbm>>, %arg10: memref<16x128xi32, #tpu.memory_space<vmem>>, %arg11: memref<16x128xi32, #tpu.memory_space<vmem>>, %arg12: memref<128x128xf32, #tpu.memory_space<vmem>>, %arg13: memref<128x128xf32, #tpu.memory_space<vmem>>, %arg14: memref<10240x128xf32, #tpu.memory_space<vmem_shared>>, %arg15: memref<!tpu.dma_semaphore, #tpu.memory_space<semaphore_mem>>, %arg16: memref<!tpu.dma_semaphore, #tpu.memory_space<semaphore_mem>>) attributes {dimension_semantics = [#tpu.dimension_semantics<core_parallel>, #tpu.dimension_semantics<subcore_parallel>], iteration_bounds = array<i64: 2, 16>, scalar_prefetch = 0 : i64, scratch_operands = 7 : i64, tpu.core_type = #tpu.core_type<sc_vector_subcore>, window_params = [{transform_indices = #map}, {transform_indices = #map}, {transform_indices = #map}, {transform_indices = #map}, {transform_indices = #map1}, {transform_indices = #map1}, {transform_indices = #map}, {transform_indices = #map1}]} {
    %mul3A = arith.constant 640 : i32
    %mul3A_0 = arith.muli %arg1, %mul3A : i32
    "tpu.region"() ({
      %run_scoped3A = tpu.sem_alloc : memref<!tpu.dma_semaphore, #tpu.memory_space<semaphore_mem>>
      %dma_start3A = arith.constant 0 : i32
      %dma_start3A_42 = tpu.memref_slice %arg14[%mul3A_0, %dma_start3A] : memref<10240x128xf32, #tpu.memory_space<vmem_shared>> -> memref<640x128xf32, #tpu.memory_space<vmem_shared>>
      tpu.enqueue_dma source(%arg8 : memref<640x128xf32, #tpu.memory_space<hbm>>) target(%dma_start3A_42 : memref<640x128xf32, #tpu.memory_space<vmem_shared>>) target_semaphore(%run_scoped3A : memref<!tpu.dma_semaphore, #tpu.memory_space<semaphore_mem>>)
      %dma_wait3A = arith.constant 0 : i32
      %dma_wait3A_43 = tpu.memref_slice %arg14[%mul3A_0, %dma_wait3A] : memref<10240x128xf32, #tpu.memory_space<vmem_shared>> -> memref<640x128xf32, #tpu.memory_space<vmem_shared>>
      tpu.wait_dma2 semaphore(%run_scoped3A : memref<!tpu.dma_semaphore, #tpu.memory_space<semaphore_mem>>) src(%arg8 : memref<640x128xf32, #tpu.memory_space<hbm>>) dst(%dma_wait3A_43 : memref<640x128xf32, #tpu.memory_space<vmem_shared>>)
      tpu.yield
    }) : () -> ()
    %barrier3A = arith.constant 0 : index
    tpu.barrier barrier_id(%barrier3A)
    %eq3A = arith.constant 0 : i32
    %eq3A_1 = arith.cmpi eq, %arg0, %eq3A : i32
    %convert_element_type3A = arith.extui %eq3A_1 : i1 to i32
    %cond3A = arith.constant 0 : i32
    %cond3A_2 = arith.cmpi ne, %convert_element_type3A, %cond3A : i32
    scf.if %cond3A_2 {
      %scan3A = arith.constant 0 : i32
      %scan3A_42 = arith.constant 0 : i32
      %scan3A_43 = arith.constant 5 : i32
      %scan3A_44 = arith.addi %scan3A_42, %scan3A_43 : i32
      %scan3A_45 = arith.constant 1 : i32
      scf.for %scan3A_47 = %scan3A_42 to %scan3A_44 step %scan3A_45  : i32 {
        %mul3A_48 = arith.constant 16 : i32
        %mul3A_49 = arith.muli %scan3A_47, %mul3A_48 : i32
        "tpu.region"() ({
          %run_scoped3A = tpu.sem_alloc : memref<!tpu.dma_semaphore, #tpu.memory_space<semaphore_mem>>
          %dma_start3A_64 = arith.constant 0 : i32
          %dma_start3A_65 = tpu.memref_slice %arg6[%arg1, %mul3A_49, %dma_start3A_64] : memref<16x80x128xi32, #tpu.memory_space<hbm>> -> memref<1x16x128xi32, #tpu.memory_space<hbm>>
          %dma_start3A_66 = tpu.memref_squeeze %dma_start3A_65 : memref<1x16x128xi32, #tpu.memory_space<hbm>> -> memref<16x128xi32, #tpu.memory_space<hbm>>
          %dma_start3A_67 = arith.constant 0 : i32
          %dma_start3A_68 = tpu.memref_slice %arg6[%arg1, %mul3A_49, %dma_start3A_67] : memref<16x80x128xi32, #tpu.memory_space<hbm>> -> memref<1x16x128xi32, #tpu.memory_space<hbm>>
          %dma_start3A_69 = tpu.memref_squeeze %dma_start3A_68 : memref<1x16x128xi32, #tpu.memory_space<hbm>> -> memref<16x128xi32, #tpu.memory_space<hbm>>
          tpu.enqueue_dma source(%dma_start3A_69 : memref<16x128xi32, #tpu.memory_space<hbm>>) target(%arg10 : memref<16x128xi32, #tpu.memory_space<vmem>>) target_semaphore(%run_scoped3A : memref<!tpu.dma_semaphore, #tpu.memory_space<semaphore_mem>>)
          %dma_wait3A = arith.constant 0 : i32
          %dma_wait3A_70 = tpu.memref_slice %arg6[%arg1, %mul3A_49, %dma_wait3A] : memref<16x80x128xi32, #tpu.memory_space<hbm>> -> memref<1x16x128xi32, #tpu.memory_space<hbm>>
          %dma_wait3A_71 = tpu.memref_squeeze %dma_wait3A_70 : memref<1x16x128xi32, #tpu.memory_space<hbm>> -> memref<16x128xi32, #tpu.memory_space<hbm>>
          %dma_wait3A_72 = arith.constant 0 : i32
          %dma_wait3A_73 = tpu.memref_slice %arg6[%arg1, %mul3A_49, %dma_wait3A_72] : memref<16x80x128xi32, #tpu.memory_space<hbm>> -> memref<1x16x128xi32, #tpu.memory_space<hbm>>
          %dma_wait3A_74 = tpu.memref_squeeze %dma_wait3A_73 : memref<1x16x128xi32, #tpu.memory_space<hbm>> -> memref<16x128xi32, #tpu.memory_space<hbm>>
          tpu.wait_dma2 semaphore(%run_scoped3A : memref<!tpu.dma_semaphore, #tpu.memory_space<semaphore_mem>>) src(%dma_wait3A_74 : memref<16x128xi32, #tpu.memory_space<hbm>>) dst(%arg10 : memref<16x128xi32, #tpu.memory_space<vmem>>)
          tpu.yield
        }) : () -> ()
        %mul3A_50 = arith.constant 16 : i32
        %mul3A_51 = arith.muli %scan3A_47, %mul3A_50 : i32
        "tpu.region"() ({
          %run_scoped3A = tpu.sem_alloc : memref<!tpu.dma_semaphore, #tpu.memory_space<semaphore_mem>>
          %dma_start3A_64 = arith.constant 0 : i32
          %dma_start3A_65 = tpu.memref_slice %arg7[%arg1, %mul3A_51, %dma_start3A_64] : memref<16x80x128xi32, #tpu.memory_space<hbm>> -> memref<1x16x128xi32, #tpu.memory_space<hbm>>
          %dma_start3A_66 = tpu.memref_squeeze %dma_start3A_65 : memref<1x16x128xi32, #tpu.memory_space<hbm>> -> memref<16x128xi32, #tpu.memory_space<hbm>>
          %dma_start3A_67 = arith.constant 0 : i32
          %dma_start3A_68 = tpu.memref_slice %arg7[%arg1, %mul3A_51, %dma_start3A_67] : memref<16x80x128xi32, #tpu.memory_space<hbm>> -> memref<1x16x128xi32, #tpu.memory_space<hbm>>
          %dma_start3A_69 = tpu.memref_squeeze %dma_start3A_68 : memref<1x16x128xi32, #tpu.memory_space<hbm>> -> memref<16x128xi32, #tpu.memory_space<hbm>>
          tpu.enqueue_dma source(%dma_start3A_69 : memref<16x128xi32, #tpu.memory_space<hbm>>) target(%arg11 : memref<16x128xi32, #tpu.memory_space<vmem>>) target_semaphore(%run_scoped3A : memref<!tpu.dma_semaphore, #tpu.memory_space<semaphore_mem>>)
          %dma_wait3A = arith.constant 0 : i32
          %dma_wait3A_70 = tpu.memref_slice %arg7[%arg1, %mul3A_51, %dma_wait3A] : memref<16x80x128xi32, #tpu.memory_space<hbm>> -> memref<1x16x128xi32, #tpu.memory_space<hbm>>
          %dma_wait3A_71 = tpu.memref_squeeze %dma_wait3A_70 : memref<1x16x128xi32, #tpu.memory_space<hbm>> -> memref<16x128xi32, #tpu.memory_space<hbm>>
          %dma_wait3A_72 = arith.constant 0 : i32
          %dma_wait3A_73 = tpu.memref_slice %arg7[%arg1, %mul3A_51, %dma_wait3A_72] : memref<16x80x128xi32, #tpu.memory_space<hbm>> -> memref<1x16x128xi32, #tpu.memory_space<hbm>>
          %dma_wait3A_74 = tpu.memref_squeeze %dma_wait3A_73 : memref<1x16x128xi32, #tpu.memory_space<hbm>> -> memref<16x128xi32, #tpu.memory_space<hbm>>
          tpu.wait_dma2 semaphore(%run_scoped3A : memref<!tpu.dma_semaphore, #tpu.memory_space<semaphore_mem>>) src(%dma_wait3A_74 : memref<16x128xi32, #tpu.memory_space<hbm>>) dst(%arg11 : memref<16x128xi32, #tpu.memory_space<vmem>>)
          tpu.yield
        }) : () -> ()
        %dma_start3A = arith.constant 0 : i32
        %dma_start3A_52 = arith.constant 0 : i32
        %dma_start3A_53 = tpu.memref_slice %arg10[%dma_start3A, %dma_start3A_52] : memref<16x128xi32, #tpu.memory_space<vmem>> -> memref<1x128xi32, #tpu.memory_space<vmem>>
        %dma_start3A_54 = tpu.memref_squeeze %dma_start3A_53 : memref<1x128xi32, #tpu.memory_space<vmem>> -> memref<128xi32, #tpu.memory_space<vmem>>
        %dma_start3A_55 = arith.constant 0 : i32
        %dma_start3A_56 = arith.constant 0 : i32
        %dma_start3A_57 = tpu.memref_slice %arg2[%dma_start3A_55, %dma_start3A_56] : memref<10240x128xf32, #tpu.memory_space<hbm>> -> memref<10240x128xf32, #tpu.memory_space<hbm>>
        tpu.enqueue_indirect_dma source(%dma_start3A_57 : memref<10240x128xf32, #tpu.memory_space<hbm>>) target(%arg12 : memref<128x128xf32, #tpu.memory_space<vmem>>) offsets(%dma_start3A_54 : memref<128xi32, #tpu.memory_space<vmem>>) semaphore(%arg15 : memref<!tpu.dma_semaphore, #tpu.memory_space<semaphore_mem>>)
        %scan3A_58 = arith.constant 0 : i32
        %scan3A_59 = arith.constant 0 : i32
        %scan3A_60 = arith.constant 8 : i32
        %scan3A_61 = arith.addi %scan3A_59, %scan3A_60 : i32
        %scan3A_62 = arith.constant 1 : i32
        scf.for %scan3A_64 = %scan3A_59 to %scan3A_61 step %scan3A_62  : i32 {
          %mul3A_65 = arith.constant 2 : i32
          %mul3A_66 = arith.muli %mul3A_65, %scan3A_64 : i32
          %add3A = arith.constant 1 : i32
          %add3A_67 = arith.addi %mul3A_66, %add3A : i32
          %dma_start3A_68 = arith.constant 0 : i32
          %dma_start3A_69 = tpu.memref_slice %arg10[%add3A_67, %dma_start3A_68] : memref<16x128xi32, #tpu.memory_space<vmem>> -> memref<1x128xi32, #tpu.memory_space<vmem>>
          %dma_start3A_70 = tpu.memref_squeeze %dma_start3A_69 : memref<1x128xi32, #tpu.memory_space<vmem>> -> memref<128xi32, #tpu.memory_space<vmem>>
          %dma_start3A_71 = arith.constant 0 : i32
          %dma_start3A_72 = arith.constant 0 : i32
          %dma_start3A_73 = tpu.memref_slice %arg2[%dma_start3A_71, %dma_start3A_72] : memref<10240x128xf32, #tpu.memory_space<hbm>> -> memref<10240x128xf32, #tpu.memory_space<hbm>>
          tpu.enqueue_indirect_dma source(%dma_start3A_73 : memref<10240x128xf32, #tpu.memory_space<hbm>>) target(%arg13 : memref<128x128xf32, #tpu.memory_space<vmem>>) offsets(%dma_start3A_70 : memref<128xi32, #tpu.memory_space<vmem>>) semaphore(%arg16 : memref<!tpu.dma_semaphore, #tpu.memory_space<semaphore_mem>>)
          %dma_wait3A = arith.constant 0 : i32
          %dma_wait3A_74 = tpu.memref_slice %arg10[%mul3A_66, %dma_wait3A] : memref<16x128xi32, #tpu.memory_space<vmem>> -> memref<1x128xi32, #tpu.memory_space<vmem>>
          %dma_wait3A_75 = tpu.memref_squeeze %dma_wait3A_74 : memref<1x128xi32, #tpu.memory_space<vmem>> -> memref<128xi32, #tpu.memory_space<vmem>>
          %dma_wait3A_76 = arith.constant 0 : i32
          %dma_wait3A_77 = arith.constant 0 : i32
          %dma_wait3A_78 = tpu.memref_slice %arg2[%dma_wait3A_76, %dma_wait3A_77] : memref<10240x128xf32, #tpu.memory_space<hbm>> -> memref<10240x128xf32, #tpu.memory_space<hbm>>
          tpu.wait_indirect_dma semaphore(%arg15 : memref<!tpu.dma_semaphore, #tpu.memory_space<semaphore_mem>>) src(%dma_wait3A_78 : memref<10240x128xf32, #tpu.memory_space<hbm>>) dst(%arg12 : memref<128x128xf32, #tpu.memory_space<vmem>>)
          "tpu.region"() ({
            %run_scoped3A = tpu.sem_alloc : memref<!tpu.dma_semaphore, #tpu.memory_space<semaphore_mem>>
            %dma_start3A_95 = arith.constant 0 : i32
            %dma_start3A_96 = tpu.memref_slice %arg11[%mul3A_66, %dma_start3A_95] : memref<16x128xi32, #tpu.memory_space<vmem>> -> memref<1x128xi32, #tpu.memory_space<vmem>>
            %dma_start3A_97 = tpu.memref_squeeze %dma_start3A_96 : memref<1x128xi32, #tpu.memory_space<vmem>> -> memref<128xi32, #tpu.memory_space<vmem>>
            %dma_start3A_98 = arith.constant 0 : i32
            %dma_start3A_99 = arith.constant 0 : i32
            %dma_start3A_100 = tpu.memref_slice %arg14[%dma_start3A_98, %dma_start3A_99] : memref<10240x128xf32, #tpu.memory_space<vmem_shared>> -> memref<10240x128xf32, #tpu.memory_space<vmem_shared>>
            tpu.enqueue_indirect_dma source(%arg12 : memref<128x128xf32, #tpu.memory_space<vmem>>) target(%dma_start3A_100 : memref<10240x128xf32, #tpu.memory_space<vmem_shared>>) offsets(%dma_start3A_97 : memref<128xi32, #tpu.memory_space<vmem>>) semaphore(%run_scoped3A : memref<!tpu.dma_semaphore, #tpu.memory_space<semaphore_mem>>) {add = true}
            %dma_wait3A_101 = arith.constant 0 : i32
            %dma_wait3A_102 = tpu.memref_slice %arg11[%mul3A_66, %dma_wait3A_101] : memref<16x128xi32, #tpu.memory_space<vmem>> -> memref<1x128xi32, #tpu.memory_space<vmem>>
            %dma_wait3A_103 = tpu.memref_squeeze %dma_wait3A_102 : memref<1x128xi32, #tpu.memory_space<vmem>> -> memref<128xi32, #tpu.memory_space<vmem>>
            %dma_wait3A_104 = arith.constant 0 : i32
            %dma_wait3A_105 = arith.constant 0 : i32
            %dma_wait3A_106 = tpu.memref_slice %arg14[%dma_wait3A_104, %dma_wait3A_105] : memref<10240x128xf32, #tpu.memory_space<vmem_shared>> -> memref<10240x128xf32, #tpu.memory_space<vmem_shared>>
            tpu.wait_indirect_dma semaphore(%run_scoped3A : memref<!tpu.dma_semaphore, #tpu.memory_space<semaphore_mem>>) src(%arg12 : memref<128x128xf32, #tpu.memory_space<vmem>>) dst(%dma_wait3A_106 : memref<10240x128xf32, #tpu.memory_space<vmem_shared>>)
            tpu.yield
          }) : () -> ()
          %add3A_79 = arith.constant 2 : i32
          %add3A_80 = arith.addi %mul3A_66, %add3A_79 : i32
          %lt3A = arith.constant 16 : i32
          %lt3A_81 = arith.cmpi slt, %add3A_80, %lt3A : i32
          %convert_element_type3A_82 = arith.extui %lt3A_81 : i1 to i32
          %cond3A_83 = arith.constant 0 : i32
          %cond3A_84 = arith.cmpi ne, %convert_element_type3A_82, %cond3A_83 : i32
          scf.if %cond3A_84 {
            %add3A_95 = arith.constant 2 : i32
            %add3A_96 = arith.addi %mul3A_66, %add3A_95 : i32
            %dma_start3A_97 = arith.constant 0 : i32
            %dma_start3A_98 = tpu.memref_slice %arg10[%add3A_96, %dma_start3A_97] : memref<16x128xi32, #tpu.memory_space<vmem>> -> memref<1x128xi32, #tpu.memory_space<vmem>>
            %dma_start3A_99 = tpu.memref_squeeze %dma_start3A_98 : memref<1x128xi32, #tpu.memory_space<vmem>> -> memref<128xi32, #tpu.memory_space<vmem>>
            %dma_start3A_100 = arith.constant 0 : i32
            %dma_start3A_101 = arith.constant 0 : i32
            %dma_start3A_102 = tpu.memref_slice %arg2[%dma_start3A_100, %dma_start3A_101] : memref<10240x128xf32, #tpu.memory_space<hbm>> -> memref<10240x128xf32, #tpu.memory_space<hbm>>
            tpu.enqueue_indirect_dma source(%dma_start3A_102 : memref<10240x128xf32, #tpu.memory_space<hbm>>) target(%arg12 : memref<128x128xf32, #tpu.memory_space<vmem>>) offsets(%dma_start3A_99 : memref<128xi32, #tpu.memory_space<vmem>>) semaphore(%arg15 : memref<!tpu.dma_semaphore, #tpu.memory_space<semaphore_mem>>)
          } else {
          }
          %add3A_85 = arith.constant 1 : i32
          %add3A_86 = arith.addi %mul3A_66, %add3A_85 : i32
          %dma_wait3A_87 = arith.constant 0 : i32
          %dma_wait3A_88 = tpu.memref_slice %arg10[%add3A_86, %dma_wait3A_87] : memref<16x128xi32, #tpu.memory_space<vmem>> -> memref<1x128xi32, #tpu.memory_space<vmem>>
          %dma_wait3A_89 = tpu.memref_squeeze %dma_wait3A_88 : memref<1x128xi32, #tpu.memory_space<vmem>> -> memref<128xi32, #tpu.memory_space<vmem>>
          %dma_wait3A_90 = arith.constant 0 : i32
          %dma_wait3A_91 = arith.constant 0 : i32
          %dma_wait3A_92 = tpu.memref_slice %arg2[%dma_wait3A_90, %dma_wait3A_91] : memref<10240x128xf32, #tpu.memory_space<hbm>> -> memref<10240x128xf32, #tpu.memory_space<hbm>>
          tpu.wait_indirect_dma semaphore(%arg16 : memref<!tpu.dma_semaphore, #tpu.memory_space<semaphore_mem>>) src(%dma_wait3A_92 : memref<10240x128xf32, #tpu.memory_space<hbm>>) dst(%arg13 : memref<128x128xf32, #tpu.memory_space<vmem>>)
          %add3A_93 = arith.constant 1 : i32
          %add3A_94 = arith.addi %mul3A_66, %add3A_93 : i32
          "tpu.region"() ({
            %run_scoped3A = tpu.sem_alloc : memref<!tpu.dma_semaphore, #tpu.memory_space<semaphore_mem>>
            %dma_start3A_95 = arith.constant 0 : i32
            %dma_start3A_96 = tpu.memref_slice %arg11[%add3A_94, %dma_start3A_95] : memref<16x128xi32, #tpu.memory_space<vmem>> -> memref<1x128xi32, #tpu.memory_space<vmem>>
            %dma_start3A_97 = tpu.memref_squeeze %dma_start3A_96 : memref<1x128xi32, #tpu.memory_space<vmem>> -> memref<128xi32, #tpu.memory_space<vmem>>
            %dma_start3A_98 = arith.constant 0 : i32
            %dma_start3A_99 = arith.constant 0 : i32
            %dma_start3A_100 = tpu.memref_slice %arg14[%dma_start3A_98, %dma_start3A_99] : memref<10240x128xf32, #tpu.memory_space<vmem_shared>> -> memref<10240x128xf32, #tpu.memory_space<vmem_shared>>
            tpu.enqueue_indirect_dma source(%arg13 : memref<128x128xf32, #tpu.memory_space<vmem>>) target(%dma_start3A_100 : memref<10240x128xf32, #tpu.memory_space<vmem_shared>>) offsets(%dma_start3A_97 : memref<128xi32, #tpu.memory_space<vmem>>) semaphore(%run_scoped3A : memref<!tpu.dma_semaphore, #tpu.memory_space<semaphore_mem>>) {add = true}
            %dma_wait3A_101 = arith.constant 0 : i32
            %dma_wait3A_102 = tpu.memref_slice %arg11[%add3A_94, %dma_wait3A_101] : memref<16x128xi32, #tpu.memory_space<vmem>> -> memref<1x128xi32, #tpu.memory_space<vmem>>
            %dma_wait3A_103 = tpu.memref_squeeze %dma_wait3A_102 : memref<1x128xi32, #tpu.memory_space<vmem>> -> memref<128xi32, #tpu.memory_space<vmem>>
            %dma_wait3A_104 = arith.constant 0 : i32
            %dma_wait3A_105 = arith.constant 0 : i32
            %dma_wait3A_106 = tpu.memref_slice %arg14[%dma_wait3A_104, %dma_wait3A_105] : memref<10240x128xf32, #tpu.memory_space<vmem_shared>> -> memref<10240x128xf32, #tpu.memory_space<vmem_shared>>
            tpu.wait_indirect_dma semaphore(%run_scoped3A : memref<!tpu.dma_semaphore, #tpu.memory_space<semaphore_mem>>) src(%arg13 : memref<128x128xf32, #tpu.memory_space<vmem>>) dst(%dma_wait3A_106 : memref<10240x128xf32, #tpu.memory_space<vmem_shared>>)
            tpu.yield
          }) : () -> ()
        }
        %scan3A_63 = arith.constant 8 : i32
      }
      %scan3A_46 = arith.constant 5 : i32
    } else {
    }
    %eq3A_3 = arith.constant 1 : i32
    %eq3A_4 = arith.cmpi eq, %arg0, %eq3A_3 : i32
    %convert_element_type3A_5 = arith.extui %eq3A_4 : i1 to i32
    %cond3A_6 = arith.constant 0 : i32
    %cond3A_7 = arith.cmpi ne, %convert_element_type3A_5, %cond3A_6 : i32
    scf.if %cond3A_7 {
      %scan3A = arith.constant 0 : i32
      %scan3A_42 = arith.constant 0 : i32
      %scan3A_43 = arith.constant 5 : i32
      %scan3A_44 = arith.addi %scan3A_42, %scan3A_43 : i32
      %scan3A_45 = arith.constant 1 : i32
      scf.for %scan3A_47 = %scan3A_42 to %scan3A_44 step %scan3A_45  : i32 {
        %mul3A_48 = arith.constant 16 : i32
        %mul3A_49 = arith.muli %scan3A_47, %mul3A_48 : i32
        "tpu.region"() ({
          %run_scoped3A = tpu.sem_alloc : memref<!tpu.dma_semaphore, #tpu.memory_space<semaphore_mem>>
          %dma_start3A_64 = arith.constant 0 : i32
          %dma_start3A_65 = tpu.memref_slice %arg6[%arg1, %mul3A_49, %dma_start3A_64] : memref<16x80x128xi32, #tpu.memory_space<hbm>> -> memref<1x16x128xi32, #tpu.memory_space<hbm>>
          %dma_start3A_66 = tpu.memref_squeeze %dma_start3A_65 : memref<1x16x128xi32, #tpu.memory_space<hbm>> -> memref<16x128xi32, #tpu.memory_space<hbm>>
          %dma_start3A_67 = arith.constant 0 : i32
          %dma_start3A_68 = tpu.memref_slice %arg6[%arg1, %mul3A_49, %dma_start3A_67] : memref<16x80x128xi32, #tpu.memory_space<hbm>> -> memref<1x16x128xi32, #tpu.memory_space<hbm>>
          %dma_start3A_69 = tpu.memref_squeeze %dma_start3A_68 : memref<1x16x128xi32, #tpu.memory_space<hbm>> -> memref<16x128xi32, #tpu.memory_space<hbm>>
          tpu.enqueue_dma source(%dma_start3A_69 : memref<16x128xi32, #tpu.memory_space<hbm>>) target(%arg10 : memref<16x128xi32, #tpu.memory_space<vmem>>) target_semaphore(%run_scoped3A : memref<!tpu.dma_semaphore, #tpu.memory_space<semaphore_mem>>)
          %dma_wait3A = arith.constant 0 : i32
          %dma_wait3A_70 = tpu.memref_slice %arg6[%arg1, %mul3A_49, %dma_wait3A] : memref<16x80x128xi32, #tpu.memory_space<hbm>> -> memref<1x16x128xi32, #tpu.memory_space<hbm>>
          %dma_wait3A_71 = tpu.memref_squeeze %dma_wait3A_70 : memref<1x16x128xi32, #tpu.memory_space<hbm>> -> memref<16x128xi32, #tpu.memory_space<hbm>>
          %dma_wait3A_72 = arith.constant 0 : i32
          %dma_wait3A_73 = tpu.memref_slice %arg6[%arg1, %mul3A_49, %dma_wait3A_72] : memref<16x80x128xi32, #tpu.memory_space<hbm>> -> memref<1x16x128xi32, #tpu.memory_space<hbm>>
          %dma_wait3A_74 = tpu.memref_squeeze %dma_wait3A_73 : memref<1x16x128xi32, #tpu.memory_space<hbm>> -> memref<16x128xi32, #tpu.memory_space<hbm>>
          tpu.wait_dma2 semaphore(%run_scoped3A : memref<!tpu.dma_semaphore, #tpu.memory_space<semaphore_mem>>) src(%dma_wait3A_74 : memref<16x128xi32, #tpu.memory_space<hbm>>) dst(%arg10 : memref<16x128xi32, #tpu.memory_space<vmem>>)
          tpu.yield
        }) : () -> ()
        %mul3A_50 = arith.constant 16 : i32
        %mul3A_51 = arith.muli %scan3A_47, %mul3A_50 : i32
        "tpu.region"() ({
          %run_scoped3A = tpu.sem_alloc : memref<!tpu.dma_semaphore, #tpu.memory_space<semaphore_mem>>
          %dma_start3A_64 = arith.constant 0 : i32
          %dma_start3A_65 = tpu.memref_slice %arg7[%arg1, %mul3A_51, %dma_start3A_64] : memref<16x80x128xi32, #tpu.memory_space<hbm>> -> memref<1x16x128xi32, #tpu.memory_space<hbm>>
          %dma_start3A_66 = tpu.memref_squeeze %dma_start3A_65 : memref<1x16x128xi32, #tpu.memory_space<hbm>> -> memref<16x128xi32, #tpu.memory_space<hbm>>
          %dma_start3A_67 = arith.constant 0 : i32
          %dma_start3A_68 = tpu.memref_slice %arg7[%arg1, %mul3A_51, %dma_start3A_67] : memref<16x80x128xi32, #tpu.memory_space<hbm>> -> memref<1x16x128xi32, #tpu.memory_space<hbm>>
          %dma_start3A_69 = tpu.memref_squeeze %dma_start3A_68 : memref<1x16x128xi32, #tpu.memory_space<hbm>> -> memref<16x128xi32, #tpu.memory_space<hbm>>
          tpu.enqueue_dma source(%dma_start3A_69 : memref<16x128xi32, #tpu.memory_space<hbm>>) target(%arg11 : memref<16x128xi32, #tpu.memory_space<vmem>>) target_semaphore(%run_scoped3A : memref<!tpu.dma_semaphore, #tpu.memory_space<semaphore_mem>>)
          %dma_wait3A = arith.constant 0 : i32
          %dma_wait3A_70 = tpu.memref_slice %arg7[%arg1, %mul3A_51, %dma_wait3A] : memref<16x80x128xi32, #tpu.memory_space<hbm>> -> memref<1x16x128xi32, #tpu.memory_space<hbm>>
          %dma_wait3A_71 = tpu.memref_squeeze %dma_wait3A_70 : memref<1x16x128xi32, #tpu.memory_space<hbm>> -> memref<16x128xi32, #tpu.memory_space<hbm>>
          %dma_wait3A_72 = arith.constant 0 : i32
          %dma_wait3A_73 = tpu.memref_slice %arg7[%arg1, %mul3A_51, %dma_wait3A_72] : memref<16x80x128xi32, #tpu.memory_space<hbm>> -> memref<1x16x128xi32, #tpu.memory_space<hbm>>
          %dma_wait3A_74 = tpu.memref_squeeze %dma_wait3A_73 : memref<1x16x128xi32, #tpu.memory_space<hbm>> -> memref<16x128xi32, #tpu.memory_space<hbm>>
          tpu.wait_dma2 semaphore(%run_scoped3A : memref<!tpu.dma_semaphore, #tpu.memory_space<semaphore_mem>>) src(%dma_wait3A_74 : memref<16x128xi32, #tpu.memory_space<hbm>>) dst(%arg11 : memref<16x128xi32, #tpu.memory_space<vmem>>)
          tpu.yield
        }) : () -> ()
        %dma_start3A = arith.constant 0 : i32
        %dma_start3A_52 = arith.constant 0 : i32
        %dma_start3A_53 = tpu.memref_slice %arg10[%dma_start3A, %dma_start3A_52] : memref<16x128xi32, #tpu.memory_space<vmem>> -> memref<1x128xi32, #tpu.memory_space<vmem>>
        %dma_start3A_54 = tpu.memref_squeeze %dma_start3A_53 : memref<1x128xi32, #tpu.memory_space<vmem>> -> memref<128xi32, #tpu.memory_space<vmem>>
        %dma_start3A_55 = arith.constant 0 : i32
        %dma_start3A_56 = arith.constant 0 : i32
        %dma_start3A_57 = tpu.memref_slice %arg4[%dma_start3A_55, %dma_start3A_56] : memref<10240x128xf32, #tpu.memory_space<hbm>> -> memref<10240x128xf32, #tpu.memory_space<hbm>>
        tpu.enqueue_indirect_dma source(%dma_start3A_57 : memref<10240x128xf32, #tpu.memory_space<hbm>>) target(%arg12 : memref<128x128xf32, #tpu.memory_space<vmem>>) offsets(%dma_start3A_54 : memref<128xi32, #tpu.memory_space<vmem>>) semaphore(%arg15 : memref<!tpu.dma_semaphore, #tpu.memory_space<semaphore_mem>>)
        %scan3A_58 = arith.constant 0 : i32
        %scan3A_59 = arith.constant 0 : i32
        %scan3A_60 = arith.constant 8 : i32
        %scan3A_61 = arith.addi %scan3A_59, %scan3A_60 : i32
        %scan3A_62 = arith.constant 1 : i32
        scf.for %scan3A_64 = %scan3A_59 to %scan3A_61 step %scan3A_62  : i32 {
          %mul3A_65 = arith.constant 2 : i32
          %mul3A_66 = arith.muli %mul3A_65, %scan3A_64 : i32
          %add3A = arith.constant 1 : i32
          %add3A_67 = arith.addi %mul3A_66, %add3A : i32
          %dma_start3A_68 = arith.constant 0 : i32
          %dma_start3A_69 = tpu.memref_slice %arg10[%add3A_67, %dma_start3A_68] : memref<16x128xi32, #tpu.memory_space<vmem>> -> memref<1x128xi32, #tpu.memory_space<vmem>>
          %dma_start3A_70 = tpu.memref_squeeze %dma_start3A_69 : memref<1x128xi32, #tpu.memory_space<vmem>> -> memref<128xi32, #tpu.memory_space<vmem>>
          %dma_start3A_71 = arith.constant 0 : i32
          %dma_start3A_72 = arith.constant 0 : i32
          %dma_start3A_73 = tpu.memref_slice %arg4[%dma_start3A_71, %dma_start3A_72] : memref<10240x128xf32, #tpu.memory_space<hbm>> -> memref<10240x128xf32, #tpu.memory_space<hbm>>
          tpu.enqueue_indirect_dma source(%dma_start3A_73 : memref<10240x128xf32, #tpu.memory_space<hbm>>) target(%arg13 : memref<128x128xf32, #tpu.memory_space<vmem>>) offsets(%dma_start3A_70 : memref<128xi32, #tpu.memory_space<vmem>>) semaphore(%arg16 : memref<!tpu.dma_semaphore, #tpu.memory_space<semaphore_mem>>)
          %dma_wait3A = arith.constant 0 : i32
          %dma_wait3A_74 = tpu.memref_slice %arg10[%mul3A_66, %dma_wait3A] : memref<16x128xi32, #tpu.memory_space<vmem>> -> memref<1x128xi32, #tpu.memory_space<vmem>>
          %dma_wait3A_75 = tpu.memref_squeeze %dma_wait3A_74 : memref<1x128xi32, #tpu.memory_space<vmem>> -> memref<128xi32, #tpu.memory_space<vmem>>
          %dma_wait3A_76 = arith.constant 0 : i32
          %dma_wait3A_77 = arith.constant 0 : i32
          %dma_wait3A_78 = tpu.memref_slice %arg4[%dma_wait3A_76, %dma_wait3A_77] : memref<10240x128xf32, #tpu.memory_space<hbm>> -> memref<10240x128xf32, #tpu.memory_space<hbm>>
          tpu.wait_indirect_dma semaphore(%arg15 : memref<!tpu.dma_semaphore, #tpu.memory_space<semaphore_mem>>) src(%dma_wait3A_78 : memref<10240x128xf32, #tpu.memory_space<hbm>>) dst(%arg12 : memref<128x128xf32, #tpu.memory_space<vmem>>)
          "tpu.region"() ({
            %run_scoped3A = tpu.sem_alloc : memref<!tpu.dma_semaphore, #tpu.memory_space<semaphore_mem>>
            %dma_start3A_95 = arith.constant 0 : i32
            %dma_start3A_96 = tpu.memref_slice %arg11[%mul3A_66, %dma_start3A_95] : memref<16x128xi32, #tpu.memory_space<vmem>> -> memref<1x128xi32, #tpu.memory_space<vmem>>
            %dma_start3A_97 = tpu.memref_squeeze %dma_start3A_96 : memref<1x128xi32, #tpu.memory_space<vmem>> -> memref<128xi32, #tpu.memory_space<vmem>>
            %dma_start3A_98 = arith.constant 0 : i32
            %dma_start3A_99 = arith.constant 0 : i32
            %dma_start3A_100 = tpu.memref_slice %arg14[%dma_start3A_98, %dma_start3A_99] : memref<10240x128xf32, #tpu.memory_space<vmem_shared>> -> memref<10240x128xf32, #tpu.memory_space<vmem_shared>>
            tpu.enqueue_indirect_dma source(%arg12 : memref<128x128xf32, #tpu.memory_space<vmem>>) target(%dma_start3A_100 : memref<10240x128xf32, #tpu.memory_space<vmem_shared>>) offsets(%dma_start3A_97 : memref<128xi32, #tpu.memory_space<vmem>>) semaphore(%run_scoped3A : memref<!tpu.dma_semaphore, #tpu.memory_space<semaphore_mem>>) {add = true}
            %dma_wait3A_101 = arith.constant 0 : i32
            %dma_wait3A_102 = tpu.memref_slice %arg11[%mul3A_66, %dma_wait3A_101] : memref<16x128xi32, #tpu.memory_space<vmem>> -> memref<1x128xi32, #tpu.memory_space<vmem>>
            %dma_wait3A_103 = tpu.memref_squeeze %dma_wait3A_102 : memref<1x128xi32, #tpu.memory_space<vmem>> -> memref<128xi32, #tpu.memory_space<vmem>>
            %dma_wait3A_104 = arith.constant 0 : i32
            %dma_wait3A_105 = arith.constant 0 : i32
            %dma_wait3A_106 = tpu.memref_slice %arg14[%dma_wait3A_104, %dma_wait3A_105] : memref<10240x128xf32, #tpu.memory_space<vmem_shared>> -> memref<10240x128xf32, #tpu.memory_space<vmem_shared>>
            tpu.wait_indirect_dma semaphore(%run_scoped3A : memref<!tpu.dma_semaphore, #tpu.memory_space<semaphore_mem>>) src(%arg12 : memref<128x128xf32, #tpu.memory_space<vmem>>) dst(%dma_wait3A_106 : memref<10240x128xf32, #tpu.memory_space<vmem_shared>>)
            tpu.yield
          }) : () -> ()
          %add3A_79 = arith.constant 2 : i32
          %add3A_80 = arith.addi %mul3A_66, %add3A_79 : i32
          %lt3A = arith.constant 16 : i32
          %lt3A_81 = arith.cmpi slt, %add3A_80, %lt3A : i32
          %convert_element_type3A_82 = arith.extui %lt3A_81 : i1 to i32
          %cond3A_83 = arith.constant 0 : i32
          %cond3A_84 = arith.cmpi ne, %convert_element_type3A_82, %cond3A_83 : i32
          scf.if %cond3A_84 {
            %add3A_95 = arith.constant 2 : i32
            %add3A_96 = arith.addi %mul3A_66, %add3A_95 : i32
            %dma_start3A_97 = arith.constant 0 : i32
            %dma_start3A_98 = tpu.memref_slice %arg10[%add3A_96, %dma_start3A_97] : memref<16x128xi32, #tpu.memory_space<vmem>> -> memref<1x128xi32, #tpu.memory_space<vmem>>
            %dma_start3A_99 = tpu.memref_squeeze %dma_start3A_98 : memref<1x128xi32, #tpu.memory_space<vmem>> -> memref<128xi32, #tpu.memory_space<vmem>>
            %dma_start3A_100 = arith.constant 0 : i32
            %dma_start3A_101 = arith.constant 0 : i32
            %dma_start3A_102 = tpu.memref_slice %arg4[%dma_start3A_100, %dma_start3A_101] : memref<10240x128xf32, #tpu.memory_space<hbm>> -> memref<10240x128xf32, #tpu.memory_space<hbm>>
            tpu.enqueue_indirect_dma source(%dma_start3A_102 : memref<10240x128xf32, #tpu.memory_space<hbm>>) target(%arg12 : memref<128x128xf32, #tpu.memory_space<vmem>>) offsets(%dma_start3A_99 : memref<128xi32, #tpu.memory_space<vmem>>) semaphore(%arg15 : memref<!tpu.dma_semaphore, #tpu.memory_space<semaphore_mem>>)
          } else {
          }
          %add3A_85 = arith.constant 1 : i32
          %add3A_86 = arith.addi %mul3A_66, %add3A_85 : i32
          %dma_wait3A_87 = arith.constant 0 : i32
          %dma_wait3A_88 = tpu.memref_slice %arg10[%add3A_86, %dma_wait3A_87] : memref<16x128xi32, #tpu.memory_space<vmem>> -> memref<1x128xi32, #tpu.memory_space<vmem>>
          %dma_wait3A_89 = tpu.memref_squeeze %dma_wait3A_88 : memref<1x128xi32, #tpu.memory_space<vmem>> -> memref<128xi32, #tpu.memory_space<vmem>>
          %dma_wait3A_90 = arith.constant 0 : i32
          %dma_wait3A_91 = arith.constant 0 : i32
          %dma_wait3A_92 = tpu.memref_slice %arg4[%dma_wait3A_90, %dma_wait3A_91] : memref<10240x128xf32, #tpu.memory_space<hbm>> -> memref<10240x128xf32, #tpu.memory_space<hbm>>
          tpu.wait_indirect_dma semaphore(%arg16 : memref<!tpu.dma_semaphore, #tpu.memory_space<semaphore_mem>>) src(%dma_wait3A_92 : memref<10240x128xf32, #tpu.memory_space<hbm>>) dst(%arg13 : memref<128x128xf32, #tpu.memory_space<vmem>>)
          %add3A_93 = arith.constant 1 : i32
          %add3A_94 = arith.addi %mul3A_66, %add3A_93 : i32
          "tpu.region"() ({
            %run_scoped3A = tpu.sem_alloc : memref<!tpu.dma_semaphore, #tpu.memory_space<semaphore_mem>>
            %dma_start3A_95 = arith.constant 0 : i32
            %dma_start3A_96 = tpu.memref_slice %arg11[%add3A_94, %dma_start3A_95] : memref<16x128xi32, #tpu.memory_space<vmem>> -> memref<1x128xi32, #tpu.memory_space<vmem>>
            %dma_start3A_97 = tpu.memref_squeeze %dma_start3A_96 : memref<1x128xi32, #tpu.memory_space<vmem>> -> memref<128xi32, #tpu.memory_space<vmem>>
            %dma_start3A_98 = arith.constant 0 : i32
            %dma_start3A_99 = arith.constant 0 : i32
            %dma_start3A_100 = tpu.memref_slice %arg14[%dma_start3A_98, %dma_start3A_99] : memref<10240x128xf32, #tpu.memory_space<vmem_shared>> -> memref<10240x128xf32, #tpu.memory_space<vmem_shared>>
            tpu.enqueue_indirect_dma source(%arg13 : memref<128x128xf32, #tpu.memory_space<vmem>>) target(%dma_start3A_100 : memref<10240x128xf32, #tpu.memory_space<vmem_shared>>) offsets(%dma_start3A_97 : memref<128xi32, #tpu.memory_space<vmem>>) semaphore(%run_scoped3A : memref<!tpu.dma_semaphore, #tpu.memory_space<semaphore_mem>>) {add = true}
            %dma_wait3A_101 = arith.constant 0 : i32
            %dma_wait3A_102 = tpu.memref_slice %arg11[%add3A_94, %dma_wait3A_101] : memref<16x128xi32, #tpu.memory_space<vmem>> -> memref<1x128xi32, #tpu.memory_space<vmem>>
            %dma_wait3A_103 = tpu.memref_squeeze %dma_wait3A_102 : memref<1x128xi32, #tpu.memory_space<vmem>> -> memref<128xi32, #tpu.memory_space<vmem>>
            %dma_wait3A_104 = arith.constant 0 : i32
            %dma_wait3A_105 = arith.constant 0 : i32
            %dma_wait3A_106 = tpu.memref_slice %arg14[%dma_wait3A_104, %dma_wait3A_105] : memref<10240x128xf32, #tpu.memory_space<vmem_shared>> -> memref<10240x128xf32, #tpu.memory_space<vmem_shared>>
            tpu.wait_indirect_dma semaphore(%run_scoped3A : memref<!tpu.dma_semaphore, #tpu.memory_space<semaphore_mem>>) src(%arg13 : memref<128x128xf32, #tpu.memory_space<vmem>>) dst(%dma_wait3A_106 : memref<10240x128xf32, #tpu.memory_space<vmem_shared>>)
            tpu.yield
          }) : () -> ()
        }
        %scan3A_63 = arith.constant 8 : i32
      }
      %scan3A_46 = arith.constant 5 : i32
    } else {
    }
    %barrier3A_8 = arith.constant 0 : index
    tpu.barrier barrier_id(%barrier3A_8)
    %eq3A_9 = arith.constant 0 : i32
    %eq3A_10 = arith.cmpi eq, %arg0, %eq3A_9 : i32
    %convert_element_type3A_11 = arith.extui %eq3A_10 : i1 to i32
    %cond3A_12 = arith.constant 0 : i32
    %cond3A_13 = arith.cmpi ne, %convert_element_type3A_11, %cond3A_12 : i32
    scf.if %cond3A_13 {
      %run_scoped3A = arith.constant 0 : i32
      "tpu.region"() ({
        %run_scoped3A_42 = tpu.sem_alloc : memref<!tpu.dma_semaphore, #tpu.memory_space<semaphore_mem>>
        %dma_start3A = arith.constant 0 : i32
        %dma_start3A_43 = tpu.memref_slice %arg9[%run_scoped3A, %mul3A_0, %dma_start3A] : memref<4x10240x128xf32, #tpu.memory_space<hbm>> -> memref<1x640x128xf32, #tpu.memory_space<hbm>>
        %dma_start3A_44 = tpu.memref_squeeze %dma_start3A_43 : memref<1x640x128xf32, #tpu.memory_space<hbm>> -> memref<640x128xf32, #tpu.memory_space<hbm>>
        %dma_start3A_45 = arith.constant 0 : i32
        %dma_start3A_46 = tpu.memref_slice %arg14[%mul3A_0, %dma_start3A_45] : memref<10240x128xf32, #tpu.memory_space<vmem_shared>> -> memref<640x128xf32, #tpu.memory_space<vmem_shared>>
        tpu.enqueue_dma source(%dma_start3A_46 : memref<640x128xf32, #tpu.memory_space<vmem_shared>>) target(%dma_start3A_44 : memref<640x128xf32, #tpu.memory_space<hbm>>) target_semaphore(%run_scoped3A_42 : memref<!tpu.dma_semaphore, #tpu.memory_space<semaphore_mem>>)
        %dma_wait3A = arith.constant 0 : i32
        %dma_wait3A_47 = tpu.memref_slice %arg9[%run_scoped3A, %mul3A_0, %dma_wait3A] : memref<4x10240x128xf32, #tpu.memory_space<hbm>> -> memref<1x640x128xf32, #tpu.memory_space<hbm>>
        %dma_wait3A_48 = tpu.memref_squeeze %dma_wait3A_47 : memref<1x640x128xf32, #tpu.memory_space<hbm>> -> memref<640x128xf32, #tpu.memory_space<hbm>>
        %dma_wait3A_49 = arith.constant 0 : i32
        %dma_wait3A_50 = tpu.memref_slice %arg14[%mul3A_0, %dma_wait3A_49] : memref<10240x128xf32, #tpu.memory_space<vmem_shared>> -> memref<640x128xf32, #tpu.memory_space<vmem_shared>>
        tpu.wait_dma2 semaphore(%run_scoped3A_42 : memref<!tpu.dma_semaphore, #tpu.memory_space<semaphore_mem>>) src(%dma_wait3A_50 : memref<640x128xf32, #tpu.memory_space<vmem_shared>>) dst(%dma_wait3A_48 : memref<640x128xf32, #tpu.memory_space<hbm>>)
        tpu.yield
      }) : () -> ()
    } else {
    }
    %eq3A_14 = arith.constant 1 : i32
    %eq3A_15 = arith.cmpi eq, %arg0, %eq3A_14 : i32
    %convert_element_type3A_16 = arith.extui %eq3A_15 : i1 to i32
    %cond3A_17 = arith.constant 0 : i32
    %cond3A_18 = arith.cmpi ne, %convert_element_type3A_16, %cond3A_17 : i32
    scf.if %cond3A_18 {
      %run_scoped3A = arith.constant 2 : i32
      "tpu.region"() ({
        %run_scoped3A_42 = tpu.sem_alloc : memref<!tpu.dma_semaphore, #tpu.memory_space<semaphore_mem>>
        %dma_start3A = arith.constant 0 : i32
        %dma_start3A_43 = tpu.memref_slice %arg9[%run_scoped3A, %mul3A_0, %dma_start3A] : memref<4x10240x128xf32, #tpu.memory_space<hbm>> -> memref<1x640x128xf32, #tpu.memory_space<hbm>>
        %dma_start3A_44 = tpu.memref_squeeze %dma_start3A_43 : memref<1x640x128xf32, #tpu.memory_space<hbm>> -> memref<640x128xf32, #tpu.memory_space<hbm>>
        %dma_start3A_45 = arith.constant 0 : i32
        %dma_start3A_46 = tpu.memref_slice %arg14[%mul3A_0, %dma_start3A_45] : memref<10240x128xf32, #tpu.memory_space<vmem_shared>> -> memref<640x128xf32, #tpu.memory_space<vmem_shared>>
        tpu.enqueue_dma source(%dma_start3A_46 : memref<640x128xf32, #tpu.memory_space<vmem_shared>>) target(%dma_start3A_44 : memref<640x128xf32, #tpu.memory_space<hbm>>) target_semaphore(%run_scoped3A_42 : memref<!tpu.dma_semaphore, #tpu.memory_space<semaphore_mem>>)
        %dma_wait3A = arith.constant 0 : i32
        %dma_wait3A_47 = tpu.memref_slice %arg9[%run_scoped3A, %mul3A_0, %dma_wait3A] : memref<4x10240x128xf32, #tpu.memory_space<hbm>> -> memref<1x640x128xf32, #tpu.memory_space<hbm>>
        %dma_wait3A_48 = tpu.memref_squeeze %dma_wait3A_47 : memref<1x640x128xf32, #tpu.memory_space<hbm>> -> memref<640x128xf32, #tpu.memory_space<hbm>>
        %dma_wait3A_49 = arith.constant 0 : i32
        %dma_wait3A_50 = tpu.memref_slice %arg14[%mul3A_0, %dma_wait3A_49] : memref<10240x128xf32, #tpu.memory_space<vmem_shared>> -> memref<640x128xf32, #tpu.memory_space<vmem_shared>>
        tpu.wait_dma2 semaphore(%run_scoped3A_42 : memref<!tpu.dma_semaphore, #tpu.memory_space<semaphore_mem>>) src(%dma_wait3A_50 : memref<640x128xf32, #tpu.memory_space<vmem_shared>>) dst(%dma_wait3A_48 : memref<640x128xf32, #tpu.memory_space<hbm>>)
        tpu.yield
      }) : () -> ()
    } else {
    }
    %barrier3A_19 = arith.constant 0 : index
    tpu.barrier barrier_id(%barrier3A_19)
    "tpu.region"() ({
      %run_scoped3A = tpu.sem_alloc : memref<!tpu.dma_semaphore, #tpu.memory_space<semaphore_mem>>
      %dma_start3A = arith.constant 0 : i32
      %dma_start3A_42 = tpu.memref_slice %arg14[%mul3A_0, %dma_start3A] : memref<10240x128xf32, #tpu.memory_space<vmem_shared>> -> memref<640x128xf32, #tpu.memory_space<vmem_shared>>
      tpu.enqueue_dma source(%arg8 : memref<640x128xf32, #tpu.memory_space<hbm>>) target(%dma_start3A_42 : memref<640x128xf32, #tpu.memory_space<vmem_shared>>) target_semaphore(%run_scoped3A : memref<!tpu.dma_semaphore, #tpu.memory_space<semaphore_mem>>)
      %dma_wait3A = arith.constant 0 : i32
      %dma_wait3A_43 = tpu.memref_slice %arg14[%mul3A_0, %dma_wait3A] : memref<10240x128xf32, #tpu.memory_space<vmem_shared>> -> memref<640x128xf32, #tpu.memory_space<vmem_shared>>
      tpu.wait_dma2 semaphore(%run_scoped3A : memref<!tpu.dma_semaphore, #tpu.memory_space<semaphore_mem>>) src(%arg8 : memref<640x128xf32, #tpu.memory_space<hbm>>) dst(%dma_wait3A_43 : memref<640x128xf32, #tpu.memory_space<vmem_shared>>)
      tpu.yield
    }) : () -> ()
    %barrier3A_20 = arith.constant 0 : index
    tpu.barrier barrier_id(%barrier3A_20)
    %eq3A_21 = arith.constant 0 : i32
    %eq3A_22 = arith.cmpi eq, %arg0, %eq3A_21 : i32
    %convert_element_type3A_23 = arith.extui %eq3A_22 : i1 to i32
    %cond3A_24 = arith.constant 0 : i32
    %cond3A_25 = arith.cmpi ne, %convert_element_type3A_23, %cond3A_24 : i32
    scf.if %cond3A_25 {
      %scan3A = arith.constant 0 : i32
      %scan3A_42 = arith.constant 0 : i32
      %scan3A_43 = arith.constant 5 : i32
      %scan3A_44 = arith.addi %scan3A_42, %scan3A_43 : i32
      %scan3A_45 = arith.constant 1 : i32
      scf.for %scan3A_47 = %scan3A_42 to %scan3A_44 step %scan3A_45  : i32 {
        %mul3A_48 = arith.constant 16 : i32
        %mul3A_49 = arith.muli %scan3A_47, %mul3A_48 : i32
        "tpu.region"() ({
          %run_scoped3A = tpu.sem_alloc : memref<!tpu.dma_semaphore, #tpu.memory_space<semaphore_mem>>
          %dma_start3A_64 = arith.constant 0 : i32
          %dma_start3A_65 = tpu.memref_slice %arg6[%arg1, %mul3A_49, %dma_start3A_64] : memref<16x80x128xi32, #tpu.memory_space<hbm>> -> memref<1x16x128xi32, #tpu.memory_space<hbm>>
          %dma_start3A_66 = tpu.memref_squeeze %dma_start3A_65 : memref<1x16x128xi32, #tpu.memory_space<hbm>> -> memref<16x128xi32, #tpu.memory_space<hbm>>
          %dma_start3A_67 = arith.constant 0 : i32
          %dma_start3A_68 = tpu.memref_slice %arg6[%arg1, %mul3A_49, %dma_start3A_67] : memref<16x80x128xi32, #tpu.memory_space<hbm>> -> memref<1x16x128xi32, #tpu.memory_space<hbm>>
          %dma_start3A_69 = tpu.memref_squeeze %dma_start3A_68 : memref<1x16x128xi32, #tpu.memory_space<hbm>> -> memref<16x128xi32, #tpu.memory_space<hbm>>
          tpu.enqueue_dma source(%dma_start3A_69 : memref<16x128xi32, #tpu.memory_space<hbm>>) target(%arg10 : memref<16x128xi32, #tpu.memory_space<vmem>>) target_semaphore(%run_scoped3A : memref<!tpu.dma_semaphore, #tpu.memory_space<semaphore_mem>>)
          %dma_wait3A = arith.constant 0 : i32
          %dma_wait3A_70 = tpu.memref_slice %arg6[%arg1, %mul3A_49, %dma_wait3A] : memref<16x80x128xi32, #tpu.memory_space<hbm>> -> memref<1x16x128xi32, #tpu.memory_space<hbm>>
          %dma_wait3A_71 = tpu.memref_squeeze %dma_wait3A_70 : memref<1x16x128xi32, #tpu.memory_space<hbm>> -> memref<16x128xi32, #tpu.memory_space<hbm>>
          %dma_wait3A_72 = arith.constant 0 : i32
          %dma_wait3A_73 = tpu.memref_slice %arg6[%arg1, %mul3A_49, %dma_wait3A_72] : memref<16x80x128xi32, #tpu.memory_space<hbm>> -> memref<1x16x128xi32, #tpu.memory_space<hbm>>
          %dma_wait3A_74 = tpu.memref_squeeze %dma_wait3A_73 : memref<1x16x128xi32, #tpu.memory_space<hbm>> -> memref<16x128xi32, #tpu.memory_space<hbm>>
          tpu.wait_dma2 semaphore(%run_scoped3A : memref<!tpu.dma_semaphore, #tpu.memory_space<semaphore_mem>>) src(%dma_wait3A_74 : memref<16x128xi32, #tpu.memory_space<hbm>>) dst(%arg10 : memref<16x128xi32, #tpu.memory_space<vmem>>)
          tpu.yield
        }) : () -> ()
        %mul3A_50 = arith.constant 16 : i32
        %mul3A_51 = arith.muli %scan3A_47, %mul3A_50 : i32
        "tpu.region"() ({
          %run_scoped3A = tpu.sem_alloc : memref<!tpu.dma_semaphore, #tpu.memory_space<semaphore_mem>>
          %dma_start3A_64 = arith.constant 0 : i32
          %dma_start3A_65 = tpu.memref_slice %arg7[%arg1, %mul3A_51, %dma_start3A_64] : memref<16x80x128xi32, #tpu.memory_space<hbm>> -> memref<1x16x128xi32, #tpu.memory_space<hbm>>
          %dma_start3A_66 = tpu.memref_squeeze %dma_start3A_65 : memref<1x16x128xi32, #tpu.memory_space<hbm>> -> memref<16x128xi32, #tpu.memory_space<hbm>>
          %dma_start3A_67 = arith.constant 0 : i32
          %dma_start3A_68 = tpu.memref_slice %arg7[%arg1, %mul3A_51, %dma_start3A_67] : memref<16x80x128xi32, #tpu.memory_space<hbm>> -> memref<1x16x128xi32, #tpu.memory_space<hbm>>
          %dma_start3A_69 = tpu.memref_squeeze %dma_start3A_68 : memref<1x16x128xi32, #tpu.memory_space<hbm>> -> memref<16x128xi32, #tpu.memory_space<hbm>>
          tpu.enqueue_dma source(%dma_start3A_69 : memref<16x128xi32, #tpu.memory_space<hbm>>) target(%arg11 : memref<16x128xi32, #tpu.memory_space<vmem>>) target_semaphore(%run_scoped3A : memref<!tpu.dma_semaphore, #tpu.memory_space<semaphore_mem>>)
          %dma_wait3A = arith.constant 0 : i32
          %dma_wait3A_70 = tpu.memref_slice %arg7[%arg1, %mul3A_51, %dma_wait3A] : memref<16x80x128xi32, #tpu.memory_space<hbm>> -> memref<1x16x128xi32, #tpu.memory_space<hbm>>
          %dma_wait3A_71 = tpu.memref_squeeze %dma_wait3A_70 : memref<1x16x128xi32, #tpu.memory_space<hbm>> -> memref<16x128xi32, #tpu.memory_space<hbm>>
          %dma_wait3A_72 = arith.constant 0 : i32
          %dma_wait3A_73 = tpu.memref_slice %arg7[%arg1, %mul3A_51, %dma_wait3A_72] : memref<16x80x128xi32, #tpu.memory_space<hbm>> -> memref<1x16x128xi32, #tpu.memory_space<hbm>>
          %dma_wait3A_74 = tpu.memref_squeeze %dma_wait3A_73 : memref<1x16x128xi32, #tpu.memory_space<hbm>> -> memref<16x128xi32, #tpu.memory_space<hbm>>
          tpu.wait_dma2 semaphore(%run_scoped3A : memref<!tpu.dma_semaphore, #tpu.memory_space<semaphore_mem>>) src(%dma_wait3A_74 : memref<16x128xi32, #tpu.memory_space<hbm>>) dst(%arg11 : memref<16x128xi32, #tpu.memory_space<vmem>>)
          tpu.yield
        }) : () -> ()
        %dma_start3A = arith.constant 0 : i32
        %dma_start3A_52 = arith.constant 0 : i32
        %dma_start3A_53 = tpu.memref_slice %arg10[%dma_start3A, %dma_start3A_52] : memref<16x128xi32, #tpu.memory_space<vmem>> -> memref<1x128xi32, #tpu.memory_space<vmem>>
        %dma_start3A_54 = tpu.memref_squeeze %dma_start3A_53 : memref<1x128xi32, #tpu.memory_space<vmem>> -> memref<128xi32, #tpu.memory_space<vmem>>
        %dma_start3A_55 = arith.constant 0 : i32
        %dma_start3A_56 = arith.constant 0 : i32
        %dma_start3A_57 = tpu.memref_slice %arg3[%dma_start3A_55, %dma_start3A_56] : memref<10240x128xf32, #tpu.memory_space<hbm>> -> memref<10240x128xf32, #tpu.memory_space<hbm>>
        tpu.enqueue_indirect_dma source(%dma_start3A_57 : memref<10240x128xf32, #tpu.memory_space<hbm>>) target(%arg12 : memref<128x128xf32, #tpu.memory_space<vmem>>) offsets(%dma_start3A_54 : memref<128xi32, #tpu.memory_space<vmem>>) semaphore(%arg15 : memref<!tpu.dma_semaphore, #tpu.memory_space<semaphore_mem>>)
        %scan3A_58 = arith.constant 0 : i32
        %scan3A_59 = arith.constant 0 : i32
        %scan3A_60 = arith.constant 8 : i32
        %scan3A_61 = arith.addi %scan3A_59, %scan3A_60 : i32
        %scan3A_62 = arith.constant 1 : i32
        scf.for %scan3A_64 = %scan3A_59 to %scan3A_61 step %scan3A_62  : i32 {
          %mul3A_65 = arith.constant 2 : i32
          %mul3A_66 = arith.muli %mul3A_65, %scan3A_64 : i32
          %add3A = arith.constant 1 : i32
          %add3A_67 = arith.addi %mul3A_66, %add3A : i32
          %dma_start3A_68 = arith.constant 0 : i32
          %dma_start3A_69 = tpu.memref_slice %arg10[%add3A_67, %dma_start3A_68] : memref<16x128xi32, #tpu.memory_space<vmem>> -> memref<1x128xi32, #tpu.memory_space<vmem>>
          %dma_start3A_70 = tpu.memref_squeeze %dma_start3A_69 : memref<1x128xi32, #tpu.memory_space<vmem>> -> memref<128xi32, #tpu.memory_space<vmem>>
          %dma_start3A_71 = arith.constant 0 : i32
          %dma_start3A_72 = arith.constant 0 : i32
          %dma_start3A_73 = tpu.memref_slice %arg3[%dma_start3A_71, %dma_start3A_72] : memref<10240x128xf32, #tpu.memory_space<hbm>> -> memref<10240x128xf32, #tpu.memory_space<hbm>>
          tpu.enqueue_indirect_dma source(%dma_start3A_73 : memref<10240x128xf32, #tpu.memory_space<hbm>>) target(%arg13 : memref<128x128xf32, #tpu.memory_space<vmem>>) offsets(%dma_start3A_70 : memref<128xi32, #tpu.memory_space<vmem>>) semaphore(%arg16 : memref<!tpu.dma_semaphore, #tpu.memory_space<semaphore_mem>>)
          %dma_wait3A = arith.constant 0 : i32
          %dma_wait3A_74 = tpu.memref_slice %arg10[%mul3A_66, %dma_wait3A] : memref<16x128xi32, #tpu.memory_space<vmem>> -> memref<1x128xi32, #tpu.memory_space<vmem>>
          %dma_wait3A_75 = tpu.memref_squeeze %dma_wait3A_74 : memref<1x128xi32, #tpu.memory_space<vmem>> -> memref<128xi32, #tpu.memory_space<vmem>>
          %dma_wait3A_76 = arith.constant 0 : i32
          %dma_wait3A_77 = arith.constant 0 : i32
          %dma_wait3A_78 = tpu.memref_slice %arg3[%dma_wait3A_76, %dma_wait3A_77] : memref<10240x128xf32, #tpu.memory_space<hbm>> -> memref<10240x128xf32, #tpu.memory_space<hbm>>
          tpu.wait_indirect_dma semaphore(%arg15 : memref<!tpu.dma_semaphore, #tpu.memory_space<semaphore_mem>>) src(%dma_wait3A_78 : memref<10240x128xf32, #tpu.memory_space<hbm>>) dst(%arg12 : memref<128x128xf32, #tpu.memory_space<vmem>>)
          "tpu.region"() ({
            %run_scoped3A = tpu.sem_alloc : memref<!tpu.dma_semaphore, #tpu.memory_space<semaphore_mem>>
            %dma_start3A_95 = arith.constant 0 : i32
            %dma_start3A_96 = tpu.memref_slice %arg11[%mul3A_66, %dma_start3A_95] : memref<16x128xi32, #tpu.memory_space<vmem>> -> memref<1x128xi32, #tpu.memory_space<vmem>>
            %dma_start3A_97 = tpu.memref_squeeze %dma_start3A_96 : memref<1x128xi32, #tpu.memory_space<vmem>> -> memref<128xi32, #tpu.memory_space<vmem>>
            %dma_start3A_98 = arith.constant 0 : i32
            %dma_start3A_99 = arith.constant 0 : i32
            %dma_start3A_100 = tpu.memref_slice %arg14[%dma_start3A_98, %dma_start3A_99] : memref<10240x128xf32, #tpu.memory_space<vmem_shared>> -> memref<10240x128xf32, #tpu.memory_space<vmem_shared>>
            tpu.enqueue_indirect_dma source(%arg12 : memref<128x128xf32, #tpu.memory_space<vmem>>) target(%dma_start3A_100 : memref<10240x128xf32, #tpu.memory_space<vmem_shared>>) offsets(%dma_start3A_97 : memref<128xi32, #tpu.memory_space<vmem>>) semaphore(%run_scoped3A : memref<!tpu.dma_semaphore, #tpu.memory_space<semaphore_mem>>) {add = true}
            %dma_wait3A_101 = arith.constant 0 : i32
            %dma_wait3A_102 = tpu.memref_slice %arg11[%mul3A_66, %dma_wait3A_101] : memref<16x128xi32, #tpu.memory_space<vmem>> -> memref<1x128xi32, #tpu.memory_space<vmem>>
            %dma_wait3A_103 = tpu.memref_squeeze %dma_wait3A_102 : memref<1x128xi32, #tpu.memory_space<vmem>> -> memref<128xi32, #tpu.memory_space<vmem>>
            %dma_wait3A_104 = arith.constant 0 : i32
            %dma_wait3A_105 = arith.constant 0 : i32
            %dma_wait3A_106 = tpu.memref_slice %arg14[%dma_wait3A_104, %dma_wait3A_105] : memref<10240x128xf32, #tpu.memory_space<vmem_shared>> -> memref<10240x128xf32, #tpu.memory_space<vmem_shared>>
            tpu.wait_indirect_dma semaphore(%run_scoped3A : memref<!tpu.dma_semaphore, #tpu.memory_space<semaphore_mem>>) src(%arg12 : memref<128x128xf32, #tpu.memory_space<vmem>>) dst(%dma_wait3A_106 : memref<10240x128xf32, #tpu.memory_space<vmem_shared>>)
            tpu.yield
          }) : () -> ()
          %add3A_79 = arith.constant 2 : i32
          %add3A_80 = arith.addi %mul3A_66, %add3A_79 : i32
          %lt3A = arith.constant 16 : i32
          %lt3A_81 = arith.cmpi slt, %add3A_80, %lt3A : i32
          %convert_element_type3A_82 = arith.extui %lt3A_81 : i1 to i32
          %cond3A_83 = arith.constant 0 : i32
          %cond3A_84 = arith.cmpi ne, %convert_element_type3A_82, %cond3A_83 : i32
          scf.if %cond3A_84 {
            %add3A_95 = arith.constant 2 : i32
            %add3A_96 = arith.addi %mul3A_66, %add3A_95 : i32
            %dma_start3A_97 = arith.constant 0 : i32
            %dma_start3A_98 = tpu.memref_slice %arg10[%add3A_96, %dma_start3A_97] : memref<16x128xi32, #tpu.memory_space<vmem>> -> memref<1x128xi32, #tpu.memory_space<vmem>>
            %dma_start3A_99 = tpu.memref_squeeze %dma_start3A_98 : memref<1x128xi32, #tpu.memory_space<vmem>> -> memref<128xi32, #tpu.memory_space<vmem>>
            %dma_start3A_100 = arith.constant 0 : i32
            %dma_start3A_101 = arith.constant 0 : i32
            %dma_start3A_102 = tpu.memref_slice %arg3[%dma_start3A_100, %dma_start3A_101] : memref<10240x128xf32, #tpu.memory_space<hbm>> -> memref<10240x128xf32, #tpu.memory_space<hbm>>
            tpu.enqueue_indirect_dma source(%dma_start3A_102 : memref<10240x128xf32, #tpu.memory_space<hbm>>) target(%arg12 : memref<128x128xf32, #tpu.memory_space<vmem>>) offsets(%dma_start3A_99 : memref<128xi32, #tpu.memory_space<vmem>>) semaphore(%arg15 : memref<!tpu.dma_semaphore, #tpu.memory_space<semaphore_mem>>)
          } else {
          }
          %add3A_85 = arith.constant 1 : i32
          %add3A_86 = arith.addi %mul3A_66, %add3A_85 : i32
          %dma_wait3A_87 = arith.constant 0 : i32
          %dma_wait3A_88 = tpu.memref_slice %arg10[%add3A_86, %dma_wait3A_87] : memref<16x128xi32, #tpu.memory_space<vmem>> -> memref<1x128xi32, #tpu.memory_space<vmem>>
          %dma_wait3A_89 = tpu.memref_squeeze %dma_wait3A_88 : memref<1x128xi32, #tpu.memory_space<vmem>> -> memref<128xi32, #tpu.memory_space<vmem>>
          %dma_wait3A_90 = arith.constant 0 : i32
          %dma_wait3A_91 = arith.constant 0 : i32
          %dma_wait3A_92 = tpu.memref_slice %arg3[%dma_wait3A_90, %dma_wait3A_91] : memref<10240x128xf32, #tpu.memory_space<hbm>> -> memref<10240x128xf32, #tpu.memory_space<hbm>>
          tpu.wait_indirect_dma semaphore(%arg16 : memref<!tpu.dma_semaphore, #tpu.memory_space<semaphore_mem>>) src(%dma_wait3A_92 : memref<10240x128xf32, #tpu.memory_space<hbm>>) dst(%arg13 : memref<128x128xf32, #tpu.memory_space<vmem>>)
          %add3A_93 = arith.constant 1 : i32
          %add3A_94 = arith.addi %mul3A_66, %add3A_93 : i32
          "tpu.region"() ({
            %run_scoped3A = tpu.sem_alloc : memref<!tpu.dma_semaphore, #tpu.memory_space<semaphore_mem>>
            %dma_start3A_95 = arith.constant 0 : i32
            %dma_start3A_96 = tpu.memref_slice %arg11[%add3A_94, %dma_start3A_95] : memref<16x128xi32, #tpu.memory_space<vmem>> -> memref<1x128xi32, #tpu.memory_space<vmem>>
            %dma_start3A_97 = tpu.memref_squeeze %dma_start3A_96 : memref<1x128xi32, #tpu.memory_space<vmem>> -> memref<128xi32, #tpu.memory_space<vmem>>
            %dma_start3A_98 = arith.constant 0 : i32
            %dma_start3A_99 = arith.constant 0 : i32
            %dma_start3A_100 = tpu.memref_slice %arg14[%dma_start3A_98, %dma_start3A_99] : memref<10240x128xf32, #tpu.memory_space<vmem_shared>> -> memref<10240x128xf32, #tpu.memory_space<vmem_shared>>
            tpu.enqueue_indirect_dma source(%arg13 : memref<128x128xf32, #tpu.memory_space<vmem>>) target(%dma_start3A_100 : memref<10240x128xf32, #tpu.memory_space<vmem_shared>>) offsets(%dma_start3A_97 : memref<128xi32, #tpu.memory_space<vmem>>) semaphore(%run_scoped3A : memref<!tpu.dma_semaphore, #tpu.memory_space<semaphore_mem>>) {add = true}
            %dma_wait3A_101 = arith.constant 0 : i32
            %dma_wait3A_102 = tpu.memref_slice %arg11[%add3A_94, %dma_wait3A_101] : memref<16x128xi32, #tpu.memory_space<vmem>> -> memref<1x128xi32, #tpu.memory_space<vmem>>
            %dma_wait3A_103 = tpu.memref_squeeze %dma_wait3A_102 : memref<1x128xi32, #tpu.memory_space<vmem>> -> memref<128xi32, #tpu.memory_space<vmem>>
            %dma_wait3A_104 = arith.constant 0 : i32
            %dma_wait3A_105 = arith.constant 0 : i32
            %dma_wait3A_106 = tpu.memref_slice %arg14[%dma_wait3A_104, %dma_wait3A_105] : memref<10240x128xf32, #tpu.memory_space<vmem_shared>> -> memref<10240x128xf32, #tpu.memory_space<vmem_shared>>
            tpu.wait_indirect_dma semaphore(%run_scoped3A : memref<!tpu.dma_semaphore, #tpu.memory_space<semaphore_mem>>) src(%arg13 : memref<128x128xf32, #tpu.memory_space<vmem>>) dst(%dma_wait3A_106 : memref<10240x128xf32, #tpu.memory_space<vmem_shared>>)
            tpu.yield
          }) : () -> ()
        }
        %scan3A_63 = arith.constant 8 : i32
      }
      %scan3A_46 = arith.constant 5 : i32
    } else {
    }
    %eq3A_26 = arith.constant 1 : i32
    %eq3A_27 = arith.cmpi eq, %arg0, %eq3A_26 : i32
    %convert_element_type3A_28 = arith.extui %eq3A_27 : i1 to i32
    %cond3A_29 = arith.constant 0 : i32
    %cond3A_30 = arith.cmpi ne, %convert_element_type3A_28, %cond3A_29 : i32
    scf.if %cond3A_30 {
      %scan3A = arith.constant 0 : i32
      %scan3A_42 = arith.constant 0 : i32
      %scan3A_43 = arith.constant 5 : i32
      %scan3A_44 = arith.addi %scan3A_42, %scan3A_43 : i32
      %scan3A_45 = arith.constant 1 : i32
      scf.for %scan3A_47 = %scan3A_42 to %scan3A_44 step %scan3A_45  : i32 {
        %mul3A_48 = arith.constant 16 : i32
        %mul3A_49 = arith.muli %scan3A_47, %mul3A_48 : i32
        "tpu.region"() ({
          %run_scoped3A = tpu.sem_alloc : memref<!tpu.dma_semaphore, #tpu.memory_space<semaphore_mem>>
          %dma_start3A_64 = arith.constant 0 : i32
          %dma_start3A_65 = tpu.memref_slice %arg6[%arg1, %mul3A_49, %dma_start3A_64] : memref<16x80x128xi32, #tpu.memory_space<hbm>> -> memref<1x16x128xi32, #tpu.memory_space<hbm>>
          %dma_start3A_66 = tpu.memref_squeeze %dma_start3A_65 : memref<1x16x128xi32, #tpu.memory_space<hbm>> -> memref<16x128xi32, #tpu.memory_space<hbm>>
          %dma_start3A_67 = arith.constant 0 : i32
          %dma_start3A_68 = tpu.memref_slice %arg6[%arg1, %mul3A_49, %dma_start3A_67] : memref<16x80x128xi32, #tpu.memory_space<hbm>> -> memref<1x16x128xi32, #tpu.memory_space<hbm>>
          %dma_start3A_69 = tpu.memref_squeeze %dma_start3A_68 : memref<1x16x128xi32, #tpu.memory_space<hbm>> -> memref<16x128xi32, #tpu.memory_space<hbm>>
          tpu.enqueue_dma source(%dma_start3A_69 : memref<16x128xi32, #tpu.memory_space<hbm>>) target(%arg10 : memref<16x128xi32, #tpu.memory_space<vmem>>) target_semaphore(%run_scoped3A : memref<!tpu.dma_semaphore, #tpu.memory_space<semaphore_mem>>)
          %dma_wait3A = arith.constant 0 : i32
          %dma_wait3A_70 = tpu.memref_slice %arg6[%arg1, %mul3A_49, %dma_wait3A] : memref<16x80x128xi32, #tpu.memory_space<hbm>> -> memref<1x16x128xi32, #tpu.memory_space<hbm>>
          %dma_wait3A_71 = tpu.memref_squeeze %dma_wait3A_70 : memref<1x16x128xi32, #tpu.memory_space<hbm>> -> memref<16x128xi32, #tpu.memory_space<hbm>>
          %dma_wait3A_72 = arith.constant 0 : i32
          %dma_wait3A_73 = tpu.memref_slice %arg6[%arg1, %mul3A_49, %dma_wait3A_72] : memref<16x80x128xi32, #tpu.memory_space<hbm>> -> memref<1x16x128xi32, #tpu.memory_space<hbm>>
          %dma_wait3A_74 = tpu.memref_squeeze %dma_wait3A_73 : memref<1x16x128xi32, #tpu.memory_space<hbm>> -> memref<16x128xi32, #tpu.memory_space<hbm>>
          tpu.wait_dma2 semaphore(%run_scoped3A : memref<!tpu.dma_semaphore, #tpu.memory_space<semaphore_mem>>) src(%dma_wait3A_74 : memref<16x128xi32, #tpu.memory_space<hbm>>) dst(%arg10 : memref<16x128xi32, #tpu.memory_space<vmem>>)
          tpu.yield
        }) : () -> ()
        %mul3A_50 = arith.constant 16 : i32
        %mul3A_51 = arith.muli %scan3A_47, %mul3A_50 : i32
        "tpu.region"() ({
          %run_scoped3A = tpu.sem_alloc : memref<!tpu.dma_semaphore, #tpu.memory_space<semaphore_mem>>
          %dma_start3A_64 = arith.constant 0 : i32
          %dma_start3A_65 = tpu.memref_slice %arg7[%arg1, %mul3A_51, %dma_start3A_64] : memref<16x80x128xi32, #tpu.memory_space<hbm>> -> memref<1x16x128xi32, #tpu.memory_space<hbm>>
          %dma_start3A_66 = tpu.memref_squeeze %dma_start3A_65 : memref<1x16x128xi32, #tpu.memory_space<hbm>> -> memref<16x128xi32, #tpu.memory_space<hbm>>
          %dma_start3A_67 = arith.constant 0 : i32
          %dma_start3A_68 = tpu.memref_slice %arg7[%arg1, %mul3A_51, %dma_start3A_67] : memref<16x80x128xi32, #tpu.memory_space<hbm>> -> memref<1x16x128xi32, #tpu.memory_space<hbm>>
          %dma_start3A_69 = tpu.memref_squeeze %dma_start3A_68 : memref<1x16x128xi32, #tpu.memory_space<hbm>> -> memref<16x128xi32, #tpu.memory_space<hbm>>
          tpu.enqueue_dma source(%dma_start3A_69 : memref<16x128xi32, #tpu.memory_space<hbm>>) target(%arg11 : memref<16x128xi32, #tpu.memory_space<vmem>>) target_semaphore(%run_scoped3A : memref<!tpu.dma_semaphore, #tpu.memory_space<semaphore_mem>>)
          %dma_wait3A = arith.constant 0 : i32
          %dma_wait3A_70 = tpu.memref_slice %arg7[%arg1, %mul3A_51, %dma_wait3A] : memref<16x80x128xi32, #tpu.memory_space<hbm>> -> memref<1x16x128xi32, #tpu.memory_space<hbm>>
          %dma_wait3A_71 = tpu.memref_squeeze %dma_wait3A_70 : memref<1x16x128xi32, #tpu.memory_space<hbm>> -> memref<16x128xi32, #tpu.memory_space<hbm>>
          %dma_wait3A_72 = arith.constant 0 : i32
          %dma_wait3A_73 = tpu.memref_slice %arg7[%arg1, %mul3A_51, %dma_wait3A_72] : memref<16x80x128xi32, #tpu.memory_space<hbm>> -> memref<1x16x128xi32, #tpu.memory_space<hbm>>
          %dma_wait3A_74 = tpu.memref_squeeze %dma_wait3A_73 : memref<1x16x128xi32, #tpu.memory_space<hbm>> -> memref<16x128xi32, #tpu.memory_space<hbm>>
          tpu.wait_dma2 semaphore(%run_scoped3A : memref<!tpu.dma_semaphore, #tpu.memory_space<semaphore_mem>>) src(%dma_wait3A_74 : memref<16x128xi32, #tpu.memory_space<hbm>>) dst(%arg11 : memref<16x128xi32, #tpu.memory_space<vmem>>)
          tpu.yield
        }) : () -> ()
        %dma_start3A = arith.constant 0 : i32
        %dma_start3A_52 = arith.constant 0 : i32
        %dma_start3A_53 = tpu.memref_slice %arg10[%dma_start3A, %dma_start3A_52] : memref<16x128xi32, #tpu.memory_space<vmem>> -> memref<1x128xi32, #tpu.memory_space<vmem>>
        %dma_start3A_54 = tpu.memref_squeeze %dma_start3A_53 : memref<1x128xi32, #tpu.memory_space<vmem>> -> memref<128xi32, #tpu.memory_space<vmem>>
        %dma_start3A_55 = arith.constant 0 : i32
        %dma_start3A_56 = arith.constant 0 : i32
        %dma_start3A_57 = tpu.memref_slice %arg5[%dma_start3A_55, %dma_start3A_56] : memref<10240x128xf32, #tpu.memory_space<hbm>> -> memref<10240x128xf32, #tpu.memory_space<hbm>>
        tpu.enqueue_indirect_dma source(%dma_start3A_57 : memref<10240x128xf32, #tpu.memory_space<hbm>>) target(%arg12 : memref<128x128xf32, #tpu.memory_space<vmem>>) offsets(%dma_start3A_54 : memref<128xi32, #tpu.memory_space<vmem>>) semaphore(%arg15 : memref<!tpu.dma_semaphore, #tpu.memory_space<semaphore_mem>>)
        %scan3A_58 = arith.constant 0 : i32
        %scan3A_59 = arith.constant 0 : i32
        %scan3A_60 = arith.constant 8 : i32
        %scan3A_61 = arith.addi %scan3A_59, %scan3A_60 : i32
        %scan3A_62 = arith.constant 1 : i32
        scf.for %scan3A_64 = %scan3A_59 to %scan3A_61 step %scan3A_62  : i32 {
          %mul3A_65 = arith.constant 2 : i32
          %mul3A_66 = arith.muli %mul3A_65, %scan3A_64 : i32
          %add3A = arith.constant 1 : i32
          %add3A_67 = arith.addi %mul3A_66, %add3A : i32
          %dma_start3A_68 = arith.constant 0 : i32
          %dma_start3A_69 = tpu.memref_slice %arg10[%add3A_67, %dma_start3A_68] : memref<16x128xi32, #tpu.memory_space<vmem>> -> memref<1x128xi32, #tpu.memory_space<vmem>>
          %dma_start3A_70 = tpu.memref_squeeze %dma_start3A_69 : memref<1x128xi32, #tpu.memory_space<vmem>> -> memref<128xi32, #tpu.memory_space<vmem>>
          %dma_start3A_71 = arith.constant 0 : i32
          %dma_start3A_72 = arith.constant 0 : i32
          %dma_start3A_73 = tpu.memref_slice %arg5[%dma_start3A_71, %dma_start3A_72] : memref<10240x128xf32, #tpu.memory_space<hbm>> -> memref<10240x128xf32, #tpu.memory_space<hbm>>
          tpu.enqueue_indirect_dma source(%dma_start3A_73 : memref<10240x128xf32, #tpu.memory_space<hbm>>) target(%arg13 : memref<128x128xf32, #tpu.memory_space<vmem>>) offsets(%dma_start3A_70 : memref<128xi32, #tpu.memory_space<vmem>>) semaphore(%arg16 : memref<!tpu.dma_semaphore, #tpu.memory_space<semaphore_mem>>)
          %dma_wait3A = arith.constant 0 : i32
          %dma_wait3A_74 = tpu.memref_slice %arg10[%mul3A_66, %dma_wait3A] : memref<16x128xi32, #tpu.memory_space<vmem>> -> memref<1x128xi32, #tpu.memory_space<vmem>>
          %dma_wait3A_75 = tpu.memref_squeeze %dma_wait3A_74 : memref<1x128xi32, #tpu.memory_space<vmem>> -> memref<128xi32, #tpu.memory_space<vmem>>
          %dma_wait3A_76 = arith.constant 0 : i32
          %dma_wait3A_77 = arith.constant 0 : i32
          %dma_wait3A_78 = tpu.memref_slice %arg5[%dma_wait3A_76, %dma_wait3A_77] : memref<10240x128xf32, #tpu.memory_space<hbm>> -> memref<10240x128xf32, #tpu.memory_space<hbm>>
          tpu.wait_indirect_dma semaphore(%arg15 : memref<!tpu.dma_semaphore, #tpu.memory_space<semaphore_mem>>) src(%dma_wait3A_78 : memref<10240x128xf32, #tpu.memory_space<hbm>>) dst(%arg12 : memref<128x128xf32, #tpu.memory_space<vmem>>)
          "tpu.region"() ({
            %run_scoped3A = tpu.sem_alloc : memref<!tpu.dma_semaphore, #tpu.memory_space<semaphore_mem>>
            %dma_start3A_95 = arith.constant 0 : i32
            %dma_start3A_96 = tpu.memref_slice %arg11[%mul3A_66, %dma_start3A_95] : memref<16x128xi32, #tpu.memory_space<vmem>> -> memref<1x128xi32, #tpu.memory_space<vmem>>
            %dma_start3A_97 = tpu.memref_squeeze %dma_start3A_96 : memref<1x128xi32, #tpu.memory_space<vmem>> -> memref<128xi32, #tpu.memory_space<vmem>>
            %dma_start3A_98 = arith.constant 0 : i32
            %dma_start3A_99 = arith.constant 0 : i32
            %dma_start3A_100 = tpu.memref_slice %arg14[%dma_start3A_98, %dma_start3A_99] : memref<10240x128xf32, #tpu.memory_space<vmem_shared>> -> memref<10240x128xf32, #tpu.memory_space<vmem_shared>>
            tpu.enqueue_indirect_dma source(%arg12 : memref<128x128xf32, #tpu.memory_space<vmem>>) target(%dma_start3A_100 : memref<10240x128xf32, #tpu.memory_space<vmem_shared>>) offsets(%dma_start3A_97 : memref<128xi32, #tpu.memory_space<vmem>>) semaphore(%run_scoped3A : memref<!tpu.dma_semaphore, #tpu.memory_space<semaphore_mem>>) {add = true}
            %dma_wait3A_101 = arith.constant 0 : i32
            %dma_wait3A_102 = tpu.memref_slice %arg11[%mul3A_66, %dma_wait3A_101] : memref<16x128xi32, #tpu.memory_space<vmem>> -> memref<1x128xi32, #tpu.memory_space<vmem>>
            %dma_wait3A_103 = tpu.memref_squeeze %dma_wait3A_102 : memref<1x128xi32, #tpu.memory_space<vmem>> -> memref<128xi32, #tpu.memory_space<vmem>>
            %dma_wait3A_104 = arith.constant 0 : i32
            %dma_wait3A_105 = arith.constant 0 : i32
            %dma_wait3A_106 = tpu.memref_slice %arg14[%dma_wait3A_104, %dma_wait3A_105] : memref<10240x128xf32, #tpu.memory_space<vmem_shared>> -> memref<10240x128xf32, #tpu.memory_space<vmem_shared>>
            tpu.wait_indirect_dma semaphore(%run_scoped3A : memref<!tpu.dma_semaphore, #tpu.memory_space<semaphore_mem>>) src(%arg12 : memref<128x128xf32, #tpu.memory_space<vmem>>) dst(%dma_wait3A_106 : memref<10240x128xf32, #tpu.memory_space<vmem_shared>>)
            tpu.yield
          }) : () -> ()
          %add3A_79 = arith.constant 2 : i32
          %add3A_80 = arith.addi %mul3A_66, %add3A_79 : i32
          %lt3A = arith.constant 16 : i32
          %lt3A_81 = arith.cmpi slt, %add3A_80, %lt3A : i32
          %convert_element_type3A_82 = arith.extui %lt3A_81 : i1 to i32
          %cond3A_83 = arith.constant 0 : i32
          %cond3A_84 = arith.cmpi ne, %convert_element_type3A_82, %cond3A_83 : i32
          scf.if %cond3A_84 {
            %add3A_95 = arith.constant 2 : i32
            %add3A_96 = arith.addi %mul3A_66, %add3A_95 : i32
            %dma_start3A_97 = arith.constant 0 : i32
            %dma_start3A_98 = tpu.memref_slice %arg10[%add3A_96, %dma_start3A_97] : memref<16x128xi32, #tpu.memory_space<vmem>> -> memref<1x128xi32, #tpu.memory_space<vmem>>
            %dma_start3A_99 = tpu.memref_squeeze %dma_start3A_98 : memref<1x128xi32, #tpu.memory_space<vmem>> -> memref<128xi32, #tpu.memory_space<vmem>>
            %dma_start3A_100 = arith.constant 0 : i32
            %dma_start3A_101 = arith.constant 0 : i32
            %dma_start3A_102 = tpu.memref_slice %arg5[%dma_start3A_100, %dma_start3A_101] : memref<10240x128xf32, #tpu.memory_space<hbm>> -> memref<10240x128xf32, #tpu.memory_space<hbm>>
            tpu.enqueue_indirect_dma source(%dma_start3A_102 : memref<10240x128xf32, #tpu.memory_space<hbm>>) target(%arg12 : memref<128x128xf32, #tpu.memory_space<vmem>>) offsets(%dma_start3A_99 : memref<128xi32, #tpu.memory_space<vmem>>) semaphore(%arg15 : memref<!tpu.dma_semaphore, #tpu.memory_space<semaphore_mem>>)
          } else {
          }
          %add3A_85 = arith.constant 1 : i32
          %add3A_86 = arith.addi %mul3A_66, %add3A_85 : i32
          %dma_wait3A_87 = arith.constant 0 : i32
          %dma_wait3A_88 = tpu.memref_slice %arg10[%add3A_86, %dma_wait3A_87] : memref<16x128xi32, #tpu.memory_space<vmem>> -> memref<1x128xi32, #tpu.memory_space<vmem>>
          %dma_wait3A_89 = tpu.memref_squeeze %dma_wait3A_88 : memref<1x128xi32, #tpu.memory_space<vmem>> -> memref<128xi32, #tpu.memory_space<vmem>>
          %dma_wait3A_90 = arith.constant 0 : i32
          %dma_wait3A_91 = arith.constant 0 : i32
          %dma_wait3A_92 = tpu.memref_slice %arg5[%dma_wait3A_90, %dma_wait3A_91] : memref<10240x128xf32, #tpu.memory_space<hbm>> -> memref<10240x128xf32, #tpu.memory_space<hbm>>
          tpu.wait_indirect_dma semaphore(%arg16 : memref<!tpu.dma_semaphore, #tpu.memory_space<semaphore_mem>>) src(%dma_wait3A_92 : memref<10240x128xf32, #tpu.memory_space<hbm>>) dst(%arg13 : memref<128x128xf32, #tpu.memory_space<vmem>>)
          %add3A_93 = arith.constant 1 : i32
          %add3A_94 = arith.addi %mul3A_66, %add3A_93 : i32
          "tpu.region"() ({
            %run_scoped3A = tpu.sem_alloc : memref<!tpu.dma_semaphore, #tpu.memory_space<semaphore_mem>>
            %dma_start3A_95 = arith.constant 0 : i32
            %dma_start3A_96 = tpu.memref_slice %arg11[%add3A_94, %dma_start3A_95] : memref<16x128xi32, #tpu.memory_space<vmem>> -> memref<1x128xi32, #tpu.memory_space<vmem>>
            %dma_start3A_97 = tpu.memref_squeeze %dma_start3A_96 : memref<1x128xi32, #tpu.memory_space<vmem>> -> memref<128xi32, #tpu.memory_space<vmem>>
            %dma_start3A_98 = arith.constant 0 : i32
            %dma_start3A_99 = arith.constant 0 : i32
            %dma_start3A_100 = tpu.memref_slice %arg14[%dma_start3A_98, %dma_start3A_99] : memref<10240x128xf32, #tpu.memory_space<vmem_shared>> -> memref<10240x128xf32, #tpu.memory_space<vmem_shared>>
            tpu.enqueue_indirect_dma source(%arg13 : memref<128x128xf32, #tpu.memory_space<vmem>>) target(%dma_start3A_100 : memref<10240x128xf32, #tpu.memory_space<vmem_shared>>) offsets(%dma_start3A_97 : memref<128xi32, #tpu.memory_space<vmem>>) semaphore(%run_scoped3A : memref<!tpu.dma_semaphore, #tpu.memory_space<semaphore_mem>>) {add = true}
            %dma_wait3A_101 = arith.constant 0 : i32
            %dma_wait3A_102 = tpu.memref_slice %arg11[%add3A_94, %dma_wait3A_101] : memref<16x128xi32, #tpu.memory_space<vmem>> -> memref<1x128xi32, #tpu.memory_space<vmem>>
            %dma_wait3A_103 = tpu.memref_squeeze %dma_wait3A_102 : memref<1x128xi32, #tpu.memory_space<vmem>> -> memref<128xi32, #tpu.memory_space<vmem>>
            %dma_wait3A_104 = arith.constant 0 : i32
            %dma_wait3A_105 = arith.constant 0 : i32
            %dma_wait3A_106 = tpu.memref_slice %arg14[%dma_wait3A_104, %dma_wait3A_105] : memref<10240x128xf32, #tpu.memory_space<vmem_shared>> -> memref<10240x128xf32, #tpu.memory_space<vmem_shared>>
            tpu.wait_indirect_dma semaphore(%run_scoped3A : memref<!tpu.dma_semaphore, #tpu.memory_space<semaphore_mem>>) src(%arg13 : memref<128x128xf32, #tpu.memory_space<vmem>>) dst(%dma_wait3A_106 : memref<10240x128xf32, #tpu.memory_space<vmem_shared>>)
            tpu.yield
          }) : () -> ()
        }
        %scan3A_63 = arith.constant 8 : i32
      }
      %scan3A_46 = arith.constant 5 : i32
    } else {
    }
    %barrier3A_31 = arith.constant 0 : index
    tpu.barrier barrier_id(%barrier3A_31)
    %eq3A_32 = arith.constant 0 : i32
    %eq3A_33 = arith.cmpi eq, %arg0, %eq3A_32 : i32
    %convert_element_type3A_34 = arith.extui %eq3A_33 : i1 to i32
    %cond3A_35 = arith.constant 0 : i32
    %cond3A_36 = arith.cmpi ne, %convert_element_type3A_34, %cond3A_35 : i32
    scf.if %cond3A_36 {
      %run_scoped3A = arith.constant 1 : i32
      "tpu.region"() ({
        %run_scoped3A_42 = tpu.sem_alloc : memref<!tpu.dma_semaphore, #tpu.memory_space<semaphore_mem>>
        %dma_start3A = arith.constant 0 : i32
        %dma_start3A_43 = tpu.memref_slice %arg9[%run_scoped3A, %mul3A_0, %dma_start3A] : memref<4x10240x128xf32, #tpu.memory_space<hbm>> -> memref<1x640x128xf32, #tpu.memory_space<hbm>>
        %dma_start3A_44 = tpu.memref_squeeze %dma_start3A_43 : memref<1x640x128xf32, #tpu.memory_space<hbm>> -> memref<640x128xf32, #tpu.memory_space<hbm>>
        %dma_start3A_45 = arith.constant 0 : i32
        %dma_start3A_46 = tpu.memref_slice %arg14[%mul3A_0, %dma_start3A_45] : memref<10240x128xf32, #tpu.memory_space<vmem_shared>> -> memref<640x128xf32, #tpu.memory_space<vmem_shared>>
        tpu.enqueue_dma source(%dma_start3A_46 : memref<640x128xf32, #tpu.memory_space<vmem_shared>>) target(%dma_start3A_44 : memref<640x128xf32, #tpu.memory_space<hbm>>) target_semaphore(%run_scoped3A_42 : memref<!tpu.dma_semaphore, #tpu.memory_space<semaphore_mem>>)
        %dma_wait3A = arith.constant 0 : i32
        %dma_wait3A_47 = tpu.memref_slice %arg9[%run_scoped3A, %mul3A_0, %dma_wait3A] : memref<4x10240x128xf32, #tpu.memory_space<hbm>> -> memref<1x640x128xf32, #tpu.memory_space<hbm>>
        %dma_wait3A_48 = tpu.memref_squeeze %dma_wait3A_47 : memref<1x640x128xf32, #tpu.memory_space<hbm>> -> memref<640x128xf32, #tpu.memory_space<hbm>>
        %dma_wait3A_49 = arith.constant 0 : i32
        %dma_wait3A_50 = tpu.memref_slice %arg14[%mul3A_0, %dma_wait3A_49] : memref<10240x128xf32, #tpu.memory_space<vmem_shared>> -> memref<640x128xf32, #tpu.memory_space<vmem_shared>>
        tpu.wait_dma2 semaphore(%run_scoped3A_42 : memref<!tpu.dma_semaphore, #tpu.memory_space<semaphore_mem>>) src(%dma_wait3A_50 : memref<640x128xf32, #tpu.memory_space<vmem_shared>>) dst(%dma_wait3A_48 : memref<640x128xf32, #tpu.memory_space<hbm>>)
        tpu.yield
      }) : () -> ()
    } else {
    }
    %eq3A_37 = arith.constant 1 : i32
    %eq3A_38 = arith.cmpi eq, %arg0, %eq3A_37 : i32
    %convert_element_type3A_39 = arith.extui %eq3A_38 : i1 to i32
    %cond3A_40 = arith.constant 0 : i32
    %cond3A_41 = arith.cmpi ne, %convert_element_type3A_39, %cond3A_40 : i32
    scf.if %cond3A_41 {
      %run_scoped3A = arith.constant 3 : i32
      "tpu.region"() ({
        %run_scoped3A_42 = tpu.sem_alloc : memref<!tpu.dma_semaphore, #tpu.memory_space<semaphore_mem>>
        %dma_start3A = arith.constant 0 : i32
        %dma_start3A_43 = tpu.memref_slice %arg9[%run_scoped3A, %mul3A_0, %dma_start3A] : memref<4x10240x128xf32, #tpu.memory_space<hbm>> -> memref<1x640x128xf32, #tpu.memory_space<hbm>>
        %dma_start3A_44 = tpu.memref_squeeze %dma_start3A_43 : memref<1x640x128xf32, #tpu.memory_space<hbm>> -> memref<640x128xf32, #tpu.memory_space<hbm>>
        %dma_start3A_45 = arith.constant 0 : i32
        %dma_start3A_46 = tpu.memref_slice %arg14[%mul3A_0, %dma_start3A_45] : memref<10240x128xf32, #tpu.memory_space<vmem_shared>> -> memref<640x128xf32, #tpu.memory_space<vmem_shared>>
        tpu.enqueue_dma source(%dma_start3A_46 : memref<640x128xf32, #tpu.memory_space<vmem_shared>>) target(%dma_start3A_44 : memref<640x128xf32, #tpu.memory_space<hbm>>) target_semaphore(%run_scoped3A_42 : memref<!tpu.dma_semaphore, #tpu.memory_space<semaphore_mem>>)
        %dma_wait3A = arith.constant 0 : i32
        %dma_wait3A_47 = tpu.memref_slice %arg9[%run_scoped3A, %mul3A_0, %dma_wait3A] : memref<4x10240x128xf32, #tpu.memory_space<hbm>> -> memref<1x640x128xf32, #tpu.memory_space<hbm>>
        %dma_wait3A_48 = tpu.memref_squeeze %dma_wait3A_47 : memref<1x640x128xf32, #tpu.memory_space<hbm>> -> memref<640x128xf32, #tpu.memory_space<hbm>>
        %dma_wait3A_49 = arith.constant 0 : i32
        %dma_wait3A_50 = tpu.memref_slice %arg14[%mul3A_0, %dma_wait3A_49] : memref<10240x128xf32, #tpu.memory_space<vmem_shared>> -> memref<640x128xf32, #tpu.memory_space<vmem_shared>>
        tpu.wait_dma2 semaphore(%run_scoped3A_42 : memref<!tpu.dma_semaphore, #tpu.memory_space<semaphore_mem>>) src(%dma_wait3A_50 : memref<640x128xf32, #tpu.memory_space<vmem_shared>>) dst(%dma_wait3A_48 : memref<640x128xf32, #tpu.memory_space<hbm>>)
        tpu.yield
      }) : () -> ()
    } else {
    }
    return
  }
}

module attributes {stable_mosaic.version = 14 : i64} {
  func.func @_mm1_body(%arg0: i32, %arg1: i32, %arg2: memref<256x256xf32, #tpu.memory_space<vmem>>, %arg3: memref<256x128xf32, #tpu.memory_space<vmem>>, %arg4: memref<2x256x128xf32, #tpu.memory_space<vmem>>, %arg5: memref<1x256x128xf32, #tpu.memory_space<vmem>>) attributes {dimension_semantics = [#tpu.dimension_semantics<arbitrary>, #tpu.dimension_semantics<arbitrary>], iteration_bounds = array<i64: 40, 4>, scalar_prefetch = 0 : i64, scratch_operands = 0 : i64, tpu.core_type = #tpu.core_type<tc>, window_params = [{transform_indices = @transform_0, window_bounds = array<i64: 256, 256>}, {transform_indices = @transform_1, window_bounds = array<i64: 256, 128>}, {transform_indices = @transform_2, window_bounds = array<i64: 2, 256, 128>}, {transform_indices = @transform_3, window_bounds = array<i64: 1, 256, 128>}]} {
    %get3A = arith.constant 0 : index
    %get3A_0 = arith.constant 0 : index
    %get3A_1 = vector.load %arg2[%get3A, %get3A_0] : memref<256x256xf32, #tpu.memory_space<vmem>>, vector<256x256xf32>
    %get3A_2 = arith.constant 0 : index
    %get3A_3 = arith.constant 0 : index
    %get3A_4 = vector.load %arg3[%get3A_2, %get3A_3] : memref<256x128xf32, #tpu.memory_space<vmem>>, vector<256x128xf32>
    %dot_general3A = arith.constant dense<0.000000e+00> : vector<256x128xf32>
    %dot_general3A_5 = tpu.matmul %get3A_1, %get3A_4, %dot_general3A {dimension_numbers = #tpu.dot_dimension_numbers<[1], [0], [0], [1], [0, 0, 1, 1], [], []>, transpose_lhs_hint = false} : vector<256x256xf32>, vector<256x128xf32>, vector<256x128xf32> -> vector<256x128xf32>
    %get3A_6 = arith.constant 0 : index
    %get3A_7 = arith.constant 0 : index
    %get3A_8 = arith.constant 0 : index
    %get3A_9 = vector.load %arg4[%get3A_6, %get3A_7, %get3A_8] : memref<2x256x128xf32, #tpu.memory_space<vmem>>, vector<1x256x1xf32>
    %get3A_10 = vector.shape_cast %get3A_9 : vector<1x256x1xf32> to vector<256x1xf32>
    %get3A_11 = arith.constant 1 : index
    %get3A_12 = arith.constant 0 : index
    %get3A_13 = arith.constant 0 : index
    %get3A_14 = vector.load %arg4[%get3A_11, %get3A_12, %get3A_13] : memref<2x256x128xf32, #tpu.memory_space<vmem>>, vector<1x256x1xf32>
    %get3A_15 = vector.shape_cast %get3A_14 : vector<1x256x1xf32> to vector<256x1xf32>
    %add3A = arith.addf %get3A_10, %get3A_15 : vector<256x1xf32>
    %add3A_16 = arith.constant 1.000000e+00 : f32
    %add3A_17 = vector.broadcast %add3A_16 : f32 to vector<256x1xf32>
    %add3A_18 = arith.addf %add3A, %add3A_17 : vector<256x1xf32>
    %rsqrt3A = math.rsqrt %add3A_18 : vector<256x1xf32>
    %mul3A = vector.broadcast %rsqrt3A : vector<256x1xf32> to vector<256x128xf32>
    %mul3A_19 = arith.mulf %dot_general3A_5, %mul3A : vector<256x128xf32>
    %swap3A = arith.constant 0 : index
    %swap3A_20 = arith.constant 0 : index
    %swap3A_21 = arith.constant 0 : index
    %swap3A_22 = vector.load %arg5[%swap3A, %swap3A_20, %swap3A_21] : memref<1x256x128xf32, #tpu.memory_space<vmem>>, vector<1x256x128xf32>
    %swap3A_23 = vector.shape_cast %swap3A_22 : vector<1x256x128xf32> to vector<256x128xf32>
    %swap3A_24 = vector.shape_cast %mul3A_19 : vector<256x128xf32> to vector<1x256x128xf32>
    tpu.vector_store %arg5[%swap3A, %swap3A_20, %swap3A_21], %swap3A_24 {strides = array<i32>} : memref<1x256x128xf32, #tpu.memory_space<vmem>>, vector<1x256x128xf32>,
    return
  }
  func.func @transform_0(%arg0: i32, %arg1: i32) -> (i32, i32) {
    %c0_i32 = arith.constant 0 : i32
    %c0_i32_0 = arith.constant 0 : i32
    return %arg0, %c0_i32 : i32, i32
  }
  func.func @transform_1(%arg0: i32, %arg1: i32) -> (i32, i32) {
    %c0_i32 = arith.constant 0 : i32
    %c0_i32_0 = arith.constant 0 : i32
    return %c0_i32, %arg1 : i32, i32
  }
  func.func @transform_2(%arg0: i32, %arg1: i32) -> (i32, i32, i32) {
    %c0_i32 = arith.constant 0 : i32
    %c0_i32_0 = arith.constant 0 : i32
    %c0_i32_1 = arith.constant 0 : i32
    return %c0_i32, %arg0, %c0_i32_0 : i32, i32, i32
  }
  func.func @transform_3(%arg0: i32, %arg1: i32) -> (i32, i32, i32) {
    %c0_i32 = arith.constant 0 : i32
    %c0_i32_0 = arith.constant 0 : i32
    return %arg1, %arg0, %c0_i32 : i32, i32, i32
  }
}

module attributes {stable_mosaic.version = 14 : i64} {
  func.func @_mid_body(%arg0: i32, %arg1: i32, %arg2: memref<4x256x128xf32, #tpu.memory_space<vmem>>, %arg3: memref<4x256x128xf32, #tpu.memory_space<vmem>>, %arg4: memref<2x256x128xf32, #tpu.memory_space<vmem>>, %arg5: memref<1x512xf32, #tpu.memory_space<vmem>>, %arg6: memref<4x128x128xf32, #tpu.memory_space<vmem>>, %arg7: memref<256x512xf32, #tpu.memory_space<vmem>>, %arg8: memref<1x256x128xf32, #tpu.memory_space<vmem>>) attributes {dimension_semantics = [#tpu.dimension_semantics<arbitrary>, #tpu.dimension_semantics<arbitrary>], iteration_bounds = array<i64: 40, 2>, scalar_prefetch = 0 : i64, scratch_operands = 0 : i64, tpu.core_type = #tpu.core_type<tc>, window_params = [{transform_indices = @transform_0, window_bounds = array<i64: 4, 256, 128>}, {transform_indices = @transform_1, window_bounds = array<i64: 4, 256, 128>}, {transform_indices = @transform_2, window_bounds = array<i64: 2, 256, 128>}, {pipeline_mode = #tpu.pipeline_mode<synchronous>, transform_indices = @transform_3, window_bounds = array<i64: 1, 512>}, {transform_indices = @transform_4, window_bounds = array<i64: 4, 128, 128>}, {transform_indices = @transform_5, window_bounds = array<i64: 256, 512>}, {transform_indices = @transform_6, window_bounds = array<i64: 1, 256, 128>}]} {
    %get3A = arith.constant 0 : index
    %get3A_0 = arith.constant 0 : index
    %get3A_1 = arith.constant 0 : index
    %get3A_2 = vector.load %arg4[%get3A, %get3A_0, %get3A_1] : memref<2x256x128xf32, #tpu.memory_space<vmem>>, vector<1x256x1xf32>
    %get3A_3 = vector.shape_cast %get3A_2 : vector<1x256x1xf32> to vector<256x1xf32>
    %get3A_4 = arith.constant 1 : index
    %get3A_5 = arith.constant 0 : index
    %get3A_6 = arith.constant 0 : index
    %get3A_7 = vector.load %arg4[%get3A_4, %get3A_5, %get3A_6] : memref<2x256x128xf32, #tpu.memory_space<vmem>>, vector<1x256x1xf32>
    %get3A_8 = vector.shape_cast %get3A_7 : vector<1x256x1xf32> to vector<256x1xf32>
    %add3A = arith.addf %get3A_3, %get3A_8 : vector<256x1xf32>
    %add3A_9 = arith.constant 1.000000e+00 : f32
    %add3A_10 = vector.broadcast %add3A_9 : f32 to vector<256x1xf32>
    %add3A_11 = arith.addf %add3A, %add3A_10 : vector<256x1xf32>
    %rsqrt3A = math.rsqrt %add3A_11 : vector<256x1xf32>
    %broadcast_in_dim3A = arith.constant 0.000000e+00 : f32
    %broadcast_in_dim3A_12 = vector.broadcast %broadcast_in_dim3A : f32 to vector<256x128xf32>
    %get3A_13 = arith.constant 0 : index
    %get3A_14 = arith.constant 0 : index
    %get3A_15 = arith.constant 0 : index
    %get3A_16 = vector.load %arg2[%get3A_13, %get3A_14, %get3A_15] : memref<4x256x128xf32, #tpu.memory_space<vmem>>, vector<1x256x128xf32>
    %get3A_17 = vector.shape_cast %get3A_16 : vector<1x256x128xf32> to vector<256x128xf32>
    %get3A_18 = arith.constant 0 : index
    %get3A_19 = arith.constant 0 : index
    %get3A_20 = arith.constant 0 : index
    %get3A_21 = vector.load %arg3[%get3A_18, %get3A_19, %get3A_20] : memref<4x256x128xf32, #tpu.memory_space<vmem>>, vector<1x256x128xf32>
    %get3A_22 = vector.shape_cast %get3A_21 : vector<1x256x128xf32> to vector<256x128xf32>
    %add3A_23 = arith.addf %get3A_17, %get3A_22 : vector<256x128xf32>
    %mul3A = vector.broadcast %rsqrt3A : vector<256x1xf32> to vector<256x128xf32>
    %mul3A_24 = arith.mulf %mul3A, %add3A_23 : vector<256x128xf32>
    %get3A_25 = arith.constant 0 : index
    %get3A_26 = arith.constant 0 : index
    %get3A_27 = vector.load %arg5[%get3A_25, %get3A_26] : memref<1x512xf32, #tpu.memory_space<vmem>>, vector<1x128xf32>
    %get3A_28 = vector.shape_cast %get3A_27 : vector<1x128xf32> to vector<128xf32>
    %broadcast_in_dim3A_29 = vector.shape_cast %get3A_28 : vector<128xf32> to vector<1x128xf32>
    %add3A_30 = vector.broadcast %broadcast_in_dim3A_29 : vector<1x128xf32> to vector<256x128xf32>
    %add3A_31 = arith.addf %mul3A_24, %add3A_30 : vector<256x128xf32>
    %max3A = arith.constant 0.000000e+00 : f32
    %max3A_32 = vector.broadcast %max3A : f32 to vector<256x128xf32>
    %max3A_33 = arith.maximumf %add3A_31, %max3A_32 : vector<256x128xf32>
    %swap3A = arith.constant 0 : index
    %swap3A_34 = arith.constant 0 : index
    %swap3A_35 = vector.load %arg7[%swap3A, %swap3A_34] : memref<256x512xf32, #tpu.memory_space<vmem>>, vector<256x128xf32>
    tpu.vector_store %arg7[%swap3A, %swap3A_34], %max3A_33 {strides = array<i32>} : memref<256x512xf32, #tpu.memory_space<vmem>>, vector<256x128xf32>,
    %get3A_36 = arith.constant 0 : index
    %get3A_37 = arith.constant 0 : index
    %get3A_38 = arith.constant 0 : index
    %get3A_39 = vector.load %arg6[%get3A_36, %get3A_37, %get3A_38] : memref<4x128x128xf32, #tpu.memory_space<vmem>>, vector<1x128x128xf32>
    %get3A_40 = vector.shape_cast %get3A_39 : vector<1x128x128xf32> to vector<128x128xf32>
    %dot_general3A = arith.constant dense<0.000000e+00> : vector<256x128xf32>
    %dot_general3A_41 = tpu.matmul %max3A_33, %get3A_40, %dot_general3A {dimension_numbers = #tpu.dot_dimension_numbers<[1], [0], [0], [1], [0, 0, 1, 1], [], []>, transpose_lhs_hint = false} : vector<256x128xf32>, vector<128x128xf32>, vector<256x128xf32> -> vector<256x128xf32>
    %add3A_42 = arith.addf %broadcast_in_dim3A_12, %dot_general3A_41 : vector<256x128xf32>
    %get3A_43 = arith.constant 1 : index
    %get3A_44 = arith.constant 0 : index
    %get3A_45 = arith.constant 0 : index
    %get3A_46 = vector.load %arg2[%get3A_43, %get3A_44, %get3A_45] : memref<4x256x128xf32, #tpu.memory_space<vmem>>, vector<1x256x128xf32>
    %get3A_47 = vector.shape_cast %get3A_46 : vector<1x256x128xf32> to vector<256x128xf32>
    %get3A_48 = arith.constant 1 : index
    %get3A_49 = arith.constant 0 : index
    %get3A_50 = arith.constant 0 : index
    %get3A_51 = vector.load %arg3[%get3A_48, %get3A_49, %get3A_50] : memref<4x256x128xf32, #tpu.memory_space<vmem>>, vector<1x256x128xf32>
    %get3A_52 = vector.shape_cast %get3A_51 : vector<1x256x128xf32> to vector<256x128xf32>
    %add3A_53 = arith.addf %get3A_47, %get3A_52 : vector<256x128xf32>
    %mul3A_54 = vector.broadcast %rsqrt3A : vector<256x1xf32> to vector<256x128xf32>
    %mul3A_55 = arith.mulf %mul3A_54, %add3A_53 : vector<256x128xf32>
    %get3A_56 = arith.constant 0 : index
    %get3A_57 = arith.constant 128 : index
    %get3A_58 = vector.load %arg5[%get3A_56, %get3A_57] : memref<1x512xf32, #tpu.memory_space<vmem>>, vector<1x128xf32>
    %get3A_59 = vector.shape_cast %get3A_58 : vector<1x128xf32> to vector<128xf32>
    %broadcast_in_dim3A_60 = vector.shape_cast %get3A_59 : vector<128xf32> to vector<1x128xf32>
    %add3A_61 = vector.broadcast %broadcast_in_dim3A_60 : vector<1x128xf32> to vector<256x128xf32>
    %add3A_62 = arith.addf %mul3A_55, %add3A_61 : vector<256x128xf32>
    %max3A_63 = arith.constant 0.000000e+00 : f32
    %max3A_64 = vector.broadcast %max3A_63 : f32 to vector<256x128xf32>
    %max3A_65 = arith.maximumf %add3A_62, %max3A_64 : vector<256x128xf32>
    %swap3A_66 = arith.constant 0 : index
    %swap3A_67 = arith.constant 128 : index
    %swap3A_68 = vector.load %arg7[%swap3A_66, %swap3A_67] : memref<256x512xf32, #tpu.memory_space<vmem>>, vector<256x128xf32>
    tpu.vector_store %arg7[%swap3A_66, %swap3A_67], %max3A_65 {strides = array<i32>} : memref<256x512xf32, #tpu.memory_space<vmem>>, vector<256x128xf32>,
    %get3A_69 = arith.constant 1 : index
    %get3A_70 = arith.constant 0 : index
    %get3A_71 = arith.constant 0 : index
    %get3A_72 = vector.load %arg6[%get3A_69, %get3A_70, %get3A_71] : memref<4x128x128xf32, #tpu.memory_space<vmem>>, vector<1x128x128xf32>
    %get3A_73 = vector.shape_cast %get3A_72 : vector<1x128x128xf32> to vector<128x128xf32>
    %dot_general3A_74 = arith.constant dense<0.000000e+00> : vector<256x128xf32>
    %dot_general3A_75 = tpu.matmul %max3A_65, %get3A_73, %dot_general3A_74 {dimension_numbers = #tpu.dot_dimension_numbers<[1], [0], [0], [1], [0, 0, 1, 1], [], []>, transpose_lhs_hint = false} : vector<256x128xf32>, vector<128x128xf32>, vector<256x128xf32> -> vector<256x128xf32>
    %add3A_76 = arith.addf %add3A_42, %dot_general3A_75 : vector<256x128xf32>
    %get3A_77 = arith.constant 2 : index
    %get3A_78 = arith.constant 0 : index
    %get3A_79 = arith.constant 0 : index
    %get3A_80 = vector.load %arg2[%get3A_77, %get3A_78, %get3A_79] : memref<4x256x128xf32, #tpu.memory_space<vmem>>, vector<1x256x128xf32>
    %get3A_81 = vector.shape_cast %get3A_80 : vector<1x256x128xf32> to vector<256x128xf32>
    %get3A_82 = arith.constant 2 : index
    %get3A_83 = arith.constant 0 : index
    %get3A_84 = arith.constant 0 : index
    %get3A_85 = vector.load %arg3[%get3A_82, %get3A_83, %get3A_84] : memref<4x256x128xf32, #tpu.memory_space<vmem>>, vector<1x256x128xf32>
    %get3A_86 = vector.shape_cast %get3A_85 : vector<1x256x128xf32> to vector<256x128xf32>
    %add3A_87 = arith.addf %get3A_81, %get3A_86 : vector<256x128xf32>
    %mul3A_88 = vector.broadcast %rsqrt3A : vector<256x1xf32> to vector<256x128xf32>
    %mul3A_89 = arith.mulf %mul3A_88, %add3A_87 : vector<256x128xf32>
    %get3A_90 = arith.constant 0 : index
    %get3A_91 = arith.constant 256 : index
    %get3A_92 = vector.load %arg5[%get3A_90, %get3A_91] : memref<1x512xf32, #tpu.memory_space<vmem>>, vector<1x128xf32>
    %get3A_93 = vector.shape_cast %get3A_92 : vector<1x128xf32> to vector<128xf32>
    %broadcast_in_dim3A_94 = vector.shape_cast %get3A_93 : vector<128xf32> to vector<1x128xf32>
    %add3A_95 = vector.broadcast %broadcast_in_dim3A_94 : vector<1x128xf32> to vector<256x128xf32>
    %add3A_96 = arith.addf %mul3A_89, %add3A_95 : vector<256x128xf32>
    %max3A_97 = arith.constant 0.000000e+00 : f32
    %max3A_98 = vector.broadcast %max3A_97 : f32 to vector<256x128xf32>
    %max3A_99 = arith.maximumf %add3A_96, %max3A_98 : vector<256x128xf32>
    %swap3A_100 = arith.constant 0 : index
    %swap3A_101 = arith.constant 256 : index
    %swap3A_102 = vector.load %arg7[%swap3A_100, %swap3A_101] : memref<256x512xf32, #tpu.memory_space<vmem>>, vector<256x128xf32>
    tpu.vector_store %arg7[%swap3A_100, %swap3A_101], %max3A_99 {strides = array<i32>} : memref<256x512xf32, #tpu.memory_space<vmem>>, vector<256x128xf32>,
    %get3A_103 = arith.constant 2 : index
    %get3A_104 = arith.constant 0 : index
    %get3A_105 = arith.constant 0 : index
    %get3A_106 = vector.load %arg6[%get3A_103, %get3A_104, %get3A_105] : memref<4x128x128xf32, #tpu.memory_space<vmem>>, vector<1x128x128xf32>
    %get3A_107 = vector.shape_cast %get3A_106 : vector<1x128x128xf32> to vector<128x128xf32>
    %dot_general3A_108 = arith.constant dense<0.000000e+00> : vector<256x128xf32>
    %dot_general3A_109 = tpu.matmul %max3A_99, %get3A_107, %dot_general3A_108 {dimension_numbers = #tpu.dot_dimension_numbers<[1], [0], [0], [1], [0, 0, 1, 1], [], []>, transpose_lhs_hint = false} : vector<256x128xf32>, vector<128x128xf32>, vector<256x128xf32> -> vector<256x128xf32>
    %add3A_110 = arith.addf %add3A_76, %dot_general3A_109 : vector<256x128xf32>
    %get3A_111 = arith.constant 3 : index
    %get3A_112 = arith.constant 0 : index
    %get3A_113 = arith.constant 0 : index
    %get3A_114 = vector.load %arg2[%get3A_111, %get3A_112, %get3A_113] : memref<4x256x128xf32, #tpu.memory_space<vmem>>, vector<1x256x128xf32>
    %get3A_115 = vector.shape_cast %get3A_114 : vector<1x256x128xf32> to vector<256x128xf32>
    %get3A_116 = arith.constant 3 : index
    %get3A_117 = arith.constant 0 : index
    %get3A_118 = arith.constant 0 : index
    %get3A_119 = vector.load %arg3[%get3A_116, %get3A_117, %get3A_118] : memref<4x256x128xf32, #tpu.memory_space<vmem>>, vector<1x256x128xf32>
    %get3A_120 = vector.shape_cast %get3A_119 : vector<1x256x128xf32> to vector<256x128xf32>
    %add3A_121 = arith.addf %get3A_115, %get3A_120 : vector<256x128xf32>
    %mul3A_122 = vector.broadcast %rsqrt3A : vector<256x1xf32> to vector<256x128xf32>
    %mul3A_123 = arith.mulf %mul3A_122, %add3A_121 : vector<256x128xf32>
    %get3A_124 = arith.constant 0 : index
    %get3A_125 = arith.constant 384 : index
    %get3A_126 = vector.load %arg5[%get3A_124, %get3A_125] : memref<1x512xf32, #tpu.memory_space<vmem>>, vector<1x128xf32>
    %get3A_127 = vector.shape_cast %get3A_126 : vector<1x128xf32> to vector<128xf32>
    %broadcast_in_dim3A_128 = vector.shape_cast %get3A_127 : vector<128xf32> to vector<1x128xf32>
    %add3A_129 = vector.broadcast %broadcast_in_dim3A_128 : vector<1x128xf32> to vector<256x128xf32>
    %add3A_130 = arith.addf %mul3A_123, %add3A_129 : vector<256x128xf32>
    %max3A_131 = arith.constant 0.000000e+00 : f32
    %max3A_132 = vector.broadcast %max3A_131 : f32 to vector<256x128xf32>
    %max3A_133 = arith.maximumf %add3A_130, %max3A_132 : vector<256x128xf32>
    %swap3A_134 = arith.constant 0 : index
    %swap3A_135 = arith.constant 384 : index
    %swap3A_136 = vector.load %arg7[%swap3A_134, %swap3A_135] : memref<256x512xf32, #tpu.memory_space<vmem>>, vector<256x128xf32>
    tpu.vector_store %arg7[%swap3A_134, %swap3A_135], %max3A_133 {strides = array<i32>} : memref<256x512xf32, #tpu.memory_space<vmem>>, vector<256x128xf32>,
    %get3A_137 = arith.constant 3 : index
    %get3A_138 = arith.constant 0 : index
    %get3A_139 = arith.constant 0 : index
    %get3A_140 = vector.load %arg6[%get3A_137, %get3A_138, %get3A_139] : memref<4x128x128xf32, #tpu.memory_space<vmem>>, vector<1x128x128xf32>
    %get3A_141 = vector.shape_cast %get3A_140 : vector<1x128x128xf32> to vector<128x128xf32>
    %dot_general3A_142 = arith.constant dense<0.000000e+00> : vector<256x128xf32>
    %dot_general3A_143 = tpu.matmul %max3A_133, %get3A_141, %dot_general3A_142 {dimension_numbers = #tpu.dot_dimension_numbers<[1], [0], [0], [1], [0, 0, 1, 1], [], []>, transpose_lhs_hint = false} : vector<256x128xf32>, vector<128x128xf32>, vector<256x128xf32> -> vector<256x128xf32>
    %add3A_144 = arith.addf %add3A_110, %dot_general3A_143 : vector<256x128xf32>
    %mul3A_145 = vector.broadcast %rsqrt3A : vector<256x1xf32> to vector<256x128xf32>
    %mul3A_146 = arith.mulf %add3A_144, %mul3A_145 : vector<256x128xf32>
    %swap3A_147 = arith.constant 0 : index
    %swap3A_148 = arith.constant 0 : index
    %swap3A_149 = arith.constant 0 : index
    %swap3A_150 = vector.load %arg8[%swap3A_147, %swap3A_148, %swap3A_149] : memref<1x256x128xf32, #tpu.memory_space<vmem>>, vector<1x256x128xf32>
    %swap3A_151 = vector.shape_cast %swap3A_150 : vector<1x256x128xf32> to vector<256x128xf32>
    %swap3A_152 = vector.shape_cast %mul3A_146 : vector<256x128xf32> to vector<1x256x128xf32>
    tpu.vector_store %arg8[%swap3A_147, %swap3A_148, %swap3A_149], %swap3A_152 {strides = array<i32>} : memref<1x256x128xf32, #tpu.memory_space<vmem>>, vector<1x256x128xf32>,
    return
  }
  func.func @transform_0(%arg0: i32, %arg1: i32) -> (i32, i32, i32) {
    %c0_i32 = arith.constant 0 : i32
    %c0_i32_0 = arith.constant 0 : i32
    %c0_i32_1 = arith.constant 0 : i32
    return %c0_i32, %arg0, %c0_i32_0 : i32, i32, i32
  }
  func.func @transform_1(%arg0: i32, %arg1: i32) -> (i32, i32, i32) {
    %c0_i32 = arith.constant 0 : i32
    %c0_i32_0 = arith.constant 0 : i32
    %c0_i32_1 = arith.constant 0 : i32
    return %c0_i32, %arg0, %c0_i32_0 : i32, i32, i32
  }
  func.func @transform_2(%arg0: i32, %arg1: i32) -> (i32, i32, i32) {
    %c0_i32 = arith.constant 0 : i32
    %c0_i32_0 = arith.constant 0 : i32
    %c0_i32_1 = arith.constant 0 : i32
    return %c0_i32, %arg0, %c0_i32_0 : i32, i32, i32
  }
  func.func @transform_3(%arg0: i32, %arg1: i32) -> (i32, i32) {
    %c0_i32 = arith.constant 0 : i32
    %c0_i32_0 = arith.constant 0 : i32
    %c0_i32_1 = arith.constant 0 : i32
    return %c0_i32, %c0_i32_0 : i32, i32
  }
  func.func @transform_4(%arg0: i32, %arg1: i32) -> (i32, i32, i32) {
    %c0_i32 = arith.constant 0 : i32
    %c0_i32_0 = arith.constant 0 : i32
    %c0_i32_1 = arith.constant 0 : i32
    return %c0_i32, %c0_i32_0, %arg1 : i32, i32, i32
  }
  func.func @transform_5(%arg0: i32, %arg1: i32) -> (i32, i32) {
    %c0_i32 = arith.constant 0 : i32
    %c0_i32_0 = arith.constant 0 : i32
    return %arg0, %c0_i32 : i32, i32
  }
  func.func @transform_6(%arg0: i32, %arg1: i32) -> (i32, i32, i32) {
    %c0_i32 = arith.constant 0 : i32
    %c0_i32_0 = arith.constant 0 : i32
    return %arg1, %arg0, %c0_i32 : i32, i32, i32
  }
}

module attributes {stable_mosaic.version = 14 : i64} {
  func.func @_final_body(%arg0: i32, %arg1: memref<2x256x128xf32, #tpu.memory_space<vmem>>, %arg2: memref<2x256x128xf32, #tpu.memory_space<vmem>>, %arg3: memref<2x256x128xf32, #tpu.memory_space<vmem>>, %arg4: memref<1x256xf32, #tpu.memory_space<vmem>>, %arg5: memref<256x256xf32, #tpu.memory_space<vmem>>) attributes {dimension_semantics = [#tpu.dimension_semantics<arbitrary>], iteration_bounds = array<i64: 40>, scalar_prefetch = 0 : i64, scratch_operands = 0 : i64, tpu.core_type = #tpu.core_type<tc>, window_params = [{transform_indices = @transform_0, window_bounds = array<i64: 2, 256, 128>}, {transform_indices = @transform_1, window_bounds = array<i64: 2, 256, 128>}, {transform_indices = @transform_2, window_bounds = array<i64: 2, 256, 128>}, {pipeline_mode = #tpu.pipeline_mode<synchronous>, transform_indices = @transform_3, window_bounds = array<i64: 1, 256>}, {transform_indices = @transform_4, window_bounds = array<i64: 256, 256>}]} {
    %get3A = arith.constant 0 : index
    %get3A_0 = arith.constant 0 : index
    %get3A_1 = arith.constant 0 : index
    %get3A_2 = vector.load %arg3[%get3A, %get3A_0, %get3A_1] : memref<2x256x128xf32, #tpu.memory_space<vmem>>, vector<1x256x1xf32>
    %get3A_3 = vector.shape_cast %get3A_2 : vector<1x256x1xf32> to vector<256x1xf32>
    %get3A_4 = arith.constant 1 : index
    %get3A_5 = arith.constant 0 : index
    %get3A_6 = arith.constant 0 : index
    %get3A_7 = vector.load %arg3[%get3A_4, %get3A_5, %get3A_6] : memref<2x256x128xf32, #tpu.memory_space<vmem>>, vector<1x256x1xf32>
    %get3A_8 = vector.shape_cast %get3A_7 : vector<1x256x1xf32> to vector<256x1xf32>
    %add3A = arith.addf %get3A_3, %get3A_8 : vector<256x1xf32>
    %add3A_9 = arith.constant 1.000000e+00 : f32
    %add3A_10 = vector.broadcast %add3A_9 : f32 to vector<256x1xf32>
    %add3A_11 = arith.addf %add3A, %add3A_10 : vector<256x1xf32>
    %rsqrt3A = math.rsqrt %add3A_11 : vector<256x1xf32>
    %get3A_12 = arith.constant 0 : index
    %get3A_13 = arith.constant 0 : index
    %get3A_14 = arith.constant 0 : index
    %get3A_15 = vector.load %arg1[%get3A_12, %get3A_13, %get3A_14] : memref<2x256x128xf32, #tpu.memory_space<vmem>>, vector<1x256x128xf32>
    %get3A_16 = vector.shape_cast %get3A_15 : vector<1x256x128xf32> to vector<256x128xf32>
    %get3A_17 = arith.constant 0 : index
    %get3A_18 = arith.constant 0 : index
    %get3A_19 = arith.constant 0 : index
    %get3A_20 = vector.load %arg2[%get3A_17, %get3A_18, %get3A_19] : memref<2x256x128xf32, #tpu.memory_space<vmem>>, vector<1x256x128xf32>
    %get3A_21 = vector.shape_cast %get3A_20 : vector<1x256x128xf32> to vector<256x128xf32>
    %add3A_22 = arith.addf %get3A_16, %get3A_21 : vector<256x128xf32>
    %mul3A = vector.broadcast %rsqrt3A : vector<256x1xf32> to vector<256x128xf32>
    %mul3A_23 = arith.mulf %mul3A, %add3A_22 : vector<256x128xf32>
    %get3A_24 = arith.constant 0 : index
    %get3A_25 = arith.constant 0 : index
    %get3A_26 = vector.load %arg4[%get3A_24, %get3A_25] : memref<1x256xf32, #tpu.memory_space<vmem>>, vector<1x128xf32>
    %get3A_27 = vector.shape_cast %get3A_26 : vector<1x128xf32> to vector<128xf32>
    %broadcast_in_dim3A = vector.shape_cast %get3A_27 : vector<128xf32> to vector<1x128xf32>
    %add3A_28 = vector.broadcast %broadcast_in_dim3A : vector<1x128xf32> to vector<256x128xf32>
    %add3A_29 = arith.addf %mul3A_23, %add3A_28 : vector<256x128xf32>
    %swap3A = arith.constant 0 : index
    %swap3A_30 = arith.constant 0 : index
    %swap3A_31 = vector.load %arg5[%swap3A, %swap3A_30] : memref<256x256xf32, #tpu.memory_space<vmem>>, vector<256x128xf32>
    tpu.vector_store %arg5[%swap3A, %swap3A_30], %add3A_29 {strides = array<i32>} : memref<256x256xf32, #tpu.memory_space<vmem>>, vector<256x128xf32>,
    %get3A_32 = arith.constant 1 : index
    %get3A_33 = arith.constant 0 : index
    %get3A_34 = arith.constant 0 : index
    %get3A_35 = vector.load %arg1[%get3A_32, %get3A_33, %get3A_34] : memref<2x256x128xf32, #tpu.memory_space<vmem>>, vector<1x256x128xf32>
    %get3A_36 = vector.shape_cast %get3A_35 : vector<1x256x128xf32> to vector<256x128xf32>
    %get3A_37 = arith.constant 1 : index
    %get3A_38 = arith.constant 0 : index
    %get3A_39 = arith.constant 0 : index
    %get3A_40 = vector.load %arg2[%get3A_37, %get3A_38, %get3A_39] : memref<2x256x128xf32, #tpu.memory_space<vmem>>, vector<1x256x128xf32>
    %get3A_41 = vector.shape_cast %get3A_40 : vector<1x256x128xf32> to vector<256x128xf32>
    %add3A_42 = arith.addf %get3A_36, %get3A_41 : vector<256x128xf32>
    %mul3A_43 = vector.broadcast %rsqrt3A : vector<256x1xf32> to vector<256x128xf32>
    %mul3A_44 = arith.mulf %mul3A_43, %add3A_42 : vector<256x128xf32>
    %get3A_45 = arith.constant 0 : index
    %get3A_46 = arith.constant 128 : index
    %get3A_47 = vector.load %arg4[%get3A_45, %get3A_46] : memref<1x256xf32, #tpu.memory_space<vmem>>, vector<1x128xf32>
    %get3A_48 = vector.shape_cast %get3A_47 : vector<1x128xf32> to vector<128xf32>
    %broadcast_in_dim3A_49 = vector.shape_cast %get3A_48 : vector<128xf32> to vector<1x128xf32>
    %add3A_50 = vector.broadcast %broadcast_in_dim3A_49 : vector<1x128xf32> to vector<256x128xf32>
    %add3A_51 = arith.addf %mul3A_44, %add3A_50 : vector<256x128xf32>
    %swap3A_52 = arith.constant 0 : index
    %swap3A_53 = arith.constant 128 : index
    %swap3A_54 = vector.load %arg5[%swap3A_52, %swap3A_53] : memref<256x256xf32, #tpu.memory_space<vmem>>, vector<256x128xf32>
    tpu.vector_store %arg5[%swap3A_52, %swap3A_53], %add3A_51 {strides = array<i32>} : memref<256x256xf32, #tpu.memory_space<vmem>>, vector<256x128xf32>,
    return
  }
  func.func @transform_0(%arg0: i32) -> (i32, i32, i32) {
    %c0_i32 = arith.constant 0 : i32
    %c0_i32_0 = arith.constant 0 : i32
    %c0_i32_1 = arith.constant 0 : i32
    return %c0_i32, %arg0, %c0_i32_0 : i32, i32, i32
  }
  func.func @transform_1(%arg0: i32) -> (i32, i32, i32) {
    %c0_i32 = arith.constant 0 : i32
    %c0_i32_0 = arith.constant 0 : i32
    %c0_i32_1 = arith.constant 0 : i32
    return %c0_i32, %arg0, %c0_i32_0 : i32, i32, i32
  }
  func.func @transform_2(%arg0: i32) -> (i32, i32, i32) {
    %c0_i32 = arith.constant 0 : i32
    %c0_i32_0 = arith.constant 0 : i32
    %c0_i32_1 = arith.constant 0 : i32
    return %c0_i32, %arg0, %c0_i32_0 : i32, i32, i32
  }
  func.func @transform_3(%arg0: i32) -> (i32, i32) {
    %c0_i32 = arith.constant 0 : i32
    %c0_i32_0 = arith.constant 0 : i32
    %c0_i32_1 = arith.constant 0 : i32
    return %c0_i32, %c0_i32_0 : i32, i32
  }
  func.func @transform_4(%arg0: i32) -> (i32, i32) {
    %c0_i32 = arith.constant 0 : i32
    %c0_i32_0 = arith.constant 0 : i32
    return %arg0, %c0_i32 : i32, i32
  }
}

</mosaic_0001>

<sc_bundles>
// kernel: kernel.11.cloned.1.call-start
scs
__scs_entry_jumppad:
0x0: {  	(pc) =	sbr.rel $0x88, $3  }
0x1: {  	(tag) =	ssettag $0x0;
	lr =	simm.s32 $0x1  }
0x2: {  	[smem:$0x3F9B] =	sst lr;
	_ =	strace $0xD0000000  }
0x3: {  	_ = 	snop  }
0x4: {  	_ = 	snop  }
0x5: {  	_ = 	snop  }
0x6: {  	_ = 	snop  }
0x7: {  	_ = 	snop  }
__scs_overlays_trampoline_lowered:
0x8: {  	[smem:$0x3FAA] =	sst s0  }
0x9: {  	[smem:$0x3FAB] =	sst s1  }
0xa: {  	[smem:$0x3FAC] =	sst s2  }
0xb: {  	[smem:$0x3FAD] =	sst s3  }
0xc: {  	[smem:$0x3FAE] =	sst s4  }
0xd: {  	[smem:$0x3FAF] =	sst s5  }
0xe: {  	[smem:$0x3FB0] =	sst s6  }
0xf: {  	[smem:$0x3FB1] =	sst s7  }
0x10: {  	[smem:$0x3FB2] =	sst s8  }
0x11: {  	[smem:$0x3FB3] =	sst s9;
	s0 =	simm.s32 @!p0 $0x0  }
0x12: {  	s1 =	sld [smem:$0x3F99];
	s0 =	simm.s32 @p0 $0x1  }
0x13: {  	[smem:$0x3FB4] =	sst s0;
	s0 =	simm.s32 @!p1 $0x0  }
0x14: {  	s2 =	sld [smem:$0x3F98];
	s0 =	simm.s32 @p1 $0x1  }
0x15: {  	[smem:$0x3FB5] =	sst s0;
	s0 =	simm.s32 @!p2 $0x0  }
0x16: {  	s3 =	sld [smem:$0x3FDB];
	s0 =	simm.s32 @p2 $0x1  }
0x17: {  	s4 =	simm.s32 $0x1BF5;
	[smem:$0x3FB7] =	sst s0  }
0x18: {  	s0 =	sld [smem:$0x3F9A];
	_ =	swait.ge [sflag:s4], $0x0  }
0x19: {  	s7 =	sld [smem:$0x3F9B]  }
0x1a: {  	s8 =	sadd.s32 $0xFFFFE003, lr  }
0x1b: {  	s9 =	sadd.s32 $0xFFFFFEF7, lr;
	s5 =	simm.s32 $0xFFFFFFFF;
	p2 =	slt.u32 s8, $0xFFFFF086  }
0x1c: {  	p1 =	slt.u32 s9, $0xF7A;
	s5 =	simm.s32 @!p2 $0x0  }
0x1d: {  	s5 =	simm.s32 @p1 $0x1;
	p0 =	seq.s32 s7, s2  }
0x1e: {  	s7 =	smul.u32 @!p0 $0xF7A, s2;
	p2 =	seq.s32 @!p0 s5, $0x0  }
0x1f: {  	s9 =	smul.u32 $0xF7A, s1;
	s8 =	simm.s32 @!p0 $0x1BF5;
	p2 =	por !p2, p0  }
0x20: {  	[sflag:s8] =	ssyncset.s32 @!p0 $0xFFFFF086;
	s6 =	sadd.s32 @!p0 s3, s7;
	s7 =	simm.s32 @!p0 $0x108  }
0x21: {  	s3 =	sadd.s32 s3, s9;
	s6 =	sadd.s32 @!p0 $0x88, s6;
	s7 =	simm.s32 @p2 $0x1082  }
0x22: {  	[simem:s7], [sflag:s8] =	dma.local @!p0 [hbm:s6], $0xF7A  }
0x23: {  	s9 =	sor.u32 $0xD0000000, s2;
	s6 =	simm.s32 $0x108;
	_ =	swait.ge @!p0 [sflag:s8], $0x0  }
0x24: {  	s3 =	sadd.s32 $0x88, s3;
	s6 =	simm.s32 @!p1 $0x1082;
	[sflag:s4] =	ssyncset.s32 $0xFFFFF086  }
0x25: {  	[simem:s6], [sflag:s4] =	dma.local [hbm:s3], $0xF7A  }
0x26: {  	[smem:$0x3F9B] =	sst s1;
	(tag) =	ssettag s2;
	_ =	strace s9  }
0x27: {  	s1 =	sld [smem:$0x3FAB]  }
0x28: {  	s2 =	sld [smem:$0x3FAC]  }
0x29: {  	s4 =	sld [smem:$0x3FAE]  }
0x2a: {  	p0 =	seq.s32 s5, $0x0;
	s5 =	sld [smem:$0x3FAF]  }
0x2b: {  	s6 =	sld [smem:$0x3FB0]  }
0x2c: {  	s7 =	sld [smem:$0x3FB1]  }
0x2d: {  	s3 =	simm.s32 $0x108;
	s8 =	sld [smem:$0x3FB2]  }
0x2e: {  	s3 =	simm.s32 @!p0 $0x1082;
	s9 =	sld [smem:$0x3FB3]  }
0x2f: {  	lr =	sadd.s32 s0, s3;
	s0 =	sld [smem:$0x3FAA]  }
0x30: {  	s3 =	sld [smem:$0x3FAD]  }
0x31: {  	[smem:$0x3FB6] =	sst s10  }
0x32: {  	s10 =	sld [smem:$0x3FB4];
	_ =	sdelay $0x3  }
0x33: {  	p0 =	seq.s32 s10, $0x1;
	s10 =	sld [smem:$0x3FB6];
	_ =	sdelay $0x3  }
0x34: {  	[smem:$0x3FB6] =	sst s10  }
0x35: {  	s10 =	sld [smem:$0x3FB5];
	_ =	sdelay $0x3  }
0x36: {  	p1 =	seq.s32 s10, $0x1;
	s10 =	sld [smem:$0x3FB6];
	_ =	sdelay $0x3  }
0x37: {  	[smem:$0x3FB6] =	sst s10  }
0x38: {  	s10 =	sld [smem:$0x3FB7]  }
0x39: {  	_ = 	snop;
	(pc) =	sbr.ind lr, $3  }
0x3a: {  	_ = 	snop  }
0x3b: {  	_ = 	snop  }
0x3c: {  	p2 =	seq.s32 s10, $0x1;
	s10 =	sld [smem:$0x3FB6]  }
0x3d: {  	_ =	shalt  }
0x3e: {  	_ =	shalt  }
0x3f: {  	_ =	shalt  }
0x40: {  	_ =	shalt  }
0x41: {  	_ =	shalt  }
0x42: {  	_ =	shalt  }
0x43: {  	_ =	shalt  }
0x44: {  	_ =	shalt  }
0x45: {  	_ =	shalt  }
0x46: {  	_ =	shalt  }
0x47: {  	_ =	shalt  }
0x48: {  	_ =	shalt  }
0x49: {  	_ =	shalt  }
0x4a: {  	_ =	shalt  }
0x4b: {  	_ =	shalt  }
0x4c: {  	_ =	shalt  }
0x4d: {  	_ =	shalt  }
0x4e: {  	_ =	shalt  }
0x4f: {  	_ =	shalt  }
0x50: {  	_ =	shalt  }
0x51: {  	_ =	shalt  }
0x52: {  	_ =	shalt  }
0x53: {  	_ =	shalt  }
0x54: {  	_ =	shalt  }
0x55: {  	_ =	shalt  }
0x56: {  	_ =	shalt  }
0x57: {  	_ =	shalt  }
0x58: {  	_ =	shalt  }
0x59: {  	_ =	shalt  }
0x5a: {  	_ =	shalt  }
0x5b: {  	_ =	shalt  }
0x5c: {  	_ =	shalt  }
0x5d: {  	_ =	shalt  }
0x5e: {  	_ =	shalt  }
0x5f: {  	_ =	shalt  }
0x60: {  	_ =	shalt  }
0x61: {  	_ =	shalt  }
0x62: {  	_ =	shalt  }
0x63: {  	_ =	shalt  }
0x64: {  	_ =	shalt  }
0x65: {  	_ =	shalt  }
0x66: {  	_ =	shalt  }
0x67: {  	_ =	shalt  }
0x68: {  	_ =	shalt  }
0x69: {  	_ =	shalt  }
0x6a: {  	_ =	shalt  }
0x6b: {  	_ =	shalt  }
0x6c: {  	_ =	shalt  }
0x6d: {  	_ =	shalt  }
0x6e: {  	_ =	shalt  }
0x6f: {  	_ =	shalt  }
0x70: {  	_ =	shalt  }
0x71: {  	_ =	shalt  }
0x72: {  	_ =	shalt  }
0x73: {  	_ =	shalt  }
0x74: {  	_ =	shalt  }
0x75: {  	_ =	shalt  }
0x76: {  	_ =	shalt  }
0x77: {  	_ =	shalt  }
0x78: {  	_ =	shalt  }
0x79: {  	_ =	shalt  }
0x7a: {  	_ =	shalt  }
0x7b: {  	_ =	shalt  }
0x7c: {  	_ =	shalt  }
0x7d: {  	_ =	shalt  }
0x7e: {  	_ =	shalt  }
0x7f: {  	_ =	shalt  }
0x80: {  	_ =	shalt  }
0x81: {  	_ =	shalt  }
0x82: {  	_ =	shalt  }
0x83: {  	_ =	shalt  }
0x84: {  	_ =	shalt  }
0x85: {  	_ =	shalt  }
0x86: {  	_ =	shalt  }
0x87: {  	_ =	shalt  }
.Lfunc_end0:
.L_simem_size_0:
called_computation.1_lowered:
.L_overlay_start_0:
0x88: {  	s2 =	sld [smem:$0x3FD9]  }
0x89: {  	s3 =	sld [smem:$0x3FFE];
	_ =	sdelay $0x1  }
0x8a: {  	s1 =	srdreg.scid  }
0x8b: {  	s0 =	sand.u32 $0x1, s1  }
0x8c: {  	s14 =	sshll.u32 s0, $0xA;
	s2 =	sadd.s32 s3, s2  }
0x8d: {  	s2 =	sadd.s32 s2, s14  }
0x8e: {  	[smem:$0x3FC2] =	sst s2  }
0x8f: {  	_ = 	snop  }
0x90: {  	s2 =	sld [smem:$0x3FD0];
	_ =	sdelay $0x2  }
0x91: {  	s15 =	simm.s32 $0xA;
	s4 =	simm.s32 $0x10  }
0x92: {  	[smem:s4], [sflag:s15] =	dma.local [hbm:s2], $0x1  }
0x93: {  	_ =	swait.eq [sflag:s15], $0x1  }
0x94: {  	[sflag:s15] =	ssyncset.done $0x0  }
0x95: {  	s16 =	sld [smem:$0x10];
	[sflag:s15] =	ssyncadd.s32 $0xFFFFFFFF  }
0x96: {  	s17 =	sld [smem:$0x11];
	(tm) =	ssettm $0x1  }
0x97: {  	s18 =	sld [smem:$0x3FFB];
	_ =	sdelay $0x3  }
0x98: {  	_ =	strace s18  }
0x99: {  	s4 =	sld [smem:$0x3FFC];
	_ =	sdelay $0x3  }
0x9a: {  	_ =	strace s4  }
0x9b: {  	s4 =	sld [smem:$0x3FFD];
	_ =	sdelay $0x3  }
0x9c: {  	_ =	strace s4  }
0x9d: {  	_ =	strace $0x8FFFFFFF  }
0x9e: {  	s19 =	sld [smem:$0x3FDB];
	_ =	sdelay $0x1  }
0x9f: {  	s5 =	simm.s32 $_scs_section_size  }
0xa0: {  	s6 =	simm.s32 $_size__tile_overlayer_lowered;
	s7 =	simm.s32 $_tile_overlayer_lowered  }
0xa1: {  	s22 =	simm.s32 $0x1BFF;
	s21 =	sshll.u32 s7, $0x1;
	s4 =	sadd.s32 s5, s19  }
0xa2: {  	s8 =	simm.s32 $0x0;
	s20 =	sshll.u32 s6, $0x1;
	s6 =	sadd.s32 s21, s4  }
0xa3: {  	[timem:s8], [sflag:s22] =	dma.local [hbm:s6], s20  }
0xa4: {  	_ =	swait.ge [sflag:s22], s20  }
0xa5: {  	s5 =	ssub.s32 $0x0, s20;
	[sflag:s22] =	ssyncset.done $0x0  }
0xa6: {  	[sflag:s22] =	ssyncadd.s32 s5;
	_ =	sdelay $0x1  }
0xa7: {  	s23 =	simm.s32 $0x1B8B  }
0xa8: {  	_ =	swait.ge [sflag:s23], $0x1  }
0xa9: {  	[sflag:s23] =	ssyncset.done $0x0  }
0xaa: {  	s25 =	simm.s32 $0x1B8E;
	s24 =	sld [smem:$0x3FFE];
	[sflag:s23] =	ssyncadd.s32 $0xFFFFFFFF  }
0xab: {  	s26 =	simm.s32 $execute0_lowered;
	[smem:$0x3FD2] =	sst s25  }
0xac: {  	s6 =	sshll.u32 s26, $0x1;
	_ =	strace $0x80000049;
	[dreg:$0x1] =	wrdreg $0xFFFFFFFF  }
0xad: {  	s28 =	simm.s32 $_size_execute0_lowered;
	s4 =	sadd.s32 s4, s6;
	[dreg:$0x0] =	wrdreg $0x0  }
0xae: {  	s6 =	sshll.u32 s28, $0x1;
	[dreg:$0x2] =	wrdreg s4  }
0xaf: {  	[dreg:$0x3] =	wrdreg s6  }
0xb0: {  	[dreg:$0x4] =	wrdreg $0xC0  }
0xb1: {  	_ =	task [dreg:s8], $0x5FFFF  }
0xb2: {  	[dreg:$0x1] =	wrdreg $0xFFFFFFFF  }
0xb3: {  	[dreg:$0x0] =	wrdreg $0x60  }
0xb4: {  	[dreg:$0x2] =	wrdreg s24  }
0xb5: {  	[dreg:$0x3] =	wrdreg s17  }
0xb6: {  	[dreg:$0x4] =	wrdreg s16  }
0xb7: {  	[dreg:$0x5] =	wrdreg $0x90000  }
0xb8: {  	[dreg:$0x6] =	wrdreg $0x9  }
0xb9: {  	_ =	task.clear_ibuf [dreg:s8], $0x7FFFF;
	_ =	strace $0x90000049  }
0xba: {  	s29 =	simm.s32 $0x9;
	_ =	strace $0x8000004B  }
0xbb: {  	_ =	swait.ge [sflag:s29], $0x1  }
0xbc: {  	[sflag:s29] =	ssyncadd.s32 $0xFFFFFFFF  }
0xbd: {  	_ =	strace $0x9000004B  }
0xbe: {  	_ =	sfence  }
0xbf: {  	s30 =	sld [smem:$0x0];
	_ =	sdelay $0x2  }
0xc0: {  	s31 =	sshll.u32 s1, $0xD;
	s1 =	sshrl.u32 s1, $0x2  }
0xc1: {  	s3 =	sand.u32 $0x4000, s31;
	s1 =	sadd.s32 s1, s30  }
0xc2: {  	s0 =	sor.u32 s3, s0;
	s1 =	sshll.u32 s1, $0x11  }
0xc3: {  	s0 =	sor.u32 s1, s0  }
0xc4: {  	s0 =	sadd.s32 $0x8F2B, s0  }
0xc5: {  	[sflag:s0] =	ssyncadd.remote.s32 $0x1  }
0xc6: {  	_ =	sfence.sel $0xFFFF  }
0xc7: {  	[dreg:$0x0] =	wrdreg $0xFFFFFFFF;
	(pc) =	sbr.abs _section_cstart, $3  }
0xc8: {  	[dreg:$0x1] =	wrdreg $0xFFFFFFFF  }
0xc9: {  	_ =	task.clear_ibuf [dreg:s8], $0x2FFFF;
	_ =	strace $0x9FFFFFFF  }
0xca: {  	(tm) =	ssettm $0x7FFFFFFF  }
0xcb: {  	_ =	shalt  }
tec
execute0_lowered:
.L_overlay_start_1:
0x0: {  	(tag) =	ssettag $0x1  }
0x1: {  	s0 =	rddreg [dreg:$0x0]  }
0x2: {  	s1 =	rddreg [dreg:$0x1]  }
0x3: {  	s2 =	rddreg [dreg:$0x2]  }
0x4: {  	s4 =	rddreg [dreg:$0x3]  }
0x5: {  	s5 =	simm.s32 $0x0;
	s12 =	stileid.u32;
	s8 =	srdreg.scid  }
0x6: {  	s19 =	simm.s32 $0x3;
	s20 =	simm.s32 $0x800;
	s21 =	simm.s32 $0x80  }
0x7: {  	s22 =	simm.s32 $0x1000;
	s28 =	simm.s32 $0x880;
	s3 =	smul.u32 $0x500, s12  }
0x8: {  	[smem:$0x7FF] =	sst s5;
	s6 =	sadd.s32 $0x128000, s0;
	s9 =	smul.u32 $0x50000, s12  }
0x9: {  	s7 =	sadd.s32 $0x100000, s0;
	s8 =	sand.u32 $0x1, s8;
	s11 =	smul.u32 $0x14000, s12  }
0xa: {  	s10 =	sadd.s32 $0x8800, s0;
	s25 =	sshll.u32 s12, $0x6;
	s26 =	smul.u32 $0x2800, s12  }
0xb: {  	_ =	strace $0x8000004A;
	[dreg:$0x5] =	wrdreg s10;
	s23 =	ssub.s32 $0x2, s8  }
0xc: {  	s18 =	sor.u32 $0x1C03, s25;
	p0 =	sne.s32 s8, $0x0;
	s25 =	simm.s32 $0x100  }
0xd: {  	s3 =	sadd.s32 s3, s0;
	s0 =	sadd.s32 $0x150000, s0;
	s24 =	sshrl.u32 s23, $0x1  }
0xe: {  	s9 =	sshrl.u32 s9, $0x2;
	[dreg:$0x8] =	wrdreg s26;
	s29 =	sshrl.u32 s11, $0x3  }
0xf: {  	s30 =	sadd.s32 $0x3C0000, s11;
	s31 =	sadd.s32 $0x140000, s11;
	[dreg:$0x7] =	wrdreg s18  }
0x10: {  	s26 =	simm.s32 $0x2;
	[dreg:$0x6] =	wrdreg s0;
	s0 =	ssub.s32 s23, s24  }
.Ltmp0:
0x11: {  	s9 =	sadd.s32 s9, s4;
	[dreg:$0xa] =	wrdreg s30;
	(pc) =	sbr.rel .LBB2_1-.Ltmp0, $4  }
0x12: {  	s10 =	sadd.s32 $0x50000, s29;
	[dreg:$0xb] =	wrdreg s31;
	s16 =	sadd.s32 $0x3800, s3  }
0x13: {  	s17 =	sadd.s32 $0x5B000, s3;
	[dreg:$0x9] =	wrdreg s10;
	s0 =	smax.u32 s0, $0x1  }
0x14: {  	s23 =	simm.s32 $0x5000;
	s10 =	sshrl.u32 s9, $0x3;
	[dreg:$0xc] =	wrdreg s0  }
0x15: {  	s24 =	simm.s32 $0x1;
	s0 =	simm.s32 $0x0;
	[dreg:$0xd] =	wrdreg s10  }
.LBB2_14:
0x16: {  	s10 =	sadd.s32 s9, s17;
	[sflag:s19] =	ssyncadd.s32 $0xFFFFC000  }
0x17: {  	[tilespmem:s5], [sflag:$0x3] =	stream.linear.gather [hbm4b:s10+s5], $0x800, $0x38;
	[tilespmem:$0x1D000] =	vst v63  }
0x18: {  	_ =	swait.ge [sflag:s19], $0x800  }
0x19: {  	[sflag:s19] =	ssyncset.done $0x0  }
0x1a: {  	s18 =	sadd.s32 s9, s16;
	[sflag:s19] =	ssyncadd.s32 $0xFFFFF800  }
0x1b: {  	[tilespmem:s20], [sflag:$0x3] =	stream.linear.gather [hbm4b:s18+s5], $0x800, $0x38;
	[tilespmem:$0x1D000] =	vst v63  }
0x1c: {  	_ =	swait.ge [sflag:s19], $0x800  }
0x1d: {  	[sflag:s19] =	ssyncset.done $0x0  }
0x1e: {  	[sflag:s19] =	ssyncadd.s32 $0xFFFFF800  }
0x1f: {  	[tilespmem:s22], [sflag:$0x1] =	stream.indirect.gather [hbm4b:s2+s21], $0x80, s5, s21, $0xb8;
	[tilespmem:$0x1D000] =	vst v63  }
0x20: {  	_ = 	snop  }
0x21: {  	[tilespmem:s23], [sflag:$0x2] =	stream.indirect.gather [hbm4b:s2+s21], $0x80, s21, s21, $0xb8;
	[tilespmem:$0x1D000] =	vst v63  }
0x22: {  	_ =	swait.ge [sflag:s24], $0x4000  }
0x23: {  	[sflag:s24] =	ssyncset.done $0x0  }
0x24: {  	[sflag:s24] =	ssyncadd.s32 $0xFFFFC000  }
0x25: {  	[spmem:s4] =	stream.indirect.scatter.add.f32 [tilespmem:s22], [sflag:$0x3], $0x80, s20, s21, $0xb8;
	[tilespmem:$0x1D000] =	vst v63  }
0x26: {  	_ =	swait.ge [sflag:s19], $0x4000  }
0x27: {  	[sflag:s19] =	ssyncset.done $0x0  }
0x28: {  	[sflag:s19] =	ssyncadd.s32 $0xFFFFC000  }
0x29: {  	[tilespmem:s22], [sflag:$0x1] =	stream.indirect.gather [hbm4b:s2+s21], $0x80, s25, s21, $0xb8;
	[tilespmem:$0x1D000] =	vst v63  }
0x2a: {  	_ =	swait.ge [sflag:s26], $0x4000  }
0x2b: {  	[sflag:s26] =	ssyncset.done $0x0  }
0x2c: {  	[sflag:s26] =	ssyncadd.s32 $0xFFFFC000  }
0x2d: {  	[spmem:s4] =	stream.indirect.scatter.add.f32 [tilespmem:s23], [sflag:$0x3], $0x80, s28, s21, $0xb8;
	[tilespmem:$0x1D000] =	vst v63  }
0x2e: {  	_ =	swait.ge [sflag:s19], $0x4000  }
0x2f: {  	[sflag:s19] =	ssyncset.done $0x0  }
0x30: {  	[sflag:s19] =	ssyncadd.s32 $0xFFFFC000  }
0x31: {  	[tilespmem:s23], [sflag:$0x2] =	stream.indirect.gather [hbm4b:s2+s21], $0x80, s29, s21, $0xb8;
	[tilespmem:$0x1D000] =	vst v63  }
0x32: {  	_ =	swait.ge [sflag:s24], $0x4000  }
0x33: {  	[sflag:s24] =	ssyncset.done $0x0  }
0x34: {  	[sflag:s24] =	ssyncadd.s32 $0xFFFFC000  }
0x35: {  	[spmem:s4] =	stream.indirect.scatter.add.f32 [tilespmem:s22], [sflag:$0x3], $0x80, s30, s21, $0xb8;
	[tilespmem:$0x1D000] =	vst v63  }
0x36: {  	_ =	swait.ge [sflag:s19], $0x4000  }
0x37: {  	[sflag:s19] =	ssyncset.done $0x0  }
0x38: {  	[sflag:s19] =	ssyncadd.s32 $0xFFFFC000  }
0x39: {  	[tilespmem:s22], [sflag:$0x1] =	stream.indirect.gather [hbm4b:s2+s21], $0x80, s31, s21, $0xb8;
	[tilespmem:$0x1D000] =	vst v63  }
0x3a: {  	_ =	swait.ge [sflag:s26], $0x4000  }
0x3b: {  	[sflag:s26] =	ssyncset.done $0x0  }
0x3c: {  	[sflag:s26] =	ssyncadd.s32 $0xFFFFC000  }
0x3d: {  	[spmem:s4] =	stream.indirect.scatter.add.f32 [tilespmem:s23], [sflag:$0x3], $0x80, s0, s21, $0xb8;
	[tilespmem:$0x1D000] =	vst v63  }
0x3e: {  	_ =	swait.ge [sflag:s19], $0x4000  }
0x3f: {  	[sflag:s19] =	ssyncset.done $0x0  }
0x40: {  	[sflag:s19] =	ssyncadd.s32 $0xFFFFC000  }
0x41: {  	[tilespmem:s23], [sflag:$0x2] =	stream.indirect.gather [hbm4b:s2+s21], $0x80, s3, s21, $0xb8;
	[tilespmem:$0x1D000] =	vst v63  }
0x42: {  	_ =	swait.ge [sflag:s24], $0x4000  }
0x43: {  	[sflag:s24] =	ssyncset.done $0x0  }
0x44: {  	[sflag:s24] =	ssyncadd.s32 $0xFFFFC000  }
0x45: {  	[spmem:s4] =	stream.indirect.scatter.add.f32 [tilespmem:s22], [sflag:$0x3], $0x80, s11, s21, $0xb8;
	[tilespmem:$0x1D000] =	vst v63  }
0x46: {  	_ =	swait.ge [sflag:s19], $0x4000  }
0x47: {  	[sflag:s19] =	ssyncset.done $0x0  }
0x48: {  	[sflag:s19] =	ssyncadd.s32 $0xFFFFC000  }
0x49: {  	[tilespmem:s22], [sflag:$0x1] =	stream.indirect.gather [hbm4b:s2+s21], $0x80, s12, s21, $0xb8;
	[tilespmem:$0x1D000] =	vst v63  }
0x4a: {  	_ =	swait.ge [sflag:s26], $0x4000  }
0x4b: {  	[sflag:s26] =	ssyncset.done $0x0  }
0x4c: {  	[sflag:s26] =	ssyncadd.s32 $0xFFFFC000  }
0x4d: {  	[spmem:s4] =	stream.indirect.scatter.add.f32 [tilespmem:s23], [sflag:$0x3], $0x80, s13, s21, $0xb8;
	[tilespmem:$0x1D000] =	vst v63  }
0x4e: {  	_ =	swait.ge [sflag:s19], $0x4000  }
0x4f: {  	[sflag:s19] =	ssyncset.done $0x0  }
0x50: {  	[sflag:s19] =	ssyncadd.s32 $0xFFFFC000  }
0x51: {  	[tilespmem:s23], [sflag:$0x2] =	stream.indirect.gather [hbm4b:s2+s21], $0x80, s14, s21, $0xb8;
	[tilespmem:$0x1D000] =	vst v63  }
0x52: {  	_ =	swait.ge [sflag:s24], $0x4000  }
0x53: {  	[sflag:s24] =	ssyncset.done $0x0  }
0x54: {  	[sflag:s24] =	ssyncadd.s32 $0xFFFFC000  }
0x55: {  	[spmem:s4] =	stream.indirect.scatter.add.f32 [tilespmem:s22], [sflag:$0x3], $0x80, s15, s21, $0xb8;
	[tilespmem:$0x1D000] =	vst v63  }
0x56: {  	_ =	swait.ge [sflag:s19], $0x4000  }
0x57: {  	[sflag:s19] =	ssyncset.done $0x0  }
0x58: {  	[sflag:s19] =	ssyncadd.s32 $0xFFFFC000  }
0x59: {  	[tilespmem:s22], [sflag:$0x1] =	stream.indirect.gather [hbm4b:s2+s21], $0x80, s8, s21, $0xb8;
	[tilespmem:$0x1D000] =	vst v63  }
0x5a: {  	_ =	swait.ge [sflag:s26], $0x4000  }
0x5b: {  	[sflag:s26] =	ssyncset.done $0x0  }
0x5c: {  	s29 =	simm.s32 $0xB80;
	[sflag:s26] =	ssyncadd.s32 $0xFFFFC000  }
0x5d: {  	[spmem:s4] =	stream.indirect.scatter.add.f32 [tilespmem:s23], [sflag:$0x3], $0x80, s29, s21, $0xb8;
	[tilespmem:$0x1D000] =	vst v63  }
0x5e: {  	_ =	swait.ge [sflag:s19], $0x4000  }
0x5f: {  	[sflag:s19] =	ssyncset.done $0x0  }
0x60: {  	s30 =	simm.s32 $0x480;
	[sflag:s19] =	ssyncadd.s32 $0xFFFFC000  }
0x61: {  	[tilespmem:s23], [sflag:$0x2] =	stream.indirect.gather [hbm4b:s2+s21], $0x80, s30, s21, $0xb8;
	[tilespmem:$0x1D000] =	vst v63  }
0x62: {  	_ =	swait.ge [sflag:s24], $0x4000  }
0x63: {  	[sflag:s24] =	ssyncset.done $0x0  }
0x64: {  	s31 =	simm.s32 $0xC00;
	[sflag:s24] =	ssyncadd.s32 $0xFFFFC000  }
0x65: {  	[spmem:s4] =	stream.indirect.scatter.add.f32 [tilespmem:s22], [sflag:$0x3], $0x80, s31, s21, $0xb8;
	[tilespmem:$0x1D000] =	vst v63  }
0x66: {  	_ =	swait.ge [sflag:s19], $0x4000  }
0x67: {  	[sflag:s19] =	ssyncset.done $0x0  }
0x68: {  	s3 =	simm.s32 $0x500;
	[sflag:s19] =	ssyncadd.s32 $0xFFFFC000  }
0x69: {  	[tilespmem:s22], [sflag:$0x1] =	stream.indirect.gather [hbm4b:s2+s21], $0x80, s3, s21, $0xb8;
	[tilespmem:$0x1D000] =	vst v63  }
0x6a: {  	_ =	swait.ge [sflag:s26], $0x4000  }
0x6b: {  	[sflag:s26] =	ssyncset.done $0x0  }
0x6c: {  	s8 =	simm.s32 $0xC80;
	[sflag:s26] =	ssyncadd.s32 $0xFFFFC000  }
0x6d: {  	[spmem:s4] =	stream.indirect.scatter.add.f32 [tilespmem:s23], [sflag:$0x3], $0x80, s8, s21, $0xb8;
	[tilespmem:$0x1D000] =	vst v63  }
0x6e: {  	_ =	swait.ge [sflag:s19], $0x4000  }
0x6f: {  	[sflag:s19] =	ssyncset.done $0x0  }
0x70: {  	s9 =	simm.s32 $0x580;
	[sflag:s19] =	ssyncadd.s32 $0xFFFFC000  }
0x71: {  	[tilespmem:s23], [sflag:$0x2] =	stream.indirect.gather [hbm4b:s2+s21], $0x80, s9, s21, $0xb8;
	[tilespmem:$0x1D000] =	vst v63  }
0x72: {  	_ =	swait.ge [sflag:s24], $0x4000  }
0x73: {  	[sflag:s24] =	ssyncset.done $0x0  }
0x74: {  	s10 =	simm.s32 $0xD00;
	[sflag:s24] =	ssyncadd.s32 $0xFFFFC000  }
0x75: {  	[spmem:s4] =	stream.indirect.scatter.add.f32 [tilespmem:s22], [sflag:$0x3], $0x80, s10, s21, $0xb8;
	[tilespmem:$0x1D000] =	vst v63  }
0x76: {  	_ =	swait.ge [sflag:s19], $0x4000  }
0x77: {  	[sflag:s19] =	ssyncset.done $0x0  }
0x78: {  	s11 =	simm.s32 $0x600;
	[sflag:s19] =	ssyncadd.s32 $0xFFFFC000  }
0x79: {  	[tilespmem:s22], [sflag:$0x1] =	stream.indirect.gather [hbm4b:s2+s21], $0x80, s11, s21, $0xb8;
	[tilespmem:$0x1D000] =	vst v63  }
0x7a: {  	_ =	swait.ge [sflag:s26], $0x4000  }
0x7b: {  	[sflag:s26] =	ssyncset.done $0x0  }
0x7c: {  	s12 =	simm.s32 $0xD80;
	[sflag:s26] =	ssyncadd.s32 $0xFFFFC000  }
0x7d: {  	[spmem:s4] =	stream.indirect.scatter.add.f32 [tilespmem:s23], [sflag:$0x3], $0x80, s12, s21, $0xb8;
	[tilespmem:$0x1D000] =	vst v63  }
0x7e: {  	_ =	swait.ge [sflag:s19], $0x4000  }
0x7f: {  	[sflag:s19] =	ssyncset.done $0x0  }
0x80: {  	s13 =	simm.s32 $0x680;
	[sflag:s19] =	ssyncadd.s32 $0xFFFFC000  }
0x81: {  	[tilespmem:s23], [sflag:$0x2] =	stream.indirect.gather [hbm4b:s2+s21], $0x80, s13, s21, $0xb8;
	[tilespmem:$0x1D000] =	vst v63  }
0x82: {  	_ =	swait.ge [sflag:s24], $0x4000  }
0x83: {  	[sflag:s24] =	ssyncset.done $0x0  }
0x84: {  	s14 =	simm.s32 $0xE00;
	[sflag:s24] =	ssyncadd.s32 $0xFFFFC000  }
0x85: {  	[spmem:s4] =	stream.indirect.scatter.add.f32 [tilespmem:s22], [sflag:$0x3], $0x80, s14, s21, $0xb8;
	[tilespmem:$0x1D000] =	vst v63  }
0x86: {  	_ =	swait.ge [sflag:s19], $0x4000  }
0x87: {  	[sflag:s19] =	ssyncset.done $0x0  }
0x88: {  	s15 =	simm.s32 $0x700;
	[sflag:s19] =	ssyncadd.s32 $0xFFFFC000  }
0x89: {  	[tilespmem:s22], [sflag:$0x1] =	stream.indirect.gather [hbm4b:s2+s21], $0x80, s15, s21, $0xb8;
	[tilespmem:$0x1D000] =	vst v63  }
0x8a: {  	_ =	swait.ge [sflag:s26], $0x4000  }
0x8b: {  	[sflag:s26] =	ssyncset.done $0x0  }
0x8c: {  	s18 =	simm.s32 $0xE80;
	[sflag:s26] =	ssyncadd.s32 $0xFFFFC000  }
0x8d: {  	[spmem:s4] =	stream.indirect.scatter.add.f32 [tilespmem:s23], [sflag:$0x3], $0x80, s18, s21, $0xb8;
	[tilespmem:$0x1D000] =	vst v63  }
0x8e: {  	_ =	swait.ge [sflag:s19], $0x4000  }
0x8f: {  	[sflag:s19] =	ssyncset.done $0x0  }
0x90: {  	s29 =	simm.s32 $0x780;
	[sflag:s19] =	ssyncadd.s32 $0xFFFFC000  }
0x91: {  	[tilespmem:s23], [sflag:$0x2] =	stream.indirect.gather [hbm4b:s2+s21], $0x80, s29, s21, $0xb8;
	[tilespmem:$0x1D000] =	vst v63  }
0x92: {  	_ =	swait.ge [sflag:s24], $0x4000  }
0x93: {  	[sflag:s24] =	ssyncset.done $0x0  }
0x94: {  	s30 =	simm.s32 $0xF00;
	[sflag:s24] =	ssyncadd.s32 $0xFFFFC000  }
0x95: {  	[spmem:s4] =	stream.indirect.scatter.add.f32 [tilespmem:s22], [sflag:$0x3], $0x80, s30, s21, $0xb8;
	[tilespmem:$0x1D000] =	vst v63  }
0x96: {  	_ =	swait.ge [sflag:s19], $0x4000  }
0x97: {  	[sflag:s19] =	ssyncset.done $0x0  }
0x98: {  	[sflag:s19] =	ssyncadd.s32 $0xFFFFC000  }
0x99: {  	_ =	swait.ge [sflag:s26], $0x4000  }
0x9a: {  	[sflag:s26] =	ssyncset.done $0x0  }
0x9b: {  	s31 =	simm.s32 $0xF80;
	[sflag:s26] =	ssyncadd.s32 $0xFFFFC000  }
0x9c: {  	[spmem:s4] =	stream.indirect.scatter.add.f32 [tilespmem:s23], [sflag:$0x3], $0x80, s31, s21, $0xb8;
	[tilespmem:$0x1D000] =	vst v63  }
0x9d: {  	_ =	swait.ge [sflag:s19], $0x4000  }
0x9e: {  	[sflag:s19] =	ssyncset.done $0x0;
	s9 =	rddreg [dreg:$0xa]  }
0x9f: {  	s0 =	rddreg [dreg:$0xe];
	[sflag:s19] =	ssyncadd.s32 $0xFFFFC000  }
.LBB2_15:
0xa0: {  	s10 =	rddreg [dreg:$0x6];
	[bflag:$0x0] =	sbarrier.arrive $0xFFFF  }
0xa1: {  	s9 =	sshrl.u32 s9, $0x3;
	s18 =	rddreg [dreg:$0x7]  }
0xa2: {  	s9 =	sadd.s32 s10, s9;
	s10 =	rddreg [dreg:$0xd]  }
0xa3: {  	[hbm:s9], [sflag:s18] =	dma.local [spmem:s10], $0x2800  }
0xa4: {  	_ =	swait.ge [sflag:s19], $0x2800  }
0xa5: {  	s0 =	sadd.s32 $0x1, s0;
	s31 =	rddreg [dreg:$0xc]  }
0xa6: {  	p1 =	sne.s32 s0, s31  }
.Ltmp1:
0xa7: {  	_ = 	snop;
	(pc) =	sbr.rel @!p1 .LBB2_16-.Ltmp1, $3  }
0xa8: {  	_ =	sdelay $0x1  }
0xa9: {  	[sflag:s19] =	ssyncset.done $0x0  }
0xaa: {  	[sflag:s19] =	ssyncadd.s32 $0xFFFFD800  }
.LBB2_1:
0xab: {  	[dreg:$0xe] =	wrdreg s0  }
0xac: {  	s9 =	rddreg [dreg:$0x5]  }
0xad: {  	[spmem:s10], [sflag:s18] =	dma.local [hbm:s9], $0x2800  }
.Ltmp2:
0xae: {  	_ =	swait.ge [sflag:s19], $0x2800;
	(pc) =	sbr.rel @p0 .LBB2_5-.Ltmp2, $4  }
0xaf: {  	[sflag:s19] =	ssyncset.done $0x0  }
0xb0: {  	[sflag:s19] =	ssyncadd.s32 $0xFFFFD800  }
0xb1: {  	[bflag:$0x0] =	sbarrier.arrive $0xFFFF  }
0xb2: {  	s9 =	sadd.s32 $0x0, s17  }
0xb3: {  	[tilespmem:s5], [sflag:$0x3] =	stream.linear.gather [hbm4b:s9+s5], $0x800, $0x38;
	[tilespmem:$0x1D000] =	vst v63  }
0xb4: {  	_ =	swait.ge [sflag:s19], $0x800  }
0xb5: {  	[sflag:s19] =	ssyncset.done $0x0  }
0xb6: {  	s8 =	sadd.s32 $0x0, s16;
	[sflag:s19] =	ssyncadd.s32 $0xFFFFF800  }
0xb7: {  	[tilespmem:s20], [sflag:$0x3] =	stream.linear.gather [hbm4b:s8+s5], $0x800, $0x38;
	[tilespmem:$0x1D000] =	vst v63  }
0xb8: {  	_ =	swait.ge [sflag:s19], $0x800  }
0xb9: {  	[sflag:s19] =	ssyncset.done $0x0  }
0xba: {  	[sflag:s19] =	ssyncadd.s32 $0xFFFFF800  }
0xbb: {  	[tilespmem:s22], [sflag:$0x1] =	stream.indirect.gather [hbm4b:s6+s21], $0x80, s5, s21, $0xb8;
	[tilespmem:$0x1D000] =	vst v63  }
0xbc: {  	_ = 	snop  }
0xbd: {  	[tilespmem:s23], [sflag:$0x2] =	stream.indirect.gather [hbm4b:s6+s21], $0x80, s21, s21, $0xb8;
	[tilespmem:$0x1D000] =	vst v63  }
0xbe: {  	_ =	swait.ge [sflag:s24], $0x4000  }
0xbf: {  	[sflag:s24] =	ssyncset.done $0x0  }
0xc0: {  	[sflag:s24] =	ssyncadd.s32 $0xFFFFC000  }
0xc1: {  	[spmem:s4] =	stream.indirect.scatter.add.f32 [tilespmem:s22], [sflag:$0x3], $0x80, s20, s21, $0xb8;
	[tilespmem:$0x1D000] =	vst v63  }
0xc2: {  	_ =	swait.ge [sflag:s19], $0x4000  }
0xc3: {  	[sflag:s19] =	ssyncset.done $0x0  }
0xc4: {  	[sflag:s19] =	ssyncadd.s32 $0xFFFFC000  }
0xc5: {  	[tilespmem:s22], [sflag:$0x1] =	stream.indirect.gather [hbm4b:s6+s21], $0x80, s25, s21, $0xb8;
	[tilespmem:$0x1D000] =	vst v63  }
0xc6: {  	_ =	swait.ge [sflag:s26], $0x4000  }
0xc7: {  	[sflag:s26] =	ssyncset.done $0x0  }
0xc8: {  	[sflag:s26] =	ssyncadd.s32 $0xFFFFC000  }
0xc9: {  	[spmem:s4] =	stream.indirect.scatter.add.f32 [tilespmem:s23], [sflag:$0x3], $0x80, s28, s21, $0xb8;
	[tilespmem:$0x1D000] =	vst v63  }
0xca: {  	_ =	swait.ge [sflag:s19], $0x4000  }
0xcb: {  	[sflag:s19] =	ssyncset.done $0x0  }
0xcc: {  	s29 =	simm.s32 $0x180;
	[sflag:s19] =	ssyncadd.s32 $0xFFFFC000  }
0xcd: {  	[tilespmem:s23], [sflag:$0x2] =	stream.indirect.gather [hbm4b:s6+s21], $0x80, s29, s21, $0xb8;
	[tilespmem:$0x1D000] =	vst v63  }
0xce: {  	_ =	swait.ge [sflag:s24], $0x4000  }
0xcf: {  	[sflag:s24] =	ssyncset.done $0x0  }
0xd0: {  	s30 =	simm.s32 $0x900;
	[sflag:s24] =	ssyncadd.s32 $0xFFFFC000  }
0xd1: {  	[spmem:s4] =	stream.indirect.scatter.add.f32 [tilespmem:s22], [sflag:$0x3], $0x80, s30, s21, $0xb8;
	[tilespmem:$0x1D000] =	vst v63  }
0xd2: {  	_ =	swait.ge [sflag:s19], $0x4000  }
0xd3: {  	[sflag:s19] =	ssyncset.done $0x0  }
0xd4: {  	s31 =	simm.s32 $0x200;
	[sflag:s19] =	ssyncadd.s32 $0xFFFFC000  }
0xd5: {  	[tilespmem:s22], [sflag:$0x1] =	stream.indirect.gather [hbm4b:s6+s21], $0x80, s31, s21, $0xb8;
	[tilespmem:$0x1D000] =	vst v63  }
0xd6: {  	_ =	swait.ge [sflag:s26], $0x4000  }
0xd7: {  	[sflag:s26] =	ssyncset.done $0x0  }
0xd8: {  	s0 =	simm.s32 $0x980;
	[sflag:s26] =	ssyncadd.s32 $0xFFFFC000  }
0xd9: {  	[spmem:s4] =	stream.indirect.scatter.add.f32 [tilespmem:s23], [sflag:$0x3], $0x80, s0, s21, $0xb8;
	[tilespmem:$0x1D000] =	vst v63  }
0xda: {  	_ =	swait.ge [sflag:s19], $0x4000  }
0xdb: {  	[sflag:s19] =	ssyncset.done $0x0  }
0xdc: {  	s3 =	simm.s32 $0x280;
	[sflag:s19] =	ssyncadd.s32 $0xFFFFC000  }
0xdd: {  	[tilespmem:s23], [sflag:$0x2] =	stream.indirect.gather [hbm4b:s6+s21], $0x80, s3, s21, $0xb8;
	[tilespmem:$0x1D000] =	vst v63  }
0xde: {  	_ =	swait.ge [sflag:s24], $0x4000  }
0xdf: {  	[sflag:s24] =	ssyncset.done $0x0  }
0xe0: {  	s11 =	simm.s32 $0xA00;
	[sflag:s24] =	ssyncadd.s32 $0xFFFFC000  }
0xe1: {  	[spmem:s4] =	stream.indirect.scatter.add.f32 [tilespmem:s22], [sflag:$0x3], $0x80, s11, s21, $0xb8;
	[tilespmem:$0x1D000] =	vst v63  }
0xe2: {  	_ =	swait.ge [sflag:s19], $0x4000  }
0xe3: {  	[sflag:s19] =	ssyncset.done $0x0  }
0xe4: {  	s12 =	simm.s32 $0x300;
	[sflag:s19] =	ssyncadd.s32 $0xFFFFC000  }
0xe5: {  	[tilespmem:s22], [sflag:$0x1] =	stream.indirect.gather [hbm4b:s6+s21], $0x80, s12, s21, $0xb8;
	[tilespmem:$0x1D000] =	vst v63  }
0xe6: {  	_ =	swait.ge [sflag:s26], $0x4000  }
0xe7: {  	[sflag:s26] =	ssyncset.done $0x0  }
0xe8: {  	s13 =	simm.s32 $0xA80;
	[sflag:s26] =	ssyncadd.s32 $0xFFFFC000  }
0xe9: {  	[spmem:s4] =	stream.indirect.scatter.add.f32 [tilespmem:s23], [sflag:$0x3], $0x80, s13, s21, $0xb8;
	[tilespmem:$0x1D000] =	vst v63  }
0xea: {  	_ =	swait.ge [sflag:s19], $0x4000  }
0xeb: {  	[sflag:s19] =	ssyncset.done $0x0  }
0xec: {  	s14 =	simm.s32 $0x380;
	[sflag:s19] =	ssyncadd.s32 $0xFFFFC000  }
0xed: {  	[tilespmem:s23], [sflag:$0x2] =	stream.indirect.gather [hbm4b:s6+s21], $0x80, s14, s21, $0xb8;
	[tilespmem:$0x1D000] =	vst v63  }
0xee: {  	_ =	swait.ge [sflag:s24], $0x4000  }
0xef: {  	[sflag:s24] =	ssyncset.done $0x0  }
0xf0: {  	s15 =	simm.s32 $0xB00;
	[sflag:s24] =	ssyncadd.s32 $0xFFFFC000  }
0xf1: {  	[spmem:s4] =	stream.indirect.scatter.add.f32 [tilespmem:s22], [sflag:$0x3], $0x80, s15, s21, $0xb8;
	[tilespmem:$0x1D000] =	vst v63  }
0xf2: {  	_ =	swait.ge [sflag:s19], $0x4000  }
0xf3: {  	[sflag:s19] =	ssyncset.done $0x0  }
0xf4: {  	s8 =	simm.s32 $0x400;
	[sflag:s19] =	ssyncadd.s32 $0xFFFFC000  }
0xf5: {  	[tilespmem:s22], [sflag:$0x1] =	stream.indirect.gather [hbm4b:s6+s21], $0x80, s8, s21, $0xb8;
	[tilespmem:$0x1D000] =	vst v63  }
0xf6: {  	_ =	swait.ge [sflag:s26], $0x4000  }
0xf7: {  	[sflag:s26] =	ssyncset.done $0x0  }
0xf8: {  	s10 =	simm.s32 $0xB80;
	[sflag:s26] =	ssyncadd.s32 $0xFFFFC000  }
0xf9: {  	[spmem:s4] =	stream.indirect.scatter.add.f32 [tilespmem:s23], [sflag:$0x3], $0x80, s10, s21, $0xb8;
	[tilespmem:$0x1D000] =	vst v63  }
0xfa: {  	_ =	swait.ge [sflag:s19], $0x4000  }
0xfb: {  	[sflag:s19] =	ssyncset.done $0x0  }
0xfc: {  	s18 =	simm.s32 $0x480;
	[sflag:s19] =	ssyncadd.s32 $0xFFFFC000  }
0xfd: {  	[tilespmem:s23], [sflag:$0x2] =	stream.indirect.gather [hbm4b:s6+s21], $0x80, s18, s21, $0xb8;
	[tilespmem:$0x1D000] =	vst v63  }
0xfe: {  	_ =	swait.ge [sflag:s24], $0x4000  }
0xff: {  	[sflag:s24] =	ssyncset.done $0x0  }
0x100: {  	s25 =	simm.s32 $0xC00;
	[sflag:s24] =	ssyncadd.s32 $0xFFFFC000  }
0x101: {  	[spmem:s4] =	stream.indirect.scatter.add.f32 [tilespmem:s22], [sflag:$0x3], $0x80, s25, s21, $0xb8;
	[tilespmem:$0x1D000] =	vst v63  }
0x102: {  	_ =	swait.ge [sflag:s19], $0x4000  }
0x103: {  	[sflag:s19] =	ssyncset.done $0x0  }
0x104: {  	s28 =	simm.s32 $0x500;
	[sflag:s19] =	ssyncadd.s32 $0xFFFFC000  }
0x105: {  	[tilespmem:s22], [sflag:$0x1] =	stream.indirect.gather [hbm4b:s6+s21], $0x80, s28, s21, $0xb8;
	[tilespmem:$0x1D000] =	vst v63  }
0x106: {  	_ =	swait.ge [sflag:s26], $0x4000  }
0x107: {  	[sflag:s26] =	ssyncset.done $0x0  }
0x108: {  	s10 =	simm.s32 $0xC80;
	[sflag:s26] =	ssyncadd.s32 $0xFFFFC000  }
0x109: {  	[spmem:s4] =	stream.indirect.scatter.add.f32 [tilespmem:s23], [sflag:$0x3], $0x80, s10, s21, $0xb8;
	[tilespmem:$0x1D000] =	vst v63  }
0x10a: {  	_ =	swait.ge [sflag:s19], $0x4000  }
0x10b: {  	[sflag:s19] =	ssyncset.done $0x0  }
0x10c: {  	s18 =	simm.s32 $0x580;
	[sflag:s19] =	ssyncadd.s32 $0xFFFFC000  }
0x10d: {  	[tilespmem:s23], [sflag:$0x2] =	stream.indirect.gather [hbm4b:s6+s21], $0x80, s18, s21, $0xb8;
	[tilespmem:$0x1D000] =	vst v63  }
0x10e: {  	_ =	swait.ge [sflag:s24], $0x4000  }
0x10f: {  	[sflag:s24] =	ssyncset.done $0x0  }
0x110: {  	s25 =	simm.s32 $0xD00;
	[sflag:s24] =	ssyncadd.s32 $0xFFFFC000  }
0x111: {  	[spmem:s4] =	stream.indirect.scatter.add.f32 [tilespmem:s22], [sflag:$0x3], $0x80, s25, s21, $0xb8;
	[tilespmem:$0x1D000] =	vst v63  }
0x112: {  	_ =	swait.ge [sflag:s19], $0x4000  }
0x113: {  	[sflag:s19] =	ssyncset.done $0x0  }
0x114: {  	s28 =	simm.s32 $0x600;
	[sflag:s19] =	ssyncadd.s32 $0xFFFFC000  }
0x115: {  	[tilespmem:s22], [sflag:$0x1] =	stream.indirect.gather [hbm4b:s6+s21], $0x80, s28, s21, $0xb8;
	[tilespmem:$0x1D000] =	vst v63  }
0x116: {  	_ =	swait.ge [sflag:s26], $0x4000  }
0x117: {  	[sflag:s26] =	ssyncset.done $0x0  }
0x118: {  	s10 =	simm.s32 $0xD80;
	[sflag:s26] =	ssyncadd.s32 $0xFFFFC000  }
0x119: {  	[spmem:s4] =	stream.indirect.scatter.add.f32 [tilespmem:s23], [sflag:$0x3], $0x80, s10, s21, $0xb8;
	[tilespmem:$0x1D000] =	vst v63  }
0x11a: {  	_ =	swait.ge [sflag:s19], $0x4000  }
0x11b: {  	[sflag:s19] =	ssyncset.done $0x0  }
0x11c: {  	s18 =	simm.s32 $0x680;
	[sflag:s19] =	ssyncadd.s32 $0xFFFFC000  }
0x11d: {  	[tilespmem:s23], [sflag:$0x2] =	stream.indirect.gather [hbm4b:s6+s21], $0x80, s18, s21, $0xb8;
	[tilespmem:$0x1D000] =	vst v63  }
0x11e: {  	_ =	swait.ge [sflag:s24], $0x4000  }
0x11f: {  	[sflag:s24] =	ssyncset.done $0x0  }
0x120: {  	s25 =	simm.s32 $0xE00;
	[sflag:s24] =	ssyncadd.s32 $0xFFFFC000  }
0x121: {  	[spmem:s4] =	stream.indirect.scatter.add.f32 [tilespmem:s22], [sflag:$0x3], $0x80, s25, s21, $0xb8;
	[tilespmem:$0x1D000] =	vst v63  }
0x122: {  	_ =	swait.ge [sflag:s19], $0x4000  }
0x123: {  	[sflag:s19] =	ssyncset.done $0x0  }
0x124: {  	s28 =	simm.s32 $0x700;
	[sflag:s19] =	ssyncadd.s32 $0xFFFFC000  }
0x125: {  	[tilespmem:s22], [sflag:$0x1] =	stream.indirect.gather [hbm4b:s6+s21], $0x80, s28, s21, $0xb8;
	[tilespmem:$0x1D000] =	vst v63  }
0x126: {  	_ =	swait.ge [sflag:s26], $0x4000  }
0x127: {  	[sflag:s26] =	ssyncset.done $0x0  }
0x128: {  	s10 =	simm.s32 $0xE80;
	[sflag:s26] =	ssyncadd.s32 $0xFFFFC000  }
0x129: {  	[spmem:s4] =	stream.indirect.scatter.add.f32 [tilespmem:s23], [sflag:$0x3], $0x80, s10, s21, $0xb8;
	[tilespmem:$0x1D000] =	vst v63  }
0x12a: {  	_ =	swait.ge [sflag:s19], $0x4000  }
0x12b: {  	[sflag:s19] =	ssyncset.done $0x0  }
0x12c: {  	s18 =	simm.s32 $0x780;
	[sflag:s19] =	ssyncadd.s32 $0xFFFFC000  }
0x12d: {  	[tilespmem:s23], [sflag:$0x2] =	stream.indirect.gather [hbm4b:s6+s21], $0x80, s18, s21, $0xb8;
	[tilespmem:$0x1D000] =	vst v63  }
0x12e: {  	_ =	swait.ge [sflag:s24], $0x4000  }
0x12f: {  	[sflag:s24] =	ssyncset.done $0x0  }
0x130: {  	s25 =	simm.s32 $0xF00;
	[sflag:s24] =	ssyncadd.s32 $0xFFFFC000  }
0x131: {  	[spmem:s4] =	stream.indirect.scatter.add.f32 [tilespmem:s22], [sflag:$0x3], $0x80, s25, s21, $0xb8;
	[tilespmem:$0x1D000] =	vst v63  }
0x132: {  	_ =	swait.ge [sflag:s19], $0x4000  }
0x133: {  	[sflag:s19] =	ssyncset.done $0x0  }
0x134: {  	[sflag:s19] =	ssyncadd.s32 $0xFFFFC000  }
0x135: {  	_ =	swait.ge [sflag:s26], $0x4000  }
0x136: {  	[sflag:s26] =	ssyncset.done $0x0  }
0x137: {  	s28 =	simm.s32 $0xF80;
	[sflag:s26] =	ssyncadd.s32 $0xFFFFC000  }
0x138: {  	[spmem:s4] =	stream.indirect.scatter.add.f32 [tilespmem:s23], [sflag:$0x3], $0x80, s28, s21, $0xb8;
	[tilespmem:$0x1D000] =	vst v63  }
0x139: {  	_ =	swait.ge [sflag:s19], $0x4000  }
0x13a: {  	s9 =	simm.s32 $0x100;
	s10 =	simm.s32 $0x200;
	[sflag:s19] =	ssyncset.done $0x0  }
.LBB2_3:
0x13b: {  	s25 =	sadd.s32 s9, s17  }
0x13c: {  	[sflag:s19] =	ssyncadd.s32 $0xFFFFC000;
	s28 =	smov.u32 s10;
	s18 =	sadd.s32 $0x100, s10  }
0x13d: {  	[tilespmem:s5], [sflag:$0x3] =	stream.linear.gather [hbm4b:s25+s5], $0x800, $0x38;
	[tilespmem:$0x1D000] =	vst v63  }
0x13e: {  	s25 =	simm.s32 $0x100  }
0x13f: {  	p1 =	seq.s32 s10, $0x400;
	_ =	swait.ge [sflag:s19], $0x800  }
0x140: {  	s10 =	sadd.s32 s9, s16;
	[sflag:s19] =	ssyncset.done $0x0  }
0x141: {  	s9 =	smov.u32 s28;
	s28 =	simm.s32 $0x880;
	[sflag:s19] =	ssyncadd.s32 $0xFFFFF800  }
0x142: {  	[tilespmem:s20], [sflag:$0x3] =	stream.linear.gather [hbm4b:s10+s5], $0x800, $0x38;
	[tilespmem:$0x1D000] =	vst v63  }
0x143: {  	_ =	swait.ge [sflag:s19], $0x800  }
0x144: {  	[sflag:s19] =	ssyncset.done $0x0  }
0x145: {  	[sflag:s19] =	ssyncadd.s32 $0xFFFFF800  }
0x146: {  	[tilespmem:s22], [sflag:$0x1] =	stream.indirect.gather [hbm4b:s6+s21], $0x80, s5, s21, $0xb8;
	[tilespmem:$0x1D000] =	vst v63  }
0x147: {  	_ = 	snop  }
0x148: {  	[tilespmem:s23], [sflag:$0x2] =	stream.indirect.gather [hbm4b:s6+s21], $0x80, s21, s21, $0xb8;
	[tilespmem:$0x1D000] =	vst v63  }
0x149: {  	_ =	swait.ge [sflag:s24], $0x4000  }
0x14a: {  	[sflag:s24] =	ssyncset.done $0x0  }
0x14b: {  	[sflag:s24] =	ssyncadd.s32 $0xFFFFC000  }
0x14c: {  	[spmem:s4] =	stream.indirect.scatter.add.f32 [tilespmem:s22], [sflag:$0x3], $0x80, s20, s21, $0xb8;
	[tilespmem:$0x1D000] =	vst v63  }
0x14d: {  	_ =	swait.ge [sflag:s19], $0x4000  }
0x14e: {  	[sflag:s19] =	ssyncset.done $0x0  }
0x14f: {  	[sflag:s19] =	ssyncadd.s32 $0xFFFFC000  }
0x150: {  	[tilespmem:s22], [sflag:$0x1] =	stream.indirect.gather [hbm4b:s6+s21], $0x80, s25, s21, $0xb8;
	[tilespmem:$0x1D000] =	vst v63  }
0x151: {  	_ =	swait.ge [sflag:s26], $0x4000  }
0x152: {  	[sflag:s26] =	ssyncset.done $0x0  }
0x153: {  	[sflag:s26] =	ssyncadd.s32 $0xFFFFC000  }
0x154: {  	[spmem:s4] =	stream.indirect.scatter.add.f32 [tilespmem:s23], [sflag:$0x3], $0x80, s28, s21, $0xb8;
	[tilespmem:$0x1D000] =	vst v63  }
0x155: {  	_ =	swait.ge [sflag:s19], $0x4000  }
0x156: {  	[sflag:s19] =	ssyncset.done $0x0  }
0x157: {  	[sflag:s19] =	ssyncadd.s32 $0xFFFFC000  }
0x158: {  	[tilespmem:s23], [sflag:$0x2] =	stream.indirect.gather [hbm4b:s6+s21], $0x80, s29, s21, $0xb8;
	[tilespmem:$0x1D000] =	vst v63  }
0x159: {  	_ =	swait.ge [sflag:s24], $0x4000  }
0x15a: {  	[sflag:s24] =	ssyncset.done $0x0  }
0x15b: {  	[sflag:s24] =	ssyncadd.s32 $0xFFFFC000  }
0x15c: {  	[spmem:s4] =	stream.indirect.scatter.add.f32 [tilespmem:s22], [sflag:$0x3], $0x80, s30, s21, $0xb8;
	[tilespmem:$0x1D000] =	vst v63  }
0x15d: {  	_ =	swait.ge [sflag:s19], $0x4000  }
0x15e: {  	[sflag:s19] =	ssyncset.done $0x0  }
0x15f: {  	[sflag:s19] =	ssyncadd.s32 $0xFFFFC000  }
0x160: {  	[tilespmem:s22], [sflag:$0x1] =	stream.indirect.gather [hbm4b:s6+s21], $0x80, s31, s21, $0xb8;
	[tilespmem:$0x1D000] =	vst v63  }
0x161: {  	_ =	swait.ge [sflag:s26], $0x4000  }
0x162: {  	[sflag:s26] =	ssyncset.done $0x0  }
0x163: {  	[sflag:s26] =	ssyncadd.s32 $0xFFFFC000  }
0x164: {  	[spmem:s4] =	stream.indirect.scatter.add.f32 [tilespmem:s23], [sflag:$0x3], $0x80, s0, s21, $0xb8;
	[tilespmem:$0x1D000] =	vst v63  }
0x165: {  	_ =	swait.ge [sflag:s19], $0x4000  }
0x166: {  	[sflag:s19] =	ssyncset.done $0x0  }
0x167: {  	[sflag:s19] =	ssyncadd.s32 $0xFFFFC000  }
0x168: {  	[tilespmem:s23], [sflag:$0x2] =	stream.indirect.gather [hbm4b:s6+s21], $0x80, s3, s21, $0xb8;
	[tilespmem:$0x1D000] =	vst v63  }
0x169: {  	_ =	swait.ge [sflag:s24], $0x4000  }
0x16a: {  	[sflag:s24] =	ssyncset.done $0x0  }
0x16b: {  	[sflag:s24] =	ssyncadd.s32 $0xFFFFC000  }
0x16c: {  	[spmem:s4] =	stream.indirect.scatter.add.f32 [tilespmem:s22], [sflag:$0x3], $0x80, s11, s21, $0xb8;
	[tilespmem:$0x1D000] =	vst v63  }
0x16d: {  	_ =	swait.ge [sflag:s19], $0x4000  }
0x16e: {  	[sflag:s19] =	ssyncset.done $0x0  }
0x16f: {  	[sflag:s19] =	ssyncadd.s32 $0xFFFFC000  }
0x170: {  	[tilespmem:s22], [sflag:$0x1] =	stream.indirect.gather [hbm4b:s6+s21], $0x80, s12, s21, $0xb8;
	[tilespmem:$0x1D000] =	vst v63  }
0x171: {  	_ =	swait.ge [sflag:s26], $0x4000  }
0x172: {  	[sflag:s26] =	ssyncset.done $0x0  }
0x173: {  	[sflag:s26] =	ssyncadd.s32 $0xFFFFC000  }
0x174: {  	[spmem:s4] =	stream.indirect.scatter.add.f32 [tilespmem:s23], [sflag:$0x3], $0x80, s13, s21, $0xb8;
	[tilespmem:$0x1D000] =	vst v63  }
0x175: {  	_ =	swait.ge [sflag:s19], $0x4000  }
0x176: {  	[sflag:s19] =	ssyncset.done $0x0  }
0x177: {  	[sflag:s19] =	ssyncadd.s32 $0xFFFFC000  }
0x178: {  	[tilespmem:s23], [sflag:$0x2] =	stream.indirect.gather [hbm4b:s6+s21], $0x80, s14, s21, $0xb8;
	[tilespmem:$0x1D000] =	vst v63  }
0x179: {  	_ =	swait.ge [sflag:s24], $0x4000  }
0x17a: {  	[sflag:s24] =	ssyncset.done $0x0  }
0x17b: {  	[sflag:s24] =	ssyncadd.s32 $0xFFFFC000  }
0x17c: {  	[spmem:s4] =	stream.indirect.scatter.add.f32 [tilespmem:s22], [sflag:$0x3], $0x80, s15, s21, $0xb8;
	[tilespmem:$0x1D000] =	vst v63  }
0x17d: {  	_ =	swait.ge [sflag:s19], $0x4000  }
0x17e: {  	[sflag:s19] =	ssyncset.done $0x0  }
0x17f: {  	[sflag:s19] =	ssyncadd.s32 $0xFFFFC000  }
0x180: {  	[tilespmem:s22], [sflag:$0x1] =	stream.indirect.gather [hbm4b:s6+s21], $0x80, s8, s21, $0xb8;
	[tilespmem:$0x1D000] =	vst v63  }
0x181: {  	_ =	swait.ge [sflag:s26], $0x4000  }
0x182: {  	[sflag:s26] =	ssyncset.done $0x0  }
0x183: {  	s10 =	simm.s32 $0xB80;
	[sflag:s26] =	ssyncadd.s32 $0xFFFFC000  }
0x184: {  	[spmem:s4] =	stream.indirect.scatter.add.f32 [tilespmem:s23], [sflag:$0x3], $0x80, s10, s21, $0xb8;
	[tilespmem:$0x1D000] =	vst v63  }
0x185: {  	_ =	swait.ge [sflag:s19], $0x4000  }
0x186: {  	[sflag:s19] =	ssyncset.done $0x0  }
0x187: {  	s10 =	simm.s32 $0x480;
	[sflag:s19] =	ssyncadd.s32 $0xFFFFC000  }
0x188: {  	[tilespmem:s23], [sflag:$0x2] =	stream.indirect.gather [hbm4b:s6+s21], $0x80, s10, s21, $0xb8;
	[tilespmem:$0x1D000] =	vst v63  }
0x189: {  	_ =	swait.ge [sflag:s24], $0x4000  }
0x18a: {  	[sflag:s24] =	ssyncset.done $0x0  }
0x18b: {  	s10 =	simm.s32 $0xC00;
	[sflag:s24] =	ssyncadd.s32 $0xFFFFC000  }
0x18c: {  	[spmem:s4] =	stream.indirect.scatter.add.f32 [tilespmem:s22], [sflag:$0x3], $0x80, s10, s21, $0xb8;
	[tilespmem:$0x1D000] =	vst v63  }
0x18d: {  	_ =	swait.ge [sflag:s19], $0x4000  }
0x18e: {  	[sflag:s19] =	ssyncset.done $0x0  }
0x18f: {  	s10 =	simm.s32 $0x500;
	[sflag:s19] =	ssyncadd.s32 $0xFFFFC000  }
0x190: {  	[tilespmem:s22], [sflag:$0x1] =	stream.indirect.gather [hbm4b:s6+s21], $0x80, s10, s21, $0xb8;
	[tilespmem:$0x1D000] =	vst v63  }
0x191: {  	_ =	swait.ge [sflag:s26], $0x4000  }
0x192: {  	[sflag:s26] =	ssyncset.done $0x0  }
0x193: {  	s10 =	simm.s32 $0xC80;
	[sflag:s26] =	ssyncadd.s32 $0xFFFFC000  }
0x194: {  	[spmem:s4] =	stream.indirect.scatter.add.f32 [tilespmem:s23], [sflag:$0x3], $0x80, s10, s21, $0xb8;
	[tilespmem:$0x1D000] =	vst v63  }
0x195: {  	_ =	swait.ge [sflag:s19], $0x4000  }
0x196: {  	[sflag:s19] =	ssyncset.done $0x0  }
0x197: {  	s10 =	simm.s32 $0x580;
	[sflag:s19] =	ssyncadd.s32 $0xFFFFC000  }
0x198: {  	[tilespmem:s23], [sflag:$0x2] =	stream.indirect.gather [hbm4b:s6+s21], $0x80, s10, s21, $0xb8;
	[tilespmem:$0x1D000] =	vst v63  }
0x199: {  	_ =	swait.ge [sflag:s24], $0x4000  }
0x19a: {  	[sflag:s24] =	ssyncset.done $0x0  }
0x19b: {  	s10 =	simm.s32 $0xD00;
	[sflag:s24] =	ssyncadd.s32 $0xFFFFC000  }
0x19c: {  	[spmem:s4] =	stream.indirect.scatter.add.f32 [tilespmem:s22], [sflag:$0x3], $0x80, s10, s21, $0xb8;
	[tilespmem:$0x1D000] =	vst v63  }
0x19d: {  	_ =	swait.ge [sflag:s19], $0x4000  }
0x19e: {  	[sflag:s19] =	ssyncset.done $0x0  }
0x19f: {  	s10 =	simm.s32 $0x600;
	[sflag:s19] =	ssyncadd.s32 $0xFFFFC000  }
0x1a0: {  	[tilespmem:s22], [sflag:$0x1] =	stream.indirect.gather [hbm4b:s6+s21], $0x80, s10, s21, $0xb8;
	[tilespmem:$0x1D000] =	vst v63  }
0x1a1: {  	_ =	swait.ge [sflag:s26], $0x4000  }
0x1a2: {  	[sflag:s26] =	ssyncset.done $0x0  }
0x1a3: {  	s10 =	simm.s32 $0xD80;
	[sflag:s26] =	ssyncadd.s32 $0xFFFFC000  }
0x1a4: {  	[spmem:s4] =	stream.indirect.scatter.add.f32 [tilespmem:s23], [sflag:$0x3], $0x80, s10, s21, $0xb8;
	[tilespmem:$0x1D000] =	vst v63  }
0x1a5: {  	_ =	swait.ge [sflag:s19], $0x4000  }
0x1a6: {  	[sflag:s19] =	ssyncset.done $0x0  }
0x1a7: {  	s10 =	simm.s32 $0x680;
	[sflag:s19] =	ssyncadd.s32 $0xFFFFC000  }
0x1a8: {  	[tilespmem:s23], [sflag:$0x2] =	stream.indirect.gather [hbm4b:s6+s21], $0x80, s10, s21, $0xb8;
	[tilespmem:$0x1D000] =	vst v63  }
0x1a9: {  	_ =	swait.ge [sflag:s24], $0x4000  }
0x1aa: {  	[sflag:s24] =	ssyncset.done $0x0  }
0x1ab: {  	s10 =	simm.s32 $0xE00;
	[sflag:s24] =	ssyncadd.s32 $0xFFFFC000  }
0x1ac: {  	[spmem:s4] =	stream.indirect.scatter.add.f32 [tilespmem:s22], [sflag:$0x3], $0x80, s10, s21, $0xb8;
	[tilespmem:$0x1D000] =	vst v63  }
0x1ad: {  	_ =	swait.ge [sflag:s19], $0x4000  }
0x1ae: {  	[sflag:s19] =	ssyncset.done $0x0  }
0x1af: {  	s10 =	simm.s32 $0x700;
	[sflag:s19] =	ssyncadd.s32 $0xFFFFC000  }
0x1b0: {  	[tilespmem:s22], [sflag:$0x1] =	stream.indirect.gather [hbm4b:s6+s21], $0x80, s10, s21, $0xb8;
	[tilespmem:$0x1D000] =	vst v63  }
0x1b1: {  	_ =	swait.ge [sflag:s26], $0x4000  }
0x1b2: {  	[sflag:s26] =	ssyncset.done $0x0  }
0x1b3: {  	s10 =	simm.s32 $0xE80;
	[sflag:s26] =	ssyncadd.s32 $0xFFFFC000  }
0x1b4: {  	[spmem:s4] =	stream.indirect.scatter.add.f32 [tilespmem:s23], [sflag:$0x3], $0x80, s10, s21, $0xb8;
	[tilespmem:$0x1D000] =	vst v63  }
0x1b5: {  	_ =	swait.ge [sflag:s19], $0x4000  }
0x1b6: {  	[sflag:s19] =	ssyncset.done $0x0  }
0x1b7: {  	s10 =	simm.s32 $0x780;
	[sflag:s19] =	ssyncadd.s32 $0xFFFFC000  }
0x1b8: {  	[tilespmem:s23], [sflag:$0x2] =	stream.indirect.gather [hbm4b:s6+s21], $0x80, s10, s21, $0xb8;
	[tilespmem:$0x1D000] =	vst v63  }
0x1b9: {  	_ =	swait.ge [sflag:s24], $0x4000  }
0x1ba: {  	[sflag:s24] =	ssyncset.done $0x0  }
0x1bb: {  	s10 =	simm.s32 $0xF00;
	[sflag:s24] =	ssyncadd.s32 $0xFFFFC000  }
0x1bc: {  	[spmem:s4] =	stream.indirect.scatter.add.f32 [tilespmem:s22], [sflag:$0x3], $0x80, s10, s21, $0xb8;
	[tilespmem:$0x1D000] =	vst v63  }
0x1bd: {  	_ =	swait.ge [sflag:s19], $0x4000  }
0x1be: {  	[sflag:s19] =	ssyncset.done $0x0  }
0x1bf: {  	[sflag:s19] =	ssyncadd.s32 $0xFFFFC000  }
0x1c0: {  	_ =	swait.ge [sflag:s26], $0x4000  }
.Ltmp3:
0x1c1: {  	[sflag:s26] =	ssyncset.done $0x0;
	(pc) =	sbr.rel @!p1 .LBB2_3-.Ltmp3, $4  }
0x1c2: {  	s10 =	simm.s32 $0xF80;
	[sflag:s26] =	ssyncadd.s32 $0xFFFFC000  }
0x1c3: {  	[spmem:s4] =	stream.indirect.scatter.add.f32 [tilespmem:s23], [sflag:$0x3], $0x80, s10, s21, $0xb8;
	[tilespmem:$0x1D000] =	vst v63  }
0x1c4: {  	_ =	swait.ge [sflag:s19], $0x4000  }
0x1c5: {  	s10 =	smov.u32 s18;
	[sflag:s19] =	ssyncset.done $0x0  }
0x1c6: {  	s10 =	sadd.s32 s9, s17;
	[sflag:s19] =	ssyncadd.s32 $0xFFFFC000  }
0x1c7: {  	[tilespmem:s5], [sflag:$0x3] =	stream.linear.gather [hbm4b:s10+s5], $0x800, $0x38;
	[tilespmem:$0x1D000] =	vst v63  }
0x1c8: {  	_ =	swait.ge [sflag:s19], $0x800  }
0x1c9: {  	[sflag:s19] =	ssyncset.done $0x0  }
0x1ca: {  	s18 =	sadd.s32 s9, s16;
	[sflag:s19] =	ssyncadd.s32 $0xFFFFF800  }
0x1cb: {  	[tilespmem:s20], [sflag:$0x3] =	stream.linear.gather [hbm4b:s18+s5], $0x800, $0x38;
	[tilespmem:$0x1D000] =	vst v63  }
0x1cc: {  	_ =	swait.ge [sflag:s19], $0x800  }
0x1cd: {  	[sflag:s19] =	ssyncset.done $0x0  }
0x1ce: {  	[sflag:s19] =	ssyncadd.s32 $0xFFFFF800  }
0x1cf: {  	[tilespmem:s22], [sflag:$0x1] =	stream.indirect.gather [hbm4b:s6+s21], $0x80, s5, s21, $0xb8;
	[tilespmem:$0x1D000] =	vst v63  }
0x1d0: {  	_ = 	snop  }
0x1d1: {  	[tilespmem:s23], [sflag:$0x2] =	stream.indirect.gather [hbm4b:s6+s21], $0x80, s21, s21, $0xb8;
	[tilespmem:$0x1D000] =	vst v63  }
0x1d2: {  	_ =	swait.ge [sflag:s24], $0x4000  }
0x1d3: {  	[sflag:s24] =	ssyncset.done $0x0  }
0x1d4: {  	[sflag:s24] =	ssyncadd.s32 $0xFFFFC000  }
0x1d5: {  	[spmem:s4] =	stream.indirect.scatter.add.f32 [tilespmem:s22], [sflag:$0x3], $0x80, s20, s21, $0xb8;
	[tilespmem:$0x1D000] =	vst v63  }
0x1d6: {  	_ =	swait.ge [sflag:s19], $0x4000  }
0x1d7: {  	[sflag:s19] =	ssyncset.done $0x0  }
0x1d8: {  	[sflag:s19] =	ssyncadd.s32 $0xFFFFC000  }
0x1d9: {  	[tilespmem:s22], [sflag:$0x1] =	stream.indirect.gather [hbm4b:s6+s21], $0x80, s25, s21, $0xb8;
	[tilespmem:$0x1D000] =	vst v63  }
0x1da: {  	_ =	swait.ge [sflag:s26], $0x4000  }
0x1db: {  	[sflag:s26] =	ssyncset.done $0x0  }
0x1dc: {  	[sflag:s26] =	ssyncadd.s32 $0xFFFFC000  }
0x1dd: {  	[spmem:s4] =	stream.indirect.scatter.add.f32 [tilespmem:s23], [sflag:$0x3], $0x80, s28, s21, $0xb8;
	[tilespmem:$0x1D000] =	vst v63  }
0x1de: {  	_ =	swait.ge [sflag:s19], $0x4000  }
0x1df: {  	[sflag:s19] =	ssyncset.done $0x0  }
0x1e0: {  	[sflag:s19] =	ssyncadd.s32 $0xFFFFC000  }
0x1e1: {  	[tilespmem:s23], [sflag:$0x2] =	stream.indirect.gather [hbm4b:s6+s21], $0x80, s29, s21, $0xb8;
	[tilespmem:$0x1D000] =	vst v63  }
0x1e2: {  	_ =	swait.ge [sflag:s24], $0x4000  }
0x1e3: {  	[sflag:s24] =	ssyncset.done $0x0  }
0x1e4: {  	[sflag:s24] =	ssyncadd.s32 $0xFFFFC000  }
0x1e5: {  	[spmem:s4] =	stream.indirect.scatter.add.f32 [tilespmem:s22], [sflag:$0x3], $0x80, s30, s21, $0xb8;
	[tilespmem:$0x1D000] =	vst v63  }
0x1e6: {  	_ =	swait.ge [sflag:s19], $0x4000  }
0x1e7: {  	[sflag:s19] =	ssyncset.done $0x0  }
0x1e8: {  	[sflag:s19] =	ssyncadd.s32 $0xFFFFC000  }
0x1e9: {  	[tilespmem:s22], [sflag:$0x1] =	stream.indirect.gather [hbm4b:s6+s21], $0x80, s31, s21, $0xb8;
	[tilespmem:$0x1D000] =	vst v63  }
0x1ea: {  	_ =	swait.ge [sflag:s26], $0x4000  }
0x1eb: {  	[sflag:s26] =	ssyncset.done $0x0  }
0x1ec: {  	[sflag:s26] =	ssyncadd.s32 $0xFFFFC000  }
0x1ed: {  	[spmem:s4] =	stream.indirect.scatter.add.f32 [tilespmem:s23], [sflag:$0x3], $0x80, s0, s21, $0xb8;
	[tilespmem:$0x1D000] =	vst v63  }
0x1ee: {  	_ =	swait.ge [sflag:s19], $0x4000  }
0x1ef: {  	[sflag:s19] =	ssyncset.done $0x0  }
0x1f0: {  	[sflag:s19] =	ssyncadd.s32 $0xFFFFC000  }
0x1f1: {  	[tilespmem:s23], [sflag:$0x2] =	stream.indirect.gather [hbm4b:s6+s21], $0x80, s3, s21, $0xb8;
	[tilespmem:$0x1D000] =	vst v63  }
0x1f2: {  	_ =	swait.ge [sflag:s24], $0x4000  }
0x1f3: {  	[sflag:s24] =	ssyncset.done $0x0  }
0x1f4: {  	[sflag:s24] =	ssyncadd.s32 $0xFFFFC000  }
0x1f5: {  	[spmem:s4] =	stream.indirect.scatter.add.f32 [tilespmem:s22], [sflag:$0x3], $0x80, s11, s21, $0xb8;
	[tilespmem:$0x1D000] =	vst v63  }
0x1f6: {  	_ =	swait.ge [sflag:s19], $0x4000  }
0x1f7: {  	[sflag:s19] =	ssyncset.done $0x0  }
0x1f8: {  	[sflag:s19] =	ssyncadd.s32 $0xFFFFC000  }
0x1f9: {  	[tilespmem:s22], [sflag:$0x1] =	stream.indirect.gather [hbm4b:s6+s21], $0x80, s12, s21, $0xb8;
	[tilespmem:$0x1D000] =	vst v63  }
0x1fa: {  	_ =	swait.ge [sflag:s26], $0x4000  }
0x1fb: {  	[sflag:s26] =	ssyncset.done $0x0  }
0x1fc: {  	[sflag:s26] =	ssyncadd.s32 $0xFFFFC000  }
0x1fd: {  	[spmem:s4] =	stream.indirect.scatter.add.f32 [tilespmem:s23], [sflag:$0x3], $0x80, s13, s21, $0xb8;
	[tilespmem:$0x1D000] =	vst v63  }
0x1fe: {  	_ =	swait.ge [sflag:s19], $0x4000  }
0x1ff: {  	[sflag:s19] =	ssyncset.done $0x0  }
0x200: {  	[sflag:s19] =	ssyncadd.s32 $0xFFFFC000  }
0x201: {  	[tilespmem:s23], [sflag:$0x2] =	stream.indirect.gather [hbm4b:s6+s21], $0x80, s14, s21, $0xb8;
	[tilespmem:$0x1D000] =	vst v63  }
0x202: {  	_ =	swait.ge [sflag:s24], $0x4000  }
0x203: {  	[sflag:s24] =	ssyncset.done $0x0  }
0x204: {  	[sflag:s24] =	ssyncadd.s32 $0xFFFFC000  }
0x205: {  	[spmem:s4] =	stream.indirect.scatter.add.f32 [tilespmem:s22], [sflag:$0x3], $0x80, s15, s21, $0xb8;
	[tilespmem:$0x1D000] =	vst v63  }
0x206: {  	_ =	swait.ge [sflag:s19], $0x4000  }
0x207: {  	[sflag:s19] =	ssyncset.done $0x0  }
0x208: {  	[sflag:s19] =	ssyncadd.s32 $0xFFFFC000  }
0x209: {  	[tilespmem:s22], [sflag:$0x1] =	stream.indirect.gather [hbm4b:s6+s21], $0x80, s8, s21, $0xb8;
	[tilespmem:$0x1D000] =	vst v63  }
0x20a: {  	_ =	swait.ge [sflag:s26], $0x4000  }
0x20b: {  	[sflag:s26] =	ssyncset.done $0x0  }
0x20c: {  	s29 =	simm.s32 $0xB80;
	[sflag:s26] =	ssyncadd.s32 $0xFFFFC000  }
0x20d: {  	[spmem:s4] =	stream.indirect.scatter.add.f32 [tilespmem:s23], [sflag:$0x3], $0x80, s29, s21, $0xb8;
	[tilespmem:$0x1D000] =	vst v63  }
0x20e: {  	_ =	swait.ge [sflag:s19], $0x4000  }
0x20f: {  	[sflag:s19] =	ssyncset.done $0x0  }
0x210: {  	s30 =	simm.s32 $0x480;
	[sflag:s19] =	ssyncadd.s32 $0xFFFFC000  }
0x211: {  	[tilespmem:s23], [sflag:$0x2] =	stream.indirect.gather [hbm4b:s6+s21], $0x80, s30, s21, $0xb8;
	[tilespmem:$0x1D000] =	vst v63  }
0x212: {  	_ =	swait.ge [sflag:s24], $0x4000  }
0x213: {  	[sflag:s24] =	ssyncset.done $0x0  }
0x214: {  	s31 =	simm.s32 $0xC00;
	[sflag:s24] =	ssyncadd.s32 $0xFFFFC000  }
0x215: {  	[spmem:s4] =	stream.indirect.scatter.add.f32 [tilespmem:s22], [sflag:$0x3], $0x80, s31, s21, $0xb8;
	[tilespmem:$0x1D000] =	vst v63  }
0x216: {  	_ =	swait.ge [sflag:s19], $0x4000  }
0x217: {  	[sflag:s19] =	ssyncset.done $0x0  }
0x218: {  	s3 =	simm.s32 $0x500;
	[sflag:s19] =	ssyncadd.s32 $0xFFFFC000  }
0x219: {  	[tilespmem:s22], [sflag:$0x1] =	stream.indirect.gather [hbm4b:s6+s21], $0x80, s3, s21, $0xb8;
	[tilespmem:$0x1D000] =	vst v63  }
0x21a: {  	_ =	swait.ge [sflag:s26], $0x4000  }
0x21b: {  	[sflag:s26] =	ssyncset.done $0x0  }
0x21c: {  	s8 =	simm.s32 $0xC80;
	[sflag:s26] =	ssyncadd.s32 $0xFFFFC000  }
0x21d: {  	[spmem:s4] =	stream.indirect.scatter.add.f32 [tilespmem:s23], [sflag:$0x3], $0x80, s8, s21, $0xb8;
	[tilespmem:$0x1D000] =	vst v63  }
0x21e: {  	_ =	swait.ge [sflag:s19], $0x4000  }
0x21f: {  	[sflag:s19] =	ssyncset.done $0x0  }
0x220: {  	s9 =	simm.s32 $0x580;
	[sflag:s19] =	ssyncadd.s32 $0xFFFFC000  }
0x221: {  	[tilespmem:s23], [sflag:$0x2] =	stream.indirect.gather [hbm4b:s6+s21], $0x80, s9, s21, $0xb8;
	[tilespmem:$0x1D000] =	vst v63  }
0x222: {  	_ =	swait.ge [sflag:s24], $0x4000  }
0x223: {  	[sflag:s24] =	ssyncset.done $0x0  }
0x224: {  	s10 =	simm.s32 $0xD00;
	[sflag:s24] =	ssyncadd.s32 $0xFFFFC000  }
0x225: {  	[spmem:s4] =	stream.indirect.scatter.add.f32 [tilespmem:s22], [sflag:$0x3], $0x80, s10, s21, $0xb8;
	[tilespmem:$0x1D000] =	vst v63  }
0x226: {  	_ =	swait.ge [sflag:s19], $0x4000  }
0x227: {  	[sflag:s19] =	ssyncset.done $0x0  }
0x228: {  	s11 =	simm.s32 $0x600;
	[sflag:s19] =	ssyncadd.s32 $0xFFFFC000  }
0x229: {  	[tilespmem:s22], [sflag:$0x1] =	stream.indirect.gather [hbm4b:s6+s21], $0x80, s11, s21, $0xb8;
	[tilespmem:$0x1D000] =	vst v63  }
0x22a: {  	_ =	swait.ge [sflag:s26], $0x4000  }
0x22b: {  	[sflag:s26] =	ssyncset.done $0x0  }
0x22c: {  	s12 =	simm.s32 $0xD80;
	[sflag:s26] =	ssyncadd.s32 $0xFFFFC000  }
0x22d: {  	[spmem:s4] =	stream.indirect.scatter.add.f32 [tilespmem:s23], [sflag:$0x3], $0x80, s12, s21, $0xb8;
	[tilespmem:$0x1D000] =	vst v63  }
0x22e: {  	_ =	swait.ge [sflag:s19], $0x4000  }
0x22f: {  	[sflag:s19] =	ssyncset.done $0x0  }
0x230: {  	s13 =	simm.s32 $0x680;
	[sflag:s19] =	ssyncadd.s32 $0xFFFFC000  }
0x231: {  	[tilespmem:s23], [sflag:$0x2] =	stream.indirect.gather [hbm4b:s6+s21], $0x80, s13, s21, $0xb8;
	[tilespmem:$0x1D000] =	vst v63  }
0x232: {  	_ =	swait.ge [sflag:s24], $0x4000  }
0x233: {  	[sflag:s24] =	ssyncset.done $0x0  }
0x234: {  	s14 =	simm.s32 $0xE00;
	[sflag:s24] =	ssyncadd.s32 $0xFFFFC000  }
0x235: {  	[spmem:s4] =	stream.indirect.scatter.add.f32 [tilespmem:s22], [sflag:$0x3], $0x80, s14, s21, $0xb8;
	[tilespmem:$0x1D000] =	vst v63  }
0x236: {  	_ =	swait.ge [sflag:s19], $0x4000  }
0x237: {  	[sflag:s19] =	ssyncset.done $0x0  }
0x238: {  	s15 =	simm.s32 $0x700;
	[sflag:s19] =	ssyncadd.s32 $0xFFFFC000  }
0x239: {  	[tilespmem:s22], [sflag:$0x1] =	stream.indirect.gather [hbm4b:s6+s21], $0x80, s15, s21, $0xb8;
	[tilespmem:$0x1D000] =	vst v63  }
0x23a: {  	_ =	swait.ge [sflag:s26], $0x4000  }
0x23b: {  	[sflag:s26] =	ssyncset.done $0x0  }
0x23c: {  	s18 =	simm.s32 $0xE80;
	[sflag:s26] =	ssyncadd.s32 $0xFFFFC000  }
0x23d: {  	[spmem:s4] =	stream.indirect.scatter.add.f32 [tilespmem:s23], [sflag:$0x3], $0x80, s18, s21, $0xb8;
	[tilespmem:$0x1D000] =	vst v63  }
0x23e: {  	_ =	swait.ge [sflag:s19], $0x4000  }
0x23f: {  	[sflag:s19] =	ssyncset.done $0x0  }
0x240: {  	s29 =	simm.s32 $0x780;
	[sflag:s19] =	ssyncadd.s32 $0xFFFFC000  }
0x241: {  	[tilespmem:s23], [sflag:$0x2] =	stream.indirect.gather [hbm4b:s6+s21], $0x80, s29, s21, $0xb8;
	[tilespmem:$0x1D000] =	vst v63  }
0x242: {  	_ =	swait.ge [sflag:s24], $0x4000  }
0x243: {  	[sflag:s24] =	ssyncset.done $0x0  }
0x244: {  	s30 =	simm.s32 $0xF00;
	[sflag:s24] =	ssyncadd.s32 $0xFFFFC000  }
0x245: {  	[spmem:s4] =	stream.indirect.scatter.add.f32 [tilespmem:s22], [sflag:$0x3], $0x80, s30, s21, $0xb8;
	[tilespmem:$0x1D000] =	vst v63  }
0x246: {  	_ =	swait.ge [sflag:s19], $0x4000  }
0x247: {  	[sflag:s19] =	ssyncset.done $0x0  }
0x248: {  	[sflag:s19] =	ssyncadd.s32 $0xFFFFC000  }
0x249: {  	_ =	swait.ge [sflag:s26], $0x4000  }
0x24a: {  	[sflag:s26] =	ssyncset.done $0x0  }
.Ltmp4:
0x24b: {  	s31 =	simm.s32 $0xF80;
	[sflag:s26] =	ssyncadd.s32 $0xFFFFC000;
	(pc) =	sbr.rel .LBB2_8-.Ltmp4, $4  }
0x24c: {  	[spmem:s4] =	stream.indirect.scatter.add.f32 [tilespmem:s23], [sflag:$0x3], $0x80, s31, s21, $0xb8;
	[tilespmem:$0x1D000] =	vst v63  }
0x24d: {  	_ =	swait.ge [sflag:s19], $0x4000  }
0x24e: {  	[sflag:s19] =	ssyncset.done $0x0  }
0x24f: {  	s9 =	rddreg [dreg:$0x8];
	[sflag:s19] =	ssyncadd.s32 $0xFFFFC000  }
.LBB2_5:
0x250: {  	[tilespmem:s5], [sflag:$0x3] =	stream.linear.gather [hbm4b:s9+s5], $0x800, $0x38;
	[tilespmem:$0x1D000] =	vst v63  }
0x251: {  	_ =	swait.ge [sflag:s19], $0x800  }
0x252: {  	[sflag:s19] =	ssyncset.done $0x0  }
0x253: {  	s8 =	sadd.s32 $0x0, s16;
	[sflag:s19] =	ssyncadd.s32 $0xFFFFF800  }
0x254: {  	[tilespmem:s20], [sflag:$0x3] =	stream.linear.gather [hbm4b:s8+s5], $0x800, $0x38;
	[tilespmem:$0x1D000] =	vst v63  }
0x255: {  	_ =	swait.ge [sflag:s19], $0x800  }
0x256: {  	[sflag:s19] =	ssyncset.done $0x0  }
0x257: {  	[sflag:s19] =	ssyncadd.s32 $0xFFFFF800  }
0x258: {  	[tilespmem:s22], [sflag:$0x1] =	stream.indirect.gather [hbm4b:s1+s21], $0x80, s5, s21, $0xb8;
	[tilespmem:$0x1D000] =	vst v63  }
0x259: {  	_ = 	snop  }
0x25a: {  	[tilespmem:s23], [sflag:$0x2] =	stream.indirect.gather [hbm4b:s1+s21], $0x80, s21, s21, $0xb8;
	[tilespmem:$0x1D000] =	vst v63  }
0x25b: {  	_ =	swait.ge [sflag:s24], $0x4000  }
0x25c: {  	[sflag:s24] =	ssyncset.done $0x0  }
0x25d: {  	[sflag:s24] =	ssyncadd.s32 $0xFFFFC000  }
0x25e: {  	[spmem:s4] =	stream.indirect.scatter.add.f32 [tilespmem:s22], [sflag:$0x3], $0x80, s20, s21, $0xb8;
	[tilespmem:$0x1D000] =	vst v63  }
0x25f: {  	_ =	swait.ge [sflag:s19], $0x4000  }
0x260: {  	[sflag:s19] =	ssyncset.done $0x0  }
0x261: {  	[sflag:s19] =	ssyncadd.s32 $0xFFFFC000  }
0x262: {  	[tilespmem:s22], [sflag:$0x1] =	stream.indirect.gather [hbm4b:s1+s21], $0x80, s25, s21, $0xb8;
	[tilespmem:$0x1D000] =	vst v63  }
0x263: {  	_ =	swait.ge [sflag:s26], $0x4000  }
0x264: {  	[sflag:s26] =	ssyncset.done $0x0  }
0x265: {  	[sflag:s26] =	ssyncadd.s32 $0xFFFFC000  }
0x266: {  	[spmem:s4] =	stream.indirect.scatter.add.f32 [tilespmem:s23], [sflag:$0x3], $0x80, s28, s21, $0xb8;
	[tilespmem:$0x1D000] =	vst v63  }
0x267: {  	_ =	swait.ge [sflag:s19], $0x4000  }
0x268: {  	[sflag:s19] =	ssyncset.done $0x0  }
0x269: {  	s29 =	simm.s32 $0x180;
	[sflag:s19] =	ssyncadd.s32 $0xFFFFC000  }
0x26a: {  	[tilespmem:s23], [sflag:$0x2] =	stream.indirect.gather [hbm4b:s1+s21], $0x80, s29, s21, $0xb8;
	[tilespmem:$0x1D000] =	vst v63  }
0x26b: {  	_ =	swait.ge [sflag:s24], $0x4000  }
0x26c: {  	[sflag:s24] =	ssyncset.done $0x0  }
0x26d: {  	s30 =	simm.s32 $0x900;
	[sflag:s24] =	ssyncadd.s32 $0xFFFFC000  }
0x26e: {  	[spmem:s4] =	stream.indirect.scatter.add.f32 [tilespmem:s22], [sflag:$0x3], $0x80, s30, s21, $0xb8;
	[tilespmem:$0x1D000] =	vst v63  }
0x26f: {  	_ =	swait.ge [sflag:s19], $0x4000  }
0x270: {  	[sflag:s19] =	ssyncset.done $0x0  }
0x271: {  	s31 =	simm.s32 $0x200;
	[sflag:s19] =	ssyncadd.s32 $0xFFFFC000  }
0x272: {  	[tilespmem:s22], [sflag:$0x1] =	stream.indirect.gather [hbm4b:s1+s21], $0x80, s31, s21, $0xb8;
	[tilespmem:$0x1D000] =	vst v63  }
0x273: {  	_ =	swait.ge [sflag:s26], $0x4000  }
0x274: {  	[sflag:s26] =	ssyncset.done $0x0  }
0x275: {  	s0 =	simm.s32 $0x980;
	[sflag:s26] =	ssyncadd.s32 $0xFFFFC000  }
0x276: {  	[spmem:s4] =	stream.indirect.scatter.add.f32 [tilespmem:s23], [sflag:$0x3], $0x80, s0, s21, $0xb8;
	[tilespmem:$0x1D000] =	vst v63  }
0x277: {  	_ =	swait.ge [sflag:s19], $0x4000  }
0x278: {  	[sflag:s19] =	ssyncset.done $0x0  }
0x279: {  	s3 =	simm.s32 $0x280;
	[sflag:s19] =	ssyncadd.s32 $0xFFFFC000  }
0x27a: {  	[tilespmem:s23], [sflag:$0x2] =	stream.indirect.gather [hbm4b:s1+s21], $0x80, s3, s21, $0xb8;
	[tilespmem:$0x1D000] =	vst v63  }
0x27b: {  	_ =	swait.ge [sflag:s24], $0x4000  }
0x27c: {  	[sflag:s24] =	ssyncset.done $0x0  }
0x27d: {  	s11 =	simm.s32 $0xA00;
	[sflag:s24] =	ssyncadd.s32 $0xFFFFC000  }
0x27e: {  	[spmem:s4] =	stream.indirect.scatter.add.f32 [tilespmem:s22], [sflag:$0x3], $0x80, s11, s21, $0xb8;
	[tilespmem:$0x1D000] =	vst v63  }
0x27f: {  	_ =	swait.ge [sflag:s19], $0x4000  }
0x280: {  	[sflag:s19] =	ssyncset.done $0x0  }
0x281: {  	s12 =	simm.s32 $0x300;
	[sflag:s19] =	ssyncadd.s32 $0xFFFFC000  }
0x282: {  	[tilespmem:s22], [sflag:$0x1] =	stream.indirect.gather [hbm4b:s1+s21], $0x80, s12, s21, $0xb8;
	[tilespmem:$0x1D000] =	vst v63  }
0x283: {  	_ =	swait.ge [sflag:s26], $0x4000  }
0x284: {  	[sflag:s26] =	ssyncset.done $0x0  }
0x285: {  	s13 =	simm.s32 $0xA80;
	[sflag:s26] =	ssyncadd.s32 $0xFFFFC000  }
0x286: {  	[spmem:s4] =	stream.indirect.scatter.add.f32 [tilespmem:s23], [sflag:$0x3], $0x80, s13, s21, $0xb8;
	[tilespmem:$0x1D000] =	vst v63  }
0x287: {  	_ =	swait.ge [sflag:s19], $0x4000  }
0x288: {  	[sflag:s19] =	ssyncset.done $0x0  }
0x289: {  	s14 =	simm.s32 $0x380;
	[sflag:s19] =	ssyncadd.s32 $0xFFFFC000  }
0x28a: {  	[tilespmem:s23], [sflag:$0x2] =	stream.indirect.gather [hbm4b:s1+s21], $0x80, s14, s21, $0xb8;
	[tilespmem:$0x1D000] =	vst v63  }
0x28b: {  	_ =	swait.ge [sflag:s24], $0x4000  }
0x28c: {  	[sflag:s24] =	ssyncset.done $0x0  }
0x28d: {  	s15 =	simm.s32 $0xB00;
	[sflag:s24] =	ssyncadd.s32 $0xFFFFC000  }
0x28e: {  	[spmem:s4] =	stream.indirect.scatter.add.f32 [tilespmem:s22], [sflag:$0x3], $0x80, s15, s21, $0xb8;
	[tilespmem:$0x1D000] =	vst v63  }
0x28f: {  	_ =	swait.ge [sflag:s19], $0x4000  }
0x290: {  	[sflag:s19] =	ssyncset.done $0x0  }
0x291: {  	s8 =	simm.s32 $0x400;
	[sflag:s19] =	ssyncadd.s32 $0xFFFFC000  }
0x292: {  	[tilespmem:s22], [sflag:$0x1] =	stream.indirect.gather [hbm4b:s1+s21], $0x80, s8, s21, $0xb8;
	[tilespmem:$0x1D000] =	vst v63  }
0x293: {  	_ =	swait.ge [sflag:s26], $0x4000  }
0x294: {  	[sflag:s26] =	ssyncset.done $0x0  }
0x295: {  	s10 =	simm.s32 $0xB80;
	[sflag:s26] =	ssyncadd.s32 $0xFFFFC000  }
0x296: {  	[spmem:s4] =	stream.indirect.scatter.add.f32 [tilespmem:s23], [sflag:$0x3], $0x80, s10, s21, $0xb8;
	[tilespmem:$0x1D000] =	vst v63  }
0x297: {  	_ =	swait.ge [sflag:s19], $0x4000  }
0x298: {  	[sflag:s19] =	ssyncset.done $0x0  }
0x299: {  	s18 =	simm.s32 $0x480;
	[sflag:s19] =	ssyncadd.s32 $0xFFFFC000  }
0x29a: {  	[tilespmem:s23], [sflag:$0x2] =	stream.indirect.gather [hbm4b:s1+s21], $0x80, s18, s21, $0xb8;
	[tilespmem:$0x1D000] =	vst v63  }
0x29b: {  	_ =	swait.ge [sflag:s24], $0x4000  }
0x29c: {  	[sflag:s24] =	ssyncset.done $0x0  }
0x29d: {  	s25 =	simm.s32 $0xC00;
	[sflag:s24] =	ssyncadd.s32 $0xFFFFC000  }
0x29e: {  	[spmem:s4] =	stream.indirect.scatter.add.f32 [tilespmem:s22], [sflag:$0x3], $0x80, s25, s21, $0xb8;
	[tilespmem:$0x1D000] =	vst v63  }
0x29f: {  	_ =	swait.ge [sflag:s19], $0x4000  }
0x2a0: {  	[sflag:s19] =	ssyncset.done $0x0  }
0x2a1: {  	s28 =	simm.s32 $0x500;
	[sflag:s19] =	ssyncadd.s32 $0xFFFFC000  }
0x2a2: {  	[tilespmem:s22], [sflag:$0x1] =	stream.indirect.gather [hbm4b:s1+s21], $0x80, s28, s21, $0xb8;
	[tilespmem:$0x1D000] =	vst v63  }
0x2a3: {  	_ =	swait.ge [sflag:s26], $0x4000  }
0x2a4: {  	[sflag:s26] =	ssyncset.done $0x0  }
0x2a5: {  	s10 =	simm.s32 $0xC80;
	[sflag:s26] =	ssyncadd.s32 $0xFFFFC000  }
0x2a6: {  	[spmem:s4] =	stream.indirect.scatter.add.f32 [tilespmem:s23], [sflag:$0x3], $0x80, s10, s21, $0xb8;
	[tilespmem:$0x1D000] =	vst v63  }
0x2a7: {  	_ =	swait.ge [sflag:s19], $0x4000  }
0x2a8: {  	[sflag:s19] =	ssyncset.done $0x0  }
0x2a9: {  	s18 =	simm.s32 $0x580;
	[sflag:s19] =	ssyncadd.s32 $0xFFFFC000  }
0x2aa: {  	[tilespmem:s23], [sflag:$0x2] =	stream.indirect.gather [hbm4b:s1+s21], $0x80, s18, s21, $0xb8;
	[tilespmem:$0x1D000] =	vst v63  }
0x2ab: {  	_ =	swait.ge [sflag:s24], $0x4000  }
0x2ac: {  	[sflag:s24] =	ssyncset.done $0x0  }
0x2ad: {  	s25 =	simm.s32 $0xD00;
	[sflag:s24] =	ssyncadd.s32 $0xFFFFC000  }
0x2ae: {  	[spmem:s4] =	stream.indirect.scatter.add.f32 [tilespmem:s22], [sflag:$0x3], $0x80, s25, s21, $0xb8;
	[tilespmem:$0x1D000] =	vst v63  }
0x2af: {  	_ =	swait.ge [sflag:s19], $0x4000  }
0x2b0: {  	[sflag:s19] =	ssyncset.done $0x0  }
0x2b1: {  	s28 =	simm.s32 $0x600;
	[sflag:s19] =	ssyncadd.s32 $0xFFFFC000  }
0x2b2: {  	[tilespmem:s22], [sflag:$0x1] =	stream.indirect.gather [hbm4b:s1+s21], $0x80, s28, s21, $0xb8;
	[tilespmem:$0x1D000] =	vst v63  }
0x2b3: {  	_ =	swait.ge [sflag:s26], $0x4000  }
0x2b4: {  	[sflag:s26] =	ssyncset.done $0x0  }
0x2b5: {  	s10 =	simm.s32 $0xD80;
	[sflag:s26] =	ssyncadd.s32 $0xFFFFC000  }
0x2b6: {  	[spmem:s4] =	stream.indirect.scatter.add.f32 [tilespmem:s23], [sflag:$0x3], $0x80, s10, s21, $0xb8;
	[tilespmem:$0x1D000] =	vst v63  }
0x2b7: {  	_ =	swait.ge [sflag:s19], $0x4000  }
0x2b8: {  	[sflag:s19] =	ssyncset.done $0x0  }
0x2b9: {  	s18 =	simm.s32 $0x680;
	[sflag:s19] =	ssyncadd.s32 $0xFFFFC000  }
0x2ba: {  	[tilespmem:s23], [sflag:$0x2] =	stream.indirect.gather [hbm4b:s1+s21], $0x80, s18, s21, $0xb8;
	[tilespmem:$0x1D000] =	vst v63  }
0x2bb: {  	_ =	swait.ge [sflag:s24], $0x4000  }
0x2bc: {  	[sflag:s24] =	ssyncset.done $0x0  }
0x2bd: {  	s25 =	simm.s32 $0xE00;
	[sflag:s24] =	ssyncadd.s32 $0xFFFFC000  }
0x2be: {  	[spmem:s4] =	stream.indirect.scatter.add.f32 [tilespmem:s22], [sflag:$0x3], $0x80, s25, s21, $0xb8;
	[tilespmem:$0x1D000] =	vst v63  }
0x2bf: {  	_ =	swait.ge [sflag:s19], $0x4000  }
0x2c0: {  	[sflag:s19] =	ssyncset.done $0x0  }
0x2c1: {  	s28 =	simm.s32 $0x700;
	[sflag:s19] =	ssyncadd.s32 $0xFFFFC000  }
0x2c2: {  	[tilespmem:s22], [sflag:$0x1] =	stream.indirect.gather [hbm4b:s1+s21], $0x80, s28, s21, $0xb8;
	[tilespmem:$0x1D000] =	vst v63  }
0x2c3: {  	_ =	swait.ge [sflag:s26], $0x4000  }
0x2c4: {  	[sflag:s26] =	ssyncset.done $0x0  }
0x2c5: {  	s10 =	simm.s32 $0xE80;
	[sflag:s26] =	ssyncadd.s32 $0xFFFFC000  }
0x2c6: {  	[spmem:s4] =	stream.indirect.scatter.add.f32 [tilespmem:s23], [sflag:$0x3], $0x80, s10, s21, $0xb8;
	[tilespmem:$0x1D000] =	vst v63  }
0x2c7: {  	_ =	swait.ge [sflag:s19], $0x4000  }
0x2c8: {  	[sflag:s19] =	ssyncset.done $0x0  }
0x2c9: {  	s18 =	simm.s32 $0x780;
	[sflag:s19] =	ssyncadd.s32 $0xFFFFC000  }
0x2ca: {  	[tilespmem:s23], [sflag:$0x2] =	stream.indirect.gather [hbm4b:s1+s21], $0x80, s18, s21, $0xb8;
	[tilespmem:$0x1D000] =	vst v63  }
0x2cb: {  	_ =	swait.ge [sflag:s24], $0x4000  }
0x2cc: {  	[sflag:s24] =	ssyncset.done $0x0  }
0x2cd: {  	s25 =	simm.s32 $0xF00;
	[sflag:s24] =	ssyncadd.s32 $0xFFFFC000  }
0x2ce: {  	[spmem:s4] =	stream.indirect.scatter.add.f32 [tilespmem:s22], [sflag:$0x3], $0x80, s25, s21, $0xb8;
	[tilespmem:$0x1D000] =	vst v63  }
0x2cf: {  	_ =	swait.ge [sflag:s19], $0x4000  }
0x2d0: {  	[sflag:s19] =	ssyncset.done $0x0  }
0x2d1: {  	[sflag:s19] =	ssyncadd.s32 $0xFFFFC000  }
0x2d2: {  	_ =	swait.ge [sflag:s26], $0x4000  }
0x2d3: {  	[sflag:s26] =	ssyncset.done $0x0  }
0x2d4: {  	s28 =	simm.s32 $0xF80;
	[sflag:s26] =	ssyncadd.s32 $0xFFFFC000  }
0x2d5: {  	[spmem:s4] =	stream.indirect.scatter.add.f32 [tilespmem:s23], [sflag:$0x3], $0x80, s28, s21, $0xb8;
	[tilespmem:$0x1D000] =	vst v63  }
0x2d6: {  	_ =	swait.ge [sflag:s19], $0x4000  }
0x2d7: {  	s9 =	simm.s32 $0x100;
	s18 =	simm.s32 $0x200;
	[sflag:s19] =	ssyncset.done $0x0  }
.LBB2_6:
0x2d8: {  	s25 =	sadd.s32 s9, s17  }
0x2d9: {  	[sflag:s19] =	ssyncadd.s32 $0xFFFFC000;
	s28 =	smov.u32 s18;
	s10 =	sadd.s32 $0x100, s18  }
0x2da: {  	[tilespmem:s5], [sflag:$0x3] =	stream.linear.gather [hbm4b:s25+s5], $0x800, $0x38;
	[tilespmem:$0x1D000] =	vst v63  }
0x2db: {  	s25 =	simm.s32 $0x100  }
0x2dc: {  	p1 =	sne.s32 s18, $0x400;
	_ =	swait.ge [sflag:s19], $0x800  }
0x2dd: {  	s18 =	sadd.s32 s9, s16;
	[sflag:s19] =	ssyncset.done $0x0  }
0x2de: {  	s9 =	smov.u32 s28;
	s28 =	simm.s32 $0x880;
	[sflag:s19] =	ssyncadd.s32 $0xFFFFF800  }
0x2df: {  	[tilespmem:s20], [sflag:$0x3] =	stream.linear.gather [hbm4b:s18+s5], $0x800, $0x38;
	[tilespmem:$0x1D000] =	vst v63  }
0x2e0: {  	_ =	swait.ge [sflag:s19], $0x800  }
0x2e1: {  	[sflag:s19] =	ssyncset.done $0x0  }
0x2e2: {  	[sflag:s19] =	ssyncadd.s32 $0xFFFFF800  }
0x2e3: {  	[tilespmem:s22], [sflag:$0x1] =	stream.indirect.gather [hbm4b:s1+s21], $0x80, s5, s21, $0xb8;
	[tilespmem:$0x1D000] =	vst v63  }
0x2e4: {  	_ = 	snop  }
0x2e5: {  	[tilespmem:s23], [sflag:$0x2] =	stream.indirect.gather [hbm4b:s1+s21], $0x80, s21, s21, $0xb8;
	[tilespmem:$0x1D000] =	vst v63  }
0x2e6: {  	_ =	swait.ge [sflag:s24], $0x4000  }
0x2e7: {  	[sflag:s24] =	ssyncset.done $0x0  }
0x2e8: {  	[sflag:s24] =	ssyncadd.s32 $0xFFFFC000  }
0x2e9: {  	[spmem:s4] =	stream.indirect.scatter.add.f32 [tilespmem:s22], [sflag:$0x3], $0x80, s20, s21, $0xb8;
	[tilespmem:$0x1D000] =	vst v63  }
0x2ea: {  	_ =	swait.ge [sflag:s19], $0x4000  }
0x2eb: {  	[sflag:s19] =	ssyncset.done $0x0  }
0x2ec: {  	[sflag:s19] =	ssyncadd.s32 $0xFFFFC000  }
0x2ed: {  	[tilespmem:s22], [sflag:$0x1] =	stream.indirect.gather [hbm4b:s1+s21], $0x80, s25, s21, $0xb8;
	[tilespmem:$0x1D000] =	vst v63  }
0x2ee: {  	_ =	swait.ge [sflag:s26], $0x4000  }
0x2ef: {  	[sflag:s26] =	ssyncset.done $0x0  }
0x2f0: {  	[sflag:s26] =	ssyncadd.s32 $0xFFFFC000  }
0x2f1: {  	[spmem:s4] =	stream.indirect.scatter.add.f32 [tilespmem:s23], [sflag:$0x3], $0x80, s28, s21, $0xb8;
	[tilespmem:$0x1D000] =	vst v63  }
0x2f2: {  	_ =	swait.ge [sflag:s19], $0x4000  }
0x2f3: {  	[sflag:s19] =	ssyncset.done $0x0  }
0x2f4: {  	[sflag:s19] =	ssyncadd.s32 $0xFFFFC000  }
0x2f5: {  	[tilespmem:s23], [sflag:$0x2] =	stream.indirect.gather [hbm4b:s1+s21], $0x80, s29, s21, $0xb8;
	[tilespmem:$0x1D000] =	vst v63  }
0x2f6: {  	_ =	swait.ge [sflag:s24], $0x4000  }
0x2f7: {  	[sflag:s24] =	ssyncset.done $0x0  }
0x2f8: {  	[sflag:s24] =	ssyncadd.s32 $0xFFFFC000  }
0x2f9: {  	[spmem:s4] =	stream.indirect.scatter.add.f32 [tilespmem:s22], [sflag:$0x3], $0x80, s30, s21, $0xb8;
	[tilespmem:$0x1D000] =	vst v63  }
0x2fa: {  	_ =	swait.ge [sflag:s19], $0x4000  }
0x2fb: {  	[sflag:s19] =	ssyncset.done $0x0  }
0x2fc: {  	[sflag:s19] =	ssyncadd.s32 $0xFFFFC000  }
0x2fd: {  	[tilespmem:s22], [sflag:$0x1] =	stream.indirect.gather [hbm4b:s1+s21], $0x80, s31, s21, $0xb8;
	[tilespmem:$0x1D000] =	vst v63  }
0x2fe: {  	_ =	swait.ge [sflag:s26], $0x4000  }
0x2ff: {  	[sflag:s26] =	ssyncset.done $0x0  }
0x300: {  	[sflag:s26] =	ssyncadd.s32 $0xFFFFC000  }
0x301: {  	[spmem:s4] =	stream.indirect.scatter.add.f32 [tilespmem:s23], [sflag:$0x3], $0x80, s0, s21, $0xb8;
	[tilespmem:$0x1D000] =	vst v63  }
0x302: {  	_ =	swait.ge [sflag:s19], $0x4000  }
0x303: {  	[sflag:s19] =	ssyncset.done $0x0  }
0x304: {  	[sflag:s19] =	ssyncadd.s32 $0xFFFFC000  }
0x305: {  	[tilespmem:s23], [sflag:$0x2] =	stream.indirect.gather [hbm4b:s1+s21], $0x80, s3, s21, $0xb8;
	[tilespmem:$0x1D000] =	vst v63  }
0x306: {  	_ =	swait.ge [sflag:s24], $0x4000  }
0x307: {  	[sflag:s24] =	ssyncset.done $0x0  }
0x308: {  	[sflag:s24] =	ssyncadd.s32 $0xFFFFC000  }
0x309: {  	[spmem:s4] =	stream.indirect.scatter.add.f32 [tilespmem:s22], [sflag:$0x3], $0x80, s11, s21, $0xb8;
	[tilespmem:$0x1D000] =	vst v63  }
0x30a: {  	_ =	swait.ge [sflag:s19], $0x4000  }
0x30b: {  	[sflag:s19] =	ssyncset.done $0x0  }
0x30c: {  	[sflag:s19] =	ssyncadd.s32 $0xFFFFC000  }
0x30d: {  	[tilespmem:s22], [sflag:$0x1] =	stream.indirect.gather [hbm4b:s1+s21], $0x80, s12, s21, $0xb8;
	[tilespmem:$0x1D000] =	vst v63  }
0x30e: {  	_ =	swait.ge [sflag:s26], $0x4000  }
0x30f: {  	[sflag:s26] =	ssyncset.done $0x0  }
0x310: {  	[sflag:s26] =	ssyncadd.s32 $0xFFFFC000  }
0x311: {  	[spmem:s4] =	stream.indirect.scatter.add.f32 [tilespmem:s23], [sflag:$0x3], $0x80, s13, s21, $0xb8;
	[tilespmem:$0x1D000] =	vst v63  }
0x312: {  	_ =	swait.ge [sflag:s19], $0x4000  }
0x313: {  	[sflag:s19] =	ssyncset.done $0x0  }
0x314: {  	[sflag:s19] =	ssyncadd.s32 $0xFFFFC000  }
0x315: {  	[tilespmem:s23], [sflag:$0x2] =	stream.indirect.gather [hbm4b:s1+s21], $0x80, s14, s21, $0xb8;
	[tilespmem:$0x1D000] =	vst v63  }
0x316: {  	_ =	swait.ge [sflag:s24], $0x4000  }
0x317: {  	[sflag:s24] =	ssyncset.done $0x0  }
0x318: {  	[sflag:s24] =	ssyncadd.s32 $0xFFFFC000  }
0x319: {  	[spmem:s4] =	stream.indirect.scatter.add.f32 [tilespmem:s22], [sflag:$0x3], $0x80, s15, s21, $0xb8;
	[tilespmem:$0x1D000] =	vst v63  }
0x31a: {  	_ =	swait.ge [sflag:s19], $0x4000  }
0x31b: {  	[sflag:s19] =	ssyncset.done $0x0  }
0x31c: {  	[sflag:s19] =	ssyncadd.s32 $0xFFFFC000  }
0x31d: {  	[tilespmem:s22], [sflag:$0x1] =	stream.indirect.gather [hbm4b:s1+s21], $0x80, s8, s21, $0xb8;
	[tilespmem:$0x1D000] =	vst v63  }
0x31e: {  	_ =	swait.ge [sflag:s26], $0x4000  }
0x31f: {  	[sflag:s26] =	ssyncset.done $0x0  }
0x320: {  	s18 =	simm.s32 $0xB80;
	[sflag:s26] =	ssyncadd.s32 $0xFFFFC000  }
0x321: {  	[spmem:s4] =	stream.indirect.scatter.add.f32 [tilespmem:s23], [sflag:$0x3], $0x80, s18, s21, $0xb8;
	[tilespmem:$0x1D000] =	vst v63  }
0x322: {  	_ =	swait.ge [sflag:s19], $0x4000  }
0x323: {  	[sflag:s19] =	ssyncset.done $0x0  }
0x324: {  	s18 =	simm.s32 $0x480;
	[sflag:s19] =	ssyncadd.s32 $0xFFFFC000  }
0x325: {  	[tilespmem:s23], [sflag:$0x2] =	stream.indirect.gather [hbm4b:s1+s21], $0x80, s18, s21, $0xb8;
	[tilespmem:$0x1D000] =	vst v63  }
0x326: {  	_ =	swait.ge [sflag:s24], $0x4000  }
0x327: {  	[sflag:s24] =	ssyncset.done $0x0  }
0x328: {  	s18 =	simm.s32 $0xC00;
	[sflag:s24] =	ssyncadd.s32 $0xFFFFC000  }
0x329: {  	[spmem:s4] =	stream.indirect.scatter.add.f32 [tilespmem:s22], [sflag:$0x3], $0x80, s18, s21, $0xb8;
	[tilespmem:$0x1D000] =	vst v63  }
0x32a: {  	_ =	swait.ge [sflag:s19], $0x4000  }
0x32b: {  	[sflag:s19] =	ssyncset.done $0x0  }
0x32c: {  	s18 =	simm.s32 $0x500;
	[sflag:s19] =	ssyncadd.s32 $0xFFFFC000  }
0x32d: {  	[tilespmem:s22], [sflag:$0x1] =	stream.indirect.gather [hbm4b:s1+s21], $0x80, s18, s21, $0xb8;
	[tilespmem:$0x1D000] =	vst v63  }
0x32e: {  	_ =	swait.ge [sflag:s26], $0x4000  }
0x32f: {  	[sflag:s26] =	ssyncset.done $0x0  }
0x330: {  	s18 =	simm.s32 $0xC80;
	[sflag:s26] =	ssyncadd.s32 $0xFFFFC000  }
0x331: {  	[spmem:s4] =	stream.indirect.scatter.add.f32 [tilespmem:s23], [sflag:$0x3], $0x80, s18, s21, $0xb8;
	[tilespmem:$0x1D000] =	vst v63  }
0x332: {  	_ =	swait.ge [sflag:s19], $0x4000  }
0x333: {  	[sflag:s19] =	ssyncset.done $0x0  }
0x334: {  	s18 =	simm.s32 $0x580;
	[sflag:s19] =	ssyncadd.s32 $0xFFFFC000  }
0x335: {  	[tilespmem:s23], [sflag:$0x2] =	stream.indirect.gather [hbm4b:s1+s21], $0x80, s18, s21, $0xb8;
	[tilespmem:$0x1D000] =	vst v63  }
0x336: {  	_ =	swait.ge [sflag:s24], $0x4000  }
0x337: {  	[sflag:s24] =	ssyncset.done $0x0  }
0x338: {  	s18 =	simm.s32 $0xD00;
	[sflag:s24] =	ssyncadd.s32 $0xFFFFC000  }
0x339: {  	[spmem:s4] =	stream.indirect.scatter.add.f32 [tilespmem:s22], [sflag:$0x3], $0x80, s18, s21, $0xb8;
	[tilespmem:$0x1D000] =	vst v63  }
0x33a: {  	_ =	swait.ge [sflag:s19], $0x4000  }
0x33b: {  	[sflag:s19] =	ssyncset.done $0x0  }
0x33c: {  	s18 =	simm.s32 $0x600;
	[sflag:s19] =	ssyncadd.s32 $0xFFFFC000  }
0x33d: {  	[tilespmem:s22], [sflag:$0x1] =	stream.indirect.gather [hbm4b:s1+s21], $0x80, s18, s21, $0xb8;
	[tilespmem:$0x1D000] =	vst v63  }
0x33e: {  	_ =	swait.ge [sflag:s26], $0x4000  }
0x33f: {  	[sflag:s26] =	ssyncset.done $0x0  }
0x340: {  	s18 =	simm.s32 $0xD80;
	[sflag:s26] =	ssyncadd.s32 $0xFFFFC000  }
0x341: {  	[spmem:s4] =	stream.indirect.scatter.add.f32 [tilespmem:s23], [sflag:$0x3], $0x80, s18, s21, $0xb8;
	[tilespmem:$0x1D000] =	vst v63  }
0x342: {  	_ =	swait.ge [sflag:s19], $0x4000  }
0x343: {  	[sflag:s19] =	ssyncset.done $0x0  }
0x344: {  	s18 =	simm.s32 $0x680;
	[sflag:s19] =	ssyncadd.s32 $0xFFFFC000  }
0x345: {  	[tilespmem:s23], [sflag:$0x2] =	stream.indirect.gather [hbm4b:s1+s21], $0x80, s18, s21, $0xb8;
	[tilespmem:$0x1D000] =	vst v63  }
0x346: {  	_ =	swait.ge [sflag:s24], $0x4000  }
0x347: {  	[sflag:s24] =	ssyncset.done $0x0  }
0x348: {  	s18 =	simm.s32 $0xE00;
	[sflag:s24] =	ssyncadd.s32 $0xFFFFC000  }
0x349: {  	[spmem:s4] =	stream.indirect.scatter.add.f32 [tilespmem:s22], [sflag:$0x3], $0x80, s18, s21, $0xb8;
	[tilespmem:$0x1D000] =	vst v63  }
0x34a: {  	_ =	swait.ge [sflag:s19], $0x4000  }
0x34b: {  	[sflag:s19] =	ssyncset.done $0x0  }
0x34c: {  	s18 =	simm.s32 $0x700;
	[sflag:s19] =	ssyncadd.s32 $0xFFFFC000  }
0x34d: {  	[tilespmem:s22], [sflag:$0x1] =	stream.indirect.gather [hbm4b:s1+s21], $0x80, s18, s21, $0xb8;
	[tilespmem:$0x1D000] =	vst v63  }
0x34e: {  	_ =	swait.ge [sflag:s26], $0x4000  }
0x34f: {  	[sflag:s26] =	ssyncset.done $0x0  }
0x350: {  	s18 =	simm.s32 $0xE80;
	[sflag:s26] =	ssyncadd.s32 $0xFFFFC000  }
0x351: {  	[spmem:s4] =	stream.indirect.scatter.add.f32 [tilespmem:s23], [sflag:$0x3], $0x80, s18, s21, $0xb8;
	[tilespmem:$0x1D000] =	vst v63  }
0x352: {  	_ =	swait.ge [sflag:s19], $0x4000  }
0x353: {  	[sflag:s19] =	ssyncset.done $0x0  }
0x354: {  	s18 =	simm.s32 $0x780;
	[sflag:s19] =	ssyncadd.s32 $0xFFFFC000  }
0x355: {  	[tilespmem:s23], [sflag:$0x2] =	stream.indirect.gather [hbm4b:s1+s21], $0x80, s18, s21, $0xb8;
	[tilespmem:$0x1D000] =	vst v63  }
0x356: {  	_ =	swait.ge [sflag:s24], $0x4000  }
0x357: {  	[sflag:s24] =	ssyncset.done $0x0  }
0x358: {  	s18 =	simm.s32 $0xF00;
	[sflag:s24] =	ssyncadd.s32 $0xFFFFC000  }
0x359: {  	[spmem:s4] =	stream.indirect.scatter.add.f32 [tilespmem:s22], [sflag:$0x3], $0x80, s18, s21, $0xb8;
	[tilespmem:$0x1D000] =	vst v63  }
0x35a: {  	_ =	swait.ge [sflag:s19], $0x4000  }
0x35b: {  	[sflag:s19] =	ssyncset.done $0x0  }
0x35c: {  	[sflag:s19] =	ssyncadd.s32 $0xFFFFC000  }
0x35d: {  	_ =	swait.ge [sflag:s26], $0x4000  }
.Ltmp5:
0x35e: {  	[sflag:s26] =	ssyncset.done $0x0;
	(pc) =	sbr.rel @p1 .LBB2_6-.Ltmp5, $4  }
0x35f: {  	s18 =	simm.s32 $0xF80;
	[sflag:s26] =	ssyncadd.s32 $0xFFFFC000  }
0x360: {  	[spmem:s4] =	stream.indirect.scatter.add.f32 [tilespmem:s23], [sflag:$0x3], $0x80, s18, s21, $0xb8;
	[tilespmem:$0x1D000] =	vst v63  }
0x361: {  	_ =	swait.ge [sflag:s19], $0x4000  }
0x362: {  	s18 =	smov.u32 s10;
	[sflag:s19] =	ssyncset.done $0x0  }
0x363: {  	s10 =	sadd.s32 s9, s17;
	[sflag:s19] =	ssyncadd.s32 $0xFFFFC000  }
0x364: {  	[tilespmem:s5], [sflag:$0x3] =	stream.linear.gather [hbm4b:s10+s5], $0x800, $0x38;
	[tilespmem:$0x1D000] =	vst v63  }
0x365: {  	_ =	swait.ge [sflag:s19], $0x800  }
0x366: {  	[sflag:s19] =	ssyncset.done $0x0  }
0x367: {  	s18 =	sadd.s32 s9, s16;
	[sflag:s19] =	ssyncadd.s32 $0xFFFFF800  }
0x368: {  	[tilespmem:s20], [sflag:$0x3] =	stream.linear.gather [hbm4b:s18+s5], $0x800, $0x38;
	[tilespmem:$0x1D000] =	vst v63  }
0x369: {  	_ =	swait.ge [sflag:s19], $0x800  }
0x36a: {  	[sflag:s19] =	ssyncset.done $0x0  }
0x36b: {  	[sflag:s19] =	ssyncadd.s32 $0xFFFFF800  }
0x36c: {  	[tilespmem:s22], [sflag:$0x1] =	stream.indirect.gather [hbm4b:s1+s21], $0x80, s5, s21, $0xb8;
	[tilespmem:$0x1D000] =	vst v63  }
0x36d: {  	_ = 	snop  }
0x36e: {  	[tilespmem:s23], [sflag:$0x2] =	stream.indirect.gather [hbm4b:s1+s21], $0x80, s21, s21, $0xb8;
	[tilespmem:$0x1D000] =	vst v63  }
0x36f: {  	_ =	swait.ge [sflag:s24], $0x4000  }
0x370: {  	[sflag:s24] =	ssyncset.done $0x0  }
0x371: {  	[sflag:s24] =	ssyncadd.s32 $0xFFFFC000  }
0x372: {  	[spmem:s4] =	stream.indirect.scatter.add.f32 [tilespmem:s22], [sflag:$0x3], $0x80, s20, s21, $0xb8;
	[tilespmem:$0x1D000] =	vst v63  }
0x373: {  	_ =	swait.ge [sflag:s19], $0x4000  }
0x374: {  	[sflag:s19] =	ssyncset.done $0x0  }
0x375: {  	[sflag:s19] =	ssyncadd.s32 $0xFFFFC000  }
0x376: {  	[tilespmem:s22], [sflag:$0x1] =	stream.indirect.gather [hbm4b:s1+s21], $0x80, s25, s21, $0xb8;
	[tilespmem:$0x1D000] =	vst v63  }
0x377: {  	_ =	swait.ge [sflag:s26], $0x4000  }
0x378: {  	[sflag:s26] =	ssyncset.done $0x0  }
0x379: {  	[sflag:s26] =	ssyncadd.s32 $0xFFFFC000  }
0x37a: {  	[spmem:s4] =	stream.indirect.scatter.add.f32 [tilespmem:s23], [sflag:$0x3], $0x80, s28, s21, $0xb8;
	[tilespmem:$0x1D000] =	vst v63  }
0x37b: {  	_ =	swait.ge [sflag:s19], $0x4000  }
0x37c: {  	[sflag:s19] =	ssyncset.done $0x0  }
0x37d: {  	[sflag:s19] =	ssyncadd.s32 $0xFFFFC000  }
0x37e: {  	[tilespmem:s23], [sflag:$0x2] =	stream.indirect.gather [hbm4b:s1+s21], $0x80, s29, s21, $0xb8;
	[tilespmem:$0x1D000] =	vst v63  }
0x37f: {  	_ =	swait.ge [sflag:s24], $0x4000  }
0x380: {  	[sflag:s24] =	ssyncset.done $0x0  }
0x381: {  	[sflag:s24] =	ssyncadd.s32 $0xFFFFC000  }
0x382: {  	[spmem:s4] =	stream.indirect.scatter.add.f32 [tilespmem:s22], [sflag:$0x3], $0x80, s30, s21, $0xb8;
	[tilespmem:$0x1D000] =	vst v63  }
0x383: {  	_ =	swait.ge [sflag:s19], $0x4000  }
0x384: {  	[sflag:s19] =	ssyncset.done $0x0  }
0x385: {  	[sflag:s19] =	ssyncadd.s32 $0xFFFFC000  }
0x386: {  	[tilespmem:s22], [sflag:$0x1] =	stream.indirect.gather [hbm4b:s1+s21], $0x80, s31, s21, $0xb8;
	[tilespmem:$0x1D000] =	vst v63  }
0x387: {  	_ =	swait.ge [sflag:s26], $0x4000  }
0x388: {  	[sflag:s26] =	ssyncset.done $0x0  }
0x389: {  	[sflag:s26] =	ssyncadd.s32 $0xFFFFC000  }
0x38a: {  	[spmem:s4] =	stream.indirect.scatter.add.f32 [tilespmem:s23], [sflag:$0x3], $0x80, s0, s21, $0xb8;
	[tilespmem:$0x1D000] =	vst v63  }
0x38b: {  	_ =	swait.ge [sflag:s19], $0x4000  }
0x38c: {  	[sflag:s19] =	ssyncset.done $0x0  }
0x38d: {  	[sflag:s19] =	ssyncadd.s32 $0xFFFFC000  }
0x38e: {  	[tilespmem:s23], [sflag:$0x2] =	stream.indirect.gather [hbm4b:s1+s21], $0x80, s3, s21, $0xb8;
	[tilespmem:$0x1D000] =	vst v63  }
0x38f: {  	_ =	swait.ge [sflag:s24], $0x4000  }
0x390: {  	[sflag:s24] =	ssyncset.done $0x0  }
0x391: {  	[sflag:s24] =	ssyncadd.s32 $0xFFFFC000  }
0x392: {  	[spmem:s4] =	stream.indirect.scatter.add.f32 [tilespmem:s22], [sflag:$0x3], $0x80, s11, s21, $0xb8;
	[tilespmem:$0x1D000] =	vst v63  }
0x393: {  	_ =	swait.ge [sflag:s19], $0x4000  }
0x394: {  	[sflag:s19] =	ssyncset.done $0x0  }
0x395: {  	[sflag:s19] =	ssyncadd.s32 $0xFFFFC000  }
0x396: {  	[tilespmem:s22], [sflag:$0x1] =	stream.indirect.gather [hbm4b:s1+s21], $0x80, s12, s21, $0xb8;
	[tilespmem:$0x1D000] =	vst v63  }
0x397: {  	_ =	swait.ge [sflag:s26], $0x4000  }
0x398: {  	[sflag:s26] =	ssyncset.done $0x0  }
0x399: {  	[sflag:s26] =	ssyncadd.s32 $0xFFFFC000  }
0x39a: {  	[spmem:s4] =	stream.indirect.scatter.add.f32 [tilespmem:s23], [sflag:$0x3], $0x80, s13, s21, $0xb8;
	[tilespmem:$0x1D000] =	vst v63  }
0x39b: {  	_ =	swait.ge [sflag:s19], $0x4000  }
0x39c: {  	[sflag:s19] =	ssyncset.done $0x0  }
0x39d: {  	[sflag:s19] =	ssyncadd.s32 $0xFFFFC000  }
0x39e: {  	[tilespmem:s23], [sflag:$0x2] =	stream.indirect.gather [hbm4b:s1+s21], $0x80, s14, s21, $0xb8;
	[tilespmem:$0x1D000] =	vst v63  }
0x39f: {  	_ =	swait.ge [sflag:s24], $0x4000  }
0x3a0: {  	[sflag:s24] =	ssyncset.done $0x0  }
0x3a1: {  	[sflag:s24] =	ssyncadd.s32 $0xFFFFC000  }
0x3a2: {  	[spmem:s4] =	stream.indirect.scatter.add.f32 [tilespmem:s22], [sflag:$0x3], $0x80, s15, s21, $0xb8;
	[tilespmem:$0x1D000] =	vst v63  }
0x3a3: {  	_ =	swait.ge [sflag:s19], $0x4000  }
0x3a4: {  	[sflag:s19] =	ssyncset.done $0x0  }
0x3a5: {  	[sflag:s19] =	ssyncadd.s32 $0xFFFFC000  }
0x3a6: {  	[tilespmem:s22], [sflag:$0x1] =	stream.indirect.gather [hbm4b:s1+s21], $0x80, s8, s21, $0xb8;
	[tilespmem:$0x1D000] =	vst v63  }
0x3a7: {  	_ =	swait.ge [sflag:s26], $0x4000  }
0x3a8: {  	[sflag:s26] =	ssyncset.done $0x0  }
0x3a9: {  	s29 =	simm.s32 $0xB80;
	[sflag:s26] =	ssyncadd.s32 $0xFFFFC000  }
0x3aa: {  	[spmem:s4] =	stream.indirect.scatter.add.f32 [tilespmem:s23], [sflag:$0x3], $0x80, s29, s21, $0xb8;
	[tilespmem:$0x1D000] =	vst v63  }
0x3ab: {  	_ =	swait.ge [sflag:s19], $0x4000  }
0x3ac: {  	[sflag:s19] =	ssyncset.done $0x0  }
0x3ad: {  	s30 =	simm.s32 $0x480;
	[sflag:s19] =	ssyncadd.s32 $0xFFFFC000  }
0x3ae: {  	[tilespmem:s23], [sflag:$0x2] =	stream.indirect.gather [hbm4b:s1+s21], $0x80, s30, s21, $0xb8;
	[tilespmem:$0x1D000] =	vst v63  }
0x3af: {  	_ =	swait.ge [sflag:s24], $0x4000  }
0x3b0: {  	[sflag:s24] =	ssyncset.done $0x0  }
0x3b1: {  	s31 =	simm.s32 $0xC00;
	[sflag:s24] =	ssyncadd.s32 $0xFFFFC000  }
0x3b2: {  	[spmem:s4] =	stream.indirect.scatter.add.f32 [tilespmem:s22], [sflag:$0x3], $0x80, s31, s21, $0xb8;
	[tilespmem:$0x1D000] =	vst v63  }
0x3b3: {  	_ =	swait.ge [sflag:s19], $0x4000  }
0x3b4: {  	[sflag:s19] =	ssyncset.done $0x0  }
0x3b5: {  	s3 =	simm.s32 $0x500;
	[sflag:s19] =	ssyncadd.s32 $0xFFFFC000  }
0x3b6: {  	[tilespmem:s22], [sflag:$0x1] =	stream.indirect.gather [hbm4b:s1+s21], $0x80, s3, s21, $0xb8;
	[tilespmem:$0x1D000] =	vst v63  }
0x3b7: {  	_ =	swait.ge [sflag:s26], $0x4000  }
0x3b8: {  	[sflag:s26] =	ssyncset.done $0x0  }
0x3b9: {  	s8 =	simm.s32 $0xC80;
	[sflag:s26] =	ssyncadd.s32 $0xFFFFC000  }
0x3ba: {  	[spmem:s4] =	stream.indirect.scatter.add.f32 [tilespmem:s23], [sflag:$0x3], $0x80, s8, s21, $0xb8;
	[tilespmem:$0x1D000] =	vst v63  }
0x3bb: {  	_ =	swait.ge [sflag:s19], $0x4000  }
0x3bc: {  	[sflag:s19] =	ssyncset.done $0x0  }
0x3bd: {  	s9 =	simm.s32 $0x580;
	[sflag:s19] =	ssyncadd.s32 $0xFFFFC000  }
0x3be: {  	[tilespmem:s23], [sflag:$0x2] =	stream.indirect.gather [hbm4b:s1+s21], $0x80, s9, s21, $0xb8;
	[tilespmem:$0x1D000] =	vst v63  }
0x3bf: {  	_ =	swait.ge [sflag:s24], $0x4000  }
0x3c0: {  	[sflag:s24] =	ssyncset.done $0x0  }
0x3c1: {  	s10 =	simm.s32 $0xD00;
	[sflag:s24] =	ssyncadd.s32 $0xFFFFC000  }
0x3c2: {  	[spmem:s4] =	stream.indirect.scatter.add.f32 [tilespmem:s22], [sflag:$0x3], $0x80, s10, s21, $0xb8;
	[tilespmem:$0x1D000] =	vst v63  }
0x3c3: {  	_ =	swait.ge [sflag:s19], $0x4000  }
0x3c4: {  	[sflag:s19] =	ssyncset.done $0x0  }
0x3c5: {  	s11 =	simm.s32 $0x600;
	[sflag:s19] =	ssyncadd.s32 $0xFFFFC000  }
0x3c6: {  	[tilespmem:s22], [sflag:$0x1] =	stream.indirect.gather [hbm4b:s1+s21], $0x80, s11, s21, $0xb8;
	[tilespmem:$0x1D000] =	vst v63  }
0x3c7: {  	_ =	swait.ge [sflag:s26], $0x4000  }
0x3c8: {  	[sflag:s26] =	ssyncset.done $0x0  }
0x3c9: {  	s12 =	simm.s32 $0xD80;
	[sflag:s26] =	ssyncadd.s32 $0xFFFFC000  }
0x3ca: {  	[spmem:s4] =	stream.indirect.scatter.add.f32 [tilespmem:s23], [sflag:$0x3], $0x80, s12, s21, $0xb8;
	[tilespmem:$0x1D000] =	vst v63  }
0x3cb: {  	_ =	swait.ge [sflag:s19], $0x4000  }
0x3cc: {  	[sflag:s19] =	ssyncset.done $0x0  }
0x3cd: {  	s13 =	simm.s32 $0x680;
	[sflag:s19] =	ssyncadd.s32 $0xFFFFC000  }
0x3ce: {  	[tilespmem:s23], [sflag:$0x2] =	stream.indirect.gather [hbm4b:s1+s21], $0x80, s13, s21, $0xb8;
	[tilespmem:$0x1D000] =	vst v63  }
0x3cf: {  	_ =	swait.ge [sflag:s24], $0x4000  }
0x3d0: {  	[sflag:s24] =	ssyncset.done $0x0  }
0x3d1: {  	s14 =	simm.s32 $0xE00;
	[sflag:s24] =	ssyncadd.s32 $0xFFFFC000  }
0x3d2: {  	[spmem:s4] =	stream.indirect.scatter.add.f32 [tilespmem:s22], [sflag:$0x3], $0x80, s14, s21, $0xb8;
	[tilespmem:$0x1D000] =	vst v63  }
0x3d3: {  	_ =	swait.ge [sflag:s19], $0x4000  }
0x3d4: {  	[sflag:s19] =	ssyncset.done $0x0  }
0x3d5: {  	s15 =	simm.s32 $0x700;
	[sflag:s19] =	ssyncadd.s32 $0xFFFFC000  }
0x3d6: {  	[tilespmem:s22], [sflag:$0x1] =	stream.indirect.gather [hbm4b:s1+s21], $0x80, s15, s21, $0xb8;
	[tilespmem:$0x1D000] =	vst v63  }
0x3d7: {  	_ =	swait.ge [sflag:s26], $0x4000  }
0x3d8: {  	[sflag:s26] =	ssyncset.done $0x0  }
0x3d9: {  	s18 =	simm.s32 $0xE80;
	[sflag:s26] =	ssyncadd.s32 $0xFFFFC000  }
0x3da: {  	[spmem:s4] =	stream.indirect.scatter.add.f32 [tilespmem:s23], [sflag:$0x3], $0x80, s18, s21, $0xb8;
	[tilespmem:$0x1D000] =	vst v63  }
0x3db: {  	_ =	swait.ge [sflag:s19], $0x4000  }
0x3dc: {  	[sflag:s19] =	ssyncset.done $0x0  }
0x3dd: {  	s29 =	simm.s32 $0x780;
	[sflag:s19] =	ssyncadd.s32 $0xFFFFC000  }
0x3de: {  	[tilespmem:s23], [sflag:$0x2] =	stream.indirect.gather [hbm4b:s1+s21], $0x80, s29, s21, $0xb8;
	[tilespmem:$0x1D000] =	vst v63  }
0x3df: {  	_ =	swait.ge [sflag:s24], $0x4000  }
0x3e0: {  	[sflag:s24] =	ssyncset.done $0x0  }
0x3e1: {  	s30 =	simm.s32 $0xF00;
	[sflag:s24] =	ssyncadd.s32 $0xFFFFC000  }
0x3e2: {  	[spmem:s4] =	stream.indirect.scatter.add.f32 [tilespmem:s22], [sflag:$0x3], $0x80, s30, s21, $0xb8;
	[tilespmem:$0x1D000] =	vst v63  }
0x3e3: {  	_ =	swait.ge [sflag:s19], $0x4000  }
0x3e4: {  	[sflag:s19] =	ssyncset.done $0x0  }
0x3e5: {  	[sflag:s19] =	ssyncadd.s32 $0xFFFFC000  }
0x3e6: {  	_ =	swait.ge [sflag:s26], $0x4000  }
0x3e7: {  	[sflag:s26] =	ssyncset.done $0x0  }
0x3e8: {  	s31 =	simm.s32 $0xF80;
	[sflag:s26] =	ssyncadd.s32 $0xFFFFC000  }
0x3e9: {  	[spmem:s4] =	stream.indirect.scatter.add.f32 [tilespmem:s23], [sflag:$0x3], $0x80, s31, s21, $0xb8;
	[tilespmem:$0x1D000] =	vst v63  }
0x3ea: {  	_ =	swait.ge [sflag:s19], $0x4000  }
0x3eb: {  	[sflag:s19] =	ssyncset.done $0x0  }
0x3ec: {  	s9 =	rddreg [dreg:$0x9];
	[sflag:s19] =	ssyncadd.s32 $0xFFFFC000  }
.LBB2_8:
0x3ed: {  	s10 =	rddreg [dreg:$0x6];
	[bflag:$0x0] =	sbarrier.arrive $0xFFFF  }
0x3ee: {  	s30 =	rddreg [dreg:$0x7]  }
0x3ef: {  	s9 =	sadd.s32 s10, s9;
	s18 =	rddreg [dreg:$0xd]  }
0x3f0: {  	[hbm:s9], [sflag:s30] =	dma.local [spmem:s18], $0x2800  }
0x3f1: {  	_ =	swait.ge [sflag:s19], $0x2800  }
0x3f2: {  	[sflag:s19] =	ssyncset.done $0x0  }
0x3f3: {  	[sflag:s19] =	ssyncadd.s32 $0xFFFFD800  }
0x3f4: {  	[bflag:$0x0] =	sbarrier.arrive $0xFFFF  }
0x3f5: {  	s31 =	rddreg [dreg:$0x5]  }
0x3f6: {  	[spmem:s18], [sflag:s30] =	dma.local [hbm:s31], $0x2800  }
.Ltmp6:
0x3f7: {  	_ =	swait.ge [sflag:s19], $0x2800;
	(pc) =	sbr.rel @p0 .LBB2_12-.Ltmp6, $4  }
0x3f8: {  	[sflag:s19] =	ssyncset.done $0x0  }
0x3f9: {  	[sflag:s19] =	ssyncadd.s32 $0xFFFFD800  }
0x3fa: {  	[bflag:$0x0] =	sbarrier.arrive $0xFFFF  }
0x3fb: {  	s9 =	sadd.s32 $0x0, s17  }
0x3fc: {  	[tilespmem:s5], [sflag:$0x3] =	stream.linear.gather [hbm4b:s9+s5], $0x800, $0x38;
	[tilespmem:$0x1D000] =	vst v63  }
0x3fd: {  	_ =	swait.ge [sflag:s19], $0x800  }
0x3fe: {  	[sflag:s19] =	ssyncset.done $0x0  }
0x3ff: {  	s8 =	sadd.s32 $0x0, s16;
	[sflag:s19] =	ssyncadd.s32 $0xFFFFF800  }
0x400: {  	[tilespmem:s20], [sflag:$0x3] =	stream.linear.gather [hbm4b:s8+s5], $0x800, $0x38;
	[tilespmem:$0x1D000] =	vst v63  }
0x401: {  	_ =	swait.ge [sflag:s19], $0x800  }
0x402: {  	[sflag:s19] =	ssyncset.done $0x0  }
0x403: {  	[sflag:s19] =	ssyncadd.s32 $0xFFFFF800  }
0x404: {  	[tilespmem:s22], [sflag:$0x1] =	stream.indirect.gather [hbm4b:s7+s21], $0x80, s5, s21, $0xb8;
	[tilespmem:$0x1D000] =	vst v63  }
0x405: {  	_ = 	snop  }
0x406: {  	[tilespmem:s23], [sflag:$0x2] =	stream.indirect.gather [hbm4b:s7+s21], $0x80, s21, s21, $0xb8;
	[tilespmem:$0x1D000] =	vst v63  }
0x407: {  	_ =	swait.ge [sflag:s24], $0x4000  }
0x408: {  	[sflag:s24] =	ssyncset.done $0x0  }
0x409: {  	[sflag:s24] =	ssyncadd.s32 $0xFFFFC000  }
0x40a: {  	[spmem:s4] =	stream.indirect.scatter.add.f32 [tilespmem:s22], [sflag:$0x3], $0x80, s20, s21, $0xb8;
	[tilespmem:$0x1D000] =	vst v63  }
0x40b: {  	_ =	swait.ge [sflag:s19], $0x4000  }
0x40c: {  	[sflag:s19] =	ssyncset.done $0x0  }
0x40d: {  	[sflag:s19] =	ssyncadd.s32 $0xFFFFC000  }
0x40e: {  	[tilespmem:s22], [sflag:$0x1] =	stream.indirect.gather [hbm4b:s7+s21], $0x80, s25, s21, $0xb8;
	[tilespmem:$0x1D000] =	vst v63  }
0x40f: {  	_ =	swait.ge [sflag:s26], $0x4000  }
0x410: {  	[sflag:s26] =	ssyncset.done $0x0  }
0x411: {  	[sflag:s26] =	ssyncadd.s32 $0xFFFFC000  }
0x412: {  	[spmem:s4] =	stream.indirect.scatter.add.f32 [tilespmem:s23], [sflag:$0x3], $0x80, s28, s21, $0xb8;
	[tilespmem:$0x1D000] =	vst v63  }
0x413: {  	_ =	swait.ge [sflag:s19], $0x4000  }
0x414: {  	[sflag:s19] =	ssyncset.done $0x0  }
0x415: {  	s29 =	simm.s32 $0x180;
	[sflag:s19] =	ssyncadd.s32 $0xFFFFC000  }
0x416: {  	[tilespmem:s23], [sflag:$0x2] =	stream.indirect.gather [hbm4b:s7+s21], $0x80, s29, s21, $0xb8;
	[tilespmem:$0x1D000] =	vst v63  }
0x417: {  	_ =	swait.ge [sflag:s24], $0x4000  }
0x418: {  	[sflag:s24] =	ssyncset.done $0x0  }
0x419: {  	s30 =	simm.s32 $0x900;
	[sflag:s24] =	ssyncadd.s32 $0xFFFFC000  }
0x41a: {  	[spmem:s4] =	stream.indirect.scatter.add.f32 [tilespmem:s22], [sflag:$0x3], $0x80, s30, s21, $0xb8;
	[tilespmem:$0x1D000] =	vst v63  }
0x41b: {  	_ =	swait.ge [sflag:s19], $0x4000  }
0x41c: {  	[sflag:s19] =	ssyncset.done $0x0  }
0x41d: {  	s31 =	simm.s32 $0x200;
	[sflag:s19] =	ssyncadd.s32 $0xFFFFC000  }
0x41e: {  	[tilespmem:s22], [sflag:$0x1] =	stream.indirect.gather [hbm4b:s7+s21], $0x80, s31, s21, $0xb8;
	[tilespmem:$0x1D000] =	vst v63  }
0x41f: {  	_ =	swait.ge [sflag:s26], $0x4000  }
0x420: {  	[sflag:s26] =	ssyncset.done $0x0  }
0x421: {  	s0 =	simm.s32 $0x980;
	[sflag:s26] =	ssyncadd.s32 $0xFFFFC000  }
0x422: {  	[spmem:s4] =	stream.indirect.scatter.add.f32 [tilespmem:s23], [sflag:$0x3], $0x80, s0, s21, $0xb8;
	[tilespmem:$0x1D000] =	vst v63  }
0x423: {  	_ =	swait.ge [sflag:s19], $0x4000  }
0x424: {  	[sflag:s19] =	ssyncset.done $0x0  }
0x425: {  	s3 =	simm.s32 $0x280;
	[sflag:s19] =	ssyncadd.s32 $0xFFFFC000  }
0x426: {  	[tilespmem:s23], [sflag:$0x2] =	stream.indirect.gather [hbm4b:s7+s21], $0x80, s3, s21, $0xb8;
	[tilespmem:$0x1D000] =	vst v63  }
0x427: {  	_ =	swait.ge [sflag:s24], $0x4000  }
0x428: {  	[sflag:s24] =	ssyncset.done $0x0  }
0x429: {  	s11 =	simm.s32 $0xA00;
	[sflag:s24] =	ssyncadd.s32 $0xFFFFC000  }
0x42a: {  	[spmem:s4] =	stream.indirect.scatter.add.f32 [tilespmem:s22], [sflag:$0x3], $0x80, s11, s21, $0xb8;
	[tilespmem:$0x1D000] =	vst v63  }
0x42b: {  	_ =	swait.ge [sflag:s19], $0x4000  }
0x42c: {  	[sflag:s19] =	ssyncset.done $0x0  }
0x42d: {  	s12 =	simm.s32 $0x300;
	[sflag:s19] =	ssyncadd.s32 $0xFFFFC000  }
0x42e: {  	[tilespmem:s22], [sflag:$0x1] =	stream.indirect.gather [hbm4b:s7+s21], $0x80, s12, s21, $0xb8;
	[tilespmem:$0x1D000] =	vst v63  }
0x42f: {  	_ =	swait.ge [sflag:s26], $0x4000  }
0x430: {  	[sflag:s26] =	ssyncset.done $0x0  }
0x431: {  	s13 =	simm.s32 $0xA80;
	[sflag:s26] =	ssyncadd.s32 $0xFFFFC000  }
0x432: {  	[spmem:s4] =	stream.indirect.scatter.add.f32 [tilespmem:s23], [sflag:$0x3], $0x80, s13, s21, $0xb8;
	[tilespmem:$0x1D000] =	vst v63  }
0x433: {  	_ =	swait.ge [sflag:s19], $0x4000  }
0x434: {  	[sflag:s19] =	ssyncset.done $0x0  }
0x435: {  	s14 =	simm.s32 $0x380;
	[sflag:s19] =	ssyncadd.s32 $0xFFFFC000  }
0x436: {  	[tilespmem:s23], [sflag:$0x2] =	stream.indirect.gather [hbm4b:s7+s21], $0x80, s14, s21, $0xb8;
	[tilespmem:$0x1D000] =	vst v63  }
0x437: {  	_ =	swait.ge [sflag:s24], $0x4000  }
0x438: {  	[sflag:s24] =	ssyncset.done $0x0  }
0x439: {  	s15 =	simm.s32 $0xB00;
	[sflag:s24] =	ssyncadd.s32 $0xFFFFC000  }
0x43a: {  	[spmem:s4] =	stream.indirect.scatter.add.f32 [tilespmem:s22], [sflag:$0x3], $0x80, s15, s21, $0xb8;
	[tilespmem:$0x1D000] =	vst v63  }
0x43b: {  	_ =	swait.ge [sflag:s19], $0x4000  }
0x43c: {  	[sflag:s19] =	ssyncset.done $0x0  }
0x43d: {  	s8 =	simm.s32 $0x400;
	[sflag:s19] =	ssyncadd.s32 $0xFFFFC000  }
0x43e: {  	[tilespmem:s22], [sflag:$0x1] =	stream.indirect.gather [hbm4b:s7+s21], $0x80, s8, s21, $0xb8;
	[tilespmem:$0x1D000] =	vst v63  }
0x43f: {  	_ =	swait.ge [sflag:s26], $0x4000  }
0x440: {  	[sflag:s26] =	ssyncset.done $0x0  }
0x441: {  	s10 =	simm.s32 $0xB80;
	[sflag:s26] =	ssyncadd.s32 $0xFFFFC000  }
0x442: {  	[spmem:s4] =	stream.indirect.scatter.add.f32 [tilespmem:s23], [sflag:$0x3], $0x80, s10, s21, $0xb8;
	[tilespmem:$0x1D000] =	vst v63  }
0x443: {  	_ =	swait.ge [sflag:s19], $0x4000  }
0x444: {  	[sflag:s19] =	ssyncset.done $0x0  }
0x445: {  	s18 =	simm.s32 $0x480;
	[sflag:s19] =	ssyncadd.s32 $0xFFFFC000  }
0x446: {  	[tilespmem:s23], [sflag:$0x2] =	stream.indirect.gather [hbm4b:s7+s21], $0x80, s18, s21, $0xb8;
	[tilespmem:$0x1D000] =	vst v63  }
0x447: {  	_ =	swait.ge [sflag:s24], $0x4000  }
0x448: {  	[sflag:s24] =	ssyncset.done $0x0  }
0x449: {  	s25 =	simm.s32 $0xC00;
	[sflag:s24] =	ssyncadd.s32 $0xFFFFC000  }
0x44a: {  	[spmem:s4] =	stream.indirect.scatter.add.f32 [tilespmem:s22], [sflag:$0x3], $0x80, s25, s21, $0xb8;
	[tilespmem:$0x1D000] =	vst v63  }
0x44b: {  	_ =	swait.ge [sflag:s19], $0x4000  }
0x44c: {  	[sflag:s19] =	ssyncset.done $0x0  }
0x44d: {  	s28 =	simm.s32 $0x500;
	[sflag:s19] =	ssyncadd.s32 $0xFFFFC000  }
0x44e: {  	[tilespmem:s22], [sflag:$0x1] =	stream.indirect.gather [hbm4b:s7+s21], $0x80, s28, s21, $0xb8;
	[tilespmem:$0x1D000] =	vst v63  }
0x44f: {  	_ =	swait.ge [sflag:s26], $0x4000  }
0x450: {  	[sflag:s26] =	ssyncset.done $0x0  }
0x451: {  	s10 =	simm.s32 $0xC80;
	[sflag:s26] =	ssyncadd.s32 $0xFFFFC000  }
0x452: {  	[spmem:s4] =	stream.indirect.scatter.add.f32 [tilespmem:s23], [sflag:$0x3], $0x80, s10, s21, $0xb8;
	[tilespmem:$0x1D000] =	vst v63  }
0x453: {  	_ =	swait.ge [sflag:s19], $0x4000  }
0x454: {  	[sflag:s19] =	ssyncset.done $0x0  }
0x455: {  	s18 =	simm.s32 $0x580;
	[sflag:s19] =	ssyncadd.s32 $0xFFFFC000  }
0x456: {  	[tilespmem:s23], [sflag:$0x2] =	stream.indirect.gather [hbm4b:s7+s21], $0x80, s18, s21, $0xb8;
	[tilespmem:$0x1D000] =	vst v63  }
0x457: {  	_ =	swait.ge [sflag:s24], $0x4000  }
0x458: {  	[sflag:s24] =	ssyncset.done $0x0  }
0x459: {  	s25 =	simm.s32 $0xD00;
	[sflag:s24] =	ssyncadd.s32 $0xFFFFC000  }
0x45a: {  	[spmem:s4] =	stream.indirect.scatter.add.f32 [tilespmem:s22], [sflag:$0x3], $0x80, s25, s21, $0xb8;
	[tilespmem:$0x1D000] =	vst v63  }
0x45b: {  	_ =	swait.ge [sflag:s19], $0x4000  }
0x45c: {  	[sflag:s19] =	ssyncset.done $0x0  }
0x45d: {  	s28 =	simm.s32 $0x600;
	[sflag:s19] =	ssyncadd.s32 $0xFFFFC000  }
0x45e: {  	[tilespmem:s22], [sflag:$0x1] =	stream.indirect.gather [hbm4b:s7+s21], $0x80, s28, s21, $0xb8;
	[tilespmem:$0x1D000] =	vst v63  }
0x45f: {  	_ =	swait.ge [sflag:s26], $0x4000  }
0x460: {  	[sflag:s26] =	ssyncset.done $0x0  }
0x461: {  	s10 =	simm.s32 $0xD80;
	[sflag:s26] =	ssyncadd.s32 $0xFFFFC000  }
0x462: {  	[spmem:s4] =	stream.indirect.scatter.add.f32 [tilespmem:s23], [sflag:$0x3], $0x80, s10, s21, $0xb8;
	[tilespmem:$0x1D000] =	vst v63  }
0x463: {  	_ =	swait.ge [sflag:s19], $0x4000  }
0x464: {  	[sflag:s19] =	ssyncset.done $0x0  }
0x465: {  	s18 =	simm.s32 $0x680;
	[sflag:s19] =	ssyncadd.s32 $0xFFFFC000  }
0x466: {  	[tilespmem:s23], [sflag:$0x2] =	stream.indirect.gather [hbm4b:s7+s21], $0x80, s18, s21, $0xb8;
	[tilespmem:$0x1D000] =	vst v63  }
0x467: {  	_ =	swait.ge [sflag:s24], $0x4000  }
0x468: {  	[sflag:s24] =	ssyncset.done $0x0  }
0x469: {  	s25 =	simm.s32 $0xE00;
	[sflag:s24] =	ssyncadd.s32 $0xFFFFC000  }
0x46a: {  	[spmem:s4] =	stream.indirect.scatter.add.f32 [tilespmem:s22], [sflag:$0x3], $0x80, s25, s21, $0xb8;
	[tilespmem:$0x1D000] =	vst v63  }
0x46b: {  	_ =	swait.ge [sflag:s19], $0x4000  }
0x46c: {  	[sflag:s19] =	ssyncset.done $0x0  }
0x46d: {  	s28 =	simm.s32 $0x700;
	[sflag:s19] =	ssyncadd.s32 $0xFFFFC000  }
0x46e: {  	[tilespmem:s22], [sflag:$0x1] =	stream.indirect.gather [hbm4b:s7+s21], $0x80, s28, s21, $0xb8;
	[tilespmem:$0x1D000] =	vst v63  }
0x46f: {  	_ =	swait.ge [sflag:s26], $0x4000  }
0x470: {  	[sflag:s26] =	ssyncset.done $0x0  }
0x471: {  	s10 =	simm.s32 $0xE80;
	[sflag:s26] =	ssyncadd.s32 $0xFFFFC000  }
0x472: {  	[spmem:s4] =	stream.indirect.scatter.add.f32 [tilespmem:s23], [sflag:$0x3], $0x80, s10, s21, $0xb8;
	[tilespmem:$0x1D000] =	vst v63  }
0x473: {  	_ =	swait.ge [sflag:s19], $0x4000  }
0x474: {  	[sflag:s19] =	ssyncset.done $0x0  }
0x475: {  	s18 =	simm.s32 $0x780;
	[sflag:s19] =	ssyncadd.s32 $0xFFFFC000  }
0x476: {  	[tilespmem:s23], [sflag:$0x2] =	stream.indirect.gather [hbm4b:s7+s21], $0x80, s18, s21, $0xb8;
	[tilespmem:$0x1D000] =	vst v63  }
0x477: {  	_ =	swait.ge [sflag:s24], $0x4000  }
0x478: {  	[sflag:s24] =	ssyncset.done $0x0  }
0x479: {  	s25 =	simm.s32 $0xF00;
	[sflag:s24] =	ssyncadd.s32 $0xFFFFC000  }
0x47a: {  	[spmem:s4] =	stream.indirect.scatter.add.f32 [tilespmem:s22], [sflag:$0x3], $0x80, s25, s21, $0xb8;
	[tilespmem:$0x1D000] =	vst v63  }
0x47b: {  	_ =	swait.ge [sflag:s19], $0x4000  }
0x47c: {  	[sflag:s19] =	ssyncset.done $0x0  }
0x47d: {  	[sflag:s19] =	ssyncadd.s32 $0xFFFFC000  }
0x47e: {  	_ =	swait.ge [sflag:s26], $0x4000  }
0x47f: {  	[sflag:s26] =	ssyncset.done $0x0  }
0x480: {  	s28 =	simm.s32 $0xF80;
	[sflag:s26] =	ssyncadd.s32 $0xFFFFC000  }
0x481: {  	[spmem:s4] =	stream.indirect.scatter.add.f32 [tilespmem:s23], [sflag:$0x3], $0x80, s28, s21, $0xb8;
	[tilespmem:$0x1D000] =	vst v63  }
0x482: {  	_ =	swait.ge [sflag:s19], $0x4000  }
0x483: {  	s9 =	simm.s32 $0x100;
	s18 =	simm.s32 $0x200;
	[sflag:s19] =	ssyncset.done $0x0  }
.LBB2_10:
0x484: {  	s25 =	sadd.s32 s9, s17  }
0x485: {  	[sflag:s19] =	ssyncadd.s32 $0xFFFFC000;
	s28 =	smov.u32 s18;
	s10 =	sadd.s32 $0x100, s18  }
0x486: {  	[tilespmem:s5], [sflag:$0x3] =	stream.linear.gather [hbm4b:s25+s5], $0x800, $0x38;
	[tilespmem:$0x1D000] =	vst v63  }
0x487: {  	s25 =	simm.s32 $0x100  }
0x488: {  	p1 =	seq.s32 s18, $0x400;
	_ =	swait.ge [sflag:s19], $0x800  }
0x489: {  	s18 =	sadd.s32 s9, s16;
	[sflag:s19] =	ssyncset.done $0x0  }
0x48a: {  	s9 =	smov.u32 s28;
	s28 =	simm.s32 $0x880;
	[sflag:s19] =	ssyncadd.s32 $0xFFFFF800  }
0x48b: {  	[tilespmem:s20], [sflag:$0x3] =	stream.linear.gather [hbm4b:s18+s5], $0x800, $0x38;
	[tilespmem:$0x1D000] =	vst v63  }
0x48c: {  	_ =	swait.ge [sflag:s19], $0x800  }
0x48d: {  	[sflag:s19] =	ssyncset.done $0x0  }
0x48e: {  	[sflag:s19] =	ssyncadd.s32 $0xFFFFF800  }
0x48f: {  	[tilespmem:s22], [sflag:$0x1] =	stream.indirect.gather [hbm4b:s7+s21], $0x80, s5, s21, $0xb8;
	[tilespmem:$0x1D000] =	vst v63  }
0x490: {  	_ = 	snop  }
0x491: {  	[tilespmem:s23], [sflag:$0x2] =	stream.indirect.gather [hbm4b:s7+s21], $0x80, s21, s21, $0xb8;
	[tilespmem:$0x1D000] =	vst v63  }
0x492: {  	_ =	swait.ge [sflag:s24], $0x4000  }
0x493: {  	[sflag:s24] =	ssyncset.done $0x0  }
0x494: {  	[sflag:s24] =	ssyncadd.s32 $0xFFFFC000  }
0x495: {  	[spmem:s4] =	stream.indirect.scatter.add.f32 [tilespmem:s22], [sflag:$0x3], $0x80, s20, s21, $0xb8;
	[tilespmem:$0x1D000] =	vst v63  }
0x496: {  	_ =	swait.ge [sflag:s19], $0x4000  }
0x497: {  	[sflag:s19] =	ssyncset.done $0x0  }
0x498: {  	[sflag:s19] =	ssyncadd.s32 $0xFFFFC000  }
0x499: {  	[tilespmem:s22], [sflag:$0x1] =	stream.indirect.gather [hbm4b:s7+s21], $0x80, s25, s21, $0xb8;
	[tilespmem:$0x1D000] =	vst v63  }
0x49a: {  	_ =	swait.ge [sflag:s26], $0x4000  }
0x49b: {  	[sflag:s26] =	ssyncset.done $0x0  }
0x49c: {  	[sflag:s26] =	ssyncadd.s32 $0xFFFFC000  }
0x49d: {  	[spmem:s4] =	stream.indirect.scatter.add.f32 [tilespmem:s23], [sflag:$0x3], $0x80, s28, s21, $0xb8;
	[tilespmem:$0x1D000] =	vst v63  }
0x49e: {  	_ =	swait.ge [sflag:s19], $0x4000  }
0x49f: {  	[sflag:s19] =	ssyncset.done $0x0  }
0x4a0: {  	[sflag:s19] =	ssyncadd.s32 $0xFFFFC000  }
0x4a1: {  	[tilespmem:s23], [sflag:$0x2] =	stream.indirect.gather [hbm4b:s7+s21], $0x80, s29, s21, $0xb8;
	[tilespmem:$0x1D000] =	vst v63  }
0x4a2: {  	_ =	swait.ge [sflag:s24], $0x4000  }
0x4a3: {  	[sflag:s24] =	ssyncset.done $0x0  }
0x4a4: {  	[sflag:s24] =	ssyncadd.s32 $0xFFFFC000  }
0x4a5: {  	[spmem:s4] =	stream.indirect.scatter.add.f32 [tilespmem:s22], [sflag:$0x3], $0x80, s30, s21, $0xb8;
	[tilespmem:$0x1D000] =	vst v63  }
0x4a6: {  	_ =	swait.ge [sflag:s19], $0x4000  }
0x4a7: {  	[sflag:s19] =	ssyncset.done $0x0  }
0x4a8: {  	[sflag:s19] =	ssyncadd.s32 $0xFFFFC000  }
0x4a9: {  	[tilespmem:s22], [sflag:$0x1] =	stream.indirect.gather [hbm4b:s7+s21], $0x80, s31, s21, $0xb8;
	[tilespmem:$0x1D000] =	vst v63  }
0x4aa: {  	_ =	swait.ge [sflag:s26], $0x4000  }
0x4ab: {  	[sflag:s26] =	ssyncset.done $0x0  }
0x4ac: {  	[sflag:s26] =	ssyncadd.s32 $0xFFFFC000  }
0x4ad: {  	[spmem:s4] =	stream.indirect.scatter.add.f32 [tilespmem:s23], [sflag:$0x3], $0x80, s0, s21, $0xb8;
	[tilespmem:$0x1D000] =	vst v63  }
0x4ae: {  	_ =	swait.ge [sflag:s19], $0x4000  }
0x4af: {  	[sflag:s19] =	ssyncset.done $0x0  }
0x4b0: {  	[sflag:s19] =	ssyncadd.s32 $0xFFFFC000  }
0x4b1: {  	[tilespmem:s23], [sflag:$0x2] =	stream.indirect.gather [hbm4b:s7+s21], $0x80, s3, s21, $0xb8;
	[tilespmem:$0x1D000] =	vst v63  }
0x4b2: {  	_ =	swait.ge [sflag:s24], $0x4000  }
0x4b3: {  	[sflag:s24] =	ssyncset.done $0x0  }
0x4b4: {  	[sflag:s24] =	ssyncadd.s32 $0xFFFFC000  }
0x4b5: {  	[spmem:s4] =	stream.indirect.scatter.add.f32 [tilespmem:s22], [sflag:$0x3], $0x80, s11, s21, $0xb8;
	[tilespmem:$0x1D000] =	vst v63  }
0x4b6: {  	_ =	swait.ge [sflag:s19], $0x4000  }
0x4b7: {  	[sflag:s19] =	ssyncset.done $0x0  }
0x4b8: {  	[sflag:s19] =	ssyncadd.s32 $0xFFFFC000  }
0x4b9: {  	[tilespmem:s22], [sflag:$0x1] =	stream.indirect.gather [hbm4b:s7+s21], $0x80, s12, s21, $0xb8;
	[tilespmem:$0x1D000] =	vst v63  }
0x4ba: {  	_ =	swait.ge [sflag:s26], $0x4000  }
0x4bb: {  	[sflag:s26] =	ssyncset.done $0x0  }
0x4bc: {  	[sflag:s26] =	ssyncadd.s32 $0xFFFFC000  }
0x4bd: {  	[spmem:s4] =	stream.indirect.scatter.add.f32 [tilespmem:s23], [sflag:$0x3], $0x80, s13, s21, $0xb8;
	[tilespmem:$0x1D000] =	vst v63  }
0x4be: {  	_ =	swait.ge [sflag:s19], $0x4000  }
0x4bf: {  	[sflag:s19] =	ssyncset.done $0x0  }
0x4c0: {  	[sflag:s19] =	ssyncadd.s32 $0xFFFFC000  }
0x4c1: {  	[tilespmem:s23], [sflag:$0x2] =	stream.indirect.gather [hbm4b:s7+s21], $0x80, s14, s21, $0xb8;
	[tilespmem:$0x1D000] =	vst v63  }
0x4c2: {  	_ =	swait.ge [sflag:s24], $0x4000  }
0x4c3: {  	[sflag:s24] =	ssyncset.done $0x0  }
0x4c4: {  	[sflag:s24] =	ssyncadd.s32 $0xFFFFC000  }
0x4c5: {  	[spmem:s4] =	stream.indirect.scatter.add.f32 [tilespmem:s22], [sflag:$0x3], $0x80, s15, s21, $0xb8;
	[tilespmem:$0x1D000] =	vst v63  }
0x4c6: {  	_ =	swait.ge [sflag:s19], $0x4000  }
0x4c7: {  	[sflag:s19] =	ssyncset.done $0x0  }
0x4c8: {  	[sflag:s19] =	ssyncadd.s32 $0xFFFFC000  }
0x4c9: {  	[tilespmem:s22], [sflag:$0x1] =	stream.indirect.gather [hbm4b:s7+s21], $0x80, s8, s21, $0xb8;
	[tilespmem:$0x1D000] =	vst v63  }
0x4ca: {  	_ =	swait.ge [sflag:s26], $0x4000  }
0x4cb: {  	[sflag:s26] =	ssyncset.done $0x0  }
0x4cc: {  	s18 =	simm.s32 $0xB80;
	[sflag:s26] =	ssyncadd.s32 $0xFFFFC000  }
0x4cd: {  	[spmem:s4] =	stream.indirect.scatter.add.f32 [tilespmem:s23], [sflag:$0x3], $0x80, s18, s21, $0xb8;
	[tilespmem:$0x1D000] =	vst v63  }
0x4ce: {  	_ =	swait.ge [sflag:s19], $0x4000  }
0x4cf: {  	[sflag:s19] =	ssyncset.done $0x0  }
0x4d0: {  	s18 =	simm.s32 $0x480;
	[sflag:s19] =	ssyncadd.s32 $0xFFFFC000  }
0x4d1: {  	[tilespmem:s23], [sflag:$0x2] =	stream.indirect.gather [hbm4b:s7+s21], $0x80, s18, s21, $0xb8;
	[tilespmem:$0x1D000] =	vst v63  }
0x4d2: {  	_ =	swait.ge [sflag:s24], $0x4000  }
0x4d3: {  	[sflag:s24] =	ssyncset.done $0x0  }
0x4d4: {  	s18 =	simm.s32 $0xC00;
	[sflag:s24] =	ssyncadd.s32 $0xFFFFC000  }
0x4d5: {  	[spmem:s4] =	stream.indirect.scatter.add.f32 [tilespmem:s22], [sflag:$0x3], $0x80, s18, s21, $0xb8;
	[tilespmem:$0x1D000] =	vst v63  }
0x4d6: {  	_ =	swait.ge [sflag:s19], $0x4000  }
0x4d7: {  	[sflag:s19] =	ssyncset.done $0x0  }
0x4d8: {  	s18 =	simm.s32 $0x500;
	[sflag:s19] =	ssyncadd.s32 $0xFFFFC000  }
0x4d9: {  	[tilespmem:s22], [sflag:$0x1] =	stream.indirect.gather [hbm4b:s7+s21], $0x80, s18, s21, $0xb8;
	[tilespmem:$0x1D000] =	vst v63  }
0x4da: {  	_ =	swait.ge [sflag:s26], $0x4000  }
0x4db: {  	[sflag:s26] =	ssyncset.done $0x0  }
0x4dc: {  	s18 =	simm.s32 $0xC80;
	[sflag:s26] =	ssyncadd.s32 $0xFFFFC000  }
0x4dd: {  	[spmem:s4] =	stream.indirect.scatter.add.f32 [tilespmem:s23], [sflag:$0x3], $0x80, s18, s21, $0xb8;
	[tilespmem:$0x1D000] =	vst v63  }
0x4de: {  	_ =	swait.ge [sflag:s19], $0x4000  }
0x4df: {  	[sflag:s19] =	ssyncset.done $0x0  }
0x4e0: {  	s18 =	simm.s32 $0x580;
	[sflag:s19] =	ssyncadd.s32 $0xFFFFC000  }
0x4e1: {  	[tilespmem:s23], [sflag:$0x2] =	stream.indirect.gather [hbm4b:s7+s21], $0x80, s18, s21, $0xb8;
	[tilespmem:$0x1D000] =	vst v63  }
0x4e2: {  	_ =	swait.ge [sflag:s24], $0x4000  }
0x4e3: {  	[sflag:s24] =	ssyncset.done $0x0  }
0x4e4: {  	s18 =	simm.s32 $0xD00;
	[sflag:s24] =	ssyncadd.s32 $0xFFFFC000  }
0x4e5: {  	[spmem:s4] =	stream.indirect.scatter.add.f32 [tilespmem:s22], [sflag:$0x3], $0x80, s18, s21, $0xb8;
	[tilespmem:$0x1D000] =	vst v63  }
0x4e6: {  	_ =	swait.ge [sflag:s19], $0x4000  }
0x4e7: {  	[sflag:s19] =	ssyncset.done $0x0  }
0x4e8: {  	s18 =	simm.s32 $0x600;
	[sflag:s19] =	ssyncadd.s32 $0xFFFFC000  }
0x4e9: {  	[tilespmem:s22], [sflag:$0x1] =	stream.indirect.gather [hbm4b:s7+s21], $0x80, s18, s21, $0xb8;
	[tilespmem:$0x1D000] =	vst v63  }
0x4ea: {  	_ =	swait.ge [sflag:s26], $0x4000  }
0x4eb: {  	[sflag:s26] =	ssyncset.done $0x0  }
0x4ec: {  	s18 =	simm.s32 $0xD80;
	[sflag:s26] =	ssyncadd.s32 $0xFFFFC000  }
0x4ed: {  	[spmem:s4] =	stream.indirect.scatter.add.f32 [tilespmem:s23], [sflag:$0x3], $0x80, s18, s21, $0xb8;
	[tilespmem:$0x1D000] =	vst v63  }
0x4ee: {  	_ =	swait.ge [sflag:s19], $0x4000  }
0x4ef: {  	[sflag:s19] =	ssyncset.done $0x0  }
0x4f0: {  	s18 =	simm.s32 $0x680;
	[sflag:s19] =	ssyncadd.s32 $0xFFFFC000  }
0x4f1: {  	[tilespmem:s23], [sflag:$0x2] =	stream.indirect.gather [hbm4b:s7+s21], $0x80, s18, s21, $0xb8;
	[tilespmem:$0x1D000] =	vst v63  }
0x4f2: {  	_ =	swait.ge [sflag:s24], $0x4000  }
0x4f3: {  	[sflag:s24] =	ssyncset.done $0x0  }
0x4f4: {  	s18 =	simm.s32 $0xE00;
	[sflag:s24] =	ssyncadd.s32 $0xFFFFC000  }
0x4f5: {  	[spmem:s4] =	stream.indirect.scatter.add.f32 [tilespmem:s22], [sflag:$0x3], $0x80, s18, s21, $0xb8;
	[tilespmem:$0x1D000] =	vst v63  }
0x4f6: {  	_ =	swait.ge [sflag:s19], $0x4000  }
0x4f7: {  	[sflag:s19] =	ssyncset.done $0x0  }
0x4f8: {  	s18 =	simm.s32 $0x700;
	[sflag:s19] =	ssyncadd.s32 $0xFFFFC000  }
0x4f9: {  	[tilespmem:s22], [sflag:$0x1] =	stream.indirect.gather [hbm4b:s7+s21], $0x80, s18, s21, $0xb8;
	[tilespmem:$0x1D000] =	vst v63  }
0x4fa: {  	_ =	swait.ge [sflag:s26], $0x4000  }
0x4fb: {  	[sflag:s26] =	ssyncset.done $0x0  }
0x4fc: {  	s18 =	simm.s32 $0xE80;
	[sflag:s26] =	ssyncadd.s32 $0xFFFFC000  }
0x4fd: {  	[spmem:s4] =	stream.indirect.scatter.add.f32 [tilespmem:s23], [sflag:$0x3], $0x80, s18, s21, $0xb8;
	[tilespmem:$0x1D000] =	vst v63  }
0x4fe: {  	_ =	swait.ge [sflag:s19], $0x4000  }
0x4ff: {  	[sflag:s19] =	ssyncset.done $0x0  }
0x500: {  	s18 =	simm.s32 $0x780;
	[sflag:s19] =	ssyncadd.s32 $0xFFFFC000  }
0x501: {  	[tilespmem:s23], [sflag:$0x2] =	stream.indirect.gather [hbm4b:s7+s21], $0x80, s18, s21, $0xb8;
	[tilespmem:$0x1D000] =	vst v63  }
0x502: {  	_ =	swait.ge [sflag:s24], $0x4000  }
0x503: {  	[sflag:s24] =	ssyncset.done $0x0  }
0x504: {  	s18 =	simm.s32 $0xF00;
	[sflag:s24] =	ssyncadd.s32 $0xFFFFC000  }
0x505: {  	[spmem:s4] =	stream.indirect.scatter.add.f32 [tilespmem:s22], [sflag:$0x3], $0x80, s18, s21, $0xb8;
	[tilespmem:$0x1D000] =	vst v63  }
0x506: {  	_ =	swait.ge [sflag:s19], $0x4000  }
0x507: {  	[sflag:s19] =	ssyncset.done $0x0  }
0x508: {  	[sflag:s19] =	ssyncadd.s32 $0xFFFFC000  }
0x509: {  	_ =	swait.ge [sflag:s26], $0x4000  }
.Ltmp7:
0x50a: {  	[sflag:s26] =	ssyncset.done $0x0;
	(pc) =	sbr.rel @!p1 .LBB2_10-.Ltmp7, $4  }
0x50b: {  	s18 =	simm.s32 $0xF80;
	[sflag:s26] =	ssyncadd.s32 $0xFFFFC000  }
0x50c: {  	[spmem:s4] =	stream.indirect.scatter.add.f32 [tilespmem:s23], [sflag:$0x3], $0x80, s18, s21, $0xb8;
	[tilespmem:$0x1D000] =	vst v63  }
0x50d: {  	_ =	swait.ge [sflag:s19], $0x4000  }
0x50e: {  	s18 =	smov.u32 s10;
	[sflag:s19] =	ssyncset.done $0x0  }
0x50f: {  	s10 =	sadd.s32 s9, s17;
	[sflag:s19] =	ssyncadd.s32 $0xFFFFC000  }
0x510: {  	[tilespmem:s5], [sflag:$0x3] =	stream.linear.gather [hbm4b:s10+s5], $0x800, $0x38;
	[tilespmem:$0x1D000] =	vst v63  }
0x511: {  	_ =	swait.ge [sflag:s19], $0x800  }
0x512: {  	[sflag:s19] =	ssyncset.done $0x0  }
0x513: {  	s18 =	sadd.s32 s9, s16;
	[sflag:s19] =	ssyncadd.s32 $0xFFFFF800  }
0x514: {  	[tilespmem:s20], [sflag:$0x3] =	stream.linear.gather [hbm4b:s18+s5], $0x800, $0x38;
	[tilespmem:$0x1D000] =	vst v63  }
0x515: {  	_ =	swait.ge [sflag:s19], $0x800  }
0x516: {  	[sflag:s19] =	ssyncset.done $0x0  }
0x517: {  	[sflag:s19] =	ssyncadd.s32 $0xFFFFF800  }
0x518: {  	[tilespmem:s22], [sflag:$0x1] =	stream.indirect.gather [hbm4b:s7+s21], $0x80, s5, s21, $0xb8;
	[tilespmem:$0x1D000] =	vst v63  }
0x519: {  	_ = 	snop  }
0x51a: {  	[tilespmem:s23], [sflag:$0x2] =	stream.indirect.gather [hbm4b:s7+s21], $0x80, s21, s21, $0xb8;
	[tilespmem:$0x1D000] =	vst v63  }
0x51b: {  	_ =	swait.ge [sflag:s24], $0x4000  }
0x51c: {  	[sflag:s24] =	ssyncset.done $0x0  }
0x51d: {  	[sflag:s24] =	ssyncadd.s32 $0xFFFFC000  }
0x51e: {  	[spmem:s4] =	stream.indirect.scatter.add.f32 [tilespmem:s22], [sflag:$0x3], $0x80, s20, s21, $0xb8;
	[tilespmem:$0x1D000] =	vst v63  }
0x51f: {  	_ =	swait.ge [sflag:s19], $0x4000  }
0x520: {  	[sflag:s19] =	ssyncset.done $0x0  }
0x521: {  	[sflag:s19] =	ssyncadd.s32 $0xFFFFC000  }
0x522: {  	[tilespmem:s22], [sflag:$0x1] =	stream.indirect.gather [hbm4b:s7+s21], $0x80, s25, s21, $0xb8;
	[tilespmem:$0x1D000] =	vst v63  }
0x523: {  	_ =	swait.ge [sflag:s26], $0x4000  }
0x524: {  	[sflag:s26] =	ssyncset.done $0x0  }
0x525: {  	[sflag:s26] =	ssyncadd.s32 $0xFFFFC000  }
0x526: {  	[spmem:s4] =	stream.indirect.scatter.add.f32 [tilespmem:s23], [sflag:$0x3], $0x80, s28, s21, $0xb8;
	[tilespmem:$0x1D000] =	vst v63  }
0x527: {  	_ =	swait.ge [sflag:s19], $0x4000  }
0x528: {  	[sflag:s19] =	ssyncset.done $0x0  }
0x529: {  	[sflag:s19] =	ssyncadd.s32 $0xFFFFC000  }
0x52a: {  	[tilespmem:s23], [sflag:$0x2] =	stream.indirect.gather [hbm4b:s7+s21], $0x80, s29, s21, $0xb8;
	[tilespmem:$0x1D000] =	vst v63  }
0x52b: {  	_ =	swait.ge [sflag:s24], $0x4000  }
0x52c: {  	[sflag:s24] =	ssyncset.done $0x0  }
0x52d: {  	[sflag:s24] =	ssyncadd.s32 $0xFFFFC000  }
0x52e: {  	[spmem:s4] =	stream.indirect.scatter.add.f32 [tilespmem:s22], [sflag:$0x3], $0x80, s30, s21, $0xb8;
	[tilespmem:$0x1D000] =	vst v63  }
0x52f: {  	_ =	swait.ge [sflag:s19], $0x4000  }
0x530: {  	[sflag:s19] =	ssyncset.done $0x0  }
0x531: {  	[sflag:s19] =	ssyncadd.s32 $0xFFFFC000  }
0x532: {  	[tilespmem:s22], [sflag:$0x1] =	stream.indirect.gather [hbm4b:s7+s21], $0x80, s31, s21, $0xb8;
	[tilespmem:$0x1D000] =	vst v63  }
0x533: {  	_ =	swait.ge [sflag:s26], $0x4000  }
0x534: {  	[sflag:s26] =	ssyncset.done $0x0  }
0x535: {  	[sflag:s26] =	ssyncadd.s32 $0xFFFFC000  }
0x536: {  	[spmem:s4] =	stream.indirect.scatter.add.f32 [tilespmem:s23], [sflag:$0x3], $0x80, s0, s21, $0xb8;
	[tilespmem:$0x1D000] =	vst v63  }
0x537: {  	_ =	swait.ge [sflag:s19], $0x4000  }
0x538: {  	[sflag:s19] =	ssyncset.done $0x0  }
0x539: {  	[sflag:s19] =	ssyncadd.s32 $0xFFFFC000  }
0x53a: {  	[tilespmem:s23], [sflag:$0x2] =	stream.indirect.gather [hbm4b:s7+s21], $0x80, s3, s21, $0xb8;
	[tilespmem:$0x1D000] =	vst v63  }
0x53b: {  	_ =	swait.ge [sflag:s24], $0x4000  }
0x53c: {  	[sflag:s24] =	ssyncset.done $0x0  }
0x53d: {  	[sflag:s24] =	ssyncadd.s32 $0xFFFFC000  }
0x53e: {  	[spmem:s4] =	stream.indirect.scatter.add.f32 [tilespmem:s22], [sflag:$0x3], $0x80, s11, s21, $0xb8;
	[tilespmem:$0x1D000] =	vst v63  }
0x53f: {  	_ =	swait.ge [sflag:s19], $0x4000  }
0x540: {  	[sflag:s19] =	ssyncset.done $0x0  }
0x541: {  	[sflag:s19] =	ssyncadd.s32 $0xFFFFC000  }
0x542: {  	[tilespmem:s22], [sflag:$0x1] =	stream.indirect.gather [hbm4b:s7+s21], $0x80, s12, s21, $0xb8;
	[tilespmem:$0x1D000] =	vst v63  }
0x543: {  	_ =	swait.ge [sflag:s26], $0x4000  }
0x544: {  	[sflag:s26] =	ssyncset.done $0x0  }
0x545: {  	[sflag:s26] =	ssyncadd.s32 $0xFFFFC000  }
0x546: {  	[spmem:s4] =	stream.indirect.scatter.add.f32 [tilespmem:s23], [sflag:$0x3], $0x80, s13, s21, $0xb8;
	[tilespmem:$0x1D000] =	vst v63  }
0x547: {  	_ =	swait.ge [sflag:s19], $0x4000  }
0x548: {  	[sflag:s19] =	ssyncset.done $0x0  }
0x549: {  	[sflag:s19] =	ssyncadd.s32 $0xFFFFC000  }
0x54a: {  	[tilespmem:s23], [sflag:$0x2] =	stream.indirect.gather [hbm4b:s7+s21], $0x80, s14, s21, $0xb8;
	[tilespmem:$0x1D000] =	vst v63  }
0x54b: {  	_ =	swait.ge [sflag:s24], $0x4000  }
0x54c: {  	[sflag:s24] =	ssyncset.done $0x0  }
0x54d: {  	[sflag:s24] =	ssyncadd.s32 $0xFFFFC000  }
0x54e: {  	[spmem:s4] =	stream.indirect.scatter.add.f32 [tilespmem:s22], [sflag:$0x3], $0x80, s15, s21, $0xb8;
	[tilespmem:$0x1D000] =	vst v63  }
0x54f: {  	_ =	swait.ge [sflag:s19], $0x4000  }
0x550: {  	[sflag:s19] =	ssyncset.done $0x0  }
0x551: {  	[sflag:s19] =	ssyncadd.s32 $0xFFFFC000  }
0x552: {  	[tilespmem:s22], [sflag:$0x1] =	stream.indirect.gather [hbm4b:s7+s21], $0x80, s8, s21, $0xb8;
	[tilespmem:$0x1D000] =	vst v63  }
0x553: {  	_ =	swait.ge [sflag:s26], $0x4000  }
0x554: {  	[sflag:s26] =	ssyncset.done $0x0  }
0x555: {  	s29 =	simm.s32 $0xB80;
	[sflag:s26] =	ssyncadd.s32 $0xFFFFC000  }
0x556: {  	[spmem:s4] =	stream.indirect.scatter.add.f32 [tilespmem:s23], [sflag:$0x3], $0x80, s29, s21, $0xb8;
	[tilespmem:$0x1D000] =	vst v63  }
0x557: {  	_ =	swait.ge [sflag:s19], $0x4000  }
0x558: {  	[sflag:s19] =	ssyncset.done $0x0  }
0x559: {  	s30 =	simm.s32 $0x480;
	[sflag:s19] =	ssyncadd.s32 $0xFFFFC000  }
0x55a: {  	[tilespmem:s23], [sflag:$0x2] =	stream.indirect.gather [hbm4b:s7+s21], $0x80, s30, s21, $0xb8;
	[tilespmem:$0x1D000] =	vst v63  }
0x55b: {  	_ =	swait.ge [sflag:s24], $0x4000  }
0x55c: {  	[sflag:s24] =	ssyncset.done $0x0  }
0x55d: {  	s31 =	simm.s32 $0xC00;
	[sflag:s24] =	ssyncadd.s32 $0xFFFFC000  }
0x55e: {  	[spmem:s4] =	stream.indirect.scatter.add.f32 [tilespmem:s22], [sflag:$0x3], $0x80, s31, s21, $0xb8;
	[tilespmem:$0x1D000] =	vst v63  }
0x55f: {  	_ =	swait.ge [sflag:s19], $0x4000  }
0x560: {  	[sflag:s19] =	ssyncset.done $0x0  }
0x561: {  	s3 =	simm.s32 $0x500;
	[sflag:s19] =	ssyncadd.s32 $0xFFFFC000  }
0x562: {  	[tilespmem:s22], [sflag:$0x1] =	stream.indirect.gather [hbm4b:s7+s21], $0x80, s3, s21, $0xb8;
	[tilespmem:$0x1D000] =	vst v63  }
0x563: {  	_ =	swait.ge [sflag:s26], $0x4000  }
0x564: {  	[sflag:s26] =	ssyncset.done $0x0  }
0x565: {  	s8 =	simm.s32 $0xC80;
	[sflag:s26] =	ssyncadd.s32 $0xFFFFC000  }
0x566: {  	[spmem:s4] =	stream.indirect.scatter.add.f32 [tilespmem:s23], [sflag:$0x3], $0x80, s8, s21, $0xb8;
	[tilespmem:$0x1D000] =	vst v63  }
0x567: {  	_ =	swait.ge [sflag:s19], $0x4000  }
0x568: {  	[sflag:s19] =	ssyncset.done $0x0  }
0x569: {  	s9 =	simm.s32 $0x580;
	[sflag:s19] =	ssyncadd.s32 $0xFFFFC000  }
0x56a: {  	[tilespmem:s23], [sflag:$0x2] =	stream.indirect.gather [hbm4b:s7+s21], $0x80, s9, s21, $0xb8;
	[tilespmem:$0x1D000] =	vst v63  }
0x56b: {  	_ =	swait.ge [sflag:s24], $0x4000  }
0x56c: {  	[sflag:s24] =	ssyncset.done $0x0  }
0x56d: {  	s10 =	simm.s32 $0xD00;
	[sflag:s24] =	ssyncadd.s32 $0xFFFFC000  }
0x56e: {  	[spmem:s4] =	stream.indirect.scatter.add.f32 [tilespmem:s22], [sflag:$0x3], $0x80, s10, s21, $0xb8;
	[tilespmem:$0x1D000] =	vst v63  }
0x56f: {  	_ =	swait.ge [sflag:s19], $0x4000  }
0x570: {  	[sflag:s19] =	ssyncset.done $0x0  }
0x571: {  	s11 =	simm.s32 $0x600;
	[sflag:s19] =	ssyncadd.s32 $0xFFFFC000  }
0x572: {  	[tilespmem:s22], [sflag:$0x1] =	stream.indirect.gather [hbm4b:s7+s21], $0x80, s11, s21, $0xb8;
	[tilespmem:$0x1D000] =	vst v63  }
0x573: {  	_ =	swait.ge [sflag:s26], $0x4000  }
0x574: {  	[sflag:s26] =	ssyncset.done $0x0  }
0x575: {  	s12 =	simm.s32 $0xD80;
	[sflag:s26] =	ssyncadd.s32 $0xFFFFC000  }
0x576: {  	[spmem:s4] =	stream.indirect.scatter.add.f32 [tilespmem:s23], [sflag:$0x3], $0x80, s12, s21, $0xb8;
	[tilespmem:$0x1D000] =	vst v63  }
0x577: {  	_ =	swait.ge [sflag:s19], $0x4000  }
0x578: {  	[sflag:s19] =	ssyncset.done $0x0  }
0x579: {  	s13 =	simm.s32 $0x680;
	[sflag:s19] =	ssyncadd.s32 $0xFFFFC000  }
0x57a: {  	[tilespmem:s23], [sflag:$0x2] =	stream.indirect.gather [hbm4b:s7+s21], $0x80, s13, s21, $0xb8;
	[tilespmem:$0x1D000] =	vst v63  }
0x57b: {  	_ =	swait.ge [sflag:s24], $0x4000  }
0x57c: {  	[sflag:s24] =	ssyncset.done $0x0  }
0x57d: {  	s14 =	simm.s32 $0xE00;
	[sflag:s24] =	ssyncadd.s32 $0xFFFFC000  }
0x57e: {  	[spmem:s4] =	stream.indirect.scatter.add.f32 [tilespmem:s22], [sflag:$0x3], $0x80, s14, s21, $0xb8;
	[tilespmem:$0x1D000] =	vst v63  }
0x57f: {  	_ =	swait.ge [sflag:s19], $0x4000  }
0x580: {  	[sflag:s19] =	ssyncset.done $0x0  }
0x581: {  	s15 =	simm.s32 $0x700;
	[sflag:s19] =	ssyncadd.s32 $0xFFFFC000  }
0x582: {  	[tilespmem:s22], [sflag:$0x1] =	stream.indirect.gather [hbm4b:s7+s21], $0x80, s15, s21, $0xb8;
	[tilespmem:$0x1D000] =	vst v63  }
0x583: {  	_ =	swait.ge [sflag:s26], $0x4000  }
0x584: {  	[sflag:s26] =	ssyncset.done $0x0  }
0x585: {  	s18 =	simm.s32 $0xE80;
	[sflag:s26] =	ssyncadd.s32 $0xFFFFC000  }
0x586: {  	[spmem:s4] =	stream.indirect.scatter.add.f32 [tilespmem:s23], [sflag:$0x3], $0x80, s18, s21, $0xb8;
	[tilespmem:$0x1D000] =	vst v63  }
0x587: {  	_ =	swait.ge [sflag:s19], $0x4000  }
0x588: {  	[sflag:s19] =	ssyncset.done $0x0  }
0x589: {  	s29 =	simm.s32 $0x780;
	[sflag:s19] =	ssyncadd.s32 $0xFFFFC000  }
0x58a: {  	[tilespmem:s23], [sflag:$0x2] =	stream.indirect.gather [hbm4b:s7+s21], $0x80, s29, s21, $0xb8;
	[tilespmem:$0x1D000] =	vst v63  }
0x58b: {  	_ =	swait.ge [sflag:s24], $0x4000  }
0x58c: {  	[sflag:s24] =	ssyncset.done $0x0  }
0x58d: {  	s30 =	simm.s32 $0xF00;
	[sflag:s24] =	ssyncadd.s32 $0xFFFFC000  }
0x58e: {  	[spmem:s4] =	stream.indirect.scatter.add.f32 [tilespmem:s22], [sflag:$0x3], $0x80, s30, s21, $0xb8;
	[tilespmem:$0x1D000] =	vst v63  }
0x58f: {  	_ =	swait.ge [sflag:s19], $0x4000  }
0x590: {  	[sflag:s19] =	ssyncset.done $0x0  }
0x591: {  	[sflag:s19] =	ssyncadd.s32 $0xFFFFC000  }
0x592: {  	_ =	swait.ge [sflag:s26], $0x4000  }
0x593: {  	[sflag:s26] =	ssyncset.done $0x0  }
.Ltmp8:
0x594: {  	s31 =	simm.s32 $0xF80;
	[sflag:s26] =	ssyncadd.s32 $0xFFFFC000;
	(pc) =	sbr.rel .LBB2_15-.Ltmp8, $4  }
0x595: {  	[spmem:s4] =	stream.indirect.scatter.add.f32 [tilespmem:s23], [sflag:$0x3], $0x80, s31, s21, $0xb8;
	[tilespmem:$0x1D000] =	vst v63  }
0x596: {  	_ =	swait.ge [sflag:s19], $0x4000  }
0x597: {  	[sflag:s19] =	ssyncset.done $0x0;
	s9 =	rddreg [dreg:$0xb]  }
0x598: {  	s0 =	rddreg [dreg:$0xe];
	[sflag:s19] =	ssyncadd.s32 $0xFFFFC000  }
.LBB2_12:
0x599: {  	[tilespmem:s5], [sflag:$0x3] =	stream.linear.gather [hbm4b:s9+s5], $0x800, $0x38;
	[tilespmem:$0x1D000] =	vst v63  }
0x59a: {  	_ =	swait.ge [sflag:s19], $0x800  }
0x59b: {  	[sflag:s19] =	ssyncset.done $0x0  }
0x59c: {  	s8 =	sadd.s32 $0x0, s16;
	[sflag:s19] =	ssyncadd.s32 $0xFFFFF800  }
0x59d: {  	[tilespmem:s20], [sflag:$0x3] =	stream.linear.gather [hbm4b:s8+s5], $0x800, $0x38;
	[tilespmem:$0x1D000] =	vst v63  }
0x59e: {  	_ =	swait.ge [sflag:s19], $0x800  }
0x59f: {  	[sflag:s19] =	ssyncset.done $0x0  }
0x5a0: {  	[sflag:s19] =	ssyncadd.s32 $0xFFFFF800  }
0x5a1: {  	[tilespmem:s22], [sflag:$0x1] =	stream.indirect.gather [hbm4b:s2+s21], $0x80, s5, s21, $0xb8;
	[tilespmem:$0x1D000] =	vst v63  }
0x5a2: {  	_ = 	snop  }
0x5a3: {  	[tilespmem:s23], [sflag:$0x2] =	stream.indirect.gather [hbm4b:s2+s21], $0x80, s21, s21, $0xb8;
	[tilespmem:$0x1D000] =	vst v63  }
0x5a4: {  	_ =	swait.ge [sflag:s24], $0x4000  }
0x5a5: {  	[sflag:s24] =	ssyncset.done $0x0  }
0x5a6: {  	[sflag:s24] =	ssyncadd.s32 $0xFFFFC000  }
0x5a7: {  	[spmem:s4] =	stream.indirect.scatter.add.f32 [tilespmem:s22], [sflag:$0x3], $0x80, s20, s21, $0xb8;
	[tilespmem:$0x1D000] =	vst v63  }
0x5a8: {  	_ =	swait.ge [sflag:s19], $0x4000  }
0x5a9: {  	[sflag:s19] =	ssyncset.done $0x0  }
0x5aa: {  	[sflag:s19] =	ssyncadd.s32 $0xFFFFC000  }
0x5ab: {  	[tilespmem:s22], [sflag:$0x1] =	stream.indirect.gather [hbm4b:s2+s21], $0x80, s25, s21, $0xb8;
	[tilespmem:$0x1D000] =	vst v63  }
0x5ac: {  	_ =	swait.ge [sflag:s26], $0x4000  }
0x5ad: {  	[sflag:s26] =	ssyncset.done $0x0  }
0x5ae: {  	[sflag:s26] =	ssyncadd.s32 $0xFFFFC000  }
0x5af: {  	[spmem:s4] =	stream.indirect.scatter.add.f32 [tilespmem:s23], [sflag:$0x3], $0x80, s28, s21, $0xb8;
	[tilespmem:$0x1D000] =	vst v63  }
0x5b0: {  	_ =	swait.ge [sflag:s19], $0x4000  }
0x5b1: {  	[sflag:s19] =	ssyncset.done $0x0  }
0x5b2: {  	s29 =	simm.s32 $0x180;
	[sflag:s19] =	ssyncadd.s32 $0xFFFFC000  }
0x5b3: {  	[tilespmem:s23], [sflag:$0x2] =	stream.indirect.gather [hbm4b:s2+s21], $0x80, s29, s21, $0xb8;
	[tilespmem:$0x1D000] =	vst v63  }
0x5b4: {  	_ =	swait.ge [sflag:s24], $0x4000  }
0x5b5: {  	[sflag:s24] =	ssyncset.done $0x0  }
0x5b6: {  	s30 =	simm.s32 $0x900;
	[sflag:s24] =	ssyncadd.s32 $0xFFFFC000  }
0x5b7: {  	[spmem:s4] =	stream.indirect.scatter.add.f32 [tilespmem:s22], [sflag:$0x3], $0x80, s30, s21, $0xb8;
	[tilespmem:$0x1D000] =	vst v63  }
0x5b8: {  	_ =	swait.ge [sflag:s19], $0x4000  }
0x5b9: {  	[sflag:s19] =	ssyncset.done $0x0  }
0x5ba: {  	s31 =	simm.s32 $0x200;
	[sflag:s19] =	ssyncadd.s32 $0xFFFFC000  }
0x5bb: {  	[tilespmem:s22], [sflag:$0x1] =	stream.indirect.gather [hbm4b:s2+s21], $0x80, s31, s21, $0xb8;
	[tilespmem:$0x1D000] =	vst v63  }
0x5bc: {  	_ =	swait.ge [sflag:s26], $0x4000  }
0x5bd: {  	[sflag:s26] =	ssyncset.done $0x0  }
0x5be: {  	s0 =	simm.s32 $0x980;
	[sflag:s26] =	ssyncadd.s32 $0xFFFFC000  }
0x5bf: {  	[spmem:s4] =	stream.indirect.scatter.add.f32 [tilespmem:s23], [sflag:$0x3], $0x80, s0, s21, $0xb8;
	[tilespmem:$0x1D000] =	vst v63  }
0x5c0: {  	_ =	swait.ge [sflag:s19], $0x4000  }
0x5c1: {  	[sflag:s19] =	ssyncset.done $0x0  }
0x5c2: {  	s3 =	simm.s32 $0x280;
	[sflag:s19] =	ssyncadd.s32 $0xFFFFC000  }
0x5c3: {  	[tilespmem:s23], [sflag:$0x2] =	stream.indirect.gather [hbm4b:s2+s21], $0x80, s3, s21, $0xb8;
	[tilespmem:$0x1D000] =	vst v63  }
0x5c4: {  	_ =	swait.ge [sflag:s24], $0x4000  }
0x5c5: {  	[sflag:s24] =	ssyncset.done $0x0  }
0x5c6: {  	s11 =	simm.s32 $0xA00;
	[sflag:s24] =	ssyncadd.s32 $0xFFFFC000  }
0x5c7: {  	[spmem:s4] =	stream.indirect.scatter.add.f32 [tilespmem:s22], [sflag:$0x3], $0x80, s11, s21, $0xb8;
	[tilespmem:$0x1D000] =	vst v63  }
0x5c8: {  	_ =	swait.ge [sflag:s19], $0x4000  }
0x5c9: {  	[sflag:s19] =	ssyncset.done $0x0  }
0x5ca: {  	s12 =	simm.s32 $0x300;
	[sflag:s19] =	ssyncadd.s32 $0xFFFFC000  }
0x5cb: {  	[tilespmem:s22], [sflag:$0x1] =	stream.indirect.gather [hbm4b:s2+s21], $0x80, s12, s21, $0xb8;
	[tilespmem:$0x1D000] =	vst v63  }
0x5cc: {  	_ =	swait.ge [sflag:s26], $0x4000  }
0x5cd: {  	[sflag:s26] =	ssyncset.done $0x0  }
0x5ce: {  	s13 =	simm.s32 $0xA80;
	[sflag:s26] =	ssyncadd.s32 $0xFFFFC000  }
0x5cf: {  	[spmem:s4] =	stream.indirect.scatter.add.f32 [tilespmem:s23], [sflag:$0x3], $0x80, s13, s21, $0xb8;
	[tilespmem:$0x1D000] =	vst v63  }
0x5d0: {  	_ =	swait.ge [sflag:s19], $0x4000  }
0x5d1: {  	[sflag:s19] =	ssyncset.done $0x0  }
0x5d2: {  	s14 =	simm.s32 $0x380;
	[sflag:s19] =	ssyncadd.s32 $0xFFFFC000  }
0x5d3: {  	[tilespmem:s23], [sflag:$0x2] =	stream.indirect.gather [hbm4b:s2+s21], $0x80, s14, s21, $0xb8;
	[tilespmem:$0x1D000] =	vst v63  }
0x5d4: {  	_ =	swait.ge [sflag:s24], $0x4000  }
0x5d5: {  	[sflag:s24] =	ssyncset.done $0x0  }
0x5d6: {  	s15 =	simm.s32 $0xB00;
	[sflag:s24] =	ssyncadd.s32 $0xFFFFC000  }
0x5d7: {  	[spmem:s4] =	stream.indirect.scatter.add.f32 [tilespmem:s22], [sflag:$0x3], $0x80, s15, s21, $0xb8;
	[tilespmem:$0x1D000] =	vst v63  }
0x5d8: {  	_ =	swait.ge [sflag:s19], $0x4000  }
0x5d9: {  	[sflag:s19] =	ssyncset.done $0x0  }
0x5da: {  	s8 =	simm.s32 $0x400;
	[sflag:s19] =	ssyncadd.s32 $0xFFFFC000  }
0x5db: {  	[tilespmem:s22], [sflag:$0x1] =	stream.indirect.gather [hbm4b:s2+s21], $0x80, s8, s21, $0xb8;
	[tilespmem:$0x1D000] =	vst v63  }
0x5dc: {  	_ =	swait.ge [sflag:s26], $0x4000  }
0x5dd: {  	[sflag:s26] =	ssyncset.done $0x0  }
0x5de: {  	s10 =	simm.s32 $0xB80;
	[sflag:s26] =	ssyncadd.s32 $0xFFFFC000  }
0x5df: {  	[spmem:s4] =	stream.indirect.scatter.add.f32 [tilespmem:s23], [sflag:$0x3], $0x80, s10, s21, $0xb8;
	[tilespmem:$0x1D000] =	vst v63  }
0x5e0: {  	_ =	swait.ge [sflag:s19], $0x4000  }
0x5e1: {  	[sflag:s19] =	ssyncset.done $0x0  }
0x5e2: {  	s18 =	simm.s32 $0x480;
	[sflag:s19] =	ssyncadd.s32 $0xFFFFC000  }
0x5e3: {  	[tilespmem:s23], [sflag:$0x2] =	stream.indirect.gather [hbm4b:s2+s21], $0x80, s18, s21, $0xb8;
	[tilespmem:$0x1D000] =	vst v63  }
0x5e4: {  	_ =	swait.ge [sflag:s24], $0x4000  }
0x5e5: {  	[sflag:s24] =	ssyncset.done $0x0  }
0x5e6: {  	s25 =	simm.s32 $0xC00;
	[sflag:s24] =	ssyncadd.s32 $0xFFFFC000  }
0x5e7: {  	[spmem:s4] =	stream.indirect.scatter.add.f32 [tilespmem:s22], [sflag:$0x3], $0x80, s25, s21, $0xb8;
	[tilespmem:$0x1D000] =	vst v63  }
0x5e8: {  	_ =	swait.ge [sflag:s19], $0x4000  }
0x5e9: {  	[sflag:s19] =	ssyncset.done $0x0  }
0x5ea: {  	s28 =	simm.s32 $0x500;
	[sflag:s19] =	ssyncadd.s32 $0xFFFFC000  }
0x5eb: {  	[tilespmem:s22], [sflag:$0x1] =	stream.indirect.gather [hbm4b:s2+s21], $0x80, s28, s21, $0xb8;
	[tilespmem:$0x1D000] =	vst v63  }
0x5ec: {  	_ =	swait.ge [sflag:s26], $0x4000  }
0x5ed: {  	[sflag:s26] =	ssyncset.done $0x0  }
0x5ee: {  	s10 =	simm.s32 $0xC80;
	[sflag:s26] =	ssyncadd.s32 $0xFFFFC000  }
0x5ef: {  	[spmem:s4] =	stream.indirect.scatter.add.f32 [tilespmem:s23], [sflag:$0x3], $0x80, s10, s21, $0xb8;
	[tilespmem:$0x1D000] =	vst v63  }
0x5f0: {  	_ =	swait.ge [sflag:s19], $0x4000  }
0x5f1: {  	[sflag:s19] =	ssyncset.done $0x0  }
0x5f2: {  	s18 =	simm.s32 $0x580;
	[sflag:s19] =	ssyncadd.s32 $0xFFFFC000  }
0x5f3: {  	[tilespmem:s23], [sflag:$0x2] =	stream.indirect.gather [hbm4b:s2+s21], $0x80, s18, s21, $0xb8;
	[tilespmem:$0x1D000] =	vst v63  }
0x5f4: {  	_ =	swait.ge [sflag:s24], $0x4000  }
0x5f5: {  	[sflag:s24] =	ssyncset.done $0x0  }
0x5f6: {  	s25 =	simm.s32 $0xD00;
	[sflag:s24] =	ssyncadd.s32 $0xFFFFC000  }
0x5f7: {  	[spmem:s4] =	stream.indirect.scatter.add.f32 [tilespmem:s22], [sflag:$0x3], $0x80, s25, s21, $0xb8;
	[tilespmem:$0x1D000] =	vst v63  }
0x5f8: {  	_ =	swait.ge [sflag:s19], $0x4000  }
0x5f9: {  	[sflag:s19] =	ssyncset.done $0x0  }
0x5fa: {  	s28 =	simm.s32 $0x600;
	[sflag:s19] =	ssyncadd.s32 $0xFFFFC000  }
0x5fb: {  	[tilespmem:s22], [sflag:$0x1] =	stream.indirect.gather [hbm4b:s2+s21], $0x80, s28, s21, $0xb8;
	[tilespmem:$0x1D000] =	vst v63  }
0x5fc: {  	_ =	swait.ge [sflag:s26], $0x4000  }
0x5fd: {  	[sflag:s26] =	ssyncset.done $0x0  }
0x5fe: {  	s10 =	simm.s32 $0xD80;
	[sflag:s26] =	ssyncadd.s32 $0xFFFFC000  }
0x5ff: {  	[spmem:s4] =	stream.indirect.scatter.add.f32 [tilespmem:s23], [sflag:$0x3], $0x80, s10, s21, $0xb8;
	[tilespmem:$0x1D000] =	vst v63  }
0x600: {  	_ =	swait.ge [sflag:s19], $0x4000  }
0x601: {  	[sflag:s19] =	ssyncset.done $0x0  }
0x602: {  	s18 =	simm.s32 $0x680;
	[sflag:s19] =	ssyncadd.s32 $0xFFFFC000  }
0x603: {  	[tilespmem:s23], [sflag:$0x2] =	stream.indirect.gather [hbm4b:s2+s21], $0x80, s18, s21, $0xb8;
	[tilespmem:$0x1D000] =	vst v63  }
0x604: {  	_ =	swait.ge [sflag:s24], $0x4000  }
0x605: {  	[sflag:s24] =	ssyncset.done $0x0  }
0x606: {  	s25 =	simm.s32 $0xE00;
	[sflag:s24] =	ssyncadd.s32 $0xFFFFC000  }
0x607: {  	[spmem:s4] =	stream.indirect.scatter.add.f32 [tilespmem:s22], [sflag:$0x3], $0x80, s25, s21, $0xb8;
	[tilespmem:$0x1D000] =	vst v63  }
0x608: {  	_ =	swait.ge [sflag:s19], $0x4000  }
0x609: {  	[sflag:s19] =	ssyncset.done $0x0  }
0x60a: {  	s28 =	simm.s32 $0x700;
	[sflag:s19] =	ssyncadd.s32 $0xFFFFC000  }
0x60b: {  	[tilespmem:s22], [sflag:$0x1] =	stream.indirect.gather [hbm4b:s2+s21], $0x80, s28, s21, $0xb8;
	[tilespmem:$0x1D000] =	vst v63  }
0x60c: {  	_ =	swait.ge [sflag:s26], $0x4000  }
0x60d: {  	[sflag:s26] =	ssyncset.done $0x0  }
0x60e: {  	s10 =	simm.s32 $0xE80;
	[sflag:s26] =	ssyncadd.s32 $0xFFFFC000  }
0x60f: {  	[spmem:s4] =	stream.indirect.scatter.add.f32 [tilespmem:s23], [sflag:$0x3], $0x80, s10, s21, $0xb8;
	[tilespmem:$0x1D000] =	vst v63  }
0x610: {  	_ =	swait.ge [sflag:s19], $0x4000  }
0x611: {  	[sflag:s19] =	ssyncset.done $0x0  }
0x612: {  	s18 =	simm.s32 $0x780;
	[sflag:s19] =	ssyncadd.s32 $0xFFFFC000  }
0x613: {  	[tilespmem:s23], [sflag:$0x2] =	stream.indirect.gather [hbm4b:s2+s21], $0x80, s18, s21, $0xb8;
	[tilespmem:$0x1D000] =	vst v63  }
0x614: {  	_ =	swait.ge [sflag:s24], $0x4000  }
0x615: {  	[sflag:s24] =	ssyncset.done $0x0  }
0x616: {  	s25 =	simm.s32 $0xF00;
	[sflag:s24] =	ssyncadd.s32 $0xFFFFC000  }
0x617: {  	[spmem:s4] =	stream.indirect.scatter.add.f32 [tilespmem:s22], [sflag:$0x3], $0x80, s25, s21, $0xb8;
	[tilespmem:$0x1D000] =	vst v63  }
0x618: {  	_ =	swait.ge [sflag:s19], $0x4000  }
0x619: {  	[sflag:s19] =	ssyncset.done $0x0  }
0x61a: {  	[sflag:s19] =	ssyncadd.s32 $0xFFFFC000  }
0x61b: {  	_ =	swait.ge [sflag:s26], $0x4000  }
0x61c: {  	[sflag:s26] =	ssyncset.done $0x0  }
0x61d: {  	s28 =	simm.s32 $0xF80;
	[sflag:s26] =	ssyncadd.s32 $0xFFFFC000  }
0x61e: {  	[spmem:s4] =	stream.indirect.scatter.add.f32 [tilespmem:s23], [sflag:$0x3], $0x80, s28, s21, $0xb8;
	[tilespmem:$0x1D000] =	vst v63  }
0x61f: {  	_ =	swait.ge [sflag:s19], $0x4000  }
0x620: {  	s9 =	simm.s32 $0x100;
	s18 =	simm.s32 $0x200;
	[sflag:s19] =	ssyncset.done $0x0  }
.LBB2_13:
0x621: {  	s25 =	sadd.s32 s9, s17  }
0x622: {  	[sflag:s19] =	ssyncadd.s32 $0xFFFFC000;
	s28 =	smov.u32 s18;
	s10 =	sadd.s32 $0x100, s18  }
0x623: {  	[tilespmem:s5], [sflag:$0x3] =	stream.linear.gather [hbm4b:s25+s5], $0x800, $0x38;
	[tilespmem:$0x1D000] =	vst v63  }
0x624: {  	s25 =	simm.s32 $0x100  }
0x625: {  	p1 =	sne.s32 s18, $0x400;
	_ =	swait.ge [sflag:s19], $0x800  }
0x626: {  	s18 =	sadd.s32 s9, s16;
	[sflag:s19] =	ssyncset.done $0x0  }
0x627: {  	s9 =	smov.u32 s28;
	s28 =	simm.s32 $0x880;
	[sflag:s19] =	ssyncadd.s32 $0xFFFFF800  }
0x628: {  	[tilespmem:s20], [sflag:$0x3] =	stream.linear.gather [hbm4b:s18+s5], $0x800, $0x38;
	[tilespmem:$0x1D000] =	vst v63  }
0x629: {  	_ =	swait.ge [sflag:s19], $0x800  }
0x62a: {  	[sflag:s19] =	ssyncset.done $0x0  }
0x62b: {  	[sflag:s19] =	ssyncadd.s32 $0xFFFFF800  }
0x62c: {  	[tilespmem:s22], [sflag:$0x1] =	stream.indirect.gather [hbm4b:s2+s21], $0x80, s5, s21, $0xb8;
	[tilespmem:$0x1D000] =	vst v63  }
0x62d: {  	_ = 	snop  }
0x62e: {  	[tilespmem:s23], [sflag:$0x2] =	stream.indirect.gather [hbm4b:s2+s21], $0x80, s21, s21, $0xb8;
	[tilespmem:$0x1D000] =	vst v63  }
0x62f: {  	_ =	swait.ge [sflag:s24], $0x4000  }
0x630: {  	[sflag:s24] =	ssyncset.done $0x0  }
0x631: {  	[sflag:s24] =	ssyncadd.s32 $0xFFFFC000  }
0x632: {  	[spmem:s4] =	stream.indirect.scatter.add.f32 [tilespmem:s22], [sflag:$0x3], $0x80, s20, s21, $0xb8;
	[tilespmem:$0x1D000] =	vst v63  }
0x633: {  	_ =	swait.ge [sflag:s19], $0x4000  }
0x634: {  	[sflag:s19] =	ssyncset.done $0x0  }
0x635: {  	[sflag:s19] =	ssyncadd.s32 $0xFFFFC000  }
0x636: {  	[tilespmem:s22], [sflag:$0x1] =	stream.indirect.gather [hbm4b:s2+s21], $0x80, s25, s21, $0xb8;
	[tilespmem:$0x1D000] =	vst v63  }
0x637: {  	_ =	swait.ge [sflag:s26], $0x4000  }
0x638: {  	[sflag:s26] =	ssyncset.done $0x0  }
0x639: {  	[sflag:s26] =	ssyncadd.s32 $0xFFFFC000  }
0x63a: {  	[spmem:s4] =	stream.indirect.scatter.add.f32 [tilespmem:s23], [sflag:$0x3], $0x80, s28, s21, $0xb8;
	[tilespmem:$0x1D000] =	vst v63  }
0x63b: {  	_ =	swait.ge [sflag:s19], $0x4000  }
0x63c: {  	[sflag:s19] =	ssyncset.done $0x0  }
0x63d: {  	[sflag:s19] =	ssyncadd.s32 $0xFFFFC000  }
0x63e: {  	[tilespmem:s23], [sflag:$0x2] =	stream.indirect.gather [hbm4b:s2+s21], $0x80, s29, s21, $0xb8;
	[tilespmem:$0x1D000] =	vst v63  }
0x63f: {  	_ =	swait.ge [sflag:s24], $0x4000  }
0x640: {  	[sflag:s24] =	ssyncset.done $0x0  }
0x641: {  	[sflag:s24] =	ssyncadd.s32 $0xFFFFC000  }
0x642: {  	[spmem:s4] =	stream.indirect.scatter.add.f32 [tilespmem:s22], [sflag:$0x3], $0x80, s30, s21, $0xb8;
	[tilespmem:$0x1D000] =	vst v63  }
0x643: {  	_ =	swait.ge [sflag:s19], $0x4000  }
0x644: {  	[sflag:s19] =	ssyncset.done $0x0  }
0x645: {  	[sflag:s19] =	ssyncadd.s32 $0xFFFFC000  }
0x646: {  	[tilespmem:s22], [sflag:$0x1] =	stream.indirect.gather [hbm4b:s2+s21], $0x80, s31, s21, $0xb8;
	[tilespmem:$0x1D000] =	vst v63  }
0x647: {  	_ =	swait.ge [sflag:s26], $0x4000  }
0x648: {  	[sflag:s26] =	ssyncset.done $0x0  }
0x649: {  	[sflag:s26] =	ssyncadd.s32 $0xFFFFC000  }
0x64a: {  	[spmem:s4] =	stream.indirect.scatter.add.f32 [tilespmem:s23], [sflag:$0x3], $0x80, s0, s21, $0xb8;
	[tilespmem:$0x1D000] =	vst v63  }
0x64b: {  	_ =	swait.ge [sflag:s19], $0x4000  }
0x64c: {  	[sflag:s19] =	ssyncset.done $0x0  }
0x64d: {  	[sflag:s19] =	ssyncadd.s32 $0xFFFFC000  }
0x64e: {  	[tilespmem:s23], [sflag:$0x2] =	stream.indirect.gather [hbm4b:s2+s21], $0x80, s3, s21, $0xb8;
	[tilespmem:$0x1D000] =	vst v63  }
0x64f: {  	_ =	swait.ge [sflag:s24], $0x4000  }
0x650: {  	[sflag:s24] =	ssyncset.done $0x0  }
0x651: {  	[sflag:s24] =	ssyncadd.s32 $0xFFFFC000  }
0x652: {  	[spmem:s4] =	stream.indirect.scatter.add.f32 [tilespmem:s22], [sflag:$0x3], $0x80, s11, s21, $0xb8;
	[tilespmem:$0x1D000] =	vst v63  }
0x653: {  	_ =	swait.ge [sflag:s19], $0x4000  }
0x654: {  	[sflag:s19] =	ssyncset.done $0x0  }
0x655: {  	[sflag:s19] =	ssyncadd.s32 $0xFFFFC000  }
0x656: {  	[tilespmem:s22], [sflag:$0x1] =	stream.indirect.gather [hbm4b:s2+s21], $0x80, s12, s21, $0xb8;
	[tilespmem:$0x1D000] =	vst v63  }
0x657: {  	_ =	swait.ge [sflag:s26], $0x4000  }
0x658: {  	[sflag:s26] =	ssyncset.done $0x0  }
0x659: {  	[sflag:s26] =	ssyncadd.s32 $0xFFFFC000  }
0x65a: {  	[spmem:s4] =	stream.indirect.scatter.add.f32 [tilespmem:s23], [sflag:$0x3], $0x80, s13, s21, $0xb8;
	[tilespmem:$0x1D000] =	vst v63  }
0x65b: {  	_ =	swait.ge [sflag:s19], $0x4000  }
0x65c: {  	[sflag:s19] =	ssyncset.done $0x0  }
0x65d: {  	[sflag:s19] =	ssyncadd.s32 $0xFFFFC000  }
0x65e: {  	[tilespmem:s23], [sflag:$0x2] =	stream.indirect.gather [hbm4b:s2+s21], $0x80, s14, s21, $0xb8;
	[tilespmem:$0x1D000] =	vst v63  }
0x65f: {  	_ =	swait.ge [sflag:s24], $0x4000  }
0x660: {  	[sflag:s24] =	ssyncset.done $0x0  }
0x661: {  	[sflag:s24] =	ssyncadd.s32 $0xFFFFC000  }
0x662: {  	[spmem:s4] =	stream.indirect.scatter.add.f32 [tilespmem:s22], [sflag:$0x3], $0x80, s15, s21, $0xb8;
	[tilespmem:$0x1D000] =	vst v63  }
0x663: {  	_ =	swait.ge [sflag:s19], $0x4000  }
0x664: {  	[sflag:s19] =	ssyncset.done $0x0  }
0x665: {  	[sflag:s19] =	ssyncadd.s32 $0xFFFFC000  }
0x666: {  	[tilespmem:s22], [sflag:$0x1] =	stream.indirect.gather [hbm4b:s2+s21], $0x80, s8, s21, $0xb8;
	[tilespmem:$0x1D000] =	vst v63  }
0x667: {  	_ =	swait.ge [sflag:s26], $0x4000  }
0x668: {  	[sflag:s26] =	ssyncset.done $0x0  }
0x669: {  	s18 =	simm.s32 $0xB80;
	[sflag:s26] =	ssyncadd.s32 $0xFFFFC000  }
0x66a: {  	[spmem:s4] =	stream.indirect.scatter.add.f32 [tilespmem:s23], [sflag:$0x3], $0x80, s18, s21, $0xb8;
	[tilespmem:$0x1D000] =	vst v63  }
0x66b: {  	_ =	swait.ge [sflag:s19], $0x4000  }
0x66c: {  	[sflag:s19] =	ssyncset.done $0x0  }
0x66d: {  	s18 =	simm.s32 $0x480;
	[sflag:s19] =	ssyncadd.s32 $0xFFFFC000  }
0x66e: {  	[tilespmem:s23], [sflag:$0x2] =	stream.indirect.gather [hbm4b:s2+s21], $0x80, s18, s21, $0xb8;
	[tilespmem:$0x1D000] =	vst v63  }
0x66f: {  	_ =	swait.ge [sflag:s24], $0x4000  }
0x670: {  	[sflag:s24] =	ssyncset.done $0x0  }
0x671: {  	s18 =	simm.s32 $0xC00;
	[sflag:s24] =	ssyncadd.s32 $0xFFFFC000  }
0x672: {  	[spmem:s4] =	stream.indirect.scatter.add.f32 [tilespmem:s22], [sflag:$0x3], $0x80, s18, s21, $0xb8;
	[tilespmem:$0x1D000] =	vst v63  }
0x673: {  	_ =	swait.ge [sflag:s19], $0x4000  }
0x674: {  	[sflag:s19] =	ssyncset.done $0x0  }
0x675: {  	s18 =	simm.s32 $0x500;
	[sflag:s19] =	ssyncadd.s32 $0xFFFFC000  }
0x676: {  	[tilespmem:s22], [sflag:$0x1] =	stream.indirect.gather [hbm4b:s2+s21], $0x80, s18, s21, $0xb8;
	[tilespmem:$0x1D000] =	vst v63  }
0x677: {  	_ =	swait.ge [sflag:s26], $0x4000  }
0x678: {  	[sflag:s26] =	ssyncset.done $0x0  }
0x679: {  	s18 =	simm.s32 $0xC80;
	[sflag:s26] =	ssyncadd.s32 $0xFFFFC000  }
0x67a: {  	[spmem:s4] =	stream.indirect.scatter.add.f32 [tilespmem:s23], [sflag:$0x3], $0x80, s18, s21, $0xb8;
	[tilespmem:$0x1D000] =	vst v63  }
0x67b: {  	_ =	swait.ge [sflag:s19], $0x4000  }
0x67c: {  	[sflag:s19] =	ssyncset.done $0x0  }
0x67d: {  	s18 =	simm.s32 $0x580;
	[sflag:s19] =	ssyncadd.s32 $0xFFFFC000  }
0x67e: {  	[tilespmem:s23], [sflag:$0x2] =	stream.indirect.gather [hbm4b:s2+s21], $0x80, s18, s21, $0xb8;
	[tilespmem:$0x1D000] =	vst v63  }
0x67f: {  	_ =	swait.ge [sflag:s24], $0x4000  }
0x680: {  	[sflag:s24] =	ssyncset.done $0x0  }
0x681: {  	s18 =	simm.s32 $0xD00;
	[sflag:s24] =	ssyncadd.s32 $0xFFFFC000  }
0x682: {  	[spmem:s4] =	stream.indirect.scatter.add.f32 [tilespmem:s22], [sflag:$0x3], $0x80, s18, s21, $0xb8;
	[tilespmem:$0x1D000] =	vst v63  }
0x683: {  	_ =	swait.ge [sflag:s19], $0x4000  }
0x684: {  	[sflag:s19] =	ssyncset.done $0x0  }
0x685: {  	s18 =	simm.s32 $0x600;
	[sflag:s19] =	ssyncadd.s32 $0xFFFFC000  }
0x686: {  	[tilespmem:s22], [sflag:$0x1] =	stream.indirect.gather [hbm4b:s2+s21], $0x80, s18, s21, $0xb8;
	[tilespmem:$0x1D000] =	vst v63  }
0x687: {  	_ =	swait.ge [sflag:s26], $0x4000  }
0x688: {  	[sflag:s26] =	ssyncset.done $0x0  }
0x689: {  	s18 =	simm.s32 $0xD80;
	[sflag:s26] =	ssyncadd.s32 $0xFFFFC000  }
0x68a: {  	[spmem:s4] =	stream.indirect.scatter.add.f32 [tilespmem:s23], [sflag:$0x3], $0x80, s18, s21, $0xb8;
	[tilespmem:$0x1D000] =	vst v63  }
0x68b: {  	_ =	swait.ge [sflag:s19], $0x4000  }
0x68c: {  	[sflag:s19] =	ssyncset.done $0x0  }
0x68d: {  	s18 =	simm.s32 $0x680;
	[sflag:s19] =	ssyncadd.s32 $0xFFFFC000  }
0x68e: {  	[tilespmem:s23], [sflag:$0x2] =	stream.indirect.gather [hbm4b:s2+s21], $0x80, s18, s21, $0xb8;
	[tilespmem:$0x1D000] =	vst v63  }
0x68f: {  	_ =	swait.ge [sflag:s24], $0x4000  }
0x690: {  	[sflag:s24] =	ssyncset.done $0x0  }
0x691: {  	s18 =	simm.s32 $0xE00;
	[sflag:s24] =	ssyncadd.s32 $0xFFFFC000  }
0x692: {  	[spmem:s4] =	stream.indirect.scatter.add.f32 [tilespmem:s22], [sflag:$0x3], $0x80, s18, s21, $0xb8;
	[tilespmem:$0x1D000] =	vst v63  }
0x693: {  	_ =	swait.ge [sflag:s19], $0x4000  }
0x694: {  	[sflag:s19] =	ssyncset.done $0x0  }
0x695: {  	s18 =	simm.s32 $0x700;
	[sflag:s19] =	ssyncadd.s32 $0xFFFFC000  }
0x696: {  	[tilespmem:s22], [sflag:$0x1] =	stream.indirect.gather [hbm4b:s2+s21], $0x80, s18, s21, $0xb8;
	[tilespmem:$0x1D000] =	vst v63  }
0x697: {  	_ =	swait.ge [sflag:s26], $0x4000  }
0x698: {  	[sflag:s26] =	ssyncset.done $0x0  }
0x699: {  	s18 =	simm.s32 $0xE80;
	[sflag:s26] =	ssyncadd.s32 $0xFFFFC000  }
0x69a: {  	[spmem:s4] =	stream.indirect.scatter.add.f32 [tilespmem:s23], [sflag:$0x3], $0x80, s18, s21, $0xb8;
	[tilespmem:$0x1D000] =	vst v63  }
0x69b: {  	_ =	swait.ge [sflag:s19], $0x4000  }
0x69c: {  	[sflag:s19] =	ssyncset.done $0x0  }
0x69d: {  	s18 =	simm.s32 $0x780;
	[sflag:s19] =	ssyncadd.s32 $0xFFFFC000  }
0x69e: {  	[tilespmem:s23], [sflag:$0x2] =	stream.indirect.gather [hbm4b:s2+s21], $0x80, s18, s21, $0xb8;
	[tilespmem:$0x1D000] =	vst v63  }
0x69f: {  	_ =	swait.ge [sflag:s24], $0x4000  }
0x6a0: {  	[sflag:s24] =	ssyncset.done $0x0  }
0x6a1: {  	s18 =	simm.s32 $0xF00;
	[sflag:s24] =	ssyncadd.s32 $0xFFFFC000  }
0x6a2: {  	[spmem:s4] =	stream.indirect.scatter.add.f32 [tilespmem:s22], [sflag:$0x3], $0x80, s18, s21, $0xb8;
	[tilespmem:$0x1D000] =	vst v63  }
0x6a3: {  	_ =	swait.ge [sflag:s19], $0x4000  }
0x6a4: {  	[sflag:s19] =	ssyncset.done $0x0  }
0x6a5: {  	[sflag:s19] =	ssyncadd.s32 $0xFFFFC000  }
0x6a6: {  	_ =	swait.ge [sflag:s26], $0x4000  }
.Ltmp9:
0x6a7: {  	[sflag:s26] =	ssyncset.done $0x0;
	(pc) =	sbr.rel @p1 .LBB2_13-.Ltmp9, $4  }
0x6a8: {  	s18 =	simm.s32 $0xF80;
	[sflag:s26] =	ssyncadd.s32 $0xFFFFC000  }
0x6a9: {  	[spmem:s4] =	stream.indirect.scatter.add.f32 [tilespmem:s23], [sflag:$0x3], $0x80, s18, s21, $0xb8;
	[tilespmem:$0x1D000] =	vst v63  }
0x6aa: {  	_ =	swait.ge [sflag:s19], $0x4000  }
0x6ab: {  	s18 =	smov.u32 s10;
	[sflag:s19] =	ssyncset.done $0x0  }
.Ltmp10:
0x6ac: {  	_ = 	snop;
	(pc) =	sbr.rel .LBB2_14-.Ltmp10, $1  }
0x6ad: {  	_ =	sdelay $0x3  }
.LBB2_16:
0x6ae: {  	_ =	sfence.sel $0x180000  }
0x6af: {  	[bflag:$0x0] =	sbarrier.arrive $0xFFFF  }
0x6b0: {  	_ =	strace $0x9000004A  }
0x6b1: {  	s0 =	stileid.u32;
	[bflag:$0x2] =	sbarrier.arrive $0xFFFF  }
0x6b2: {  	p0 =	sne.s32 s0, $0x0;
	s0 =	rddreg [dreg:$0x4]  }
0x6b3: {  	s0 =	sadd.s32 @!p0 $0x100000, s0  }
0x6b4: {  	[sflag:s0] =	ssyncadd.tile.s32 @!p0 $0x1;
	_ =	shalt  }
.Lfunc_end2:
_tile_overlayer_lowered:
.L_overlay_start_2:
0x6b5: {  	(tag) =	ssettag $0x2  }
0x6b6: {  	s0 =	rddreg [dreg:$0x0];
	s2 =	stileid.u32  }
0x6b7: {  	s1 =	rddreg [dreg:$0x1];
	p0 =	sne.s32 s2, $0x0  }
0x6b8: {  	s3 =	rddreg [dreg:$0x2];
	[bflag:$0x3] =	sbarrier.arrive $0xFFFF;
	s2 =	simm.s32 @!p0 $0x1C03  }
0x6b9: {  	[timem:s3], [sflag:s2] =	dma.local @!p0 [hbm:s0], s1  }
0x6ba: {  	s0 =	simm.s32 @!p0 $0x3  }
0x6bb: {  	_ =	swait.ge @!p0 [sflag:s0], s1  }
0x6bc: {  	s1 =	ssub.s32 @!p0 $0x0, s1;
	[sflag:s0] =	ssyncset.done @!p0 $0x0  }
0x6bd: {  	[sflag:s0] =	ssyncadd.s32 @!p0 s1  }
0x6be: {  	[bflag:$0x3] =	sbarrier.arrive $0xFFFF  }
0x6bf: {  	_ =	shalt  }

// kernel: kernel.14.cloned.1.call-start
scs
__scs_entry_jumppad:
0x0: {  	(pc) =	sbr.rel $0x88, $3  }
0x1: {  	(tag) =	ssettag $0x0;
	lr =	simm.s32 $0x1  }
0x2: {  	[smem:$0x3F9B] =	sst lr;
	_ =	strace $0xD0000000  }
0x3: {  	_ = 	snop  }
0x4: {  	_ = 	snop  }
0x5: {  	_ = 	snop  }
0x6: {  	_ = 	snop  }
0x7: {  	_ = 	snop  }
__scs_overlays_trampoline_lowered:
0x8: {  	[smem:$0x3FAA] =	sst s0  }
0x9: {  	[smem:$0x3FAB] =	sst s1  }
0xa: {  	[smem:$0x3FAC] =	sst s2  }
0xb: {  	[smem:$0x3FAD] =	sst s3  }
0xc: {  	[smem:$0x3FAE] =	sst s4  }
0xd: {  	[smem:$0x3FAF] =	sst s5  }
0xe: {  	[smem:$0x3FB0] =	sst s6  }
0xf: {  	[smem:$0x3FB1] =	sst s7  }
0x10: {  	[smem:$0x3FB2] =	sst s8  }
0x11: {  	[smem:$0x3FB3] =	sst s9;
	s0 =	simm.s32 @!p0 $0x0  }
0x12: {  	s1 =	sld [smem:$0x3F99];
	s0 =	simm.s32 @p0 $0x1  }
0x13: {  	[smem:$0x3FB4] =	sst s0;
	s0 =	simm.s32 @!p1 $0x0  }
0x14: {  	s2 =	sld [smem:$0x3F98];
	s0 =	simm.s32 @p1 $0x1  }
0x15: {  	[smem:$0x3FB5] =	sst s0;
	s0 =	simm.s32 @!p2 $0x0  }
0x16: {  	s3 =	sld [smem:$0x3FDB];
	s0 =	simm.s32 @p2 $0x1  }
0x17: {  	s4 =	simm.s32 $0x1BF5;
	[smem:$0x3FB7] =	sst s0  }
0x18: {  	s0 =	sld [smem:$0x3F9A];
	_ =	swait.ge [sflag:s4], $0x0  }
0x19: {  	s7 =	sld [smem:$0x3F9B]  }
0x1a: {  	s8 =	sadd.s32 $0xFFFFE003, lr  }
0x1b: {  	s9 =	sadd.s32 $0xFFFFFEF7, lr;
	s5 =	simm.s32 $0xFFFFFFFF;
	p2 =	slt.u32 s8, $0xFFFFF086  }
0x1c: {  	p1 =	slt.u32 s9, $0xF7A;
	s5 =	simm.s32 @!p2 $0x0  }
0x1d: {  	s5 =	simm.s32 @p1 $0x1;
	p0 =	seq.s32 s7, s2  }
0x1e: {  	s7 =	smul.u32 @!p0 $0xF7A, s2;
	p2 =	seq.s32 @!p0 s5, $0x0  }
0x1f: {  	s9 =	smul.u32 $0xF7A, s1;
	s8 =	simm.s32 @!p0 $0x1BF5;
	p2 =	por !p2, p0  }
0x20: {  	[sflag:s8] =	ssyncset.s32 @!p0 $0xFFFFF086;
	s6 =	sadd.s32 @!p0 s3, s7;
	s7 =	simm.s32 @!p0 $0x108  }
0x21: {  	s3 =	sadd.s32 s3, s9;
	s6 =	sadd.s32 @!p0 $0x88, s6;
	s7 =	simm.s32 @p2 $0x1082  }
0x22: {  	[simem:s7], [sflag:s8] =	dma.local @!p0 [hbm:s6], $0xF7A  }
0x23: {  	s9 =	sor.u32 $0xD0000000, s2;
	s6 =	simm.s32 $0x108;
	_ =	swait.ge @!p0 [sflag:s8], $0x0  }
0x24: {  	s3 =	sadd.s32 $0x88, s3;
	s6 =	simm.s32 @!p1 $0x1082;
	[sflag:s4] =	ssyncset.s32 $0xFFFFF086  }
0x25: {  	[simem:s6], [sflag:s4] =	dma.local [hbm:s3], $0xF7A  }
0x26: {  	[smem:$0x3F9B] =	sst s1;
	(tag) =	ssettag s2;
	_ =	strace s9  }
0x27: {  	s1 =	sld [smem:$0x3FAB]  }
0x28: {  	s2 =	sld [smem:$0x3FAC]  }
0x29: {  	s4 =	sld [smem:$0x3FAE]  }
0x2a: {  	p0 =	seq.s32 s5, $0x0;
	s5 =	sld [smem:$0x3FAF]  }
0x2b: {  	s6 =	sld [smem:$0x3FB0]  }
0x2c: {  	s7 =	sld [smem:$0x3FB1]  }
0x2d: {  	s3 =	simm.s32 $0x108;
	s8 =	sld [smem:$0x3FB2]  }
0x2e: {  	s3 =	simm.s32 @!p0 $0x1082;
	s9 =	sld [smem:$0x3FB3]  }
0x2f: {  	lr =	sadd.s32 s0, s3;
	s0 =	sld [smem:$0x3FAA]  }
0x30: {  	s3 =	sld [smem:$0x3FAD]  }
0x31: {  	[smem:$0x3FB6] =	sst s10  }
0x32: {  	s10 =	sld [smem:$0x3FB4];
	_ =	sdelay $0x3  }
0x33: {  	p0 =	seq.s32 s10, $0x1;
	s10 =	sld [smem:$0x3FB6];
	_ =	sdelay $0x3  }
0x34: {  	[smem:$0x3FB6] =	sst s10  }
0x35: {  	s10 =	sld [smem:$0x3FB5];
	_ =	sdelay $0x3  }
0x36: {  	p1 =	seq.s32 s10, $0x1;
	s10 =	sld [smem:$0x3FB6];
	_ =	sdelay $0x3  }
0x37: {  	[smem:$0x3FB6] =	sst s10  }
0x38: {  	s10 =	sld [smem:$0x3FB7]  }
0x39: {  	_ = 	snop;
	(pc) =	sbr.ind lr, $3  }
0x3a: {  	_ = 	snop  }
0x3b: {  	_ = 	snop  }
0x3c: {  	p2 =	seq.s32 s10, $0x1;
	s10 =	sld [smem:$0x3FB6]  }
0x3d: {  	_ =	shalt  }
0x3e: {  	_ =	shalt  }
0x3f: {  	_ =	shalt  }
0x40: {  	_ =	shalt  }
0x41: {  	_ =	shalt  }
0x42: {  	_ =	shalt  }
0x43: {  	_ =	shalt  }
0x44: {  	_ =	shalt  }
0x45: {  	_ =	shalt  }
0x46: {  	_ =	shalt  }
0x47: {  	_ =	shalt  }
0x48: {  	_ =	shalt  }
0x49: {  	_ =	shalt  }
0x4a: {  	_ =	shalt  }
0x4b: {  	_ =	shalt  }
0x4c: {  	_ =	shalt  }
0x4d: {  	_ =	shalt  }
0x4e: {  	_ =	shalt  }
0x4f: {  	_ =	shalt  }
0x50: {  	_ =	shalt  }
0x51: {  	_ =	shalt  }
0x52: {  	_ =	shalt  }
0x53: {  	_ =	shalt  }
0x54: {  	_ =	shalt  }
0x55: {  	_ =	shalt  }
0x56: {  	_ =	shalt  }
0x57: {  	_ =	shalt  }
0x58: {  	_ =	shalt  }
0x59: {  	_ =	shalt  }
0x5a: {  	_ =	shalt  }
0x5b: {  	_ =	shalt  }
0x5c: {  	_ =	shalt  }
0x5d: {  	_ =	shalt  }
0x5e: {  	_ =	shalt  }
0x5f: {  	_ =	shalt  }
0x60: {  	_ =	shalt  }
0x61: {  	_ =	shalt  }
0x62: {  	_ =	shalt  }
0x63: {  	_ =	shalt  }
0x64: {  	_ =	shalt  }
0x65: {  	_ =	shalt  }
0x66: {  	_ =	shalt  }
0x67: {  	_ =	shalt  }
0x68: {  	_ =	shalt  }
0x69: {  	_ =	shalt  }
0x6a: {  	_ =	shalt  }
0x6b: {  	_ =	shalt  }
0x6c: {  	_ =	shalt  }
0x6d: {  	_ =	shalt  }
0x6e: {  	_ =	shalt  }
0x6f: {  	_ =	shalt  }
0x70: {  	_ =	shalt  }
0x71: {  	_ =	shalt  }
0x72: {  	_ =	shalt  }
0x73: {  	_ =	shalt  }
0x74: {  	_ =	shalt  }
0x75: {  	_ =	shalt  }
0x76: {  	_ =	shalt  }
0x77: {  	_ =	shalt  }
0x78: {  	_ =	shalt  }
0x79: {  	_ =	shalt  }
0x7a: {  	_ =	shalt  }
0x7b: {  	_ =	shalt  }
0x7c: {  	_ =	shalt  }
0x7d: {  	_ =	shalt  }
0x7e: {  	_ =	shalt  }
0x7f: {  	_ =	shalt  }
0x80: {  	_ =	shalt  }
0x81: {  	_ =	shalt  }
0x82: {  	_ =	shalt  }
0x83: {  	_ =	shalt  }
0x84: {  	_ =	shalt  }
0x85: {  	_ =	shalt  }
0x86: {  	_ =	shalt  }
0x87: {  	_ =	shalt  }
.Lfunc_end0:
.L_simem_size_0:
called_computation.2_lowered:
.L_overlay_start_0:
0x88: {  	s2 =	sld [smem:$0x3FD9]  }
0x89: {  	s3 =	sld [smem:$0x3FFE];
	_ =	sdelay $0x1  }
0x8a: {  	s1 =	srdreg.scid  }
0x8b: {  	s0 =	sand.u32 $0x1, s1  }
0x8c: {  	s14 =	sshll.u32 s0, $0xA;
	s2 =	sadd.s32 s3, s2  }
0x8d: {  	s2 =	sadd.s32 s2, s14  }
0x8e: {  	[smem:$0x3FC2] =	sst s2  }
0x8f: {  	_ = 	snop  }
0x90: {  	s2 =	sld [smem:$0x3FD0];
	_ =	sdelay $0x2  }
0x91: {  	s15 =	simm.s32 $0xA;
	s4 =	simm.s32 $0x10  }
0x92: {  	[smem:s4], [sflag:s15] =	dma.local [hbm:s2], $0x1  }
0x93: {  	_ =	swait.eq [sflag:s15], $0x1  }
0x94: {  	[sflag:s15] =	ssyncset.done $0x0  }
0x95: {  	[sflag:s15] =	ssyncadd.s32 $0xFFFFFFFF  }
0x96: {  	s16 =	sld [smem:$0x10];
	(tm) =	ssettm $0x1  }
0x97: {  	s17 =	sld [smem:$0x3FFB];
	_ =	sdelay $0x3  }
0x98: {  	_ =	strace s17  }
0x99: {  	s3 =	sld [smem:$0x3FFC];
	_ =	sdelay $0x3  }
0x9a: {  	_ =	strace s3  }
0x9b: {  	s3 =	sld [smem:$0x3FFD];
	_ =	sdelay $0x3  }
0x9c: {  	_ =	strace s3  }
0x9d: {  	_ =	strace $0x8FFFFFFF  }
0x9e: {  	s18 =	sld [smem:$0x3FDB];
	_ =	sdelay $0x1  }
0x9f: {  	s19 =	simm.s32 $_scs_section_size  }
0xa0: {  	s5 =	simm.s32 $_size__tile_overlayer_lowered;
	s6 =	simm.s32 $_tile_overlayer_lowered  }
0xa1: {  	s22 =	simm.s32 $0x1BFF;
	s21 =	sshll.u32 s6, $0x1;
	s3 =	sadd.s32 s19, s18  }
0xa2: {  	s7 =	simm.s32 $0x0;
	s20 =	sshll.u32 s5, $0x1;
	s5 =	sadd.s32 s21, s3  }
0xa3: {  	[timem:s7], [sflag:s22] =	dma.local [hbm:s5], s20  }
0xa4: {  	_ =	swait.ge [sflag:s22], s20  }
0xa5: {  	s4 =	ssub.s32 $0x0, s20;
	[sflag:s22] =	ssyncset.done $0x0  }
0xa6: {  	[sflag:s22] =	ssyncadd.s32 s4;
	_ =	sdelay $0x1  }
0xa7: {  	s23 =	simm.s32 $0x1B8B  }
0xa8: {  	_ =	swait.ge [sflag:s23], $0x1  }
0xa9: {  	[sflag:s23] =	ssyncset.done $0x0  }
0xaa: {  	s25 =	simm.s32 $0x1B8E;
	s24 =	sld [smem:$0x3FFE];
	[sflag:s23] =	ssyncadd.s32 $0xFFFFFFFF  }
0xab: {  	s26 =	simm.s32 $execute0_lowered;
	[smem:$0x3FD2] =	sst s25  }
0xac: {  	s5 =	sshll.u32 s26, $0x1;
	_ =	strace $0x8000004C;
	[dreg:$0x1] =	wrdreg $0xFFFFFFFF  }
0xad: {  	s28 =	simm.s32 $_size_execute0_lowered;
	s3 =	sadd.s32 s3, s5;
	[dreg:$0x0] =	wrdreg $0x0  }
0xae: {  	s5 =	sshll.u32 s28, $0x1;
	[dreg:$0x2] =	wrdreg s3  }
0xaf: {  	[dreg:$0x3] =	wrdreg s5  }
0xb0: {  	[dreg:$0x4] =	wrdreg $0xC0  }
0xb1: {  	_ =	task [dreg:s7], $0x5FFFF  }
0xb2: {  	[dreg:$0x1] =	wrdreg $0xFFFFFFFF  }
0xb3: {  	[dreg:$0x0] =	wrdreg $0x60  }
0xb4: {  	[dreg:$0x2] =	wrdreg s24  }
0xb5: {  	[dreg:$0x3] =	wrdreg s16  }
0xb6: {  	[dreg:$0x4] =	wrdreg $0x90000  }
0xb7: {  	[dreg:$0x5] =	wrdreg $0x9  }
0xb8: {  	_ =	task.clear_ibuf [dreg:s7], $0x6FFFF;
	_ =	strace $0x9000004C  }
0xb9: {  	s29 =	simm.s32 $0x9;
	_ =	strace $0x8000004E  }
0xba: {  	_ =	swait.ge [sflag:s29], $0x1  }
0xbb: {  	[sflag:s29] =	ssyncadd.s32 $0xFFFFFFFF  }
0xbc: {  	_ =	strace $0x9000004E  }
0xbd: {  	_ =	sfence  }
0xbe: {  	s30 =	sld [smem:$0x0];
	_ =	sdelay $0x2  }
0xbf: {  	s31 =	sshll.u32 s1, $0xD;
	s1 =	sshrl.u32 s1, $0x2  }
0xc0: {  	s3 =	sand.u32 $0x4000, s31;
	s1 =	sadd.s32 s1, s30  }
0xc1: {  	s0 =	sor.u32 s3, s0;
	s1 =	sshll.u32 s1, $0x11  }
0xc2: {  	s0 =	sor.u32 s1, s0  }
0xc3: {  	s0 =	sadd.s32 $0x8F2B, s0  }
0xc4: {  	[sflag:s0] =	ssyncadd.remote.s32 $0x1  }
0xc5: {  	_ =	sfence.sel $0xFFFF  }
0xc6: {  	[dreg:$0x0] =	wrdreg $0xFFFFFFFF;
	(pc) =	sbr.abs _section_cstart, $3  }
0xc7: {  	[dreg:$0x1] =	wrdreg $0xFFFFFFFF  }
0xc8: {  	_ =	task.clear_ibuf [dreg:s7], $0x2FFFF;
	_ =	strace $0x9FFFFFFF  }
0xc9: {  	(tm) =	ssettm $0x7FFFFFFF  }
tec
execute0_lowered:
.L_overlay_start_1:
0x0: {  	(tag) =	ssettag $0x1  }
0x1: {  	s0 =	rddreg [dreg:$0x0]  }
0x2: {  	s1 =	rddreg [dreg:$0x1]  }
0x3: {  	s3 =	rddreg [dreg:$0x2];
	s4 =	simm.s32 $0x0  }
0x4: {  	s11 =	stileid.u32;
	s6 =	srdreg.scid;
	s15 =	simm.s32 $0x3  }
0x5: {  	s16 =	simm.s32 $0x800;
	s17 =	simm.s32 $0x80;
	s18 =	simm.s32 $0x1000  }
0x6: {  	s19 =	simm.s32 $0x5000;
	s14 =	simm.s32 $0x900;
	s28 =	simm.s32 $0xA80  }
0x7: {  	s29 =	simm.s32 $0x380;
	s30 =	simm.s32 $0xB00;
	s2 =	smul.u32 $0x500, s11  }
0x8: {  	s31 =	simm.s32 $0x0;
	[smem:$0x7FF] =	sst s4;
	s8 =	smul.u32 $0x50000, s11  }
0x9: {  	s5 =	sadd.s32 $0xB0000, s0;
	s6 =	sand.u32 $0x1, s6;
	s10 =	smul.u32 $0x14000, s11  }
0xa: {  	s9 =	sadd.s32 $0x8800, s0;
	s23 =	sshll.u32 s11, $0x6;
	s25 =	smul.u32 $0x2800, s11  }
0xb: {  	s11 =	simm.s32 $0x100;
	_ =	strace $0x8000004D;
	s7 =	ssub.s32 $0x2, s6  }
0xc: {  	[dreg:$0x4] =	wrdreg s9;
	p0 =	sne.s32 s6, $0x0;
	s9 =	simm.s32 $0x180  }
0xd: {  	s2 =	sadd.s32 s2, s0;
	s20 =	sshrl.u32 s7, $0x1;
	s0 =	sadd.s32 $0xD8000, s0  }
0xe: {  	s22 =	sshrl.u32 s8, $0x2;
	s24 =	sshrl.u32 s10, $0x3;
	s10 =	sor.u32 $0x1C03, s23  }
0xf: {  	[dreg:$0x7] =	wrdreg s25;
	s8 =	simm.s32 $0x880;
	s23 =	simm.s32 $0x980  }
0x10: {  	s25 =	simm.s32 $0xA00;
	[dreg:$0x5] =	wrdreg s0;
	s21 =	ssub.s32 s7, s20  }
0x11: {  	s7 =	sadd.s32 s22, s3;
	s26 =	sadd.s32 $0x28000, s24;
	s12 =	sadd.s32 $0x3800, s2  }
.Ltmp0:
0x12: {  	s13 =	sadd.s32 $0x5B000, s2;
	s20 =	simm.s32 $0x1;
	(pc) =	sbr.rel .LBB2_1-.Ltmp0, $4  }
0x13: {  	s22 =	simm.s32 $0x2;
	s24 =	simm.s32 $0x280;
	[dreg:$0x6] =	wrdreg s10  }
0x14: {  	s2 =	simm.s32 $0xB80;
	[dreg:$0x8] =	wrdreg s26;
	s0 =	smax.u32 s21, $0x1  }
0x15: {  	s7 =	sshrl.u32 s7, $0x3;
	s21 =	simm.s32 $0x200;
	[dreg:$0x9] =	wrdreg s0  }
0x16: {  	s26 =	simm.s32 $0x300;
	s0 =	simm.s32 $0x400;
	[dreg:$0xa] =	wrdreg s7  }
.LBB2_7:
0x17: {  	s6 =	sadd.s32 s9, s13;
	[sflag:s15] =	ssyncadd.s32 $0xFFFFC000  }
0x18: {  	[tilespmem:s4], [sflag:$0x3] =	stream.linear.gather [hbm4b:s6+s4], $0x800, $0x38;
	[tilespmem:$0x1D000] =	vst v63  }
0x19: {  	_ =	swait.ge [sflag:s15], $0x800  }
0x1a: {  	[sflag:s15] =	ssyncset.done $0x0  }
0x1b: {  	s10 =	sadd.s32 s9, s12;
	[sflag:s15] =	ssyncadd.s32 $0xFFFFF800  }
0x1c: {  	[tilespmem:s16], [sflag:$0x3] =	stream.linear.gather [hbm4b:s10+s4], $0x800, $0x38;
	[tilespmem:$0x1D000] =	vst v63  }
0x1d: {  	_ =	swait.ge [sflag:s15], $0x800  }
0x1e: {  	[sflag:s15] =	ssyncset.done $0x0  }
0x1f: {  	[sflag:s15] =	ssyncadd.s32 $0xFFFFF800  }
0x20: {  	[tilespmem:s18], [sflag:$0x1] =	stream.indirect.gather [hbm4b:s1+s17], $0x80, s4, s17, $0xb8;
	[tilespmem:$0x1D000] =	vst v63  }
0x21: {  	_ = 	snop  }
0x22: {  	[tilespmem:s19], [sflag:$0x2] =	stream.indirect.gather [hbm4b:s1+s17], $0x80, s17, s17, $0xb8;
	[tilespmem:$0x1D000] =	vst v63  }
0x23: {  	_ =	swait.ge [sflag:s20], $0x4000  }
0x24: {  	[sflag:s20] =	ssyncset.done $0x0  }
0x25: {  	[sflag:s20] =	ssyncadd.s32 $0xFFFFC000  }
0x26: {  	[spmem:s3] =	stream.indirect.scatter.add.f32 [tilespmem:s18], [sflag:$0x3], $0x80, s16, s17, $0xb8;
	[tilespmem:$0x1D000] =	vst v63  }
0x27: {  	_ =	swait.ge [sflag:s15], $0x4000  }
0x28: {  	[sflag:s15] =	ssyncset.done $0x0  }
0x29: {  	[sflag:s15] =	ssyncadd.s32 $0xFFFFC000  }
0x2a: {  	[tilespmem:s18], [sflag:$0x1] =	stream.indirect.gather [hbm4b:s1+s17], $0x80, s11, s17, $0xb8;
	[tilespmem:$0x1D000] =	vst v63  }
0x2b: {  	_ =	swait.ge [sflag:s22], $0x4000  }
0x2c: {  	[sflag:s22] =	ssyncset.done $0x0  }
0x2d: {  	[sflag:s22] =	ssyncadd.s32 $0xFFFFC000  }
0x2e: {  	[spmem:s3] =	stream.indirect.scatter.add.f32 [tilespmem:s19], [sflag:$0x3], $0x80, s8, s17, $0xb8;
	[tilespmem:$0x1D000] =	vst v63  }
0x2f: {  	_ =	swait.ge [sflag:s15], $0x4000  }
0x30: {  	[sflag:s15] =	ssyncset.done $0x0  }
0x31: {  	[sflag:s15] =	ssyncadd.s32 $0xFFFFC000  }
0x32: {  	[tilespmem:s19], [sflag:$0x2] =	stream.indirect.gather [hbm4b:s1+s17], $0x80, s14, s17, $0xb8;
	[tilespmem:$0x1D000] =	vst v63  }
0x33: {  	_ =	swait.ge [sflag:s20], $0x4000  }
0x34: {  	[sflag:s20] =	ssyncset.done $0x0  }
0x35: {  	[sflag:s20] =	ssyncadd.s32 $0xFFFFC000  }
0x36: {  	[spmem:s3] =	stream.indirect.scatter.add.f32 [tilespmem:s18], [sflag:$0x3], $0x80, s21, s17, $0xb8;
	[tilespmem:$0x1D000] =	vst v63  }
0x37: {  	_ =	swait.ge [sflag:s15], $0x4000  }
0x38: {  	[sflag:s15] =	ssyncset.done $0x0  }
0x39: {  	[sflag:s15] =	ssyncadd.s32 $0xFFFFC000  }
0x3a: {  	[tilespmem:s18], [sflag:$0x1] =	stream.indirect.gather [hbm4b:s1+s17], $0x80, s23, s17, $0xb8;
	[tilespmem:$0x1D000] =	vst v63  }
0x3b: {  	_ =	swait.ge [sflag:s22], $0x4000  }
0x3c: {  	[sflag:s22] =	ssyncset.done $0x0  }
0x3d: {  	[sflag:s22] =	ssyncadd.s32 $0xFFFFC000  }
0x3e: {  	[spmem:s3] =	stream.indirect.scatter.add.f32 [tilespmem:s19], [sflag:$0x3], $0x80, s24, s17, $0xb8;
	[tilespmem:$0x1D000] =	vst v63  }
0x3f: {  	_ =	swait.ge [sflag:s15], $0x4000  }
0x40: {  	[sflag:s15] =	ssyncset.done $0x0  }
0x41: {  	[sflag:s15] =	ssyncadd.s32 $0xFFFFC000  }
0x42: {  	[tilespmem:s19], [sflag:$0x2] =	stream.indirect.gather [hbm4b:s1+s17], $0x80, s25, s17, $0xb8;
	[tilespmem:$0x1D000] =	vst v63  }
0x43: {  	_ =	swait.ge [sflag:s20], $0x4000  }
0x44: {  	[sflag:s20] =	ssyncset.done $0x0  }
0x45: {  	[sflag:s20] =	ssyncadd.s32 $0xFFFFC000  }
0x46: {  	[spmem:s3] =	stream.indirect.scatter.add.f32 [tilespmem:s18], [sflag:$0x3], $0x80, s26, s17, $0xb8;
	[tilespmem:$0x1D000] =	vst v63  }
0x47: {  	_ =	swait.ge [sflag:s15], $0x4000  }
0x48: {  	[sflag:s15] =	ssyncset.done $0x0  }
0x49: {  	[sflag:s15] =	ssyncadd.s32 $0xFFFFC000  }
0x4a: {  	[tilespmem:s18], [sflag:$0x1] =	stream.indirect.gather [hbm4b:s1+s17], $0x80, s28, s17, $0xb8;
	[tilespmem:$0x1D000] =	vst v63  }
0x4b: {  	_ =	swait.ge [sflag:s22], $0x4000  }
0x4c: {  	[sflag:s22] =	ssyncset.done $0x0  }
0x4d: {  	[sflag:s22] =	ssyncadd.s32 $0xFFFFC000  }
0x4e: {  	[spmem:s3] =	stream.indirect.scatter.add.f32 [tilespmem:s19], [sflag:$0x3], $0x80, s29, s17, $0xb8;
	[tilespmem:$0x1D000] =	vst v63  }
0x4f: {  	_ =	swait.ge [sflag:s15], $0x4000  }
0x50: {  	[sflag:s15] =	ssyncset.done $0x0  }
0x51: {  	[sflag:s15] =	ssyncadd.s32 $0xFFFFC000  }
0x52: {  	[tilespmem:s19], [sflag:$0x2] =	stream.indirect.gather [hbm4b:s1+s17], $0x80, s30, s17, $0xb8;
	[tilespmem:$0x1D000] =	vst v63  }
0x53: {  	_ =	swait.ge [sflag:s20], $0x4000  }
0x54: {  	[sflag:s20] =	ssyncset.done $0x0  }
0x55: {  	[sflag:s20] =	ssyncadd.s32 $0xFFFFC000  }
0x56: {  	[spmem:s3] =	stream.indirect.scatter.add.f32 [tilespmem:s18], [sflag:$0x3], $0x80, s31, s17, $0xb8;
	[tilespmem:$0x1D000] =	vst v63  }
0x57: {  	_ =	swait.ge [sflag:s15], $0x4000  }
0x58: {  	[sflag:s15] =	ssyncset.done $0x0  }
0x59: {  	[sflag:s15] =	ssyncadd.s32 $0xFFFFC000  }
0x5a: {  	[tilespmem:s18], [sflag:$0x1] =	stream.indirect.gather [hbm4b:s1+s17], $0x80, s0, s17, $0xb8;
	[tilespmem:$0x1D000] =	vst v63  }
0x5b: {  	_ =	swait.ge [sflag:s22], $0x4000  }
0x5c: {  	[sflag:s22] =	ssyncset.done $0x0  }
0x5d: {  	[sflag:s22] =	ssyncadd.s32 $0xFFFFC000  }
0x5e: {  	[spmem:s3] =	stream.indirect.scatter.add.f32 [tilespmem:s19], [sflag:$0x3], $0x80, s2, s17, $0xb8;
	[tilespmem:$0x1D000] =	vst v63  }
0x5f: {  	_ =	swait.ge [sflag:s15], $0x4000  }
0x60: {  	[sflag:s15] =	ssyncset.done $0x0  }
0x61: {  	s25 =	simm.s32 $0x480;
	[sflag:s15] =	ssyncadd.s32 $0xFFFFC000  }
0x62: {  	[tilespmem:s19], [sflag:$0x2] =	stream.indirect.gather [hbm4b:s1+s17], $0x80, s25, s17, $0xb8;
	[tilespmem:$0x1D000] =	vst v63  }
0x63: {  	_ =	swait.ge [sflag:s20], $0x4000  }
0x64: {  	[sflag:s20] =	ssyncset.done $0x0  }
0x65: {  	[sflag:s20] =	ssyncadd.s32 $0xFFFFC000  }
0x66: {  	[spmem:s3] =	stream.indirect.scatter.add.f32 [tilespmem:s18], [sflag:$0x3], $0x80, s7, s17, $0xb8;
	[tilespmem:$0x1D000] =	vst v63  }
0x67: {  	_ =	swait.ge [sflag:s15], $0x4000  }
0x68: {  	[sflag:s15] =	ssyncset.done $0x0  }
0x69: {  	s26 =	simm.s32 $0x500;
	[sflag:s15] =	ssyncadd.s32 $0xFFFFC000  }
0x6a: {  	[tilespmem:s18], [sflag:$0x1] =	stream.indirect.gather [hbm4b:s1+s17], $0x80, s26, s17, $0xb8;
	[tilespmem:$0x1D000] =	vst v63  }
0x6b: {  	_ =	swait.ge [sflag:s22], $0x4000  }
0x6c: {  	[sflag:s22] =	ssyncset.done $0x0  }
0x6d: {  	s2 =	simm.s32 $0xC80;
	[sflag:s22] =	ssyncadd.s32 $0xFFFFC000  }
0x6e: {  	[spmem:s3] =	stream.indirect.scatter.add.f32 [tilespmem:s19], [sflag:$0x3], $0x80, s2, s17, $0xb8;
	[tilespmem:$0x1D000] =	vst v63  }
0x6f: {  	_ =	swait.ge [sflag:s15], $0x4000  }
0x70: {  	[sflag:s15] =	ssyncset.done $0x0  }
0x71: {  	s6 =	simm.s32 $0x580;
	[sflag:s15] =	ssyncadd.s32 $0xFFFFC000  }
0x72: {  	[tilespmem:s19], [sflag:$0x2] =	stream.indirect.gather [hbm4b:s1+s17], $0x80, s6, s17, $0xb8;
	[tilespmem:$0x1D000] =	vst v63  }
0x73: {  	_ =	swait.ge [sflag:s20], $0x4000  }
0x74: {  	[sflag:s20] =	ssyncset.done $0x0  }
0x75: {  	s7 =	simm.s32 $0xD00;
	[sflag:s20] =	ssyncadd.s32 $0xFFFFC000  }
0x76: {  	[spmem:s3] =	stream.indirect.scatter.add.f32 [tilespmem:s18], [sflag:$0x3], $0x80, s7, s17, $0xb8;
	[tilespmem:$0x1D000] =	vst v63  }
0x77: {  	_ =	swait.ge [sflag:s15], $0x4000  }
0x78: {  	[sflag:s15] =	ssyncset.done $0x0  }
0x79: {  	s8 =	simm.s32 $0x600;
	[sflag:s15] =	ssyncadd.s32 $0xFFFFC000  }
0x7a: {  	[tilespmem:s18], [sflag:$0x1] =	stream.indirect.gather [hbm4b:s1+s17], $0x80, s8, s17, $0xb8;
	[tilespmem:$0x1D000] =	vst v63  }
0x7b: {  	_ =	swait.ge [sflag:s22], $0x4000  }
0x7c: {  	[sflag:s22] =	ssyncset.done $0x0  }
0x7d: {  	s9 =	simm.s32 $0xD80;
	[sflag:s22] =	ssyncadd.s32 $0xFFFFC000  }
0x7e: {  	[spmem:s3] =	stream.indirect.scatter.add.f32 [tilespmem:s19], [sflag:$0x3], $0x80, s9, s17, $0xb8;
	[tilespmem:$0x1D000] =	vst v63  }
0x7f: {  	_ =	swait.ge [sflag:s15], $0x4000  }
0x80: {  	[sflag:s15] =	ssyncset.done $0x0  }
0x81: {  	s10 =	simm.s32 $0x680;
	[sflag:s15] =	ssyncadd.s32 $0xFFFFC000  }
0x82: {  	[tilespmem:s19], [sflag:$0x2] =	stream.indirect.gather [hbm4b:s1+s17], $0x80, s10, s17, $0xb8;
	[tilespmem:$0x1D000] =	vst v63  }
0x83: {  	_ =	swait.ge [sflag:s20], $0x4000  }
0x84: {  	[sflag:s20] =	ssyncset.done $0x0  }
0x85: {  	s14 =	simm.s32 $0xE00;
	[sflag:s20] =	ssyncadd.s32 $0xFFFFC000  }
0x86: {  	[spmem:s3] =	stream.indirect.scatter.add.f32 [tilespmem:s18], [sflag:$0x3], $0x80, s14, s17, $0xb8;
	[tilespmem:$0x1D000] =	vst v63  }
0x87: {  	_ =	swait.ge [sflag:s15], $0x4000  }
0x88: {  	[sflag:s15] =	ssyncset.done $0x0  }
0x89: {  	s21 =	simm.s32 $0x700;
	[sflag:s15] =	ssyncadd.s32 $0xFFFFC000  }
0x8a: {  	[tilespmem:s18], [sflag:$0x1] =	stream.indirect.gather [hbm4b:s1+s17], $0x80, s21, s17, $0xb8;
	[tilespmem:$0x1D000] =	vst v63  }
0x8b: {  	_ =	swait.ge [sflag:s22], $0x4000  }
0x8c: {  	[sflag:s22] =	ssyncset.done $0x0  }
0x8d: {  	s23 =	simm.s32 $0xE80;
	[sflag:s22] =	ssyncadd.s32 $0xFFFFC000  }
0x8e: {  	[spmem:s3] =	stream.indirect.scatter.add.f32 [tilespmem:s19], [sflag:$0x3], $0x80, s23, s17, $0xb8;
	[tilespmem:$0x1D000] =	vst v63  }
0x8f: {  	_ =	swait.ge [sflag:s15], $0x4000  }
0x90: {  	[sflag:s15] =	ssyncset.done $0x0  }
0x91: {  	s24 =	simm.s32 $0x780;
	[sflag:s15] =	ssyncadd.s32 $0xFFFFC000  }
0x92: {  	[tilespmem:s19], [sflag:$0x2] =	stream.indirect.gather [hbm4b:s1+s17], $0x80, s24, s17, $0xb8;
	[tilespmem:$0x1D000] =	vst v63  }
0x93: {  	_ =	swait.ge [sflag:s20], $0x4000  }
0x94: {  	[sflag:s20] =	ssyncset.done $0x0  }
0x95: {  	s25 =	simm.s32 $0xF00;
	[sflag:s20] =	ssyncadd.s32 $0xFFFFC000  }
0x96: {  	[spmem:s3] =	stream.indirect.scatter.add.f32 [tilespmem:s18], [sflag:$0x3], $0x80, s25, s17, $0xb8;
	[tilespmem:$0x1D000] =	vst v63  }
0x97: {  	_ =	swait.ge [sflag:s15], $0x4000  }
0x98: {  	s28 =	simm.s32 $0xA80;
	s29 =	simm.s32 $0x380;
	[sflag:s15] =	ssyncset.done $0x0  }
0x99: {  	s30 =	simm.s32 $0xB00;
	s0 =	simm.s32 $0x400;
	[sflag:s15] =	ssyncadd.s32 $0xFFFFC000  }
0x9a: {  	s26 =	simm.s32 $0xF80;
	s2 =	simm.s32 $0xB80;
	_ =	swait.ge [sflag:s22], $0x4000  }
0x9b: {  	s8 =	simm.s32 $0x880;
	s9 =	simm.s32 $0x180;
	[sflag:s22] =	ssyncset.done $0x0  }
0x9c: {  	s14 =	simm.s32 $0x900;
	s21 =	simm.s32 $0x200;
	[sflag:s22] =	ssyncadd.s32 $0xFFFFC000  }
0x9d: {  	[spmem:s3] =	stream.indirect.scatter.add.f32 [tilespmem:s19], [sflag:$0x3], $0x80, s26, s17, $0xb8;
	[tilespmem:$0x1D000] =	vst v63  }
0x9e: {  	s23 =	simm.s32 $0x980;
	s24 =	simm.s32 $0x280;
	_ =	swait.ge [sflag:s15], $0x4000  }
0x9f: {  	s25 =	simm.s32 $0xA00;
	[sflag:s15] =	ssyncset.done $0x0;
	s6 =	rddreg [dreg:$0x8]  }
0xa0: {  	s26 =	simm.s32 $0x300;
	s31 =	rddreg [dreg:$0xb];
	[sflag:s15] =	ssyncadd.s32 $0xFFFFC000  }
.LBB2_8:
0xa1: {  	s7 =	rddreg [dreg:$0x5];
	[bflag:$0x0] =	sbarrier.arrive $0xFFFF  }
0xa2: {  	s10 =	rddreg [dreg:$0x6]  }
0xa3: {  	s6 =	sadd.s32 s7, s6;
	s7 =	rddreg [dreg:$0xa]  }
0xa4: {  	[hbm:s6], [sflag:s10] =	dma.local [spmem:s7], $0x2800  }
0xa5: {  	_ =	swait.ge [sflag:s15], $0x2800  }
0xa6: {  	s31 =	sadd.s32 $0x1, s31;
	s6 =	rddreg [dreg:$0x9]  }
0xa7: {  	p1 =	sne.s32 s31, s6  }
.Ltmp1:
0xa8: {  	_ = 	snop;
	(pc) =	sbr.rel @!p1 .LBB2_9-.Ltmp1, $3  }
0xa9: {  	_ =	sdelay $0x1  }
0xaa: {  	[sflag:s15] =	ssyncset.done $0x0  }
0xab: {  	[sflag:s15] =	ssyncadd.s32 $0xFFFFD800  }
.LBB2_1:
0xac: {  	[dreg:$0xb] =	wrdreg s31  }
0xad: {  	s6 =	rddreg [dreg:$0x4]  }
0xae: {  	[spmem:s7], [sflag:s10] =	dma.local [hbm:s6], $0x2800  }
.Ltmp2:
0xaf: {  	_ =	swait.ge [sflag:s15], $0x2800;
	(pc) =	sbr.rel @p0 .LBB2_5-.Ltmp2, $4  }
0xb0: {  	[sflag:s15] =	ssyncset.done $0x0  }
0xb1: {  	[sflag:s15] =	ssyncadd.s32 $0xFFFFD800  }
0xb2: {  	[bflag:$0x0] =	sbarrier.arrive $0xFFFF  }
0xb3: {  	s6 =	sadd.s32 $0x0, s13  }
0xb4: {  	[tilespmem:s4], [sflag:$0x3] =	stream.linear.gather [hbm4b:s6+s4], $0x800, $0x38;
	[tilespmem:$0x1D000] =	vst v63  }
0xb5: {  	_ =	swait.ge [sflag:s15], $0x800  }
0xb6: {  	[sflag:s15] =	ssyncset.done $0x0  }
0xb7: {  	s10 =	sadd.s32 $0x0, s12;
	[sflag:s15] =	ssyncadd.s32 $0xFFFFF800  }
0xb8: {  	[tilespmem:s16], [sflag:$0x3] =	stream.linear.gather [hbm4b:s10+s4], $0x800, $0x38;
	[tilespmem:$0x1D000] =	vst v63  }
0xb9: {  	_ =	swait.ge [sflag:s15], $0x800  }
0xba: {  	[sflag:s15] =	ssyncset.done $0x0  }
0xbb: {  	[sflag:s15] =	ssyncadd.s32 $0xFFFFF800  }
0xbc: {  	[tilespmem:s18], [sflag:$0x1] =	stream.indirect.gather [hbm4b:s5+s17], $0x80, s4, s17, $0xb8;
	[tilespmem:$0x1D000] =	vst v63  }
0xbd: {  	_ = 	snop  }
0xbe: {  	[tilespmem:s19], [sflag:$0x2] =	stream.indirect.gather [hbm4b:s5+s17], $0x80, s17, s17, $0xb8;
	[tilespmem:$0x1D000] =	vst v63  }
0xbf: {  	_ =	swait.ge [sflag:s20], $0x4000  }
0xc0: {  	[sflag:s20] =	ssyncset.done $0x0  }
0xc1: {  	[sflag:s20] =	ssyncadd.s32 $0xFFFFC000  }
0xc2: {  	[spmem:s3] =	stream.indirect.scatter.add.f32 [tilespmem:s18], [sflag:$0x3], $0x80, s16, s17, $0xb8;
	[tilespmem:$0x1D000] =	vst v63  }
0xc3: {  	_ =	swait.ge [sflag:s15], $0x4000  }
0xc4: {  	[sflag:s15] =	ssyncset.done $0x0  }
0xc5: {  	[sflag:s15] =	ssyncadd.s32 $0xFFFFC000  }
0xc6: {  	[tilespmem:s18], [sflag:$0x1] =	stream.indirect.gather [hbm4b:s5+s17], $0x80, s11, s17, $0xb8;
	[tilespmem:$0x1D000] =	vst v63  }
0xc7: {  	_ =	swait.ge [sflag:s22], $0x4000  }
0xc8: {  	[sflag:s22] =	ssyncset.done $0x0  }
0xc9: {  	[sflag:s22] =	ssyncadd.s32 $0xFFFFC000  }
0xca: {  	[spmem:s3] =	stream.indirect.scatter.add.f32 [tilespmem:s19], [sflag:$0x3], $0x80, s8, s17, $0xb8;
	[tilespmem:$0x1D000] =	vst v63  }
0xcb: {  	_ =	swait.ge [sflag:s15], $0x4000  }
0xcc: {  	[sflag:s15] =	ssyncset.done $0x0  }
0xcd: {  	[sflag:s15] =	ssyncadd.s32 $0xFFFFC000  }
0xce: {  	[tilespmem:s19], [sflag:$0x2] =	stream.indirect.gather [hbm4b:s5+s17], $0x80, s9, s17, $0xb8;
	[tilespmem:$0x1D000] =	vst v63  }
0xcf: {  	_ =	swait.ge [sflag:s20], $0x4000  }
0xd0: {  	[sflag:s20] =	ssyncset.done $0x0  }
0xd1: {  	[sflag:s20] =	ssyncadd.s32 $0xFFFFC000  }
0xd2: {  	[spmem:s3] =	stream.indirect.scatter.add.f32 [tilespmem:s18], [sflag:$0x3], $0x80, s14, s17, $0xb8;
	[tilespmem:$0x1D000] =	vst v63  }
0xd3: {  	_ =	swait.ge [sflag:s15], $0x4000  }
0xd4: {  	[sflag:s15] =	ssyncset.done $0x0  }
0xd5: {  	[sflag:s15] =	ssyncadd.s32 $0xFFFFC000  }
0xd6: {  	[tilespmem:s18], [sflag:$0x1] =	stream.indirect.gather [hbm4b:s5+s17], $0x80, s21, s17, $0xb8;
	[tilespmem:$0x1D000] =	vst v63  }
0xd7: {  	_ =	swait.ge [sflag:s22], $0x4000  }
0xd8: {  	[sflag:s22] =	ssyncset.done $0x0  }
0xd9: {  	[sflag:s22] =	ssyncadd.s32 $0xFFFFC000  }
0xda: {  	[spmem:s3] =	stream.indirect.scatter.add.f32 [tilespmem:s19], [sflag:$0x3], $0x80, s23, s17, $0xb8;
	[tilespmem:$0x1D000] =	vst v63  }
0xdb: {  	_ =	swait.ge [sflag:s15], $0x4000  }
0xdc: {  	[sflag:s15] =	ssyncset.done $0x0  }
0xdd: {  	[sflag:s15] =	ssyncadd.s32 $0xFFFFC000  }
0xde: {  	[tilespmem:s19], [sflag:$0x2] =	stream.indirect.gather [hbm4b:s5+s17], $0x80, s24, s17, $0xb8;
	[tilespmem:$0x1D000] =	vst v63  }
0xdf: {  	_ =	swait.ge [sflag:s20], $0x4000  }
0xe0: {  	[sflag:s20] =	ssyncset.done $0x0  }
0xe1: {  	[sflag:s20] =	ssyncadd.s32 $0xFFFFC000  }
0xe2: {  	[spmem:s3] =	stream.indirect.scatter.add.f32 [tilespmem:s18], [sflag:$0x3], $0x80, s25, s17, $0xb8;
	[tilespmem:$0x1D000] =	vst v63  }
0xe3: {  	_ =	swait.ge [sflag:s15], $0x4000  }
0xe4: {  	[sflag:s15] =	ssyncset.done $0x0  }
0xe5: {  	[sflag:s15] =	ssyncadd.s32 $0xFFFFC000  }
0xe6: {  	[tilespmem:s18], [sflag:$0x1] =	stream.indirect.gather [hbm4b:s5+s17], $0x80, s26, s17, $0xb8;
	[tilespmem:$0x1D000] =	vst v63  }
0xe7: {  	_ =	swait.ge [sflag:s22], $0x4000  }
0xe8: {  	[sflag:s22] =	ssyncset.done $0x0  }
0xe9: {  	[sflag:s22] =	ssyncadd.s32 $0xFFFFC000  }
0xea: {  	[spmem:s3] =	stream.indirect.scatter.add.f32 [tilespmem:s19], [sflag:$0x3], $0x80, s28, s17, $0xb8;
	[tilespmem:$0x1D000] =	vst v63  }
0xeb: {  	_ =	swait.ge [sflag:s15], $0x4000  }
0xec: {  	[sflag:s15] =	ssyncset.done $0x0  }
0xed: {  	[sflag:s15] =	ssyncadd.s32 $0xFFFFC000  }
0xee: {  	[tilespmem:s19], [sflag:$0x2] =	stream.indirect.gather [hbm4b:s5+s17], $0x80, s29, s17, $0xb8;
	[tilespmem:$0x1D000] =	vst v63  }
0xef: {  	_ =	swait.ge [sflag:s20], $0x4000  }
0xf0: {  	[sflag:s20] =	ssyncset.done $0x0  }
0xf1: {  	[sflag:s20] =	ssyncadd.s32 $0xFFFFC000  }
0xf2: {  	[spmem:s3] =	stream.indirect.scatter.add.f32 [tilespmem:s18], [sflag:$0x3], $0x80, s30, s17, $0xb8;
	[tilespmem:$0x1D000] =	vst v63  }
0xf3: {  	_ =	swait.ge [sflag:s15], $0x4000  }
0xf4: {  	[sflag:s15] =	ssyncset.done $0x0  }
0xf5: {  	[sflag:s15] =	ssyncadd.s32 $0xFFFFC000  }
0xf6: {  	[tilespmem:s18], [sflag:$0x1] =	stream.indirect.gather [hbm4b:s5+s17], $0x80, s0, s17, $0xb8;
	[tilespmem:$0x1D000] =	vst v63  }
0xf7: {  	_ =	swait.ge [sflag:s22], $0x4000  }
0xf8: {  	[sflag:s22] =	ssyncset.done $0x0  }
0xf9: {  	[sflag:s22] =	ssyncadd.s32 $0xFFFFC000  }
0xfa: {  	[spmem:s3] =	stream.indirect.scatter.add.f32 [tilespmem:s19], [sflag:$0x3], $0x80, s2, s17, $0xb8;
	[tilespmem:$0x1D000] =	vst v63  }
0xfb: {  	_ =	swait.ge [sflag:s15], $0x4000  }
0xfc: {  	[sflag:s15] =	ssyncset.done $0x0  }
0xfd: {  	s25 =	simm.s32 $0x480;
	[sflag:s15] =	ssyncadd.s32 $0xFFFFC000  }
0xfe: {  	[tilespmem:s19], [sflag:$0x2] =	stream.indirect.gather [hbm4b:s5+s17], $0x80, s25, s17, $0xb8;
	[tilespmem:$0x1D000] =	vst v63  }
0xff: {  	_ =	swait.ge [sflag:s20], $0x4000  }
0x100: {  	[sflag:s20] =	ssyncset.done $0x0  }
0x101: {  	s26 =	simm.s32 $0xC00;
	[sflag:s20] =	ssyncadd.s32 $0xFFFFC000  }
0x102: {  	[spmem:s3] =	stream.indirect.scatter.add.f32 [tilespmem:s18], [sflag:$0x3], $0x80, s26, s17, $0xb8;
	[tilespmem:$0x1D000] =	vst v63  }
0x103: {  	_ =	swait.ge [sflag:s15], $0x4000  }
0x104: {  	[sflag:s15] =	ssyncset.done $0x0  }
0x105: {  	s2 =	simm.s32 $0x500;
	[sflag:s15] =	ssyncadd.s32 $0xFFFFC000  }
0x106: {  	[tilespmem:s18], [sflag:$0x1] =	stream.indirect.gather [hbm4b:s5+s17], $0x80, s2, s17, $0xb8;
	[tilespmem:$0x1D000] =	vst v63  }
0x107: {  	_ =	swait.ge [sflag:s22], $0x4000  }
0x108: {  	[sflag:s22] =	ssyncset.done $0x0  }
0x109: {  	s6 =	simm.s32 $0xC80;
	[sflag:s22] =	ssyncadd.s32 $0xFFFFC000  }
0x10a: {  	[spmem:s3] =	stream.indirect.scatter.add.f32 [tilespmem:s19], [sflag:$0x3], $0x80, s6, s17, $0xb8;
	[tilespmem:$0x1D000] =	vst v63  }
0x10b: {  	_ =	swait.ge [sflag:s15], $0x4000  }
0x10c: {  	[sflag:s15] =	ssyncset.done $0x0  }
0x10d: {  	s7 =	simm.s32 $0x580;
	[sflag:s15] =	ssyncadd.s32 $0xFFFFC000  }
0x10e: {  	[tilespmem:s19], [sflag:$0x2] =	stream.indirect.gather [hbm4b:s5+s17], $0x80, s7, s17, $0xb8;
	[tilespmem:$0x1D000] =	vst v63  }
0x10f: {  	_ =	swait.ge [sflag:s20], $0x4000  }
0x110: {  	[sflag:s20] =	ssyncset.done $0x0  }
0x111: {  	s8 =	simm.s32 $0xD00;
	[sflag:s20] =	ssyncadd.s32 $0xFFFFC000  }
0x112: {  	[spmem:s3] =	stream.indirect.scatter.add.f32 [tilespmem:s18], [sflag:$0x3], $0x80, s8, s17, $0xb8;
	[tilespmem:$0x1D000] =	vst v63  }
0x113: {  	_ =	swait.ge [sflag:s15], $0x4000  }
0x114: {  	[sflag:s15] =	ssyncset.done $0x0  }
0x115: {  	s9 =	simm.s32 $0x600;
	[sflag:s15] =	ssyncadd.s32 $0xFFFFC000  }
0x116: {  	[tilespmem:s18], [sflag:$0x1] =	stream.indirect.gather [hbm4b:s5+s17], $0x80, s9, s17, $0xb8;
	[tilespmem:$0x1D000] =	vst v63  }
0x117: {  	_ =	swait.ge [sflag:s22], $0x4000  }
0x118: {  	[sflag:s22] =	ssyncset.done $0x0  }
0x119: {  	s10 =	simm.s32 $0xD80;
	[sflag:s22] =	ssyncadd.s32 $0xFFFFC000  }
0x11a: {  	[spmem:s3] =	stream.indirect.scatter.add.f32 [tilespmem:s19], [sflag:$0x3], $0x80, s10, s17, $0xb8;
	[tilespmem:$0x1D000] =	vst v63  }
0x11b: {  	_ =	swait.ge [sflag:s15], $0x4000  }
0x11c: {  	[sflag:s15] =	ssyncset.done $0x0  }
0x11d: {  	s11 =	simm.s32 $0x680;
	[sflag:s15] =	ssyncadd.s32 $0xFFFFC000  }
0x11e: {  	[tilespmem:s19], [sflag:$0x2] =	stream.indirect.gather [hbm4b:s5+s17], $0x80, s11, s17, $0xb8;
	[tilespmem:$0x1D000] =	vst v63  }
0x11f: {  	_ =	swait.ge [sflag:s20], $0x4000  }
0x120: {  	[sflag:s20] =	ssyncset.done $0x0  }
0x121: {  	s14 =	simm.s32 $0xE00;
	[sflag:s20] =	ssyncadd.s32 $0xFFFFC000  }
0x122: {  	[spmem:s3] =	stream.indirect.scatter.add.f32 [tilespmem:s18], [sflag:$0x3], $0x80, s14, s17, $0xb8;
	[tilespmem:$0x1D000] =	vst v63  }
0x123: {  	_ =	swait.ge [sflag:s15], $0x4000  }
0x124: {  	[sflag:s15] =	ssyncset.done $0x0  }
0x125: {  	s21 =	simm.s32 $0x700;
	[sflag:s15] =	ssyncadd.s32 $0xFFFFC000  }
0x126: {  	[tilespmem:s18], [sflag:$0x1] =	stream.indirect.gather [hbm4b:s5+s17], $0x80, s21, s17, $0xb8;
	[tilespmem:$0x1D000] =	vst v63  }
0x127: {  	_ =	swait.ge [sflag:s22], $0x4000  }
0x128: {  	[sflag:s22] =	ssyncset.done $0x0  }
0x129: {  	s23 =	simm.s32 $0xE80;
	[sflag:s22] =	ssyncadd.s32 $0xFFFFC000  }
0x12a: {  	[spmem:s3] =	stream.indirect.scatter.add.f32 [tilespmem:s19], [sflag:$0x3], $0x80, s23, s17, $0xb8;
	[tilespmem:$0x1D000] =	vst v63  }
0x12b: {  	_ =	swait.ge [sflag:s15], $0x4000  }
0x12c: {  	[sflag:s15] =	ssyncset.done $0x0  }
0x12d: {  	s24 =	simm.s32 $0x780;
	[sflag:s15] =	ssyncadd.s32 $0xFFFFC000  }
0x12e: {  	[tilespmem:s19], [sflag:$0x2] =	stream.indirect.gather [hbm4b:s5+s17], $0x80, s24, s17, $0xb8;
	[tilespmem:$0x1D000] =	vst v63  }
0x12f: {  	_ =	swait.ge [sflag:s20], $0x4000  }
0x130: {  	[sflag:s20] =	ssyncset.done $0x0  }
0x131: {  	s25 =	simm.s32 $0xF00;
	[sflag:s20] =	ssyncadd.s32 $0xFFFFC000  }
0x132: {  	[spmem:s3] =	stream.indirect.scatter.add.f32 [tilespmem:s18], [sflag:$0x3], $0x80, s25, s17, $0xb8;
	[tilespmem:$0x1D000] =	vst v63  }
0x133: {  	s31 =	simm.s32 $0xB00;
	s28 =	simm.s32 $0x300;
	_ =	swait.ge [sflag:s15], $0x4000  }
0x134: {  	s29 =	simm.s32 $0xA80;
	s30 =	simm.s32 $0x380;
	[sflag:s15] =	ssyncset.done $0x0  }
0x135: {  	s0 =	simm.s32 $0x400;
	s26 =	simm.s32 $0xF80;
	[sflag:s15] =	ssyncadd.s32 $0xFFFFC000  }
0x136: {  	s2 =	simm.s32 $0xB80;
	s8 =	simm.s32 $0x880;
	_ =	swait.ge [sflag:s22], $0x4000  }
0x137: {  	s9 =	simm.s32 $0x100;
	s10 =	simm.s32 $0x200;
	[sflag:s22] =	ssyncset.done $0x0  }
0x138: {  	s14 =	simm.s32 $0x180;
	s21 =	simm.s32 $0x900;
	[sflag:s22] =	ssyncadd.s32 $0xFFFFC000  }
0x139: {  	[spmem:s3] =	stream.indirect.scatter.add.f32 [tilespmem:s19], [sflag:$0x3], $0x80, s26, s17, $0xb8;
	[tilespmem:$0x1D000] =	vst v63  }
0x13a: {  	s23 =	simm.s32 $0x200;
	s24 =	simm.s32 $0x980;
	_ =	swait.ge [sflag:s15], $0x4000  }
0x13b: {  	s25 =	simm.s32 $0x280;
	s26 =	simm.s32 $0xA00;
	[sflag:s15] =	ssyncset.done $0x0  }
.LBB2_3:
0x13c: {  	s7 =	sadd.s32 s9, s13  }
0x13d: {  	[sflag:s15] =	ssyncadd.s32 $0xFFFFC000;
	s11 =	smov.u32 s10;
	s6 =	sadd.s32 $0x100, s10  }
0x13e: {  	[tilespmem:s4], [sflag:$0x3] =	stream.linear.gather [hbm4b:s7+s4], $0x800, $0x38;
	[tilespmem:$0x1D000] =	vst v63  }
0x13f: {  	p1 =	seq.s32 s10, $0x400;
	_ =	swait.ge [sflag:s15], $0x800  }
0x140: {  	s7 =	sadd.s32 s9, s12;
	[sflag:s15] =	ssyncset.done $0x0  }
0x141: {  	s9 =	smov.u32 s11;
	s11 =	simm.s32 $0x100;
	[sflag:s15] =	ssyncadd.s32 $0xFFFFF800  }
0x142: {  	[tilespmem:s16], [sflag:$0x3] =	stream.linear.gather [hbm4b:s7+s4], $0x800, $0x38;
	[tilespmem:$0x1D000] =	vst v63  }
0x143: {  	s7 =	simm.s32 $0xC00  }
0x144: {  	_ =	swait.ge [sflag:s15], $0x800  }
0x145: {  	[sflag:s15] =	ssyncset.done $0x0  }
0x146: {  	[sflag:s15] =	ssyncadd.s32 $0xFFFFF800  }
0x147: {  	[tilespmem:s18], [sflag:$0x1] =	stream.indirect.gather [hbm4b:s5+s17], $0x80, s4, s17, $0xb8;
	[tilespmem:$0x1D000] =	vst v63  }
0x148: {  	_ = 	snop  }
0x149: {  	[tilespmem:s19], [sflag:$0x2] =	stream.indirect.gather [hbm4b:s5+s17], $0x80, s17, s17, $0xb8;
	[tilespmem:$0x1D000] =	vst v63  }
0x14a: {  	_ =	swait.ge [sflag:s20], $0x4000  }
0x14b: {  	[sflag:s20] =	ssyncset.done $0x0  }
0x14c: {  	[sflag:s20] =	ssyncadd.s32 $0xFFFFC000  }
0x14d: {  	[spmem:s3] =	stream.indirect.scatter.add.f32 [tilespmem:s18], [sflag:$0x3], $0x80, s16, s17, $0xb8;
	[tilespmem:$0x1D000] =	vst v63  }
0x14e: {  	_ =	swait.ge [sflag:s15], $0x4000  }
0x14f: {  	[sflag:s15] =	ssyncset.done $0x0  }
0x150: {  	[sflag:s15] =	ssyncadd.s32 $0xFFFFC000  }
0x151: {  	[tilespmem:s18], [sflag:$0x1] =	stream.indirect.gather [hbm4b:s5+s17], $0x80, s11, s17, $0xb8;
	[tilespmem:$0x1D000] =	vst v63  }
0x152: {  	_ =	swait.ge [sflag:s22], $0x4000  }
0x153: {  	[sflag:s22] =	ssyncset.done $0x0  }
0x154: {  	[sflag:s22] =	ssyncadd.s32 $0xFFFFC000  }
0x155: {  	[spmem:s3] =	stream.indirect.scatter.add.f32 [tilespmem:s19], [sflag:$0x3], $0x80, s8, s17, $0xb8;
	[tilespmem:$0x1D000] =	vst v63  }
0x156: {  	_ =	swait.ge [sflag:s15], $0x4000  }
0x157: {  	[sflag:s15] =	ssyncset.done $0x0  }
0x158: {  	[sflag:s15] =	ssyncadd.s32 $0xFFFFC000  }
0x159: {  	[tilespmem:s19], [sflag:$0x2] =	stream.indirect.gather [hbm4b:s5+s17], $0x80, s14, s17, $0xb8;
	[tilespmem:$0x1D000] =	vst v63  }
0x15a: {  	_ =	swait.ge [sflag:s20], $0x4000  }
0x15b: {  	[sflag:s20] =	ssyncset.done $0x0  }
0x15c: {  	[sflag:s20] =	ssyncadd.s32 $0xFFFFC000  }
0x15d: {  	[spmem:s3] =	stream.indirect.scatter.add.f32 [tilespmem:s18], [sflag:$0x3], $0x80, s21, s17, $0xb8;
	[tilespmem:$0x1D000] =	vst v63  }
0x15e: {  	_ =	swait.ge [sflag:s15], $0x4000  }
0x15f: {  	[sflag:s15] =	ssyncset.done $0x0  }
0x160: {  	[sflag:s15] =	ssyncadd.s32 $0xFFFFC000  }
0x161: {  	[tilespmem:s18], [sflag:$0x1] =	stream.indirect.gather [hbm4b:s5+s17], $0x80, s23, s17, $0xb8;
	[tilespmem:$0x1D000] =	vst v63  }
0x162: {  	_ =	swait.ge [sflag:s22], $0x4000  }
0x163: {  	[sflag:s22] =	ssyncset.done $0x0  }
0x164: {  	[sflag:s22] =	ssyncadd.s32 $0xFFFFC000  }
0x165: {  	[spmem:s3] =	stream.indirect.scatter.add.f32 [tilespmem:s19], [sflag:$0x3], $0x80, s24, s17, $0xb8;
	[tilespmem:$0x1D000] =	vst v63  }
0x166: {  	_ =	swait.ge [sflag:s15], $0x4000  }
0x167: {  	[sflag:s15] =	ssyncset.done $0x0  }
0x168: {  	[sflag:s15] =	ssyncadd.s32 $0xFFFFC000  }
0x169: {  	[tilespmem:s19], [sflag:$0x2] =	stream.indirect.gather [hbm4b:s5+s17], $0x80, s25, s17, $0xb8;
	[tilespmem:$0x1D000] =	vst v63  }
0x16a: {  	_ =	swait.ge [sflag:s20], $0x4000  }
0x16b: {  	[sflag:s20] =	ssyncset.done $0x0  }
0x16c: {  	[sflag:s20] =	ssyncadd.s32 $0xFFFFC000  }
0x16d: {  	[spmem:s3] =	stream.indirect.scatter.add.f32 [tilespmem:s18], [sflag:$0x3], $0x80, s26, s17, $0xb8;
	[tilespmem:$0x1D000] =	vst v63  }
0x16e: {  	_ =	swait.ge [sflag:s15], $0x4000  }
0x16f: {  	[sflag:s15] =	ssyncset.done $0x0  }
0x170: {  	[sflag:s15] =	ssyncadd.s32 $0xFFFFC000  }
0x171: {  	[tilespmem:s18], [sflag:$0x1] =	stream.indirect.gather [hbm4b:s5+s17], $0x80, s28, s17, $0xb8;
	[tilespmem:$0x1D000] =	vst v63  }
0x172: {  	_ =	swait.ge [sflag:s22], $0x4000  }
0x173: {  	[sflag:s22] =	ssyncset.done $0x0  }
0x174: {  	[sflag:s22] =	ssyncadd.s32 $0xFFFFC000  }
0x175: {  	[spmem:s3] =	stream.indirect.scatter.add.f32 [tilespmem:s19], [sflag:$0x3], $0x80, s29, s17, $0xb8;
	[tilespmem:$0x1D000] =	vst v63  }
0x176: {  	_ =	swait.ge [sflag:s15], $0x4000  }
0x177: {  	[sflag:s15] =	ssyncset.done $0x0  }
0x178: {  	[sflag:s15] =	ssyncadd.s32 $0xFFFFC000  }
0x179: {  	[tilespmem:s19], [sflag:$0x2] =	stream.indirect.gather [hbm4b:s5+s17], $0x80, s30, s17, $0xb8;
	[tilespmem:$0x1D000] =	vst v63  }
0x17a: {  	_ =	swait.ge [sflag:s20], $0x4000  }
0x17b: {  	[sflag:s20] =	ssyncset.done $0x0  }
0x17c: {  	[sflag:s20] =	ssyncadd.s32 $0xFFFFC000  }
0x17d: {  	[spmem:s3] =	stream.indirect.scatter.add.f32 [tilespmem:s18], [sflag:$0x3], $0x80, s31, s17, $0xb8;
	[tilespmem:$0x1D000] =	vst v63  }
0x17e: {  	_ =	swait.ge [sflag:s15], $0x4000  }
0x17f: {  	[sflag:s15] =	ssyncset.done $0x0  }
0x180: {  	[sflag:s15] =	ssyncadd.s32 $0xFFFFC000  }
0x181: {  	[tilespmem:s18], [sflag:$0x1] =	stream.indirect.gather [hbm4b:s5+s17], $0x80, s0, s17, $0xb8;
	[tilespmem:$0x1D000] =	vst v63  }
0x182: {  	_ =	swait.ge [sflag:s22], $0x4000  }
0x183: {  	[sflag:s22] =	ssyncset.done $0x0  }
0x184: {  	[sflag:s22] =	ssyncadd.s32 $0xFFFFC000  }
0x185: {  	[spmem:s3] =	stream.indirect.scatter.add.f32 [tilespmem:s19], [sflag:$0x3], $0x80, s2, s17, $0xb8;
	[tilespmem:$0x1D000] =	vst v63  }
0x186: {  	_ =	swait.ge [sflag:s15], $0x4000  }
0x187: {  	[sflag:s15] =	ssyncset.done $0x0  }
0x188: {  	s10 =	simm.s32 $0x480;
	[sflag:s15] =	ssyncadd.s32 $0xFFFFC000  }
0x189: {  	[tilespmem:s19], [sflag:$0x2] =	stream.indirect.gather [hbm4b:s5+s17], $0x80, s10, s17, $0xb8;
	[tilespmem:$0x1D000] =	vst v63  }
0x18a: {  	_ =	swait.ge [sflag:s20], $0x4000  }
0x18b: {  	[sflag:s20] =	ssyncset.done $0x0  }
0x18c: {  	[sflag:s20] =	ssyncadd.s32 $0xFFFFC000  }
0x18d: {  	[spmem:s3] =	stream.indirect.scatter.add.f32 [tilespmem:s18], [sflag:$0x3], $0x80, s7, s17, $0xb8;
	[tilespmem:$0x1D000] =	vst v63  }
0x18e: {  	_ =	swait.ge [sflag:s15], $0x4000  }
0x18f: {  	[sflag:s15] =	ssyncset.done $0x0  }
0x190: {  	s10 =	simm.s32 $0x500;
	[sflag:s15] =	ssyncadd.s32 $0xFFFFC000  }
0x191: {  	[tilespmem:s18], [sflag:$0x1] =	stream.indirect.gather [hbm4b:s5+s17], $0x80, s10, s17, $0xb8;
	[tilespmem:$0x1D000] =	vst v63  }
0x192: {  	_ =	swait.ge [sflag:s22], $0x4000  }
0x193: {  	[sflag:s22] =	ssyncset.done $0x0  }
0x194: {  	s10 =	simm.s32 $0xC80;
	[sflag:s22] =	ssyncadd.s32 $0xFFFFC000  }
0x195: {  	[spmem:s3] =	stream.indirect.scatter.add.f32 [tilespmem:s19], [sflag:$0x3], $0x80, s10, s17, $0xb8;
	[tilespmem:$0x1D000] =	vst v63  }
0x196: {  	_ =	swait.ge [sflag:s15], $0x4000  }
0x197: {  	[sflag:s15] =	ssyncset.done $0x0  }
0x198: {  	s10 =	simm.s32 $0x580;
	[sflag:s15] =	ssyncadd.s32 $0xFFFFC000  }
0x199: {  	[tilespmem:s19], [sflag:$0x2] =	stream.indirect.gather [hbm4b:s5+s17], $0x80, s10, s17, $0xb8;
	[tilespmem:$0x1D000] =	vst v63  }
0x19a: {  	_ =	swait.ge [sflag:s20], $0x4000  }
0x19b: {  	[sflag:s20] =	ssyncset.done $0x0  }
0x19c: {  	s10 =	simm.s32 $0xD00;
	[sflag:s20] =	ssyncadd.s32 $0xFFFFC000  }
0x19d: {  	[spmem:s3] =	stream.indirect.scatter.add.f32 [tilespmem:s18], [sflag:$0x3], $0x80, s10, s17, $0xb8;
	[tilespmem:$0x1D000] =	vst v63  }
0x19e: {  	_ =	swait.ge [sflag:s15], $0x4000  }
0x19f: {  	[sflag:s15] =	ssyncset.done $0x0  }
0x1a0: {  	s10 =	simm.s32 $0x600;
	[sflag:s15] =	ssyncadd.s32 $0xFFFFC000  }
0x1a1: {  	[tilespmem:s18], [sflag:$0x1] =	stream.indirect.gather [hbm4b:s5+s17], $0x80, s10, s17, $0xb8;
	[tilespmem:$0x1D000] =	vst v63  }
0x1a2: {  	_ =	swait.ge [sflag:s22], $0x4000  }
0x1a3: {  	[sflag:s22] =	ssyncset.done $0x0  }
0x1a4: {  	s10 =	simm.s32 $0xD80;
	[sflag:s22] =	ssyncadd.s32 $0xFFFFC000  }
0x1a5: {  	[spmem:s3] =	stream.indirect.scatter.add.f32 [tilespmem:s19], [sflag:$0x3], $0x80, s10, s17, $0xb8;
	[tilespmem:$0x1D000] =	vst v63  }
0x1a6: {  	_ =	swait.ge [sflag:s15], $0x4000  }
0x1a7: {  	[sflag:s15] =	ssyncset.done $0x0  }
0x1a8: {  	s10 =	simm.s32 $0x680;
	[sflag:s15] =	ssyncadd.s32 $0xFFFFC000  }
0x1a9: {  	[tilespmem:s19], [sflag:$0x2] =	stream.indirect.gather [hbm4b:s5+s17], $0x80, s10, s17, $0xb8;
	[tilespmem:$0x1D000] =	vst v63  }
0x1aa: {  	_ =	swait.ge [sflag:s20], $0x4000  }
0x1ab: {  	[sflag:s20] =	ssyncset.done $0x0  }
0x1ac: {  	s10 =	simm.s32 $0xE00;
	[sflag:s20] =	ssyncadd.s32 $0xFFFFC000  }
0x1ad: {  	[spmem:s3] =	stream.indirect.scatter.add.f32 [tilespmem:s18], [sflag:$0x3], $0x80, s10, s17, $0xb8;
	[tilespmem:$0x1D000] =	vst v63  }
0x1ae: {  	_ =	swait.ge [sflag:s15], $0x4000  }
0x1af: {  	[sflag:s15] =	ssyncset.done $0x0  }
0x1b0: {  	s10 =	simm.s32 $0x700;
	[sflag:s15] =	ssyncadd.s32 $0xFFFFC000  }
0x1b1: {  	[tilespmem:s18], [sflag:$0x1] =	stream.indirect.gather [hbm4b:s5+s17], $0x80, s10, s17, $0xb8;
	[tilespmem:$0x1D000] =	vst v63  }
0x1b2: {  	_ =	swait.ge [sflag:s22], $0x4000  }
0x1b3: {  	[sflag:s22] =	ssyncset.done $0x0  }
0x1b4: {  	s10 =	simm.s32 $0xE80;
	[sflag:s22] =	ssyncadd.s32 $0xFFFFC000  }
0x1b5: {  	[spmem:s3] =	stream.indirect.scatter.add.f32 [tilespmem:s19], [sflag:$0x3], $0x80, s10, s17, $0xb8;
	[tilespmem:$0x1D000] =	vst v63  }
0x1b6: {  	_ =	swait.ge [sflag:s15], $0x4000  }
0x1b7: {  	[sflag:s15] =	ssyncset.done $0x0  }
0x1b8: {  	s10 =	simm.s32 $0x780;
	[sflag:s15] =	ssyncadd.s32 $0xFFFFC000  }
0x1b9: {  	[tilespmem:s19], [sflag:$0x2] =	stream.indirect.gather [hbm4b:s5+s17], $0x80, s10, s17, $0xb8;
	[tilespmem:$0x1D000] =	vst v63  }
0x1ba: {  	_ =	swait.ge [sflag:s20], $0x4000  }
0x1bb: {  	[sflag:s20] =	ssyncset.done $0x0  }
0x1bc: {  	s10 =	simm.s32 $0xF00;
	[sflag:s20] =	ssyncadd.s32 $0xFFFFC000  }
0x1bd: {  	[spmem:s3] =	stream.indirect.scatter.add.f32 [tilespmem:s18], [sflag:$0x3], $0x80, s10, s17, $0xb8;
	[tilespmem:$0x1D000] =	vst v63  }
0x1be: {  	_ =	swait.ge [sflag:s15], $0x4000  }
0x1bf: {  	[sflag:s15] =	ssyncset.done $0x0  }
0x1c0: {  	[sflag:s15] =	ssyncadd.s32 $0xFFFFC000  }
0x1c1: {  	_ =	swait.ge [sflag:s22], $0x4000  }
.Ltmp3:
0x1c2: {  	[sflag:s22] =	ssyncset.done $0x0;
	(pc) =	sbr.rel @!p1 .LBB2_3-.Ltmp3, $4  }
0x1c3: {  	s10 =	simm.s32 $0xF80;
	[sflag:s22] =	ssyncadd.s32 $0xFFFFC000  }
0x1c4: {  	[spmem:s3] =	stream.indirect.scatter.add.f32 [tilespmem:s19], [sflag:$0x3], $0x80, s10, s17, $0xb8;
	[tilespmem:$0x1D000] =	vst v63  }
0x1c5: {  	_ =	swait.ge [sflag:s15], $0x4000  }
0x1c6: {  	s10 =	smov.u32 s6;
	[sflag:s15] =	ssyncset.done $0x0  }
0x1c7: {  	s6 =	sadd.s32 s9, s13;
	[sflag:s15] =	ssyncadd.s32 $0xFFFFC000  }
0x1c8: {  	[tilespmem:s4], [sflag:$0x3] =	stream.linear.gather [hbm4b:s6+s4], $0x800, $0x38;
	[tilespmem:$0x1D000] =	vst v63  }
0x1c9: {  	_ =	swait.ge [sflag:s15], $0x800  }
0x1ca: {  	[sflag:s15] =	ssyncset.done $0x0  }
0x1cb: {  	s10 =	sadd.s32 s9, s12;
	[sflag:s15] =	ssyncadd.s32 $0xFFFFF800  }
0x1cc: {  	[tilespmem:s16], [sflag:$0x3] =	stream.linear.gather [hbm4b:s10+s4], $0x800, $0x38;
	[tilespmem:$0x1D000] =	vst v63  }
0x1cd: {  	_ =	swait.ge [sflag:s15], $0x800  }
0x1ce: {  	[sflag:s15] =	ssyncset.done $0x0  }
0x1cf: {  	[sflag:s15] =	ssyncadd.s32 $0xFFFFF800  }
0x1d0: {  	[tilespmem:s18], [sflag:$0x1] =	stream.indirect.gather [hbm4b:s5+s17], $0x80, s4, s17, $0xb8;
	[tilespmem:$0x1D000] =	vst v63  }
0x1d1: {  	_ = 	snop  }
0x1d2: {  	[tilespmem:s19], [sflag:$0x2] =	stream.indirect.gather [hbm4b:s5+s17], $0x80, s17, s17, $0xb8;
	[tilespmem:$0x1D000] =	vst v63  }
0x1d3: {  	_ =	swait.ge [sflag:s20], $0x4000  }
0x1d4: {  	[sflag:s20] =	ssyncset.done $0x0  }
0x1d5: {  	[sflag:s20] =	ssyncadd.s32 $0xFFFFC000  }
0x1d6: {  	[spmem:s3] =	stream.indirect.scatter.add.f32 [tilespmem:s18], [sflag:$0x3], $0x80, s16, s17, $0xb8;
	[tilespmem:$0x1D000] =	vst v63  }
0x1d7: {  	_ =	swait.ge [sflag:s15], $0x4000  }
0x1d8: {  	[sflag:s15] =	ssyncset.done $0x0  }
0x1d9: {  	[sflag:s15] =	ssyncadd.s32 $0xFFFFC000  }
0x1da: {  	[tilespmem:s18], [sflag:$0x1] =	stream.indirect.gather [hbm4b:s5+s17], $0x80, s11, s17, $0xb8;
	[tilespmem:$0x1D000] =	vst v63  }
0x1db: {  	_ =	swait.ge [sflag:s22], $0x4000  }
0x1dc: {  	[sflag:s22] =	ssyncset.done $0x0  }
0x1dd: {  	[sflag:s22] =	ssyncadd.s32 $0xFFFFC000  }
0x1de: {  	[spmem:s3] =	stream.indirect.scatter.add.f32 [tilespmem:s19], [sflag:$0x3], $0x80, s8, s17, $0xb8;
	[tilespmem:$0x1D000] =	vst v63  }
0x1df: {  	_ =	swait.ge [sflag:s15], $0x4000  }
0x1e0: {  	[sflag:s15] =	ssyncset.done $0x0  }
0x1e1: {  	[sflag:s15] =	ssyncadd.s32 $0xFFFFC000  }
0x1e2: {  	[tilespmem:s19], [sflag:$0x2] =	stream.indirect.gather [hbm4b:s5+s17], $0x80, s14, s17, $0xb8;
	[tilespmem:$0x1D000] =	vst v63  }
0x1e3: {  	_ =	swait.ge [sflag:s20], $0x4000  }
0x1e4: {  	[sflag:s20] =	ssyncset.done $0x0  }
0x1e5: {  	[sflag:s20] =	ssyncadd.s32 $0xFFFFC000  }
0x1e6: {  	[spmem:s3] =	stream.indirect.scatter.add.f32 [tilespmem:s18], [sflag:$0x3], $0x80, s21, s17, $0xb8;
	[tilespmem:$0x1D000] =	vst v63  }
0x1e7: {  	_ =	swait.ge [sflag:s15], $0x4000  }
0x1e8: {  	[sflag:s15] =	ssyncset.done $0x0  }
0x1e9: {  	[sflag:s15] =	ssyncadd.s32 $0xFFFFC000  }
0x1ea: {  	[tilespmem:s18], [sflag:$0x1] =	stream.indirect.gather [hbm4b:s5+s17], $0x80, s23, s17, $0xb8;
	[tilespmem:$0x1D000] =	vst v63  }
0x1eb: {  	_ =	swait.ge [sflag:s22], $0x4000  }
0x1ec: {  	[sflag:s22] =	ssyncset.done $0x0  }
0x1ed: {  	[sflag:s22] =	ssyncadd.s32 $0xFFFFC000  }
0x1ee: {  	[spmem:s3] =	stream.indirect.scatter.add.f32 [tilespmem:s19], [sflag:$0x3], $0x80, s24, s17, $0xb8;
	[tilespmem:$0x1D000] =	vst v63  }
0x1ef: {  	_ =	swait.ge [sflag:s15], $0x4000  }
0x1f0: {  	[sflag:s15] =	ssyncset.done $0x0  }
0x1f1: {  	[sflag:s15] =	ssyncadd.s32 $0xFFFFC000  }
0x1f2: {  	[tilespmem:s19], [sflag:$0x2] =	stream.indirect.gather [hbm4b:s5+s17], $0x80, s25, s17, $0xb8;
	[tilespmem:$0x1D000] =	vst v63  }
0x1f3: {  	_ =	swait.ge [sflag:s20], $0x4000  }
0x1f4: {  	[sflag:s20] =	ssyncset.done $0x0  }
0x1f5: {  	[sflag:s20] =	ssyncadd.s32 $0xFFFFC000  }
0x1f6: {  	[spmem:s3] =	stream.indirect.scatter.add.f32 [tilespmem:s18], [sflag:$0x3], $0x80, s26, s17, $0xb8;
	[tilespmem:$0x1D000] =	vst v63  }
0x1f7: {  	_ =	swait.ge [sflag:s15], $0x4000  }
0x1f8: {  	[sflag:s15] =	ssyncset.done $0x0  }
0x1f9: {  	[sflag:s15] =	ssyncadd.s32 $0xFFFFC000  }
0x1fa: {  	[tilespmem:s18], [sflag:$0x1] =	stream.indirect.gather [hbm4b:s5+s17], $0x80, s28, s17, $0xb8;
	[tilespmem:$0x1D000] =	vst v63  }
0x1fb: {  	_ =	swait.ge [sflag:s22], $0x4000  }
0x1fc: {  	[sflag:s22] =	ssyncset.done $0x0  }
0x1fd: {  	[sflag:s22] =	ssyncadd.s32 $0xFFFFC000  }
0x1fe: {  	[spmem:s3] =	stream.indirect.scatter.add.f32 [tilespmem:s19], [sflag:$0x3], $0x80, s29, s17, $0xb8;
	[tilespmem:$0x1D000] =	vst v63  }
0x1ff: {  	_ =	swait.ge [sflag:s15], $0x4000  }
0x200: {  	[sflag:s15] =	ssyncset.done $0x0  }
0x201: {  	[sflag:s15] =	ssyncadd.s32 $0xFFFFC000  }
0x202: {  	[tilespmem:s19], [sflag:$0x2] =	stream.indirect.gather [hbm4b:s5+s17], $0x80, s30, s17, $0xb8;
	[tilespmem:$0x1D000] =	vst v63  }
0x203: {  	_ =	swait.ge [sflag:s20], $0x4000  }
0x204: {  	[sflag:s20] =	ssyncset.done $0x0  }
0x205: {  	[sflag:s20] =	ssyncadd.s32 $0xFFFFC000  }
0x206: {  	[spmem:s3] =	stream.indirect.scatter.add.f32 [tilespmem:s18], [sflag:$0x3], $0x80, s31, s17, $0xb8;
	[tilespmem:$0x1D000] =	vst v63  }
0x207: {  	_ =	swait.ge [sflag:s15], $0x4000  }
0x208: {  	[sflag:s15] =	ssyncset.done $0x0  }
0x209: {  	[sflag:s15] =	ssyncadd.s32 $0xFFFFC000  }
0x20a: {  	[tilespmem:s18], [sflag:$0x1] =	stream.indirect.gather [hbm4b:s5+s17], $0x80, s0, s17, $0xb8;
	[tilespmem:$0x1D000] =	vst v63  }
0x20b: {  	_ =	swait.ge [sflag:s22], $0x4000  }
0x20c: {  	[sflag:s22] =	ssyncset.done $0x0  }
0x20d: {  	[sflag:s22] =	ssyncadd.s32 $0xFFFFC000  }
0x20e: {  	[spmem:s3] =	stream.indirect.scatter.add.f32 [tilespmem:s19], [sflag:$0x3], $0x80, s2, s17, $0xb8;
	[tilespmem:$0x1D000] =	vst v63  }
0x20f: {  	_ =	swait.ge [sflag:s15], $0x4000  }
0x210: {  	[sflag:s15] =	ssyncset.done $0x0  }
0x211: {  	s25 =	simm.s32 $0x480;
	[sflag:s15] =	ssyncadd.s32 $0xFFFFC000  }
0x212: {  	[tilespmem:s19], [sflag:$0x2] =	stream.indirect.gather [hbm4b:s5+s17], $0x80, s25, s17, $0xb8;
	[tilespmem:$0x1D000] =	vst v63  }
0x213: {  	_ =	swait.ge [sflag:s20], $0x4000  }
0x214: {  	[sflag:s20] =	ssyncset.done $0x0  }
0x215: {  	[sflag:s20] =	ssyncadd.s32 $0xFFFFC000  }
0x216: {  	[spmem:s3] =	stream.indirect.scatter.add.f32 [tilespmem:s18], [sflag:$0x3], $0x80, s7, s17, $0xb8;
	[tilespmem:$0x1D000] =	vst v63  }
0x217: {  	_ =	swait.ge [sflag:s15], $0x4000  }
0x218: {  	[sflag:s15] =	ssyncset.done $0x0  }
0x219: {  	s26 =	simm.s32 $0x500;
	[sflag:s15] =	ssyncadd.s32 $0xFFFFC000  }
0x21a: {  	[tilespmem:s18], [sflag:$0x1] =	stream.indirect.gather [hbm4b:s5+s17], $0x80, s26, s17, $0xb8;
	[tilespmem:$0x1D000] =	vst v63  }
0x21b: {  	_ =	swait.ge [sflag:s22], $0x4000  }
0x21c: {  	[sflag:s22] =	ssyncset.done $0x0  }
0x21d: {  	s2 =	simm.s32 $0xC80;
	[sflag:s22] =	ssyncadd.s32 $0xFFFFC000  }
0x21e: {  	[spmem:s3] =	stream.indirect.scatter.add.f32 [tilespmem:s19], [sflag:$0x3], $0x80, s2, s17, $0xb8;
	[tilespmem:$0x1D000] =	vst v63  }
0x21f: {  	_ =	swait.ge [sflag:s15], $0x4000  }
0x220: {  	[sflag:s15] =	ssyncset.done $0x0  }
0x221: {  	s6 =	simm.s32 $0x580;
	[sflag:s15] =	ssyncadd.s32 $0xFFFFC000  }
0x222: {  	[tilespmem:s19], [sflag:$0x2] =	stream.indirect.gather [hbm4b:s5+s17], $0x80, s6, s17, $0xb8;
	[tilespmem:$0x1D000] =	vst v63  }
0x223: {  	_ =	swait.ge [sflag:s20], $0x4000  }
0x224: {  	[sflag:s20] =	ssyncset.done $0x0  }
0x225: {  	s7 =	simm.s32 $0xD00;
	[sflag:s20] =	ssyncadd.s32 $0xFFFFC000  }
0x226: {  	[spmem:s3] =	stream.indirect.scatter.add.f32 [tilespmem:s18], [sflag:$0x3], $0x80, s7, s17, $0xb8;
	[tilespmem:$0x1D000] =	vst v63  }
0x227: {  	_ =	swait.ge [sflag:s15], $0x4000  }
0x228: {  	[sflag:s15] =	ssyncset.done $0x0  }
0x229: {  	s8 =	simm.s32 $0x600;
	[sflag:s15] =	ssyncadd.s32 $0xFFFFC000  }
0x22a: {  	[tilespmem:s18], [sflag:$0x1] =	stream.indirect.gather [hbm4b:s5+s17], $0x80, s8, s17, $0xb8;
	[tilespmem:$0x1D000] =	vst v63  }
0x22b: {  	_ =	swait.ge [sflag:s22], $0x4000  }
0x22c: {  	[sflag:s22] =	ssyncset.done $0x0  }
0x22d: {  	s9 =	simm.s32 $0xD80;
	[sflag:s22] =	ssyncadd.s32 $0xFFFFC000  }
0x22e: {  	[spmem:s3] =	stream.indirect.scatter.add.f32 [tilespmem:s19], [sflag:$0x3], $0x80, s9, s17, $0xb8;
	[tilespmem:$0x1D000] =	vst v63  }
0x22f: {  	_ =	swait.ge [sflag:s15], $0x4000  }
0x230: {  	[sflag:s15] =	ssyncset.done $0x0  }
0x231: {  	s10 =	simm.s32 $0x680;
	[sflag:s15] =	ssyncadd.s32 $0xFFFFC000  }
0x232: {  	[tilespmem:s19], [sflag:$0x2] =	stream.indirect.gather [hbm4b:s5+s17], $0x80, s10, s17, $0xb8;
	[tilespmem:$0x1D000] =	vst v63  }
0x233: {  	_ =	swait.ge [sflag:s20], $0x4000  }
0x234: {  	[sflag:s20] =	ssyncset.done $0x0  }
0x235: {  	s14 =	simm.s32 $0xE00;
	[sflag:s20] =	ssyncadd.s32 $0xFFFFC000  }
0x236: {  	[spmem:s3] =	stream.indirect.scatter.add.f32 [tilespmem:s18], [sflag:$0x3], $0x80, s14, s17, $0xb8;
	[tilespmem:$0x1D000] =	vst v63  }
0x237: {  	_ =	swait.ge [sflag:s15], $0x4000  }
0x238: {  	[sflag:s15] =	ssyncset.done $0x0  }
0x239: {  	s21 =	simm.s32 $0x700;
	[sflag:s15] =	ssyncadd.s32 $0xFFFFC000  }
0x23a: {  	[tilespmem:s18], [sflag:$0x1] =	stream.indirect.gather [hbm4b:s5+s17], $0x80, s21, s17, $0xb8;
	[tilespmem:$0x1D000] =	vst v63  }
0x23b: {  	_ =	swait.ge [sflag:s22], $0x4000  }
0x23c: {  	[sflag:s22] =	ssyncset.done $0x0  }
0x23d: {  	s23 =	simm.s32 $0xE80;
	[sflag:s22] =	ssyncadd.s32 $0xFFFFC000  }
0x23e: {  	[spmem:s3] =	stream.indirect.scatter.add.f32 [tilespmem:s19], [sflag:$0x3], $0x80, s23, s17, $0xb8;
	[tilespmem:$0x1D000] =	vst v63  }
0x23f: {  	_ =	swait.ge [sflag:s15], $0x4000  }
0x240: {  	[sflag:s15] =	ssyncset.done $0x0  }
0x241: {  	s24 =	simm.s32 $0x780;
	[sflag:s15] =	ssyncadd.s32 $0xFFFFC000  }
0x242: {  	[tilespmem:s19], [sflag:$0x2] =	stream.indirect.gather [hbm4b:s5+s17], $0x80, s24, s17, $0xb8;
	[tilespmem:$0x1D000] =	vst v63  }
0x243: {  	_ =	swait.ge [sflag:s20], $0x4000  }
0x244: {  	[sflag:s20] =	ssyncset.done $0x0  }
0x245: {  	s25 =	simm.s32 $0xF00;
	[sflag:s20] =	ssyncadd.s32 $0xFFFFC000  }
0x246: {  	[spmem:s3] =	stream.indirect.scatter.add.f32 [tilespmem:s18], [sflag:$0x3], $0x80, s25, s17, $0xb8;
	[tilespmem:$0x1D000] =	vst v63  }
0x247: {  	s28 =	simm.s32 $0xA80;
	_ =	swait.ge [sflag:s15], $0x4000  }
0x248: {  	s29 =	simm.s32 $0x380;
	s30 =	simm.s32 $0xB00;
	[sflag:s15] =	ssyncset.done $0x0  }
0x249: {  	s0 =	simm.s32 $0x400;
	s26 =	simm.s32 $0xF80;
	[sflag:s15] =	ssyncadd.s32 $0xFFFFC000  }
0x24a: {  	s2 =	simm.s32 $0xB80;
	s8 =	simm.s32 $0x880;
	_ =	swait.ge [sflag:s22], $0x4000  }
0x24b: {  	s9 =	simm.s32 $0x180;
	s14 =	simm.s32 $0x900;
	[sflag:s22] =	ssyncset.done $0x0  }
.Ltmp4:
0x24c: {  	s21 =	simm.s32 $0x200;
	[sflag:s22] =	ssyncadd.s32 $0xFFFFC000;
	(pc) =	sbr.rel .LBB2_8-.Ltmp4, $4  }
0x24d: {  	[spmem:s3] =	stream.indirect.scatter.add.f32 [tilespmem:s19], [sflag:$0x3], $0x80, s26, s17, $0xb8;
	[tilespmem:$0x1D000] =	vst v63  }
0x24e: {  	s23 =	simm.s32 $0x980;
	s24 =	simm.s32 $0x280;
	_ =	swait.ge [sflag:s15], $0x4000  }
0x24f: {  	s25 =	simm.s32 $0xA00;
	[sflag:s15] =	ssyncset.done $0x0;
	s6 =	rddreg [dreg:$0x7]  }
0x250: {  	s26 =	simm.s32 $0x300;
	s31 =	rddreg [dreg:$0xb];
	[sflag:s15] =	ssyncadd.s32 $0xFFFFC000  }
.LBB2_5:
0x251: {  	[tilespmem:s4], [sflag:$0x3] =	stream.linear.gather [hbm4b:s6+s4], $0x800, $0x38;
	[tilespmem:$0x1D000] =	vst v63  }
0x252: {  	_ =	swait.ge [sflag:s15], $0x800  }
0x253: {  	[sflag:s15] =	ssyncset.done $0x0  }
0x254: {  	s10 =	sadd.s32 $0x0, s12;
	[sflag:s15] =	ssyncadd.s32 $0xFFFFF800  }
0x255: {  	[tilespmem:s16], [sflag:$0x3] =	stream.linear.gather [hbm4b:s10+s4], $0x800, $0x38;
	[tilespmem:$0x1D000] =	vst v63  }
0x256: {  	_ =	swait.ge [sflag:s15], $0x800  }
0x257: {  	[sflag:s15] =	ssyncset.done $0x0  }
0x258: {  	[sflag:s15] =	ssyncadd.s32 $0xFFFFF800  }
0x259: {  	[tilespmem:s18], [sflag:$0x1] =	stream.indirect.gather [hbm4b:s1+s17], $0x80, s4, s17, $0xb8;
	[tilespmem:$0x1D000] =	vst v63  }
0x25a: {  	_ = 	snop  }
0x25b: {  	[tilespmem:s19], [sflag:$0x2] =	stream.indirect.gather [hbm4b:s1+s17], $0x80, s17, s17, $0xb8;
	[tilespmem:$0x1D000] =	vst v63  }
0x25c: {  	_ =	swait.ge [sflag:s20], $0x4000  }
0x25d: {  	[sflag:s20] =	ssyncset.done $0x0  }
0x25e: {  	[sflag:s20] =	ssyncadd.s32 $0xFFFFC000  }
0x25f: {  	[spmem:s3] =	stream.indirect.scatter.add.f32 [tilespmem:s18], [sflag:$0x3], $0x80, s16, s17, $0xb8;
	[tilespmem:$0x1D000] =	vst v63  }
0x260: {  	_ =	swait.ge [sflag:s15], $0x4000  }
0x261: {  	[sflag:s15] =	ssyncset.done $0x0  }
0x262: {  	[sflag:s15] =	ssyncadd.s32 $0xFFFFC000  }
0x263: {  	[tilespmem:s18], [sflag:$0x1] =	stream.indirect.gather [hbm4b:s1+s17], $0x80, s11, s17, $0xb8;
	[tilespmem:$0x1D000] =	vst v63  }
0x264: {  	_ =	swait.ge [sflag:s22], $0x4000  }
0x265: {  	[sflag:s22] =	ssyncset.done $0x0  }
0x266: {  	[sflag:s22] =	ssyncadd.s32 $0xFFFFC000  }
0x267: {  	[spmem:s3] =	stream.indirect.scatter.add.f32 [tilespmem:s19], [sflag:$0x3], $0x80, s8, s17, $0xb8;
	[tilespmem:$0x1D000] =	vst v63  }
0x268: {  	_ =	swait.ge [sflag:s15], $0x4000  }
0x269: {  	[sflag:s15] =	ssyncset.done $0x0  }
0x26a: {  	[sflag:s15] =	ssyncadd.s32 $0xFFFFC000  }
0x26b: {  	[tilespmem:s19], [sflag:$0x2] =	stream.indirect.gather [hbm4b:s1+s17], $0x80, s9, s17, $0xb8;
	[tilespmem:$0x1D000] =	vst v63  }
0x26c: {  	_ =	swait.ge [sflag:s20], $0x4000  }
0x26d: {  	[sflag:s20] =	ssyncset.done $0x0  }
0x26e: {  	[sflag:s20] =	ssyncadd.s32 $0xFFFFC000  }
0x26f: {  	[spmem:s3] =	stream.indirect.scatter.add.f32 [tilespmem:s18], [sflag:$0x3], $0x80, s14, s17, $0xb8;
	[tilespmem:$0x1D000] =	vst v63  }
0x270: {  	_ =	swait.ge [sflag:s15], $0x4000  }
0x271: {  	[sflag:s15] =	ssyncset.done $0x0  }
0x272: {  	[sflag:s15] =	ssyncadd.s32 $0xFFFFC000  }
0x273: {  	[tilespmem:s18], [sflag:$0x1] =	stream.indirect.gather [hbm4b:s1+s17], $0x80, s21, s17, $0xb8;
	[tilespmem:$0x1D000] =	vst v63  }
0x274: {  	_ =	swait.ge [sflag:s22], $0x4000  }
0x275: {  	[sflag:s22] =	ssyncset.done $0x0  }
0x276: {  	[sflag:s22] =	ssyncadd.s32 $0xFFFFC000  }
0x277: {  	[spmem:s3] =	stream.indirect.scatter.add.f32 [tilespmem:s19], [sflag:$0x3], $0x80, s23, s17, $0xb8;
	[tilespmem:$0x1D000] =	vst v63  }
0x278: {  	_ =	swait.ge [sflag:s15], $0x4000  }
0x279: {  	[sflag:s15] =	ssyncset.done $0x0  }
0x27a: {  	[sflag:s15] =	ssyncadd.s32 $0xFFFFC000  }
0x27b: {  	[tilespmem:s19], [sflag:$0x2] =	stream.indirect.gather [hbm4b:s1+s17], $0x80, s24, s17, $0xb8;
	[tilespmem:$0x1D000] =	vst v63  }
0x27c: {  	_ =	swait.ge [sflag:s20], $0x4000  }
0x27d: {  	[sflag:s20] =	ssyncset.done $0x0  }
0x27e: {  	[sflag:s20] =	ssyncadd.s32 $0xFFFFC000  }
0x27f: {  	[spmem:s3] =	stream.indirect.scatter.add.f32 [tilespmem:s18], [sflag:$0x3], $0x80, s25, s17, $0xb8;
	[tilespmem:$0x1D000] =	vst v63  }
0x280: {  	_ =	swait.ge [sflag:s15], $0x4000  }
0x281: {  	[sflag:s15] =	ssyncset.done $0x0  }
0x282: {  	[sflag:s15] =	ssyncadd.s32 $0xFFFFC000  }
0x283: {  	[tilespmem:s18], [sflag:$0x1] =	stream.indirect.gather [hbm4b:s1+s17], $0x80, s26, s17, $0xb8;
	[tilespmem:$0x1D000] =	vst v63  }
0x284: {  	_ =	swait.ge [sflag:s22], $0x4000  }
0x285: {  	[sflag:s22] =	ssyncset.done $0x0  }
0x286: {  	[sflag:s22] =	ssyncadd.s32 $0xFFFFC000  }
0x287: {  	[spmem:s3] =	stream.indirect.scatter.add.f32 [tilespmem:s19], [sflag:$0x3], $0x80, s28, s17, $0xb8;
	[tilespmem:$0x1D000] =	vst v63  }
0x288: {  	_ =	swait.ge [sflag:s15], $0x4000  }
0x289: {  	[sflag:s15] =	ssyncset.done $0x0  }
0x28a: {  	[sflag:s15] =	ssyncadd.s32 $0xFFFFC000  }
0x28b: {  	[tilespmem:s19], [sflag:$0x2] =	stream.indirect.gather [hbm4b:s1+s17], $0x80, s29, s17, $0xb8;
	[tilespmem:$0x1D000] =	vst v63  }
0x28c: {  	_ =	swait.ge [sflag:s20], $0x4000  }
0x28d: {  	[sflag:s20] =	ssyncset.done $0x0  }
0x28e: {  	[sflag:s20] =	ssyncadd.s32 $0xFFFFC000  }
0x28f: {  	[spmem:s3] =	stream.indirect.scatter.add.f32 [tilespmem:s18], [sflag:$0x3], $0x80, s30, s17, $0xb8;
	[tilespmem:$0x1D000] =	vst v63  }
0x290: {  	_ =	swait.ge [sflag:s15], $0x4000  }
0x291: {  	[sflag:s15] =	ssyncset.done $0x0  }
0x292: {  	[sflag:s15] =	ssyncadd.s32 $0xFFFFC000  }
0x293: {  	[tilespmem:s18], [sflag:$0x1] =	stream.indirect.gather [hbm4b:s1+s17], $0x80, s0, s17, $0xb8;
	[tilespmem:$0x1D000] =	vst v63  }
0x294: {  	_ =	swait.ge [sflag:s22], $0x4000  }
0x295: {  	[sflag:s22] =	ssyncset.done $0x0  }
0x296: {  	[sflag:s22] =	ssyncadd.s32 $0xFFFFC000  }
0x297: {  	[spmem:s3] =	stream.indirect.scatter.add.f32 [tilespmem:s19], [sflag:$0x3], $0x80, s2, s17, $0xb8;
	[tilespmem:$0x1D000] =	vst v63  }
0x298: {  	_ =	swait.ge [sflag:s15], $0x4000  }
0x299: {  	[sflag:s15] =	ssyncset.done $0x0  }
0x29a: {  	s25 =	simm.s32 $0x480;
	[sflag:s15] =	ssyncadd.s32 $0xFFFFC000  }
0x29b: {  	[tilespmem:s19], [sflag:$0x2] =	stream.indirect.gather [hbm4b:s1+s17], $0x80, s25, s17, $0xb8;
	[tilespmem:$0x1D000] =	vst v63  }
0x29c: {  	_ =	swait.ge [sflag:s20], $0x4000  }
0x29d: {  	[sflag:s20] =	ssyncset.done $0x0  }
0x29e: {  	s26 =	simm.s32 $0xC00;
	[sflag:s20] =	ssyncadd.s32 $0xFFFFC000  }
0x29f: {  	[spmem:s3] =	stream.indirect.scatter.add.f32 [tilespmem:s18], [sflag:$0x3], $0x80, s26, s17, $0xb8;
	[tilespmem:$0x1D000] =	vst v63  }
0x2a0: {  	_ =	swait.ge [sflag:s15], $0x4000  }
0x2a1: {  	[sflag:s15] =	ssyncset.done $0x0  }
0x2a2: {  	s2 =	simm.s32 $0x500;
	[sflag:s15] =	ssyncadd.s32 $0xFFFFC000  }
0x2a3: {  	[tilespmem:s18], [sflag:$0x1] =	stream.indirect.gather [hbm4b:s1+s17], $0x80, s2, s17, $0xb8;
	[tilespmem:$0x1D000] =	vst v63  }
0x2a4: {  	_ =	swait.ge [sflag:s22], $0x4000  }
0x2a5: {  	[sflag:s22] =	ssyncset.done $0x0  }
0x2a6: {  	s6 =	simm.s32 $0xC80;
	[sflag:s22] =	ssyncadd.s32 $0xFFFFC000  }
0x2a7: {  	[spmem:s3] =	stream.indirect.scatter.add.f32 [tilespmem:s19], [sflag:$0x3], $0x80, s6, s17, $0xb8;
	[tilespmem:$0x1D000] =	vst v63  }
0x2a8: {  	_ =	swait.ge [sflag:s15], $0x4000  }
0x2a9: {  	[sflag:s15] =	ssyncset.done $0x0  }
0x2aa: {  	s7 =	simm.s32 $0x580;
	[sflag:s15] =	ssyncadd.s32 $0xFFFFC000  }
0x2ab: {  	[tilespmem:s19], [sflag:$0x2] =	stream.indirect.gather [hbm4b:s1+s17], $0x80, s7, s17, $0xb8;
	[tilespmem:$0x1D000] =	vst v63  }
0x2ac: {  	_ =	swait.ge [sflag:s20], $0x4000  }
0x2ad: {  	[sflag:s20] =	ssyncset.done $0x0  }
0x2ae: {  	s8 =	simm.s32 $0xD00;
	[sflag:s20] =	ssyncadd.s32 $0xFFFFC000  }
0x2af: {  	[spmem:s3] =	stream.indirect.scatter.add.f32 [tilespmem:s18], [sflag:$0x3], $0x80, s8, s17, $0xb8;
	[tilespmem:$0x1D000] =	vst v63  }
0x2b0: {  	_ =	swait.ge [sflag:s15], $0x4000  }
0x2b1: {  	[sflag:s15] =	ssyncset.done $0x0  }
0x2b2: {  	s9 =	simm.s32 $0x600;
	[sflag:s15] =	ssyncadd.s32 $0xFFFFC000  }
0x2b3: {  	[tilespmem:s18], [sflag:$0x1] =	stream.indirect.gather [hbm4b:s1+s17], $0x80, s9, s17, $0xb8;
	[tilespmem:$0x1D000] =	vst v63  }
0x2b4: {  	_ =	swait.ge [sflag:s22], $0x4000  }
0x2b5: {  	[sflag:s22] =	ssyncset.done $0x0  }
0x2b6: {  	s10 =	simm.s32 $0xD80;
	[sflag:s22] =	ssyncadd.s32 $0xFFFFC000  }
0x2b7: {  	[spmem:s3] =	stream.indirect.scatter.add.f32 [tilespmem:s19], [sflag:$0x3], $0x80, s10, s17, $0xb8;
	[tilespmem:$0x1D000] =	vst v63  }
0x2b8: {  	_ =	swait.ge [sflag:s15], $0x4000  }
0x2b9: {  	[sflag:s15] =	ssyncset.done $0x0  }
0x2ba: {  	s11 =	simm.s32 $0x680;
	[sflag:s15] =	ssyncadd.s32 $0xFFFFC000  }
0x2bb: {  	[tilespmem:s19], [sflag:$0x2] =	stream.indirect.gather [hbm4b:s1+s17], $0x80, s11, s17, $0xb8;
	[tilespmem:$0x1D000] =	vst v63  }
0x2bc: {  	_ =	swait.ge [sflag:s20], $0x4000  }
0x2bd: {  	[sflag:s20] =	ssyncset.done $0x0  }
0x2be: {  	s14 =	simm.s32 $0xE00;
	[sflag:s20] =	ssyncadd.s32 $0xFFFFC000  }
0x2bf: {  	[spmem:s3] =	stream.indirect.scatter.add.f32 [tilespmem:s18], [sflag:$0x3], $0x80, s14, s17, $0xb8;
	[tilespmem:$0x1D000] =	vst v63  }
0x2c0: {  	_ =	swait.ge [sflag:s15], $0x4000  }
0x2c1: {  	[sflag:s15] =	ssyncset.done $0x0  }
0x2c2: {  	s21 =	simm.s32 $0x700;
	[sflag:s15] =	ssyncadd.s32 $0xFFFFC000  }
0x2c3: {  	[tilespmem:s18], [sflag:$0x1] =	stream.indirect.gather [hbm4b:s1+s17], $0x80, s21, s17, $0xb8;
	[tilespmem:$0x1D000] =	vst v63  }
0x2c4: {  	_ =	swait.ge [sflag:s22], $0x4000  }
0x2c5: {  	[sflag:s22] =	ssyncset.done $0x0  }
0x2c6: {  	s23 =	simm.s32 $0xE80;
	[sflag:s22] =	ssyncadd.s32 $0xFFFFC000  }
0x2c7: {  	[spmem:s3] =	stream.indirect.scatter.add.f32 [tilespmem:s19], [sflag:$0x3], $0x80, s23, s17, $0xb8;
	[tilespmem:$0x1D000] =	vst v63  }
0x2c8: {  	_ =	swait.ge [sflag:s15], $0x4000  }
0x2c9: {  	[sflag:s15] =	ssyncset.done $0x0  }
0x2ca: {  	s24 =	simm.s32 $0x780;
	[sflag:s15] =	ssyncadd.s32 $0xFFFFC000  }
0x2cb: {  	[tilespmem:s19], [sflag:$0x2] =	stream.indirect.gather [hbm4b:s1+s17], $0x80, s24, s17, $0xb8;
	[tilespmem:$0x1D000] =	vst v63  }
0x2cc: {  	_ =	swait.ge [sflag:s20], $0x4000  }
0x2cd: {  	[sflag:s20] =	ssyncset.done $0x0  }
0x2ce: {  	s25 =	simm.s32 $0xF00;
	[sflag:s20] =	ssyncadd.s32 $0xFFFFC000  }
0x2cf: {  	[spmem:s3] =	stream.indirect.scatter.add.f32 [tilespmem:s18], [sflag:$0x3], $0x80, s25, s17, $0xb8;
	[tilespmem:$0x1D000] =	vst v63  }
0x2d0: {  	s31 =	simm.s32 $0xB00;
	s28 =	simm.s32 $0x300;
	_ =	swait.ge [sflag:s15], $0x4000  }
0x2d1: {  	s29 =	simm.s32 $0xA80;
	s30 =	simm.s32 $0x380;
	[sflag:s15] =	ssyncset.done $0x0  }
0x2d2: {  	s0 =	simm.s32 $0x400;
	s26 =	simm.s32 $0xF80;
	[sflag:s15] =	ssyncadd.s32 $0xFFFFC000  }
0x2d3: {  	s2 =	simm.s32 $0xB80;
	s6 =	simm.s32 $0x200;
	_ =	swait.ge [sflag:s22], $0x4000  }
0x2d4: {  	s8 =	simm.s32 $0x880;
	s9 =	simm.s32 $0x100;
	[sflag:s22] =	ssyncset.done $0x0  }
0x2d5: {  	s14 =	simm.s32 $0x180;
	s21 =	simm.s32 $0x900;
	[sflag:s22] =	ssyncadd.s32 $0xFFFFC000  }
0x2d6: {  	[spmem:s3] =	stream.indirect.scatter.add.f32 [tilespmem:s19], [sflag:$0x3], $0x80, s26, s17, $0xb8;
	[tilespmem:$0x1D000] =	vst v63  }
0x2d7: {  	s23 =	simm.s32 $0x200;
	s24 =	simm.s32 $0x980;
	_ =	swait.ge [sflag:s15], $0x4000  }
0x2d8: {  	s25 =	simm.s32 $0x280;
	s26 =	simm.s32 $0xA00;
	[sflag:s15] =	ssyncset.done $0x0  }
.LBB2_6:
0x2d9: {  	s7 =	sadd.s32 s9, s13  }
0x2da: {  	[sflag:s15] =	ssyncadd.s32 $0xFFFFC000;
	s11 =	smov.u32 s6;
	s10 =	sadd.s32 $0x100, s6  }
0x2db: {  	[tilespmem:s4], [sflag:$0x3] =	stream.linear.gather [hbm4b:s7+s4], $0x800, $0x38;
	[tilespmem:$0x1D000] =	vst v63  }
0x2dc: {  	s7 =	simm.s32 $0xC00  }
0x2dd: {  	p1 =	sne.s32 s6, $0x400;
	_ =	swait.ge [sflag:s15], $0x800  }
0x2de: {  	s6 =	sadd.s32 s9, s12;
	[sflag:s15] =	ssyncset.done $0x0  }
0x2df: {  	s9 =	smov.u32 s11;
	s11 =	simm.s32 $0x100;
	[sflag:s15] =	ssyncadd.s32 $0xFFFFF800  }
0x2e0: {  	[tilespmem:s16], [sflag:$0x3] =	stream.linear.gather [hbm4b:s6+s4], $0x800, $0x38;
	[tilespmem:$0x1D000] =	vst v63  }
0x2e1: {  	_ =	swait.ge [sflag:s15], $0x800  }
0x2e2: {  	[sflag:s15] =	ssyncset.done $0x0  }
0x2e3: {  	[sflag:s15] =	ssyncadd.s32 $0xFFFFF800  }
0x2e4: {  	[tilespmem:s18], [sflag:$0x1] =	stream.indirect.gather [hbm4b:s1+s17], $0x80, s4, s17, $0xb8;
	[tilespmem:$0x1D000] =	vst v63  }
0x2e5: {  	_ = 	snop  }
0x2e6: {  	[tilespmem:s19], [sflag:$0x2] =	stream.indirect.gather [hbm4b:s1+s17], $0x80, s17, s17, $0xb8;
	[tilespmem:$0x1D000] =	vst v63  }
0x2e7: {  	_ =	swait.ge [sflag:s20], $0x4000  }
0x2e8: {  	[sflag:s20] =	ssyncset.done $0x0  }
0x2e9: {  	[sflag:s20] =	ssyncadd.s32 $0xFFFFC000  }
0x2ea: {  	[spmem:s3] =	stream.indirect.scatter.add.f32 [tilespmem:s18], [sflag:$0x3], $0x80, s16, s17, $0xb8;
	[tilespmem:$0x1D000] =	vst v63  }
0x2eb: {  	_ =	swait.ge [sflag:s15], $0x4000  }
0x2ec: {  	[sflag:s15] =	ssyncset.done $0x0  }
0x2ed: {  	[sflag:s15] =	ssyncadd.s32 $0xFFFFC000  }
0x2ee: {  	[tilespmem:s18], [sflag:$0x1] =	stream.indirect.gather [hbm4b:s1+s17], $0x80, s11, s17, $0xb8;
	[tilespmem:$0x1D000] =	vst v63  }
0x2ef: {  	_ =	swait.ge [sflag:s22], $0x4000  }
0x2f0: {  	[sflag:s22] =	ssyncset.done $0x0  }
0x2f1: {  	[sflag:s22] =	ssyncadd.s32 $0xFFFFC000  }
0x2f2: {  	[spmem:s3] =	stream.indirect.scatter.add.f32 [tilespmem:s19], [sflag:$0x3], $0x80, s8, s17, $0xb8;
	[tilespmem:$0x1D000] =	vst v63  }
0x2f3: {  	_ =	swait.ge [sflag:s15], $0x4000  }
0x2f4: {  	[sflag:s15] =	ssyncset.done $0x0  }
0x2f5: {  	[sflag:s15] =	ssyncadd.s32 $0xFFFFC000  }
0x2f6: {  	[tilespmem:s19], [sflag:$0x2] =	stream.indirect.gather [hbm4b:s1+s17], $0x80, s14, s17, $0xb8;
	[tilespmem:$0x1D000] =	vst v63  }
0x2f7: {  	_ =	swait.ge [sflag:s20], $0x4000  }
0x2f8: {  	[sflag:s20] =	ssyncset.done $0x0  }
0x2f9: {  	[sflag:s20] =	ssyncadd.s32 $0xFFFFC000  }
0x2fa: {  	[spmem:s3] =	stream.indirect.scatter.add.f32 [tilespmem:s18], [sflag:$0x3], $0x80, s21, s17, $0xb8;
	[tilespmem:$0x1D000] =	vst v63  }
0x2fb: {  	_ =	swait.ge [sflag:s15], $0x4000  }
0x2fc: {  	[sflag:s15] =	ssyncset.done $0x0  }
0x2fd: {  	[sflag:s15] =	ssyncadd.s32 $0xFFFFC000  }
0x2fe: {  	[tilespmem:s18], [sflag:$0x1] =	stream.indirect.gather [hbm4b:s1+s17], $0x80, s23, s17, $0xb8;
	[tilespmem:$0x1D000] =	vst v63  }
0x2ff: {  	_ =	swait.ge [sflag:s22], $0x4000  }
0x300: {  	[sflag:s22] =	ssyncset.done $0x0  }
0x301: {  	[sflag:s22] =	ssyncadd.s32 $0xFFFFC000  }
0x302: {  	[spmem:s3] =	stream.indirect.scatter.add.f32 [tilespmem:s19], [sflag:$0x3], $0x80, s24, s17, $0xb8;
	[tilespmem:$0x1D000] =	vst v63  }
0x303: {  	_ =	swait.ge [sflag:s15], $0x4000  }
0x304: {  	[sflag:s15] =	ssyncset.done $0x0  }
0x305: {  	[sflag:s15] =	ssyncadd.s32 $0xFFFFC000  }
0x306: {  	[tilespmem:s19], [sflag:$0x2] =	stream.indirect.gather [hbm4b:s1+s17], $0x80, s25, s17, $0xb8;
	[tilespmem:$0x1D000] =	vst v63  }
0x307: {  	_ =	swait.ge [sflag:s20], $0x4000  }
0x308: {  	[sflag:s20] =	ssyncset.done $0x0  }
0x309: {  	[sflag:s20] =	ssyncadd.s32 $0xFFFFC000  }
0x30a: {  	[spmem:s3] =	stream.indirect.scatter.add.f32 [tilespmem:s18], [sflag:$0x3], $0x80, s26, s17, $0xb8;
	[tilespmem:$0x1D000] =	vst v63  }
0x30b: {  	_ =	swait.ge [sflag:s15], $0x4000  }
0x30c: {  	[sflag:s15] =	ssyncset.done $0x0  }
0x30d: {  	[sflag:s15] =	ssyncadd.s32 $0xFFFFC000  }
0x30e: {  	[tilespmem:s18], [sflag:$0x1] =	stream.indirect.gather [hbm4b:s1+s17], $0x80, s28, s17, $0xb8;
	[tilespmem:$0x1D000] =	vst v63  }
0x30f: {  	_ =	swait.ge [sflag:s22], $0x4000  }
0x310: {  	[sflag:s22] =	ssyncset.done $0x0  }
0x311: {  	[sflag:s22] =	ssyncadd.s32 $0xFFFFC000  }
0x312: {  	[spmem:s3] =	stream.indirect.scatter.add.f32 [tilespmem:s19], [sflag:$0x3], $0x80, s29, s17, $0xb8;
	[tilespmem:$0x1D000] =	vst v63  }
0x313: {  	_ =	swait.ge [sflag:s15], $0x4000  }
0x314: {  	[sflag:s15] =	ssyncset.done $0x0  }
0x315: {  	[sflag:s15] =	ssyncadd.s32 $0xFFFFC000  }
0x316: {  	[tilespmem:s19], [sflag:$0x2] =	stream.indirect.gather [hbm4b:s1+s17], $0x80, s30, s17, $0xb8;
	[tilespmem:$0x1D000] =	vst v63  }
0x317: {  	_ =	swait.ge [sflag:s20], $0x4000  }
0x318: {  	[sflag:s20] =	ssyncset.done $0x0  }
0x319: {  	[sflag:s20] =	ssyncadd.s32 $0xFFFFC000  }
0x31a: {  	[spmem:s3] =	stream.indirect.scatter.add.f32 [tilespmem:s18], [sflag:$0x3], $0x80, s31, s17, $0xb8;
	[tilespmem:$0x1D000] =	vst v63  }
0x31b: {  	_ =	swait.ge [sflag:s15], $0x4000  }
0x31c: {  	[sflag:s15] =	ssyncset.done $0x0  }
0x31d: {  	[sflag:s15] =	ssyncadd.s32 $0xFFFFC000  }
0x31e: {  	[tilespmem:s18], [sflag:$0x1] =	stream.indirect.gather [hbm4b:s1+s17], $0x80, s0, s17, $0xb8;
	[tilespmem:$0x1D000] =	vst v63  }
0x31f: {  	_ =	swait.ge [sflag:s22], $0x4000  }
0x320: {  	[sflag:s22] =	ssyncset.done $0x0  }
0x321: {  	[sflag:s22] =	ssyncadd.s32 $0xFFFFC000  }
0x322: {  	[spmem:s3] =	stream.indirect.scatter.add.f32 [tilespmem:s19], [sflag:$0x3], $0x80, s2, s17, $0xb8;
	[tilespmem:$0x1D000] =	vst v63  }
0x323: {  	_ =	swait.ge [sflag:s15], $0x4000  }
0x324: {  	[sflag:s15] =	ssyncset.done $0x0  }
0x325: {  	s6 =	simm.s32 $0x480;
	[sflag:s15] =	ssyncadd.s32 $0xFFFFC000  }
0x326: {  	[tilespmem:s19], [sflag:$0x2] =	stream.indirect.gather [hbm4b:s1+s17], $0x80, s6, s17, $0xb8;
	[tilespmem:$0x1D000] =	vst v63  }
0x327: {  	_ =	swait.ge [sflag:s20], $0x4000  }
0x328: {  	[sflag:s20] =	ssyncset.done $0x0  }
0x329: {  	[sflag:s20] =	ssyncadd.s32 $0xFFFFC000  }
0x32a: {  	[spmem:s3] =	stream.indirect.scatter.add.f32 [tilespmem:s18], [sflag:$0x3], $0x80, s7, s17, $0xb8;
	[tilespmem:$0x1D000] =	vst v63  }
0x32b: {  	_ =	swait.ge [sflag:s15], $0x4000  }
0x32c: {  	[sflag:s15] =	ssyncset.done $0x0  }
0x32d: {  	s6 =	simm.s32 $0x500;
	[sflag:s15] =	ssyncadd.s32 $0xFFFFC000  }
0x32e: {  	[tilespmem:s18], [sflag:$0x1] =	stream.indirect.gather [hbm4b:s1+s17], $0x80, s6, s17, $0xb8;
	[tilespmem:$0x1D000] =	vst v63  }
0x32f: {  	_ =	swait.ge [sflag:s22], $0x4000  }
0x330: {  	[sflag:s22] =	ssyncset.done $0x0  }
0x331: {  	s6 =	simm.s32 $0xC80;
	[sflag:s22] =	ssyncadd.s32 $0xFFFFC000  }
0x332: {  	[spmem:s3] =	stream.indirect.scatter.add.f32 [tilespmem:s19], [sflag:$0x3], $0x80, s6, s17, $0xb8;
	[tilespmem:$0x1D000] =	vst v63  }
0x333: {  	_ =	swait.ge [sflag:s15], $0x4000  }
0x334: {  	[sflag:s15] =	ssyncset.done $0x0  }
0x335: {  	s6 =	simm.s32 $0x580;
	[sflag:s15] =	ssyncadd.s32 $0xFFFFC000  }
0x336: {  	[tilespmem:s19], [sflag:$0x2] =	stream.indirect.gather [hbm4b:s1+s17], $0x80, s6, s17, $0xb8;
	[tilespmem:$0x1D000] =	vst v63  }
0x337: {  	_ =	swait.ge [sflag:s20], $0x4000  }
0x338: {  	[sflag:s20] =	ssyncset.done $0x0  }
0x339: {  	s6 =	simm.s32 $0xD00;
	[sflag:s20] =	ssyncadd.s32 $0xFFFFC000  }
0x33a: {  	[spmem:s3] =	stream.indirect.scatter.add.f32 [tilespmem:s18], [sflag:$0x3], $0x80, s6, s17, $0xb8;
	[tilespmem:$0x1D000] =	vst v63  }
0x33b: {  	_ =	swait.ge [sflag:s15], $0x4000  }
0x33c: {  	[sflag:s15] =	ssyncset.done $0x0  }
0x33d: {  	s6 =	simm.s32 $0x600;
	[sflag:s15] =	ssyncadd.s32 $0xFFFFC000  }
0x33e: {  	[tilespmem:s18], [sflag:$0x1] =	stream.indirect.gather [hbm4b:s1+s17], $0x80, s6, s17, $0xb8;
	[tilespmem:$0x1D000] =	vst v63  }
0x33f: {  	_ =	swait.ge [sflag:s22], $0x4000  }
0x340: {  	[sflag:s22] =	ssyncset.done $0x0  }
0x341: {  	s6 =	simm.s32 $0xD80;
	[sflag:s22] =	ssyncadd.s32 $0xFFFFC000  }
0x342: {  	[spmem:s3] =	stream.indirect.scatter.add.f32 [tilespmem:s19], [sflag:$0x3], $0x80, s6, s17, $0xb8;
	[tilespmem:$0x1D000] =	vst v63  }
0x343: {  	_ =	swait.ge [sflag:s15], $0x4000  }
0x344: {  	[sflag:s15] =	ssyncset.done $0x0  }
0x345: {  	s6 =	simm.s32 $0x680;
	[sflag:s15] =	ssyncadd.s32 $0xFFFFC000  }
0x346: {  	[tilespmem:s19], [sflag:$0x2] =	stream.indirect.gather [hbm4b:s1+s17], $0x80, s6, s17, $0xb8;
	[tilespmem:$0x1D000] =	vst v63  }
0x347: {  	_ =	swait.ge [sflag:s20], $0x4000  }
0x348: {  	[sflag:s20] =	ssyncset.done $0x0  }
0x349: {  	s6 =	simm.s32 $0xE00;
	[sflag:s20] =	ssyncadd.s32 $0xFFFFC000  }
0x34a: {  	[spmem:s3] =	stream.indirect.scatter.add.f32 [tilespmem:s18], [sflag:$0x3], $0x80, s6, s17, $0xb8;
	[tilespmem:$0x1D000] =	vst v63  }
0x34b: {  	_ =	swait.ge [sflag:s15], $0x4000  }
0x34c: {  	[sflag:s15] =	ssyncset.done $0x0  }
0x34d: {  	s6 =	simm.s32 $0x700;
	[sflag:s15] =	ssyncadd.s32 $0xFFFFC000  }
0x34e: {  	[tilespmem:s18], [sflag:$0x1] =	stream.indirect.gather [hbm4b:s1+s17], $0x80, s6, s17, $0xb8;
	[tilespmem:$0x1D000] =	vst v63  }
0x34f: {  	_ =	swait.ge [sflag:s22], $0x4000  }
0x350: {  	[sflag:s22] =	ssyncset.done $0x0  }
0x351: {  	s6 =	simm.s32 $0xE80;
	[sflag:s22] =	ssyncadd.s32 $0xFFFFC000  }
0x352: {  	[spmem:s3] =	stream.indirect.scatter.add.f32 [tilespmem:s19], [sflag:$0x3], $0x80, s6, s17, $0xb8;
	[tilespmem:$0x1D000] =	vst v63  }
0x353: {  	_ =	swait.ge [sflag:s15], $0x4000  }
0x354: {  	[sflag:s15] =	ssyncset.done $0x0  }
0x355: {  	s6 =	simm.s32 $0x780;
	[sflag:s15] =	ssyncadd.s32 $0xFFFFC000  }
0x356: {  	[tilespmem:s19], [sflag:$0x2] =	stream.indirect.gather [hbm4b:s1+s17], $0x80, s6, s17, $0xb8;
	[tilespmem:$0x1D000] =	vst v63  }
0x357: {  	_ =	swait.ge [sflag:s20], $0x4000  }
0x358: {  	[sflag:s20] =	ssyncset.done $0x0  }
0x359: {  	s6 =	simm.s32 $0xF00;
	[sflag:s20] =	ssyncadd.s32 $0xFFFFC000  }
0x35a: {  	[spmem:s3] =	stream.indirect.scatter.add.f32 [tilespmem:s18], [sflag:$0x3], $0x80, s6, s17, $0xb8;
	[tilespmem:$0x1D000] =	vst v63  }
0x35b: {  	_ =	swait.ge [sflag:s15], $0x4000  }
0x35c: {  	[sflag:s15] =	ssyncset.done $0x0  }
0x35d: {  	[sflag:s15] =	ssyncadd.s32 $0xFFFFC000  }
0x35e: {  	_ =	swait.ge [sflag:s22], $0x4000  }
.Ltmp5:
0x35f: {  	[sflag:s22] =	ssyncset.done $0x0;
	(pc) =	sbr.rel @p1 .LBB2_6-.Ltmp5, $4  }
0x360: {  	s6 =	simm.s32 $0xF80;
	[sflag:s22] =	ssyncadd.s32 $0xFFFFC000  }
0x361: {  	[spmem:s3] =	stream.indirect.scatter.add.f32 [tilespmem:s19], [sflag:$0x3], $0x80, s6, s17, $0xb8;
	[tilespmem:$0x1D000] =	vst v63  }
0x362: {  	_ =	swait.ge [sflag:s15], $0x4000  }
0x363: {  	s6 =	smov.u32 s10;
	[sflag:s15] =	ssyncset.done $0x0  }
.Ltmp6:
0x364: {  	_ = 	snop;
	(pc) =	sbr.rel .LBB2_7-.Ltmp6, $1  }
0x365: {  	_ =	sdelay $0x3  }
.LBB2_9:
0x366: {  	_ =	sfence.sel $0x180000  }
0x367: {  	[bflag:$0x0] =	sbarrier.arrive $0xFFFF  }
0x368: {  	_ =	strace $0x9000004D  }
0x369: {  	s0 =	stileid.u32;
	[bflag:$0x2] =	sbarrier.arrive $0xFFFF  }
0x36a: {  	p0 =	sne.s32 s0, $0x0;
	s0 =	rddreg [dreg:$0x3]  }
0x36b: {  	s0 =	sadd.s32 @!p0 $0x100000, s0  }
0x36c: {  	[sflag:s0] =	ssyncadd.tile.s32 @!p0 $0x1;
	_ =	shalt  }
.Lfunc_end2:
_tile_overlayer_lowered:
.L_overlay_start_2:
0x36d: {  	(tag) =	ssettag $0x2  }
0x36e: {  	s0 =	rddreg [dreg:$0x0];
	s2 =	stileid.u32  }
0x36f: {  	s1 =	rddreg [dreg:$0x1];
	p0 =	sne.s32 s2, $0x0  }
0x370: {  	s3 =	rddreg [dreg:$0x2];
	[bflag:$0x3] =	sbarrier.arrive $0xFFFF;
	s2 =	simm.s32 @!p0 $0x1C03  }
0x371: {  	[timem:s3], [sflag:s2] =	dma.local @!p0 [hbm:s0], s1  }
0x372: {  	s0 =	simm.s32 @!p0 $0x3  }
0x373: {  	_ =	swait.ge @!p0 [sflag:s0], s1  }
0x374: {  	s1 =	ssub.s32 @!p0 $0x0, s1;
	[sflag:s0] =	ssyncset.done @!p0 $0x0  }
0x375: {  	[sflag:s0] =	ssyncadd.s32 @!p0 s1  }
0x376: {  	[bflag:$0x3] =	sbarrier.arrive $0xFFFF  }
0x377: {  	_ =	shalt  }

// kernel: kernel.8.cloned.1.call-start
scs
__scs_entry_jumppad:
0x0: {  	(pc) =	sbr.rel $0x88, $3  }
0x1: {  	(tag) =	ssettag $0x0;
	lr =	simm.s32 $0x1  }
0x2: {  	[smem:$0x3F9B] =	sst lr;
	_ =	strace $0xD0000000  }
0x3: {  	_ = 	snop  }
0x4: {  	_ = 	snop  }
0x5: {  	_ = 	snop  }
0x6: {  	_ = 	snop  }
0x7: {  	_ = 	snop  }
__scs_overlays_trampoline_lowered:
0x8: {  	[smem:$0x3FAA] =	sst s0  }
0x9: {  	[smem:$0x3FAB] =	sst s1  }
0xa: {  	[smem:$0x3FAC] =	sst s2  }
0xb: {  	[smem:$0x3FAD] =	sst s3  }
0xc: {  	[smem:$0x3FAE] =	sst s4  }
0xd: {  	[smem:$0x3FAF] =	sst s5  }
0xe: {  	[smem:$0x3FB0] =	sst s6  }
0xf: {  	[smem:$0x3FB1] =	sst s7  }
0x10: {  	[smem:$0x3FB2] =	sst s8  }
0x11: {  	[smem:$0x3FB3] =	sst s9;
	s0 =	simm.s32 @!p0 $0x0  }
0x12: {  	s1 =	sld [smem:$0x3F99];
	s0 =	simm.s32 @p0 $0x1  }
0x13: {  	[smem:$0x3FB4] =	sst s0;
	s0 =	simm.s32 @!p1 $0x0  }
0x14: {  	s2 =	sld [smem:$0x3F98];
	s0 =	simm.s32 @p1 $0x1  }
0x15: {  	[smem:$0x3FB5] =	sst s0;
	s0 =	simm.s32 @!p2 $0x0  }
0x16: {  	s3 =	sld [smem:$0x3FDB];
	s0 =	simm.s32 @p2 $0x1  }
0x17: {  	s4 =	simm.s32 $0x1BF5;
	[smem:$0x3FB7] =	sst s0  }
0x18: {  	s0 =	sld [smem:$0x3F9A];
	_ =	swait.ge [sflag:s4], $0x0  }
0x19: {  	s7 =	sld [smem:$0x3F9B]  }
0x1a: {  	s8 =	sadd.s32 $0xFFFFE003, lr  }
0x1b: {  	s9 =	sadd.s32 $0xFFFFFEF7, lr;
	s5 =	simm.s32 $0xFFFFFFFF;
	p2 =	slt.u32 s8, $0xFFFFF086  }
0x1c: {  	p1 =	slt.u32 s9, $0xF7A;
	s5 =	simm.s32 @!p2 $0x0  }
0x1d: {  	s5 =	simm.s32 @p1 $0x1;
	p0 =	seq.s32 s7, s2  }
0x1e: {  	s7 =	smul.u32 @!p0 $0xF7A, s2;
	p2 =	seq.s32 @!p0 s5, $0x0  }
0x1f: {  	s9 =	smul.u32 $0xF7A, s1;
	s8 =	simm.s32 @!p0 $0x1BF5;
	p2 =	por !p2, p0  }
0x20: {  	[sflag:s8] =	ssyncset.s32 @!p0 $0xFFFFF086;
	s6 =	sadd.s32 @!p0 s3, s7;
	s7 =	simm.s32 @!p0 $0x108  }
0x21: {  	s3 =	sadd.s32 s3, s9;
	s6 =	sadd.s32 @!p0 $0x88, s6;
	s7 =	simm.s32 @p2 $0x1082  }
0x22: {  	[simem:s7], [sflag:s8] =	dma.local @!p0 [hbm:s6], $0xF7A  }
0x23: {  	s9 =	sor.u32 $0xD0000000, s2;
	s6 =	simm.s32 $0x108;
	_ =	swait.ge @!p0 [sflag:s8], $0x0  }
0x24: {  	s3 =	sadd.s32 $0x88, s3;
	s6 =	simm.s32 @!p1 $0x1082;
	[sflag:s4] =	ssyncset.s32 $0xFFFFF086  }
0x25: {  	[simem:s6], [sflag:s4] =	dma.local [hbm:s3], $0xF7A  }
0x26: {  	[smem:$0x3F9B] =	sst s1;
	(tag) =	ssettag s2;
	_ =	strace s9  }
0x27: {  	s1 =	sld [smem:$0x3FAB]  }
0x28: {  	s2 =	sld [smem:$0x3FAC]  }
0x29: {  	s4 =	sld [smem:$0x3FAE]  }
0x2a: {  	p0 =	seq.s32 s5, $0x0;
	s5 =	sld [smem:$0x3FAF]  }
0x2b: {  	s6 =	sld [smem:$0x3FB0]  }
0x2c: {  	s7 =	sld [smem:$0x3FB1]  }
0x2d: {  	s3 =	simm.s32 $0x108;
	s8 =	sld [smem:$0x3FB2]  }
0x2e: {  	s3 =	simm.s32 @!p0 $0x1082;
	s9 =	sld [smem:$0x3FB3]  }
0x2f: {  	lr =	sadd.s32 s0, s3;
	s0 =	sld [smem:$0x3FAA]  }
0x30: {  	s3 =	sld [smem:$0x3FAD]  }
0x31: {  	[smem:$0x3FB6] =	sst s10  }
0x32: {  	s10 =	sld [smem:$0x3FB4];
	_ =	sdelay $0x3  }
0x33: {  	p0 =	seq.s32 s10, $0x1;
	s10 =	sld [smem:$0x3FB6];
	_ =	sdelay $0x3  }
0x34: {  	[smem:$0x3FB6] =	sst s10  }
0x35: {  	s10 =	sld [smem:$0x3FB5];
	_ =	sdelay $0x3  }
0x36: {  	p1 =	seq.s32 s10, $0x1;
	s10 =	sld [smem:$0x3FB6];
	_ =	sdelay $0x3  }
0x37: {  	[smem:$0x3FB6] =	sst s10  }
0x38: {  	s10 =	sld [smem:$0x3FB7]  }
0x39: {  	_ = 	snop;
	(pc) =	sbr.ind lr, $3  }
0x3a: {  	_ = 	snop  }
0x3b: {  	_ = 	snop  }
0x3c: {  	p2 =	seq.s32 s10, $0x1;
	s10 =	sld [smem:$0x3FB6]  }
0x3d: {  	_ =	shalt  }
0x3e: {  	_ =	shalt  }
0x3f: {  	_ =	shalt  }
0x40: {  	_ =	shalt  }
0x41: {  	_ =	shalt  }
0x42: {  	_ =	shalt  }
0x43: {  	_ =	shalt  }
0x44: {  	_ =	shalt  }
0x45: {  	_ =	shalt  }
0x46: {  	_ =	shalt  }
0x47: {  	_ =	shalt  }
0x48: {  	_ =	shalt  }
0x49: {  	_ =	shalt  }
0x4a: {  	_ =	shalt  }
0x4b: {  	_ =	shalt  }
0x4c: {  	_ =	shalt  }
0x4d: {  	_ =	shalt  }
0x4e: {  	_ =	shalt  }
0x4f: {  	_ =	shalt  }
0x50: {  	_ =	shalt  }
0x51: {  	_ =	shalt  }
0x52: {  	_ =	shalt  }
0x53: {  	_ =	shalt  }
0x54: {  	_ =	shalt  }
0x55: {  	_ =	shalt  }
0x56: {  	_ =	shalt  }
0x57: {  	_ =	shalt  }
0x58: {  	_ =	shalt  }
0x59: {  	_ =	shalt  }
0x5a: {  	_ =	shalt  }
0x5b: {  	_ =	shalt  }
0x5c: {  	_ =	shalt  }
0x5d: {  	_ =	shalt  }
0x5e: {  	_ =	shalt  }
0x5f: {  	_ =	shalt  }
0x60: {  	_ =	shalt  }
0x61: {  	_ =	shalt  }
0x62: {  	_ =	shalt  }
0x63: {  	_ =	shalt  }
0x64: {  	_ =	shalt  }
0x65: {  	_ =	shalt  }
0x66: {  	_ =	shalt  }
0x67: {  	_ =	shalt  }
0x68: {  	_ =	shalt  }
0x69: {  	_ =	shalt  }
0x6a: {  	_ =	shalt  }
0x6b: {  	_ =	shalt  }
0x6c: {  	_ =	shalt  }
0x6d: {  	_ =	shalt  }
0x6e: {  	_ =	shalt  }
0x6f: {  	_ =	shalt  }
0x70: {  	_ =	shalt  }
0x71: {  	_ =	shalt  }
0x72: {  	_ =	shalt  }
0x73: {  	_ =	shalt  }
0x74: {  	_ =	shalt  }
0x75: {  	_ =	shalt  }
0x76: {  	_ =	shalt  }
0x77: {  	_ =	shalt  }
0x78: {  	_ =	shalt  }
0x79: {  	_ =	shalt  }
0x7a: {  	_ =	shalt  }
0x7b: {  	_ =	shalt  }
0x7c: {  	_ =	shalt  }
0x7d: {  	_ =	shalt  }
0x7e: {  	_ =	shalt  }
0x7f: {  	_ =	shalt  }
0x80: {  	_ =	shalt  }
0x81: {  	_ =	shalt  }
0x82: {  	_ =	shalt  }
0x83: {  	_ =	shalt  }
0x84: {  	_ =	shalt  }
0x85: {  	_ =	shalt  }
0x86: {  	_ =	shalt  }
0x87: {  	_ =	shalt  }
.Lfunc_end0:
.L_simem_size_0:
called_computation_lowered:
.L_overlay_start_0:
0x88: {  	s2 =	sld [smem:$0x3FD9]  }
0x89: {  	s3 =	sld [smem:$0x3FFE];
	_ =	sdelay $0x1  }
0x8a: {  	s1 =	srdreg.scid  }
0x8b: {  	s0 =	sand.u32 $0x1, s1  }
0x8c: {  	s14 =	sshll.u32 s0, $0xA;
	s2 =	sadd.s32 s3, s2  }
0x8d: {  	s2 =	sadd.s32 s2, s14  }
0x8e: {  	[smem:$0x3FC2] =	sst s2  }
0x8f: {  	_ = 	snop  }
0x90: {  	s2 =	sld [smem:$0x3FD0];
	_ =	sdelay $0x2  }
0x91: {  	s15 =	simm.s32 $0xA;
	s4 =	simm.s32 $0x10  }
0x92: {  	[smem:s4], [sflag:s15] =	dma.local [hbm:s2], $0x1  }
0x93: {  	_ =	swait.eq [sflag:s15], $0x1  }
0x94: {  	[sflag:s15] =	ssyncset.done $0x0  }
0x95: {  	[sflag:s15] =	ssyncadd.s32 $0xFFFFFFFF  }
0x96: {  	s16 =	sld [smem:$0x10];
	(tm) =	ssettm $0x1  }
0x97: {  	s17 =	sld [smem:$0x3FFB];
	_ =	sdelay $0x3  }
0x98: {  	_ =	strace s17  }
0x99: {  	s3 =	sld [smem:$0x3FFC];
	_ =	sdelay $0x3  }
0x9a: {  	_ =	strace s3  }
0x9b: {  	s3 =	sld [smem:$0x3FFD];
	_ =	sdelay $0x3  }
0x9c: {  	_ =	strace s3  }
0x9d: {  	_ =	strace $0x8FFFFFFF  }
0x9e: {  	s18 =	sld [smem:$0x3FDB];
	_ =	sdelay $0x1  }
0x9f: {  	s19 =	simm.s32 $_scs_section_size  }
0xa0: {  	s5 =	simm.s32 $_size__tile_overlayer_lowered;
	s6 =	simm.s32 $_tile_overlayer_lowered  }
0xa1: {  	s22 =	simm.s32 $0x1BFF;
	s21 =	sshll.u32 s6, $0x1;
	s3 =	sadd.s32 s19, s18  }
0xa2: {  	s7 =	simm.s32 $0x0;
	s20 =	sshll.u32 s5, $0x1;
	s5 =	sadd.s32 s21, s3  }
0xa3: {  	[timem:s7], [sflag:s22] =	dma.local [hbm:s5], s20  }
0xa4: {  	_ =	swait.ge [sflag:s22], s20  }
0xa5: {  	s4 =	ssub.s32 $0x0, s20;
	[sflag:s22] =	ssyncset.done $0x0  }
0xa6: {  	[sflag:s22] =	ssyncadd.s32 s4;
	_ =	sdelay $0x1  }
0xa7: {  	s23 =	simm.s32 $0x1B8B  }
0xa8: {  	_ =	swait.ge [sflag:s23], $0x1  }
0xa9: {  	[sflag:s23] =	ssyncset.done $0x0  }
0xaa: {  	s25 =	simm.s32 $0x1B8E;
	s24 =	sld [smem:$0x3FFE];
	[sflag:s23] =	ssyncadd.s32 $0xFFFFFFFF  }
0xab: {  	s26 =	simm.s32 $execute0_lowered;
	[smem:$0x3FD2] =	sst s25  }
0xac: {  	s5 =	sshll.u32 s26, $0x1;
	_ =	strace $0x80000046;
	[dreg:$0x1] =	wrdreg $0xFFFFFFFF  }
0xad: {  	s28 =	simm.s32 $_size_execute0_lowered;
	s3 =	sadd.s32 s3, s5;
	[dreg:$0x0] =	wrdreg $0x0  }
0xae: {  	s5 =	sshll.u32 s28, $0x1;
	[dreg:$0x2] =	wrdreg s3  }
0xaf: {  	[dreg:$0x3] =	wrdreg s5  }
0xb0: {  	[dreg:$0x4] =	wrdreg $0xC0  }
0xb1: {  	_ =	task [dreg:s7], $0x5FFFF  }
0xb2: {  	[dreg:$0x1] =	wrdreg $0xFFFFFFFF  }
0xb3: {  	[dreg:$0x0] =	wrdreg $0x60  }
0xb4: {  	[dreg:$0x2] =	wrdreg s24  }
0xb5: {  	[dreg:$0x3] =	wrdreg s16  }
0xb6: {  	[dreg:$0x4] =	wrdreg $0x54000  }
0xb7: {  	[dreg:$0x5] =	wrdreg $0x9  }
0xb8: {  	_ =	task.clear_ibuf [dreg:s7], $0x6FFFF;
	_ =	strace $0x90000046  }
0xb9: {  	s29 =	simm.s32 $0x9;
	_ =	strace $0x80000048  }
0xba: {  	_ =	swait.ge [sflag:s29], $0x1  }
0xbb: {  	[sflag:s29] =	ssyncadd.s32 $0xFFFFFFFF  }
0xbc: {  	_ =	strace $0x90000048  }
0xbd: {  	_ =	sfence  }
0xbe: {  	s30 =	sld [smem:$0x0];
	_ =	sdelay $0x2  }
0xbf: {  	s31 =	sshll.u32 s1, $0xD;
	s1 =	sshrl.u32 s1, $0x2  }
0xc0: {  	s3 =	sand.u32 $0x4000, s31;
	s1 =	sadd.s32 s1, s30  }
0xc1: {  	s0 =	sor.u32 s3, s0;
	s1 =	sshll.u32 s1, $0x11  }
0xc2: {  	s0 =	sor.u32 s1, s0  }
0xc3: {  	s0 =	sadd.s32 $0x8F2B, s0  }
0xc4: {  	[sflag:s0] =	ssyncadd.remote.s32 $0x1  }
0xc5: {  	_ =	sfence.sel $0xFFFF  }
0xc6: {  	[dreg:$0x0] =	wrdreg $0xFFFFFFFF;
	(pc) =	sbr.abs _section_cstart, $3  }
0xc7: {  	[dreg:$0x1] =	wrdreg $0xFFFFFFFF  }
0xc8: {  	_ =	task.clear_ibuf [dreg:s7], $0x2FFFF;
	_ =	strace $0x9FFFFFFF  }
0xc9: {  	(tm) =	ssettm $0x7FFFFFFF  }
tec
execute0_lowered:
.L_overlay_start_1:
0x0: {  	(tag) =	ssettag $0x1  }
0x1: {  	s6 =	rddreg [dreg:$0x0]  }
0x2: {  	s0 =	srdreg.scid;
	s2 =	rddreg [dreg:$0x1]  }
0x3: {  	s3 =	rddreg [dreg:$0x2];
	s7 =	sand.u32 $0x1, s0  }
0x4: {  	s0 =	stileid.u32;
	s5 =	smul.u32 $0x14000, s7  }
0x5: {  	s1 =	rddreg [dreg:$0x3];
	s4 =	simm.s32 $0x0;
	s8 =	smul.u32 $0x1400, s0  }
0x6: {  	s13 =	simm.s32 $0x80;
	[smem:$0x7FF] =	sst s4;
	s9 =	smul.u32 $0x140000, s7  }
0x7: {  	s14 =	simm.s32 $0x0;
	s28 =	smul.u32 $0x14000, s0;
	_ =	strace $0x80000047  }
0x8: {  	s29 =	smul.u32 $0x50000, s0;
	s7 =	ssub.s32 $0x2, s7;
	s31 =	sshll.u32 s0, $0x6  }
0x9: {  	s30 =	sshrl.u32 s7, $0x1;
	s5 =	sadd.s32 s8, s5;
	s8 =	sadd.s32 s28, s9  }
0xa: {  	s9 =	sshrl.u32 s29, $0x2;
	s11 =	ssub.s32 s7, s30;
	s5 =	sshrl.u32 s5, $0x3  }
0xb: {  	s8 =	sshrl.u32 s8, $0x3;
	s12 =	sadd.s32 s9, s3;
	s9 =	smax.u32 s11, $0x1  }
0xc: {  	s11 =	simm.s32 $0x1;
	s10 =	sadd.s32 s5, s6;
	s5 =	sadd.s32 $0x8800, s6  }
0xd: {  	s8 =	sadd.s32 s8, s6;
	s6 =	sor.u32 $0x1C01, s31;
	s7 =	sadd.s32 $0x3800, s10  }
0xe: {  	s8 =	sadd.s32 $0xB000, s8;
	s10 =	sshrl.u32 s12, $0x3;
	s12 =	simm.s32 $0x1400  }
.LBB2_1:
0xf: {  	[spmem:s10], [sflag:s6] =	dma.local [hbm:s5], $0x2800  }
0x10: {  	_ =	swait.ge [sflag:s11], $0x2800  }
0x11: {  	[sflag:s11] =	ssyncset.done $0x0  }
0x12: {  	[sflag:s11] =	ssyncadd.s32 $0xFFFFD800  }
0x13: {  	[tilespmem:s12], [sflag:$0x1] =	stream.linear.gather [hbm4b:s2+s4], $0x4000, $0x38;
	[tilespmem:$0x19400] =	vst v63  }
0x14: {  	_ =	swait.ge [sflag:s11], $0x4000  }
0x15: {  	[sflag:s11] =	ssyncset.done $0x0  }
0x16: {  	[sflag:s11] =	ssyncadd.s32 $0xFFFFC000  }
0x17: {  	[tilespmem:s4], [sflag:$0x1] =	stream.linear.gather [hbm4b:s7+s4], $0x1400, $0x38;
	[tilespmem:$0x19400] =	vst v63  }
0x18: {  	_ =	swait.ge [sflag:s11], $0x1400  }
0x19: {  	[sflag:s11] =	ssyncset.done $0x0  }
0x1a: {  	[sflag:s11] =	ssyncadd.s32 $0xFFFFEC00  }
0x1b: {  	s15 =	simm.s32 $0x0;
	[bflag:$0x0] =	sbarrier.arrive $0xFFFF  }
0x1c: {  	[spmem:s3] =	stream.indirect.scatter.add.f32 [tilespmem:s12], [sflag:$0x1], $0x80, s15, s13, $0xb8;
	[tilespmem:$0x19400] =	vst v63  }
0x1d: {  	_ =	swait.ge [sflag:s11], $0x4000  }
0x1e: {  	s15 =	simm.s32 $0x200;
	[sflag:s11] =	ssyncset.done $0x0  }
.LBB2_2:
0x1f: {  	s16 =	sshra.s32 s15, $0x2;
	[sflag:s11] =	ssyncadd.s32 $0xFFFFC000;
	p0 =	sne.s32 s15, $0x4E00  }
0x20: {  	[spmem:s3] =	stream.indirect.scatter.add.f32 [tilespmem:s12], [sflag:$0x1], $0x80, s16, s13, $0xb8;
	[tilespmem:$0x19400] =	vst v63  }
.Ltmp0:
0x21: {  	_ = 	snop;
	(pc) =	sbr.rel @p0 .LBB2_2-.Ltmp0, $4  }
0x22: {  	_ = 	snop  }
0x23: {  	s15 =	sadd.s32 $0x200, s15  }
0x24: {  	_ =	swait.ge [sflag:s11], $0x4000  }
0x25: {  	[sflag:s11] =	ssyncset.done $0x0  }
0x26: {  	s14 =	sadd.s32 $0x1, s14  }
0x27: {  	[sflag:s11] =	ssyncadd.s32 $0xFFFFC000;
	p0 =	sne.s32 s14, s9  }
.Ltmp1:
0x28: {  	[bflag:$0x0] =	sbarrier.arrive $0xFFFF;
	(pc) =	sbr.rel @p0 .LBB2_1-.Ltmp1, $4  }
0x29: {  	[hbm:s8], [sflag:s6] =	dma.local [spmem:s10], $0x2800  }
0x2a: {  	_ =	swait.ge [sflag:s11], $0x2800  }
0x2b: {  	[sflag:s11] =	ssyncset.done $0x0  }
0x2c: {  	[sflag:s11] =	ssyncadd.s32 $0xFFFFD800  }
0x2d: {  	_ =	sfence.sel $0x180000  }
0x2e: {  	[bflag:$0x0] =	sbarrier.arrive $0xFFFF  }
0x2f: {  	p0 =	sne.s32 s0, $0x0;
	_ =	strace $0x90000047  }
0x30: {  	s0 =	sadd.s32 @!p0 $0x100000, s1;
	[bflag:$0x2] =	sbarrier.arrive $0xFFFF  }
0x31: {  	[sflag:s0] =	ssyncadd.tile.s32 @!p0 $0x1;
	_ =	shalt  }
.Lfunc_end2:
_tile_overlayer_lowered:
.L_overlay_start_2:
0x32: {  	(tag) =	ssettag $0x2  }
0x33: {  	s0 =	rddreg [dreg:$0x0];
	s2 =	stileid.u32  }
0x34: {  	s1 =	rddreg [dreg:$0x1];
	p0 =	sne.s32 s2, $0x0  }
0x35: {  	s3 =	rddreg [dreg:$0x2];
	[bflag:$0x3] =	sbarrier.arrive $0xFFFF;
	s2 =	simm.s32 @!p0 $0x1C01  }
0x36: {  	[timem:s3], [sflag:s2] =	dma.local @!p0 [hbm:s0], s1  }
0x37: {  	s0 =	simm.s32 @!p0 $0x1  }
0x38: {  	_ =	swait.ge @!p0 [sflag:s0], s1  }
0x39: {  	s1 =	ssub.s32 @!p0 $0x0, s1;
	[sflag:s0] =	ssyncset.done @!p0 $0x0  }
0x3a: {  	[sflag:s0] =	ssyncadd.s32 @!p0 s1  }
0x3b: {  	[bflag:$0x3] =	sbarrier.arrive $0xFFFF  }
0x3c: {  	_ =	shalt  }

</sc_bundles>
